<compile_context>
chip_gen: v7x
topology: tpu7x:2x2x1
jax: 0.10.2.dev20260603
libtpu: 0.0.44.dev20260713+nightly
codegen_flags: <defaults>
</compile_context>

<pallas_src>
import functools

import jax
import jax.numpy as jnp
import numpy as np
from jax import lax
from jax.experimental import pallas as pl
from jax.experimental.pallas import tpu as pltpu
from jax.experimental.pallas import tpu_sc as plsc

N_NODES = 10000
N_EDGES = 160000
BF = 5
H = 8
KCOLS = (BF + 1) * H
APAD = KCOLS

NC, NS, LANES = 2, 16, 16
NW = NC * NS
NROWS = 10240
ACCW = NROWS * H
E_PAD = 163840
EPW = E_PAD // NW
CHUNK = 128
NCHUNK = EPW // CHUNK
TPITCH = CHUNK + 1



def _mm_body(x_ref, w_ref, o_ref):
    o_ref[...] = jnp.dot(x_ref[...], w_ref[...],
                         preferred_element_type=jnp.float32)


def _matmul(x, w, blk):
    m, k = x.shape
    n = w.shape[1]
    return pl.pallas_call(
        _mm_body,
        grid=(m // blk,),
        in_specs=[pl.BlockSpec((blk, k), lambda i: (i, 0)),
                  pl.BlockSpec((k, n), lambda i: (0, 0))],
        out_specs=pl.BlockSpec((blk, n), lambda i: (i, 0)),
        out_shape=jax.ShapeDtypeStruct((m, n), jnp.float32),
    )(x, w)


def _merge_body(acc_ref, a_ref, cb_ref, w_ref, a2_ref):
    s = jnp.sum(acc_ref[...], axis=0)
    st = jnp.transpose(s, (1, 0))
    h = jax.nn.relu(st + a_ref[:, BF * H:KCOLS] + cb_ref[...])
    a2_ref[...] = jnp.dot(h, w_ref[...], preferred_element_type=jnp.float32)


def _merge_next(accs, a_prev, cb, w_next, blk):
    return pl.pallas_call(
        _merge_body,
        grid=(NROWS // blk,),
        in_specs=[pl.BlockSpec((NW, H, blk), lambda i: (0, 0, i)),
                  pl.BlockSpec((blk, APAD), lambda i: (i, 0)),
                  pl.BlockSpec((1, H), lambda i: (0, 0)),
                  pl.BlockSpec((H, APAD), lambda i: (0, 0))],
        out_specs=pl.BlockSpec((blk, APAD), lambda i: (i, 0)),
        out_shape=jax.ShapeDtypeStruct((NROWS, APAD), jnp.float32),
    )(accs, a_prev, cb, w_next)


def _final_body(acc_ref, a_ref, cb_ref, wsw_ref, wsb_ref, ts_ref, out_ref,
                sum_sc, max_sc):
    i = pl.program_id(0)
    nblk = pl.num_programs(0)
    blk = acc_ref.shape[2]
    st = jnp.transpose(jnp.sum(acc_ref[...], axis=0), (1, 0))
    h = jax.nn.relu(st + a_ref[:, BF * H:KCOLS] + cb_ref[...])
    row = lax.broadcasted_iota(jnp.int32, (blk, 1), 0) + i * blk
    valid = row < N_NODES
    hz = jnp.where(valid, h, 0.0)
    hm = jnp.where(valid, h, -jnp.inf)
    aw = jax.nn.sigmoid(jnp.dot(h, wsw_ref[...],
                                preferred_element_type=jnp.float32)
                        + wsb_ref[...])
    psum = jnp.sum(jnp.where(valid, aw, 0.0) * hz, axis=0, keepdims=True)
    pmax = jnp.max(hm, axis=0, keepdims=True)

    @pl.when(i == 0)
    def _():
        sum_sc[...] = jnp.zeros_like(sum_sc)
        max_sc[...] = jnp.full_like(max_sc, -jnp.inf)

    sum_sc[...] += psum
    max_sc[...] = jnp.maximum(max_sc[...], pmax)

    @pl.when(i == nblk - 1)
    def _():
        gf = jnp.concatenate([sum_sc[...], max_sc[...]], axis=1)
        ch = 2 * H
        k2 = lax.broadcasted_iota(jnp.int32, (1, H), 1).astype(jnp.float32) * 2.0
        inv_freq = jnp.exp(-(k2 / ch) * float(np.log(10000.0)))
        t = ts_ref[0, 0]
        ang = t * inv_freq
        pos = jnp.concatenate([jnp.sin(ang), jnp.cos(ang)], axis=1)
        out_ref[...] = jnp.tanh(jax.nn.relu(gf + pos))


def _final(accs, a_prev, cb, wsw, wsb, ts, blk):
    return pl.pallas_call(
        _final_body,
        grid=(NROWS // blk,),
        in_specs=[pl.BlockSpec((NW, H, blk), lambda i: (0, 0, i)),
                  pl.BlockSpec((blk, APAD), lambda i: (i, 0)),
                  pl.BlockSpec((1, H), lambda i: (0, 0)),
                  pl.BlockSpec((H, 1), lambda i: (0, 0)),
                  pl.BlockSpec((1, 1), lambda i: (0, 0)),
                  pl.BlockSpec((1, 1), lambda i: (0, 0))],
        out_specs=pl.BlockSpec((1, 2 * H), lambda i: (0, 0)),
        out_shape=jax.ShapeDtypeStruct((1, 2 * H), jnp.float32),
        scratch_shapes=[pltpu.VMEM((1, H), jnp.float32),
                        pltpu.VMEM((1, H), jnp.float32)],
    )(accs, a_prev, cb, wsw, wsb, ts)



def _edge_body(a_hbm, src_hbm, dst_hbm, efb_hbm, out_hbm,
               acc, src_all, dst_a, dst_b, ef_a, ef_b, rows_a, rows_b,
               rows_t, sem_ga, sem_gb, sem_sa, sem_sb):
    wid = lax.axis_index("s") * NC + lax.axis_index("c")
    base = wid * EPW

    def issue(c, dst_v, ef_v, rows_v, sem_g, sem_s):
        cc = wid * NCHUNK + c
        pltpu.async_copy(dst_hbm.at[pl.ds(cc * CHUNK, CHUNK)], dst_v, sem_s)
        pltpu.async_copy(efb_hbm.at[pl.ds(cc * (BF + 1) * CHUNK,
                                          (BF + 1) * CHUNK)], ef_v, sem_s)
        pltpu.async_copy(a_hbm.at[src_all.at[pl.ds(c * CHUNK, CHUNK)]],
                         rows_v, sem_g)

    def wait(c, dst_v, ef_v, rows_v, sem_g, sem_s):
        cc = wid * NCHUNK + c
        pltpu.make_async_copy(dst_hbm.at[pl.ds(cc * CHUNK, CHUNK)], dst_v,
                              sem_s).wait()
        pltpu.make_async_copy(efb_hbm.at[pl.ds(cc * (BF + 1) * CHUNK,
                                               (BF + 1) * CHUNK)], ef_v,
                              sem_s).wait()
        pltpu.make_async_copy(a_hbm.at[src_all.at[pl.ds(c * CHUNK, CHUNK)]],
                              rows_v, sem_g).wait()

    cpats = [(lax.iota(jnp.int32, LANES) + 16 * j) * TPITCH for j in range(3)]

    def compute(ef_v, dst_v, rows_v, rows_t):
        def group_body(g, _):
            e0 = g * LANES
            for j in range(LANES):
                l = e0 + j
                lb = jnp.full((LANES,), l, jnp.int32)
                plsc.store_scatter(rows_t, [cpats[0] + lb],
                                   rows_v[l, pl.ds(0, LANES)])
                plsc.store_scatter(rows_t, [cpats[1] + lb],
                                   rows_v[l, pl.ds(LANES, LANES)])
                plsc.store_scatter(rows_t, [cpats[2] + lb],
                                   rows_v[l, pl.ds(2 * LANES, LANES)])
            dvec = dst_v[pl.ds(e0, LANES)]
            efv = [ef_v[pl.ds(b * CHUNK + e0, LANES)] for b in range(BF + 1)]
            for o in range(H):
                m = efv[0] * rows_t[pl.ds((0 * H + o) * TPITCH + e0, LANES)]
                for b in range(1, BF + 1):
                    m = m + efv[b] * rows_t[pl.ds((b * H + o) * TPITCH + e0,
                                                  LANES)]
                plsc.addupdate_scatter(acc, [dvec + o * NROWS], m)
            return 0

        lax.fori_loop(0, CHUNK // LANES, group_body, 0)

    bufs_a = (dst_a, ef_a, rows_a, sem_ga, sem_sa)
    bufs_b = (dst_b, ef_b, rows_b, sem_gb, sem_sb)

    pltpu.sync_copy(src_hbm.at[pl.ds(base, EPW)], src_all)
    issue(0, *bufs_a)
    issue(1, *bufs_b)

    zero16 = jnp.zeros((LANES,), jnp.float32)

    def zero_body(i, _):
        for j in range(16):
            acc[pl.ds((i * 16 + j) * LANES, LANES)] = zero16
        return 0

    lax.fori_loop(0, ACCW // (LANES * 16), zero_body, 0)

    NP = NCHUNK // 2

    def pair_body(p, _):
        c = 2 * p
        wait(c, *bufs_a)
        compute(ef_a, dst_a, rows_a, rows_t)

        @pl.when(p < NP - 1)
        def _():
            issue(c + 2, *bufs_a)

        wait(c + 1, *bufs_b)
        compute(ef_b, dst_b, rows_b, rows_t)

        @pl.when(p < NP - 1)
        def _():
            issue(c + 3, *bufs_b)

        return 0

    lax.fori_loop(0, NP, pair_body, 0)

    for o in range(H):
        pltpu.sync_copy(acc.at[pl.ds(o * NROWS, NROWS)], out_hbm.at[wid, o])


def _make_edge_kernel():
    mesh = plsc.VectorSubcoreMesh(core_axis_name="c", subcore_axis_name="s",
                                  num_cores=NC, num_subcores=NS)
    return pl.kernel(
        _edge_body,
        out_type=jax.ShapeDtypeStruct((NW, H, NROWS), jnp.float32),
        mesh=mesh,
        compiler_params=pltpu.CompilerParams(needs_layout_passes=False,
                                             use_tc_tiling_on_sc=False),
        scratch_types=[
            pltpu.VMEM((ACCW,), jnp.float32),
            pltpu.VMEM((EPW,), jnp.int32),
            pltpu.VMEM((CHUNK,), jnp.int32),
            pltpu.VMEM((CHUNK,), jnp.int32),
            pltpu.VMEM(((BF + 1) * CHUNK,), jnp.float32),
            pltpu.VMEM(((BF + 1) * CHUNK,), jnp.float32),
            pltpu.VMEM((CHUNK, APAD), jnp.float32),
            pltpu.VMEM((CHUNK, APAD), jnp.float32),
            pltpu.VMEM((KCOLS * TPITCH,), jnp.float32),
            pltpu.SemaphoreType.DMA,
            pltpu.SemaphoreType.DMA,
            pltpu.SemaphoreType.DMA,
            pltpu.SemaphoreType.DMA,
        ],
    )



def _make_waug(w, b, in_dim):
    t = w.reshape(in_dim, H, BF).transpose(0, 2, 1).reshape(in_dim, BF * H)
    return jnp.concatenate(
        [t, b.reshape(in_dim, H),
         jnp.zeros((in_dim, APAD - KCOLS), jnp.float32)], axis=1)


def kernel(node_feats, edge_index, edge_feats, timestep, ef_w1, ef_b1,
           conv_b1, ef_w2, ef_b2, conv_b2, ws_w, ws_b):
    f32 = jnp.float32
    x = jnp.zeros((NROWS, node_feats.shape[1]), f32).at[:N_NODES].set(node_feats)
    npad = E_PAD - N_EDGES
    src = jnp.concatenate([edge_index[0], jnp.zeros((npad,), jnp.int32)])
    pad_dst = N_NODES + (jnp.arange(npad, dtype=jnp.int32)
                         % (NROWS - N_NODES))
    dst = jnp.concatenate([edge_index[1], pad_dst])
    ef_aug = jnp.concatenate(
        [jnp.concatenate([edge_feats, jnp.zeros((npad, BF), f32)]),
         jnp.ones((E_PAD, 1), f32)], axis=1)
    efb = (ef_aug.T.reshape(BF + 1, E_PAD // CHUNK, CHUNK)
           .transpose(1, 0, 2).reshape(-1))

    w1aug = _make_waug(ef_w1, ef_b1, node_feats.shape[1])
    w2aug = _make_waug(ef_w2, ef_b2, H)
    cb1 = conv_b1.reshape(1, H)
    cb2 = conv_b2.reshape(1, H)

    edge_k = _make_edge_kernel()

    a1 = _matmul(x, w1aug, blk=2048)
    acc1 = edge_k(a1, src, dst, efb)
    a2 = _merge_next(acc1, a1, cb1, w2aug, blk=2048)
    acc2 = edge_k(a2, src, dst, efb)
    return _final(acc2, a2, cb2, ws_w, ws_b.reshape(1, 1), timestep, blk=2048)

# --- scband reference (transcript-rebuilt; emitter-appended) ---
"""Pipeline reference for scband-gcn-edge-conditional-54039278519098 (READ-ONLY COPY).

The authoritative reference and input builder live on the scoring server;
editing this copy changes nothing except your own understanding.
"""

import jax, jax.numpy as jnp
import numpy as np

N_NODES = 10000
N_EDGES = 160000
BOND_FEATS = 5
IN_FEATS = 128
HIDDEN = (8, 8)


def setup_inputs(seed: int = 0) -> dict:
    key = jax.random.key(seed)
    ks = jax.random.split(key, 8)
    node_feats = jax.random.normal(ks[0], (N_NODES, IN_FEATS), dtype=jnp.float32)
    edge_index = jax.random.randint(ks[1], (2, N_EDGES), 0, N_NODES, dtype=jnp.int32)
    edge_feats = jax.random.uniform(ks[2], (N_EDGES, BOND_FEATS), dtype=jnp.float32)
    timestep = jax.random.uniform(ks[3], (1, 1), dtype=jnp.float32) * 1000.0
    ef_w1 = jax.random.normal(ks[4], (IN_FEATS * HIDDEN[0], BOND_FEATS), dtype=jnp.float32) * (1.0 / np.sqrt(BOND_FEATS))
    ef_b1 = jnp.zeros((IN_FEATS * HIDDEN[0],), dtype=jnp.float32)
    conv_b1 = jnp.zeros((HIDDEN[0],), dtype=jnp.float32)
    ef_w2 = jax.random.normal(ks[5], (HIDDEN[0] * HIDDEN[1], BOND_FEATS), dtype=jnp.float32) * (1.0 / np.sqrt(BOND_FEATS))
    ef_b2 = jnp.zeros((HIDDEN[0] * HIDDEN[1],), dtype=jnp.float32)
    conv_b2 = jnp.zeros((HIDDEN[1],), dtype=jnp.float32)
    ws_w = jax.random.normal(ks[6], (HIDDEN[1], 1), dtype=jnp.float32) * (1.0 / np.sqrt(HIDDEN[1]))
    ws_b = jnp.zeros((1,), dtype=jnp.float32)
    return {
        'node_feats': node_feats, 'edge_index': edge_index, 'edge_feats': edge_feats,
        'timestep': timestep,
        'ef_w1': ef_w1, 'ef_b1': ef_b1, 'conv_b1': conv_b1,
        'ef_w2': ef_w2, 'ef_b2': ef_b2, 'conv_b2': conv_b2,
        'ws_w': ws_w, 'ws_b': ws_b,
    }


def _nnconv(h, ef, src, dst, w, b, conv_bias, out_dim, n):
    # DGL NNConv with aggregator_type='sum': per-edge weight from edge_func,
    # message = x_src^T @ W_e, scatter-add to dst, plus bias.
    in_dim = h.shape[1]
    W_e = (ef @ w.T + b).reshape(-1, in_dim, out_dim)
    msg = jnp.einsum('ei,eio->eo', jnp.take(h, src, axis=0), W_e)
    return jax.ops.segment_sum(msg, dst, num_segments=n) + conv_bias


def reference(node_feats, edge_index, edge_feats, timestep, ef_w1, ef_b1, conv_b1, ef_w2, ef_b2, conv_b2, ws_w, ws_b):
    n = node_feats.shape[0]
    # dgl.add_self_loop + zero edge features for the new edges
    loops = jnp.arange(n, dtype=edge_index.dtype)
    ei = jnp.concatenate([edge_index, jnp.stack([loops, loops], axis=0)], axis=1)
    ef = jnp.concatenate([edge_feats, jnp.zeros((n, edge_feats.shape[1]), dtype=edge_feats.dtype)], axis=0)
    src = ei[0]
    dst = ei[1]
    h = jax.nn.relu(_nnconv(node_feats, ef, src, dst, ef_w1, ef_b1, conv_b1, HIDDEN[0], n))
    h = jax.nn.relu(_nnconv(h, ef, src, dst, ef_w2, ef_b2, conv_b2, HIDDEN[1], n))
    # WeightAndSum pooling (single graph in batch)
    atom_w = jax.nn.sigmoid(h @ ws_w + ws_b)
    g_sum = jnp.sum(atom_w * h, axis=0, keepdims=True)
    # dgl.max_nodes
    g_max = jnp.max(h, axis=0, keepdims=True)
    graph_feats = jnp.concatenate([g_sum, g_max], axis=1)
    # timestep sinusoidal conditioning
    channels = 2 * HIDDEN[-1]
    inv_freq = 1.0 / (10000.0 ** (jnp.arange(0, channels, 2, dtype=jnp.float32) / channels))
    t_rep = jnp.repeat(timestep, channels // 2, axis=1)
    pos_enc = jnp.concatenate([jnp.sin(t_rep * inv_freq), jnp.cos(t_rep * inv_freq)], axis=-1)
    graph_feats = graph_feats + pos_enc
    return jnp.tanh(jax.nn.relu(graph_feats))

if __name__ == "__main__":
    import jax
    _d = setup_inputs()
    print(jax.jit(kernel)(*tuple(_d.values())))

</pallas_src>

<mosaic_0001>
#map = affine_map<(d0, d1) -> (0, 0)>
#map1 = affine_map<(d0, d1) -> (0)>
#map2 = affine_map<(d0, d1) -> (0, 0, 0)>
module attributes {stable_mosaic.version = 14 : i64} {
  func.func @_edge_body(%arg0: i32, %arg1: i32, %arg2: memref<10240x48xf32, #tpu.memory_space<hbm>>, %arg3: memref<163840xi32, #tpu.memory_space<hbm>>, %arg4: memref<163840xi32, #tpu.memory_space<hbm>>, %arg5: memref<983040xf32, #tpu.memory_space<hbm>>, %arg6: memref<32x8x10240xf32, #tpu.memory_space<hbm>>, %arg7: memref<81920xf32, #tpu.memory_space<vmem>>, %arg8: memref<5120xi32, #tpu.memory_space<vmem>>, %arg9: memref<128xi32, #tpu.memory_space<vmem>>, %arg10: memref<128xi32, #tpu.memory_space<vmem>>, %arg11: memref<768xf32, #tpu.memory_space<vmem>>, %arg12: memref<768xf32, #tpu.memory_space<vmem>>, %arg13: memref<128x48xf32, #tpu.memory_space<vmem>>, %arg14: memref<128x48xf32, #tpu.memory_space<vmem>>, %arg15: memref<6192xf32, #tpu.memory_space<vmem>>, %arg16: memref<!tpu.dma_semaphore, #tpu.memory_space<semaphore_mem>>, %arg17: memref<!tpu.dma_semaphore, #tpu.memory_space<semaphore_mem>>, %arg18: memref<!tpu.dma_semaphore, #tpu.memory_space<semaphore_mem>>, %arg19: memref<!tpu.dma_semaphore, #tpu.memory_space<semaphore_mem>>) attributes {dimension_semantics = [#tpu.dimension_semantics<core_parallel>, #tpu.dimension_semantics<subcore_parallel>], iteration_bounds = array<i64: 2, 16>, scalar_prefetch = 0 : i64, scratch_operands = 13 : i64, tpu.core_type = #tpu.core_type<sc_vector_subcore>, window_params = [{transform_indices = #map}, {transform_indices = #map1}, {transform_indices = #map1}, {transform_indices = #map1}, {transform_indices = #map2}]} {
    %mul3A = arith.constant 2 : i32
    %mul3A_0 = arith.muli %arg1, %mul3A : i32
    %add3A = arith.addi %mul3A_0, %arg0 : i32
    %mul3A_1 = arith.constant 5120 : i32
    %mul3A_2 = arith.muli %add3A, %mul3A_1 : i32
    %iota3A = tpu.iota {dimensions = array<i32: 0>} : vector<16xi32>
    %add3A_3 = arith.constant 0 : i32
    %add3A_4 = vector.broadcast %add3A_3 : i32 to vector<16xi32>
    %add3A_5 = arith.addi %iota3A, %add3A_4 : vector<16xi32>
    %mul3A_6 = arith.constant 129 : i32
    %mul3A_7 = vector.broadcast %mul3A_6 : i32 to vector<16xi32>
    %mul3A_8 = arith.muli %add3A_5, %mul3A_7 : vector<16xi32>
    %iota3A_9 = tpu.iota {dimensions = array<i32: 0>} : vector<16xi32>
    %add3A_10 = arith.constant 16 : i32
    %add3A_11 = vector.broadcast %add3A_10 : i32 to vector<16xi32>
    %add3A_12 = arith.addi %iota3A_9, %add3A_11 : vector<16xi32>
    %mul3A_13 = arith.constant 129 : i32
    %mul3A_14 = vector.broadcast %mul3A_13 : i32 to vector<16xi32>
    %mul3A_15 = arith.muli %add3A_12, %mul3A_14 : vector<16xi32>
    %iota3A_16 = tpu.iota {dimensions = array<i32: 0>} : vector<16xi32>
    %add3A_17 = arith.constant 32 : i32
    %add3A_18 = vector.broadcast %add3A_17 : i32 to vector<16xi32>
    %add3A_19 = arith.addi %iota3A_16, %add3A_18 : vector<16xi32>
    %mul3A_20 = arith.constant 129 : i32
    %mul3A_21 = vector.broadcast %mul3A_20 : i32 to vector<16xi32>
    %mul3A_22 = arith.muli %add3A_19, %mul3A_21 : vector<16xi32>
    "tpu.region"() ({
      %run_scoped3A_81 = tpu.sem_alloc : memref<!tpu.dma_semaphore, #tpu.memory_space<semaphore_mem>>
      %dma_start3A_82 = tpu.memref_slice %arg3[%mul3A_2] : memref<163840xi32, #tpu.memory_space<hbm>> -> memref<5120xi32, #tpu.memory_space<hbm>>
      %dma_start3A_83 = tpu.memref_slice %arg3[%mul3A_2] : memref<163840xi32, #tpu.memory_space<hbm>> -> memref<5120xi32, #tpu.memory_space<hbm>>
      tpu.enqueue_dma source(%dma_start3A_83 : memref<5120xi32, #tpu.memory_space<hbm>>) target(%arg8 : memref<5120xi32, #tpu.memory_space<vmem>>) target_semaphore(%run_scoped3A_81 : memref<!tpu.dma_semaphore, #tpu.memory_space<semaphore_mem>>)
      %dma_wait3A = tpu.memref_slice %arg3[%mul3A_2] : memref<163840xi32, #tpu.memory_space<hbm>> -> memref<5120xi32, #tpu.memory_space<hbm>>
      %dma_wait3A_84 = tpu.memref_slice %arg3[%mul3A_2] : memref<163840xi32, #tpu.memory_space<hbm>> -> memref<5120xi32, #tpu.memory_space<hbm>>
      tpu.wait_dma2 semaphore(%run_scoped3A_81 : memref<!tpu.dma_semaphore, #tpu.memory_space<semaphore_mem>>) src(%dma_wait3A_84 : memref<5120xi32, #tpu.memory_space<hbm>>) dst(%arg8 : memref<5120xi32, #tpu.memory_space<vmem>>)
      tpu.yield
    }) : () -> ()
    %mul3A_23 = arith.constant 40 : i32
    %mul3A_24 = arith.muli %add3A, %mul3A_23 : i32
    %add3A_25 = arith.constant 0 : i32
    %add3A_26 = arith.addi %mul3A_24, %add3A_25 : i32
    %mul3A_27 = arith.constant 128 : i32
    %mul3A_28 = arith.muli %add3A_26, %mul3A_27 : i32
    %dma_start3A = tpu.memref_slice %arg4[%mul3A_28] : memref<163840xi32, #tpu.memory_space<hbm>> -> memref<128xi32, #tpu.memory_space<hbm>>
    %dma_start3A_29 = tpu.memref_slice %arg4[%mul3A_28] : memref<163840xi32, #tpu.memory_space<hbm>> -> memref<128xi32, #tpu.memory_space<hbm>>
    tpu.enqueue_dma source(%dma_start3A_29 : memref<128xi32, #tpu.memory_space<hbm>>) target(%arg9 : memref<128xi32, #tpu.memory_space<vmem>>) target_semaphore(%arg18 : memref<!tpu.dma_semaphore, #tpu.memory_space<semaphore_mem>>)
    %mul3A_30 = arith.constant 6 : i32
    %mul3A_31 = arith.muli %add3A_26, %mul3A_30 : i32
    %mul3A_32 = arith.constant 128 : i32
    %mul3A_33 = arith.muli %mul3A_31, %mul3A_32 : i32
    %dma_start3A_34 = tpu.memref_slice %arg5[%mul3A_33] : memref<983040xf32, #tpu.memory_space<hbm>> -> memref<768xf32, #tpu.memory_space<hbm>>
    %dma_start3A_35 = tpu.memref_slice %arg5[%mul3A_33] : memref<983040xf32, #tpu.memory_space<hbm>> -> memref<768xf32, #tpu.memory_space<hbm>>
    tpu.enqueue_dma source(%dma_start3A_35 : memref<768xf32, #tpu.memory_space<hbm>>) target(%arg11 : memref<768xf32, #tpu.memory_space<vmem>>) target_semaphore(%arg18 : memref<!tpu.dma_semaphore, #tpu.memory_space<semaphore_mem>>)
    %dma_start3A_36 = arith.constant 0 : i32
    %dma_start3A_37 = tpu.memref_slice %arg8[%dma_start3A_36] : memref<5120xi32, #tpu.memory_space<vmem>> -> memref<128xi32, #tpu.memory_space<vmem>>
    %dma_start3A_38 = arith.constant 0 : i32
    %dma_start3A_39 = arith.constant 0 : i32
    %dma_start3A_40 = tpu.memref_slice %arg2[%dma_start3A_38, %dma_start3A_39] : memref<10240x48xf32, #tpu.memory_space<hbm>> -> memref<10240x48xf32, #tpu.memory_space<hbm>>
    tpu.enqueue_indirect_dma source(%dma_start3A_40 : memref<10240x48xf32, #tpu.memory_space<hbm>>) target(%arg13 : memref<128x48xf32, #tpu.memory_space<vmem>>) offsets(%dma_start3A_37 : memref<128xi32, #tpu.memory_space<vmem>>) semaphore(%arg16 : memref<!tpu.dma_semaphore, #tpu.memory_space<semaphore_mem>>)
    %mul3A_41 = arith.constant 40 : i32
    %mul3A_42 = arith.muli %add3A, %mul3A_41 : i32
    %add3A_43 = arith.constant 1 : i32
    %add3A_44 = arith.addi %mul3A_42, %add3A_43 : i32
    %mul3A_45 = arith.constant 128 : i32
    %mul3A_46 = arith.muli %add3A_44, %mul3A_45 : i32
    %dma_start3A_47 = tpu.memref_slice %arg4[%mul3A_46] : memref<163840xi32, #tpu.memory_space<hbm>> -> memref<128xi32, #tpu.memory_space<hbm>>
    %dma_start3A_48 = tpu.memref_slice %arg4[%mul3A_46] : memref<163840xi32, #tpu.memory_space<hbm>> -> memref<128xi32, #tpu.memory_space<hbm>>
    tpu.enqueue_dma source(%dma_start3A_48 : memref<128xi32, #tpu.memory_space<hbm>>) target(%arg10 : memref<128xi32, #tpu.memory_space<vmem>>) target_semaphore(%arg19 : memref<!tpu.dma_semaphore, #tpu.memory_space<semaphore_mem>>)
    %mul3A_49 = arith.constant 6 : i32
    %mul3A_50 = arith.muli %add3A_44, %mul3A_49 : i32
    %mul3A_51 = arith.constant 128 : i32
    %mul3A_52 = arith.muli %mul3A_50, %mul3A_51 : i32
    %dma_start3A_53 = tpu.memref_slice %arg5[%mul3A_52] : memref<983040xf32, #tpu.memory_space<hbm>> -> memref<768xf32, #tpu.memory_space<hbm>>
    %dma_start3A_54 = tpu.memref_slice %arg5[%mul3A_52] : memref<983040xf32, #tpu.memory_space<hbm>> -> memref<768xf32, #tpu.memory_space<hbm>>
    tpu.enqueue_dma source(%dma_start3A_54 : memref<768xf32, #tpu.memory_space<hbm>>) target(%arg12 : memref<768xf32, #tpu.memory_space<vmem>>) target_semaphore(%arg19 : memref<!tpu.dma_semaphore, #tpu.memory_space<semaphore_mem>>)
    %dma_start3A_55 = arith.constant 128 : i32
    %dma_start3A_56 = tpu.memref_slice %arg8[%dma_start3A_55] : memref<5120xi32, #tpu.memory_space<vmem>> -> memref<128xi32, #tpu.memory_space<vmem>>
    %dma_start3A_57 = arith.constant 0 : i32
    %dma_start3A_58 = arith.constant 0 : i32
    %dma_start3A_59 = tpu.memref_slice %arg2[%dma_start3A_57, %dma_start3A_58] : memref<10240x48xf32, #tpu.memory_space<hbm>> -> memref<10240x48xf32, #tpu.memory_space<hbm>>
    tpu.enqueue_indirect_dma source(%dma_start3A_59 : memref<10240x48xf32, #tpu.memory_space<hbm>>) target(%arg14 : memref<128x48xf32, #tpu.memory_space<vmem>>) offsets(%dma_start3A_56 : memref<128xi32, #tpu.memory_space<vmem>>) semaphore(%arg17 : memref<!tpu.dma_semaphore, #tpu.memory_space<semaphore_mem>>)
    %broadcast_in_dim3A = arith.constant 0.000000e+00 : f32
    %broadcast_in_dim3A_60 = vector.broadcast %broadcast_in_dim3A : f32 to vector<16xf32>
    %scan3A = arith.constant 0 : i32
    %scan3A_61 = arith.constant 0 : i32
    %scan3A_62 = arith.constant 320 : i32
    %scan3A_63 = arith.addi %scan3A_61, %scan3A_62 : i32
    %scan3A_64 = arith.constant 1 : i32
    %scan3A_65 = scf.for %scan3A_81 = %scan3A_61 to %scan3A_63 step %scan3A_64 iter_args(%scan3A_82 = %scan3A) -> (i32)  : i32 {
      %mul3A_83 = arith.constant 16 : i32
      %mul3A_84 = arith.muli %scan3A_81, %mul3A_83 : i32
      %add3A_85 = arith.constant 0 : i32
      %add3A_86 = arith.addi %mul3A_84, %add3A_85 : i32
      %mul3A_87 = arith.constant 16 : i32
      %mul3A_88 = arith.muli %add3A_86, %mul3A_87 : i32
      %swap3A = arith.index_cast %mul3A_88 : i32 to index
      %swap3A_89 = tpu.vector_load %arg7[%swap3A] {strides = array<i32>} : memref<81920xf32, #tpu.memory_space<vmem>>, vector<16xf32>,
      tpu.vector_store %arg7[%swap3A], %broadcast_in_dim3A_60 {strides = array<i32>} : memref<81920xf32, #tpu.memory_space<vmem>>, vector<16xf32>,
      %mul3A_90 = arith.constant 16 : i32
      %mul3A_91 = arith.muli %scan3A_81, %mul3A_90 : i32
      %add3A_92 = arith.constant 1 : i32
      %add3A_93 = arith.addi %mul3A_91, %add3A_92 : i32
      %mul3A_94 = arith.constant 16 : i32
      %mul3A_95 = arith.muli %add3A_93, %mul3A_94 : i32
      %swap3A_96 = arith.index_cast %mul3A_95 : i32 to index
      %swap3A_97 = tpu.vector_load %arg7[%swap3A_96] {strides = array<i32>} : memref<81920xf32, #tpu.memory_space<vmem>>, vector<16xf32>,
      tpu.vector_store %arg7[%swap3A_96], %broadcast_in_dim3A_60 {strides = array<i32>} : memref<81920xf32, #tpu.memory_space<vmem>>, vector<16xf32>,
      %mul3A_98 = arith.constant 16 : i32
      %mul3A_99 = arith.muli %scan3A_81, %mul3A_98 : i32
      %add3A_100 = arith.constant 2 : i32
      %add3A_101 = arith.addi %mul3A_99, %add3A_100 : i32
      %mul3A_102 = arith.constant 16 : i32
      %mul3A_103 = arith.muli %add3A_101, %mul3A_102 : i32
      %swap3A_104 = arith.index_cast %mul3A_103 : i32 to index
      %swap3A_105 = tpu.vector_load %arg7[%swap3A_104] {strides = array<i32>} : memref<81920xf32, #tpu.memory_space<vmem>>, vector<16xf32>,
      tpu.vector_store %arg7[%swap3A_104], %broadcast_in_dim3A_60 {strides = array<i32>} : memref<81920xf32, #tpu.memory_space<vmem>>, vector<16xf32>,
      %mul3A_106 = arith.constant 16 : i32
      %mul3A_107 = arith.muli %scan3A_81, %mul3A_106 : i32
      %add3A_108 = arith.constant 3 : i32
      %add3A_109 = arith.addi %mul3A_107, %add3A_108 : i32
      %mul3A_110 = arith.constant 16 : i32
      %mul3A_111 = arith.muli %add3A_109, %mul3A_110 : i32
      %swap3A_112 = arith.index_cast %mul3A_111 : i32 to index
      %swap3A_113 = tpu.vector_load %arg7[%swap3A_112] {strides = array<i32>} : memref<81920xf32, #tpu.memory_space<vmem>>, vector<16xf32>,
      tpu.vector_store %arg7[%swap3A_112], %broadcast_in_dim3A_60 {strides = array<i32>} : memref<81920xf32, #tpu.memory_space<vmem>>, vector<16xf32>,
      %mul3A_114 = arith.constant 16 : i32
      %mul3A_115 = arith.muli %scan3A_81, %mul3A_114 : i32
      %add3A_116 = arith.constant 4 : i32
      %add3A_117 = arith.addi %mul3A_115, %add3A_116 : i32
      %mul3A_118 = arith.constant 16 : i32
      %mul3A_119 = arith.muli %add3A_117, %mul3A_118 : i32
      %swap3A_120 = arith.index_cast %mul3A_119 : i32 to index
      %swap3A_121 = tpu.vector_load %arg7[%swap3A_120] {strides = array<i32>} : memref<81920xf32, #tpu.memory_space<vmem>>, vector<16xf32>,
      tpu.vector_store %arg7[%swap3A_120], %broadcast_in_dim3A_60 {strides = array<i32>} : memref<81920xf32, #tpu.memory_space<vmem>>, vector<16xf32>,
      %mul3A_122 = arith.constant 16 : i32
      %mul3A_123 = arith.muli %scan3A_81, %mul3A_122 : i32
      %add3A_124 = arith.constant 5 : i32
      %add3A_125 = arith.addi %mul3A_123, %add3A_124 : i32
      %mul3A_126 = arith.constant 16 : i32
      %mul3A_127 = arith.muli %add3A_125, %mul3A_126 : i32
      %swap3A_128 = arith.index_cast %mul3A_127 : i32 to index
      %swap3A_129 = tpu.vector_load %arg7[%swap3A_128] {strides = array<i32>} : memref<81920xf32, #tpu.memory_space<vmem>>, vector<16xf32>,
      tpu.vector_store %arg7[%swap3A_128], %broadcast_in_dim3A_60 {strides = array<i32>} : memref<81920xf32, #tpu.memory_space<vmem>>, vector<16xf32>,
      %mul3A_130 = arith.constant 16 : i32
      %mul3A_131 = arith.muli %scan3A_81, %mul3A_130 : i32
      %add3A_132 = arith.constant 6 : i32
      %add3A_133 = arith.addi %mul3A_131, %add3A_132 : i32
      %mul3A_134 = arith.constant 16 : i32
      %mul3A_135 = arith.muli %add3A_133, %mul3A_134 : i32
      %swap3A_136 = arith.index_cast %mul3A_135 : i32 to index
      %swap3A_137 = tpu.vector_load %arg7[%swap3A_136] {strides = array<i32>} : memref<81920xf32, #tpu.memory_space<vmem>>, vector<16xf32>,
      tpu.vector_store %arg7[%swap3A_136], %broadcast_in_dim3A_60 {strides = array<i32>} : memref<81920xf32, #tpu.memory_space<vmem>>, vector<16xf32>,
      %mul3A_138 = arith.constant 16 : i32
      %mul3A_139 = arith.muli %scan3A_81, %mul3A_138 : i32
      %add3A_140 = arith.constant 7 : i32
      %add3A_141 = arith.addi %mul3A_139, %add3A_140 : i32
      %mul3A_142 = arith.constant 16 : i32
      %mul3A_143 = arith.muli %add3A_141, %mul3A_142 : i32
      %swap3A_144 = arith.index_cast %mul3A_143 : i32 to index
      %swap3A_145 = tpu.vector_load %arg7[%swap3A_144] {strides = array<i32>} : memref<81920xf32, #tpu.memory_space<vmem>>, vector<16xf32>,
      tpu.vector_store %arg7[%swap3A_144], %broadcast_in_dim3A_60 {strides = array<i32>} : memref<81920xf32, #tpu.memory_space<vmem>>, vector<16xf32>,
      %mul3A_146 = arith.constant 16 : i32
      %mul3A_147 = arith.muli %scan3A_81, %mul3A_146 : i32
      %add3A_148 = arith.constant 8 : i32
      %add3A_149 = arith.addi %mul3A_147, %add3A_148 : i32
      %mul3A_150 = arith.constant 16 : i32
      %mul3A_151 = arith.muli %add3A_149, %mul3A_150 : i32
      %swap3A_152 = arith.index_cast %mul3A_151 : i32 to index
      %swap3A_153 = tpu.vector_load %arg7[%swap3A_152] {strides = array<i32>} : memref<81920xf32, #tpu.memory_space<vmem>>, vector<16xf32>,
      tpu.vector_store %arg7[%swap3A_152], %broadcast_in_dim3A_60 {strides = array<i32>} : memref<81920xf32, #tpu.memory_space<vmem>>, vector<16xf32>,
      %mul3A_154 = arith.constant 16 : i32
      %mul3A_155 = arith.muli %scan3A_81, %mul3A_154 : i32
      %add3A_156 = arith.constant 9 : i32
      %add3A_157 = arith.addi %mul3A_155, %add3A_156 : i32
      %mul3A_158 = arith.constant 16 : i32
      %mul3A_159 = arith.muli %add3A_157, %mul3A_158 : i32
      %swap3A_160 = arith.index_cast %mul3A_159 : i32 to index
      %swap3A_161 = tpu.vector_load %arg7[%swap3A_160] {strides = array<i32>} : memref<81920xf32, #tpu.memory_space<vmem>>, vector<16xf32>,
      tpu.vector_store %arg7[%swap3A_160], %broadcast_in_dim3A_60 {strides = array<i32>} : memref<81920xf32, #tpu.memory_space<vmem>>, vector<16xf32>,
      %mul3A_162 = arith.constant 16 : i32
      %mul3A_163 = arith.muli %scan3A_81, %mul3A_162 : i32
      %add3A_164 = arith.constant 10 : i32
      %add3A_165 = arith.addi %mul3A_163, %add3A_164 : i32
      %mul3A_166 = arith.constant 16 : i32
      %mul3A_167 = arith.muli %add3A_165, %mul3A_166 : i32
      %swap3A_168 = arith.index_cast %mul3A_167 : i32 to index
      %swap3A_169 = tpu.vector_load %arg7[%swap3A_168] {strides = array<i32>} : memref<81920xf32, #tpu.memory_space<vmem>>, vector<16xf32>,
      tpu.vector_store %arg7[%swap3A_168], %broadcast_in_dim3A_60 {strides = array<i32>} : memref<81920xf32, #tpu.memory_space<vmem>>, vector<16xf32>,
      %mul3A_170 = arith.constant 16 : i32
      %mul3A_171 = arith.muli %scan3A_81, %mul3A_170 : i32
      %add3A_172 = arith.constant 11 : i32
      %add3A_173 = arith.addi %mul3A_171, %add3A_172 : i32
      %mul3A_174 = arith.constant 16 : i32
      %mul3A_175 = arith.muli %add3A_173, %mul3A_174 : i32
      %swap3A_176 = arith.index_cast %mul3A_175 : i32 to index
      %swap3A_177 = tpu.vector_load %arg7[%swap3A_176] {strides = array<i32>} : memref<81920xf32, #tpu.memory_space<vmem>>, vector<16xf32>,
      tpu.vector_store %arg7[%swap3A_176], %broadcast_in_dim3A_60 {strides = array<i32>} : memref<81920xf32, #tpu.memory_space<vmem>>, vector<16xf32>,
      %mul3A_178 = arith.constant 16 : i32
      %mul3A_179 = arith.muli %scan3A_81, %mul3A_178 : i32
      %add3A_180 = arith.constant 12 : i32
      %add3A_181 = arith.addi %mul3A_179, %add3A_180 : i32
      %mul3A_182 = arith.constant 16 : i32
      %mul3A_183 = arith.muli %add3A_181, %mul3A_182 : i32
      %swap3A_184 = arith.index_cast %mul3A_183 : i32 to index
      %swap3A_185 = tpu.vector_load %arg7[%swap3A_184] {strides = array<i32>} : memref<81920xf32, #tpu.memory_space<vmem>>, vector<16xf32>,
      tpu.vector_store %arg7[%swap3A_184], %broadcast_in_dim3A_60 {strides = array<i32>} : memref<81920xf32, #tpu.memory_space<vmem>>, vector<16xf32>,
      %mul3A_186 = arith.constant 16 : i32
      %mul3A_187 = arith.muli %scan3A_81, %mul3A_186 : i32
      %add3A_188 = arith.constant 13 : i32
      %add3A_189 = arith.addi %mul3A_187, %add3A_188 : i32
      %mul3A_190 = arith.constant 16 : i32
      %mul3A_191 = arith.muli %add3A_189, %mul3A_190 : i32
      %swap3A_192 = arith.index_cast %mul3A_191 : i32 to index
      %swap3A_193 = tpu.vector_load %arg7[%swap3A_192] {strides = array<i32>} : memref<81920xf32, #tpu.memory_space<vmem>>, vector<16xf32>,
      tpu.vector_store %arg7[%swap3A_192], %broadcast_in_dim3A_60 {strides = array<i32>} : memref<81920xf32, #tpu.memory_space<vmem>>, vector<16xf32>,
      %mul3A_194 = arith.constant 16 : i32
      %mul3A_195 = arith.muli %scan3A_81, %mul3A_194 : i32
      %add3A_196 = arith.constant 14 : i32
      %add3A_197 = arith.addi %mul3A_195, %add3A_196 : i32
      %mul3A_198 = arith.constant 16 : i32
      %mul3A_199 = arith.muli %add3A_197, %mul3A_198 : i32
      %swap3A_200 = arith.index_cast %mul3A_199 : i32 to index
      %swap3A_201 = tpu.vector_load %arg7[%swap3A_200] {strides = array<i32>} : memref<81920xf32, #tpu.memory_space<vmem>>, vector<16xf32>,
      tpu.vector_store %arg7[%swap3A_200], %broadcast_in_dim3A_60 {strides = array<i32>} : memref<81920xf32, #tpu.memory_space<vmem>>, vector<16xf32>,
      %mul3A_202 = arith.constant 16 : i32
      %mul3A_203 = arith.muli %scan3A_81, %mul3A_202 : i32
      %add3A_204 = arith.constant 15 : i32
      %add3A_205 = arith.addi %mul3A_203, %add3A_204 : i32
      %mul3A_206 = arith.constant 16 : i32
      %mul3A_207 = arith.muli %add3A_205, %mul3A_206 : i32
      %swap3A_208 = arith.index_cast %mul3A_207 : i32 to index
      %swap3A_209 = tpu.vector_load %arg7[%swap3A_208] {strides = array<i32>} : memref<81920xf32, #tpu.memory_space<vmem>>, vector<16xf32>,
      tpu.vector_store %arg7[%swap3A_208], %broadcast_in_dim3A_60 {strides = array<i32>} : memref<81920xf32, #tpu.memory_space<vmem>>, vector<16xf32>,
      %scan3A_210 = arith.constant 0 : i32
      scf.yield %scan3A_210 : i32
    }
    %scan3A_66 = arith.constant 320 : i32
    %scan3A_67 = arith.constant 0 : i32
    %scan3A_68 = arith.constant 0 : i32
    %scan3A_69 = arith.constant 20 : i32
    %scan3A_70 = arith.addi %scan3A_68, %scan3A_69 : i32
    %scan3A_71 = arith.constant 1 : i32
    %scan3A_72 = scf.for %scan3A_81 = %scan3A_68 to %scan3A_70 step %scan3A_71 iter_args(%scan3A_82 = %scan3A_67) -> (i32)  : i32 {
      %mul3A_83 = arith.constant 2 : i32
      %mul3A_84 = arith.muli %mul3A_83, %scan3A_81 : i32
      %mul3A_85 = arith.constant 40 : i32
      %mul3A_86 = arith.muli %add3A, %mul3A_85 : i32
      %add3A_87 = arith.addi %mul3A_86, %mul3A_84 : i32
      %mul3A_88 = arith.constant 128 : i32
      %mul3A_89 = arith.muli %add3A_87, %mul3A_88 : i32
      %dma_wait3A = tpu.memref_slice %arg4[%mul3A_89] : memref<163840xi32, #tpu.memory_space<hbm>> -> memref<128xi32, #tpu.memory_space<hbm>>
      %dma_wait3A_90 = tpu.memref_slice %arg4[%mul3A_89] : memref<163840xi32, #tpu.memory_space<hbm>> -> memref<128xi32, #tpu.memory_space<hbm>>
      tpu.wait_dma2 semaphore(%arg18 : memref<!tpu.dma_semaphore, #tpu.memory_space<semaphore_mem>>) src(%dma_wait3A_90 : memref<128xi32, #tpu.memory_space<hbm>>) dst(%arg9 : memref<128xi32, #tpu.memory_space<vmem>>)
      %mul3A_91 = arith.constant 6 : i32
      %mul3A_92 = arith.muli %add3A_87, %mul3A_91 : i32
      %mul3A_93 = arith.constant 128 : i32
      %mul3A_94 = arith.muli %mul3A_92, %mul3A_93 : i32
      %dma_wait3A_95 = tpu.memref_slice %arg5[%mul3A_94] : memref<983040xf32, #tpu.memory_space<hbm>> -> memref<768xf32, #tpu.memory_space<hbm>>
      %dma_wait3A_96 = tpu.memref_slice %arg5[%mul3A_94] : memref<983040xf32, #tpu.memory_space<hbm>> -> memref<768xf32, #tpu.memory_space<hbm>>
      tpu.wait_dma2 semaphore(%arg18 : memref<!tpu.dma_semaphore, #tpu.memory_space<semaphore_mem>>) src(%dma_wait3A_96 : memref<768xf32, #tpu.memory_space<hbm>>) dst(%arg11 : memref<768xf32, #tpu.memory_space<vmem>>)
      %mul3A_97 = arith.constant 128 : i32
      %mul3A_98 = arith.muli %mul3A_84, %mul3A_97 : i32
      %dma_wait3A_99 = tpu.memref_slice %arg8[%mul3A_98] : memref<5120xi32, #tpu.memory_space<vmem>> -> memref<128xi32, #tpu.memory_space<vmem>>
      %dma_wait3A_100 = arith.constant 0 : i32
      %dma_wait3A_101 = arith.constant 0 : i32
      %dma_wait3A_102 = tpu.memref_slice %arg2[%dma_wait3A_100, %dma_wait3A_101] : memref<10240x48xf32, #tpu.memory_space<hbm>> -> memref<10240x48xf32, #tpu.memory_space<hbm>>
      tpu.wait_indirect_dma semaphore(%arg16 : memref<!tpu.dma_semaphore, #tpu.memory_space<semaphore_mem>>) src(%dma_wait3A_102 : memref<10240x48xf32, #tpu.memory_space<hbm>>) dst(%arg13 : memref<128x48xf32, #tpu.memory_space<vmem>>)
      %scan3A_103 = arith.constant 0 : i32
      %scan3A_104 = arith.constant 0 : i32
      %scan3A_105 = arith.constant 8 : i32
      %scan3A_106 = arith.addi %scan3A_104, %scan3A_105 : i32
      %scan3A_107 = arith.constant 1 : i32
      %scan3A_108 = scf.for %scan3A_146 = %scan3A_104 to %scan3A_106 step %scan3A_107 iter_args(%scan3A_147 = %scan3A_103) -> (i32)  : i32 {
        %mul3A_148 = arith.constant 16 : i32
        %mul3A_149 = arith.muli %scan3A_146, %mul3A_148 : i32
        %add3A_150 = arith.constant 0 : i32
        %add3A_151 = arith.addi %mul3A_149, %add3A_150 : i32
        %broadcast_in_dim3A_152 = vector.broadcast %add3A_151 : i32 to vector<16xi32>
        %add3A_153 = arith.addi %mul3A_8, %broadcast_in_dim3A_152 : vector<16xi32>
        %get3A = arith.index_cast %add3A_151 : i32 to index
        %get3A_154 = arith.constant 0 : index
        %get3A_155 = tpu.vector_load %arg13[%get3A, %get3A_154] {strides = array<i32>} : memref<128x48xf32, #tpu.memory_space<vmem>>, vector<16xf32>,
        tpu.vector_store_idx %arg15[%add3A_153], %get3A_155 : memref<6192xf32, #tpu.memory_space<vmem>>[vector<16xi32>], vector<16xf32>,
        %add3A_156 = arith.addi %mul3A_15, %broadcast_in_dim3A_152 : vector<16xi32>
        %get3A_157 = arith.index_cast %add3A_151 : i32 to index
        %get3A_158 = arith.constant 16 : index
        %get3A_159 = tpu.vector_load %arg13[%get3A_157, %get3A_158] {strides = array<i32>} : memref<128x48xf32, #tpu.memory_space<vmem>>, vector<16xf32>,
        tpu.vector_store_idx %arg15[%add3A_156], %get3A_159 : memref<6192xf32, #tpu.memory_space<vmem>>[vector<16xi32>], vector<16xf32>,
        %add3A_160 = arith.addi %mul3A_22, %broadcast_in_dim3A_152 : vector<16xi32>
        %get3A_161 = arith.index_cast %add3A_151 : i32 to index
        %get3A_162 = arith.constant 32 : index
        %get3A_163 = tpu.vector_load %arg13[%get3A_161, %get3A_162] {strides = array<i32>} : memref<128x48xf32, #tpu.memory_space<vmem>>, vector<16xf32>,
        tpu.vector_store_idx %arg15[%add3A_160], %get3A_163 : memref<6192xf32, #tpu.memory_space<vmem>>[vector<16xi32>], vector<16xf32>,
        %add3A_164 = arith.constant 1 : i32
        %add3A_165 = arith.addi %mul3A_149, %add3A_164 : i32
        %broadcast_in_dim3A_166 = vector.broadcast %add3A_165 : i32 to vector<16xi32>
        %add3A_167 = arith.addi %mul3A_8, %broadcast_in_dim3A_166 : vector<16xi32>
        %get3A_168 = arith.index_cast %add3A_165 : i32 to index
        %get3A_169 = arith.constant 0 : index
        %get3A_170 = tpu.vector_load %arg13[%get3A_168, %get3A_169] {strides = array<i32>} : memref<128x48xf32, #tpu.memory_space<vmem>>, vector<16xf32>,
        tpu.vector_store_idx %arg15[%add3A_167], %get3A_170 : memref<6192xf32, #tpu.memory_space<vmem>>[vector<16xi32>], vector<16xf32>,
        %add3A_171 = arith.addi %mul3A_15, %broadcast_in_dim3A_166 : vector<16xi32>
        %get3A_172 = arith.index_cast %add3A_165 : i32 to index
        %get3A_173 = arith.constant 16 : index
        %get3A_174 = tpu.vector_load %arg13[%get3A_172, %get3A_173] {strides = array<i32>} : memref<128x48xf32, #tpu.memory_space<vmem>>, vector<16xf32>,
        tpu.vector_store_idx %arg15[%add3A_171], %get3A_174 : memref<6192xf32, #tpu.memory_space<vmem>>[vector<16xi32>], vector<16xf32>,
        %add3A_175 = arith.addi %mul3A_22, %broadcast_in_dim3A_166 : vector<16xi32>
        %get3A_176 = arith.index_cast %add3A_165 : i32 to index
        %get3A_177 = arith.constant 32 : index
        %get3A_178 = tpu.vector_load %arg13[%get3A_176, %get3A_177] {strides = array<i32>} : memref<128x48xf32, #tpu.memory_space<vmem>>, vector<16xf32>,
        tpu.vector_store_idx %arg15[%add3A_175], %get3A_178 : memref<6192xf32, #tpu.memory_space<vmem>>[vector<16xi32>], vector<16xf32>,
        %add3A_179 = arith.constant 2 : i32
        %add3A_180 = arith.addi %mul3A_149, %add3A_179 : i32
        %broadcast_in_dim3A_181 = vector.broadcast %add3A_180 : i32 to vector<16xi32>
        %add3A_182 = arith.addi %mul3A_8, %broadcast_in_dim3A_181 : vector<16xi32>
        %get3A_183 = arith.index_cast %add3A_180 : i32 to index
        %get3A_184 = arith.constant 0 : index
        %get3A_185 = tpu.vector_load %arg13[%get3A_183, %get3A_184] {strides = array<i32>} : memref<128x48xf32, #tpu.memory_space<vmem>>, vector<16xf32>,
        tpu.vector_store_idx %arg15[%add3A_182], %get3A_185 : memref<6192xf32, #tpu.memory_space<vmem>>[vector<16xi32>], vector<16xf32>,
        %add3A_186 = arith.addi %mul3A_15, %broadcast_in_dim3A_181 : vector<16xi32>
        %get3A_187 = arith.index_cast %add3A_180 : i32 to index
        %get3A_188 = arith.constant 16 : index
        %get3A_189 = tpu.vector_load %arg13[%get3A_187, %get3A_188] {strides = array<i32>} : memref<128x48xf32, #tpu.memory_space<vmem>>, vector<16xf32>,
        tpu.vector_store_idx %arg15[%add3A_186], %get3A_189 : memref<6192xf32, #tpu.memory_space<vmem>>[vector<16xi32>], vector<16xf32>,
        %add3A_190 = arith.addi %mul3A_22, %broadcast_in_dim3A_181 : vector<16xi32>
        %get3A_191 = arith.index_cast %add3A_180 : i32 to index
        %get3A_192 = arith.constant 32 : index
        %get3A_193 = tpu.vector_load %arg13[%get3A_191, %get3A_192] {strides = array<i32>} : memref<128x48xf32, #tpu.memory_space<vmem>>, vector<16xf32>,
        tpu.vector_store_idx %arg15[%add3A_190], %get3A_193 : memref<6192xf32, #tpu.memory_space<vmem>>[vector<16xi32>], vector<16xf32>,
        %add3A_194 = arith.constant 3 : i32
        %add3A_195 = arith.addi %mul3A_149, %add3A_194 : i32
        %broadcast_in_dim3A_196 = vector.broadcast %add3A_195 : i32 to vector<16xi32>
        %add3A_197 = arith.addi %mul3A_8, %broadcast_in_dim3A_196 : vector<16xi32>
        %get3A_198 = arith.index_cast %add3A_195 : i32 to index
        %get3A_199 = arith.constant 0 : index
        %get3A_200 = tpu.vector_load %arg13[%get3A_198, %get3A_199] {strides = array<i32>} : memref<128x48xf32, #tpu.memory_space<vmem>>, vector<16xf32>,
        tpu.vector_store_idx %arg15[%add3A_197], %get3A_200 : memref<6192xf32, #tpu.memory_space<vmem>>[vector<16xi32>], vector<16xf32>,
        %add3A_201 = arith.addi %mul3A_15, %broadcast_in_dim3A_196 : vector<16xi32>
        %get3A_202 = arith.index_cast %add3A_195 : i32 to index
        %get3A_203 = arith.constant 16 : index
        %get3A_204 = tpu.vector_load %arg13[%get3A_202, %get3A_203] {strides = array<i32>} : memref<128x48xf32, #tpu.memory_space<vmem>>, vector<16xf32>,
        tpu.vector_store_idx %arg15[%add3A_201], %get3A_204 : memref<6192xf32, #tpu.memory_space<vmem>>[vector<16xi32>], vector<16xf32>,
        %add3A_205 = arith.addi %mul3A_22, %broadcast_in_dim3A_196 : vector<16xi32>
        %get3A_206 = arith.index_cast %add3A_195 : i32 to index
        %get3A_207 = arith.constant 32 : index
        %get3A_208 = tpu.vector_load %arg13[%get3A_206, %get3A_207] {strides = array<i32>} : memref<128x48xf32, #tpu.memory_space<vmem>>, vector<16xf32>,
        tpu.vector_store_idx %arg15[%add3A_205], %get3A_208 : memref<6192xf32, #tpu.memory_space<vmem>>[vector<16xi32>], vector<16xf32>,
        %add3A_209 = arith.constant 4 : i32
        %add3A_210 = arith.addi %mul3A_149, %add3A_209 : i32
        %broadcast_in_dim3A_211 = vector.broadcast %add3A_210 : i32 to vector<16xi32>
        %add3A_212 = arith.addi %mul3A_8, %broadcast_in_dim3A_211 : vector<16xi32>
        %get3A_213 = arith.index_cast %add3A_210 : i32 to index
        %get3A_214 = arith.constant 0 : index
        %get3A_215 = tpu.vector_load %arg13[%get3A_213, %get3A_214] {strides = array<i32>} : memref<128x48xf32, #tpu.memory_space<vmem>>, vector<16xf32>,
        tpu.vector_store_idx %arg15[%add3A_212], %get3A_215 : memref<6192xf32, #tpu.memory_space<vmem>>[vector<16xi32>], vector<16xf32>,
        %add3A_216 = arith.addi %mul3A_15, %broadcast_in_dim3A_211 : vector<16xi32>
        %get3A_217 = arith.index_cast %add3A_210 : i32 to index
        %get3A_218 = arith.constant 16 : index
        %get3A_219 = tpu.vector_load %arg13[%get3A_217, %get3A_218] {strides = array<i32>} : memref<128x48xf32, #tpu.memory_space<vmem>>, vector<16xf32>,
        tpu.vector_store_idx %arg15[%add3A_216], %get3A_219 : memref<6192xf32, #tpu.memory_space<vmem>>[vector<16xi32>], vector<16xf32>,
        %add3A_220 = arith.addi %mul3A_22, %broadcast_in_dim3A_211 : vector<16xi32>
        %get3A_221 = arith.index_cast %add3A_210 : i32 to index
        %get3A_222 = arith.constant 32 : index
        %get3A_223 = tpu.vector_load %arg13[%get3A_221, %get3A_222] {strides = array<i32>} : memref<128x48xf32, #tpu.memory_space<vmem>>, vector<16xf32>,
        tpu.vector_store_idx %arg15[%add3A_220], %get3A_223 : memref<6192xf32, #tpu.memory_space<vmem>>[vector<16xi32>], vector<16xf32>,
        %add3A_224 = arith.constant 5 : i32
        %add3A_225 = arith.addi %mul3A_149, %add3A_224 : i32
        %broadcast_in_dim3A_226 = vector.broadcast %add3A_225 : i32 to vector<16xi32>
        %add3A_227 = arith.addi %mul3A_8, %broadcast_in_dim3A_226 : vector<16xi32>
        %get3A_228 = arith.index_cast %add3A_225 : i32 to index
        %get3A_229 = arith.constant 0 : index
        %get3A_230 = tpu.vector_load %arg13[%get3A_228, %get3A_229] {strides = array<i32>} : memref<128x48xf32, #tpu.memory_space<vmem>>, vector<16xf32>,
        tpu.vector_store_idx %arg15[%add3A_227], %get3A_230 : memref<6192xf32, #tpu.memory_space<vmem>>[vector<16xi32>], vector<16xf32>,
        %add3A_231 = arith.addi %mul3A_15, %broadcast_in_dim3A_226 : vector<16xi32>
        %get3A_232 = arith.index_cast %add3A_225 : i32 to index
        %get3A_233 = arith.constant 16 : index
        %get3A_234 = tpu.vector_load %arg13[%get3A_232, %get3A_233] {strides = array<i32>} : memref<128x48xf32, #tpu.memory_space<vmem>>, vector<16xf32>,
        tpu.vector_store_idx %arg15[%add3A_231], %get3A_234 : memref<6192xf32, #tpu.memory_space<vmem>>[vector<16xi32>], vector<16xf32>,
        %add3A_235 = arith.addi %mul3A_22, %broadcast_in_dim3A_226 : vector<16xi32>
        %get3A_236 = arith.index_cast %add3A_225 : i32 to index
        %get3A_237 = arith.constant 32 : index
        %get3A_238 = tpu.vector_load %arg13[%get3A_236, %get3A_237] {strides = array<i32>} : memref<128x48xf32, #tpu.memory_space<vmem>>, vector<16xf32>,
        tpu.vector_store_idx %arg15[%add3A_235], %get3A_238 : memref<6192xf32, #tpu.memory_space<vmem>>[vector<16xi32>], vector<16xf32>,
        %add3A_239 = arith.constant 6 : i32
        %add3A_240 = arith.addi %mul3A_149, %add3A_239 : i32
        %broadcast_in_dim3A_241 = vector.broadcast %add3A_240 : i32 to vector<16xi32>
        %add3A_242 = arith.addi %mul3A_8, %broadcast_in_dim3A_241 : vector<16xi32>
        %get3A_243 = arith.index_cast %add3A_240 : i32 to index
        %get3A_244 = arith.constant 0 : index
        %get3A_245 = tpu.vector_load %arg13[%get3A_243, %get3A_244] {strides = array<i32>} : memref<128x48xf32, #tpu.memory_space<vmem>>, vector<16xf32>,
        tpu.vector_store_idx %arg15[%add3A_242], %get3A_245 : memref<6192xf32, #tpu.memory_space<vmem>>[vector<16xi32>], vector<16xf32>,
        %add3A_246 = arith.addi %mul3A_15, %broadcast_in_dim3A_241 : vector<16xi32>
        %get3A_247 = arith.index_cast %add3A_240 : i32 to index
        %get3A_248 = arith.constant 16 : index
        %get3A_249 = tpu.vector_load %arg13[%get3A_247, %get3A_248] {strides = array<i32>} : memref<128x48xf32, #tpu.memory_space<vmem>>, vector<16xf32>,
        tpu.vector_store_idx %arg15[%add3A_246], %get3A_249 : memref<6192xf32, #tpu.memory_space<vmem>>[vector<16xi32>], vector<16xf32>,
        %add3A_250 = arith.addi %mul3A_22, %broadcast_in_dim3A_241 : vector<16xi32>
        %get3A_251 = arith.index_cast %add3A_240 : i32 to index
        %get3A_252 = arith.constant 32 : index
        %get3A_253 = tpu.vector_load %arg13[%get3A_251, %get3A_252] {strides = array<i32>} : memref<128x48xf32, #tpu.memory_space<vmem>>, vector<16xf32>,
        tpu.vector_store_idx %arg15[%add3A_250], %get3A_253 : memref<6192xf32, #tpu.memory_space<vmem>>[vector<16xi32>], vector<16xf32>,
        %add3A_254 = arith.constant 7 : i32
        %add3A_255 = arith.addi %mul3A_149, %add3A_254 : i32
        %broadcast_in_dim3A_256 = vector.broadcast %add3A_255 : i32 to vector<16xi32>
        %add3A_257 = arith.addi %mul3A_8, %broadcast_in_dim3A_256 : vector<16xi32>
        %get3A_258 = arith.index_cast %add3A_255 : i32 to index
        %get3A_259 = arith.constant 0 : index
        %get3A_260 = tpu.vector_load %arg13[%get3A_258, %get3A_259] {strides = array<i32>} : memref<128x48xf32, #tpu.memory_space<vmem>>, vector<16xf32>,
        tpu.vector_store_idx %arg15[%add3A_257], %get3A_260 : memref<6192xf32, #tpu.memory_space<vmem>>[vector<16xi32>], vector<16xf32>,
        %add3A_261 = arith.addi %mul3A_15, %broadcast_in_dim3A_256 : vector<16xi32>
        %get3A_262 = arith.index_cast %add3A_255 : i32 to index
        %get3A_263 = arith.constant 16 : index
        %get3A_264 = tpu.vector_load %arg13[%get3A_262, %get3A_263] {strides = array<i32>} : memref<128x48xf32, #tpu.memory_space<vmem>>, vector<16xf32>,
        tpu.vector_store_idx %arg15[%add3A_261], %get3A_264 : memref<6192xf32, #tpu.memory_space<vmem>>[vector<16xi32>], vector<16xf32>,
        %add3A_265 = arith.addi %mul3A_22, %broadcast_in_dim3A_256 : vector<16xi32>
        %get3A_266 = arith.index_cast %add3A_255 : i32 to index
        %get3A_267 = arith.constant 32 : index
        %get3A_268 = tpu.vector_load %arg13[%get3A_266, %get3A_267] {strides = array<i32>} : memref<128x48xf32, #tpu.memory_space<vmem>>, vector<16xf32>,
        tpu.vector_store_idx %arg15[%add3A_265], %get3A_268 : memref<6192xf32, #tpu.memory_space<vmem>>[vector<16xi32>], vector<16xf32>,
        %add3A_269 = arith.constant 8 : i32
        %add3A_270 = arith.addi %mul3A_149, %add3A_269 : i32
        %broadcast_in_dim3A_271 = vector.broadcast %add3A_270 : i32 to vector<16xi32>
        %add3A_272 = arith.addi %mul3A_8, %broadcast_in_dim3A_271 : vector<16xi32>
        %get3A_273 = arith.index_cast %add3A_270 : i32 to index
        %get3A_274 = arith.constant 0 : index
        %get3A_275 = tpu.vector_load %arg13[%get3A_273, %get3A_274] {strides = array<i32>} : memref<128x48xf32, #tpu.memory_space<vmem>>, vector<16xf32>,
        tpu.vector_store_idx %arg15[%add3A_272], %get3A_275 : memref<6192xf32, #tpu.memory_space<vmem>>[vector<16xi32>], vector<16xf32>,
        %add3A_276 = arith.addi %mul3A_15, %broadcast_in_dim3A_271 : vector<16xi32>
        %get3A_277 = arith.index_cast %add3A_270 : i32 to index
        %get3A_278 = arith.constant 16 : index
        %get3A_279 = tpu.vector_load %arg13[%get3A_277, %get3A_278] {strides = array<i32>} : memref<128x48xf32, #tpu.memory_space<vmem>>, vector<16xf32>,
        tpu.vector_store_idx %arg15[%add3A_276], %get3A_279 : memref<6192xf32, #tpu.memory_space<vmem>>[vector<16xi32>], vector<16xf32>,
        %add3A_280 = arith.addi %mul3A_22, %broadcast_in_dim3A_271 : vector<16xi32>
        %get3A_281 = arith.index_cast %add3A_270 : i32 to index
        %get3A_282 = arith.constant 32 : index
        %get3A_283 = tpu.vector_load %arg13[%get3A_281, %get3A_282] {strides = array<i32>} : memref<128x48xf32, #tpu.memory_space<vmem>>, vector<16xf32>,
        tpu.vector_store_idx %arg15[%add3A_280], %get3A_283 : memref<6192xf32, #tpu.memory_space<vmem>>[vector<16xi32>], vector<16xf32>,
        %add3A_284 = arith.constant 9 : i32
        %add3A_285 = arith.addi %mul3A_149, %add3A_284 : i32
        %broadcast_in_dim3A_286 = vector.broadcast %add3A_285 : i32 to vector<16xi32>
        %add3A_287 = arith.addi %mul3A_8, %broadcast_in_dim3A_286 : vector<16xi32>
        %get3A_288 = arith.index_cast %add3A_285 : i32 to index
        %get3A_289 = arith.constant 0 : index
        %get3A_290 = tpu.vector_load %arg13[%get3A_288, %get3A_289] {strides = array<i32>} : memref<128x48xf32, #tpu.memory_space<vmem>>, vector<16xf32>,
        tpu.vector_store_idx %arg15[%add3A_287], %get3A_290 : memref<6192xf32, #tpu.memory_space<vmem>>[vector<16xi32>], vector<16xf32>,
        %add3A_291 = arith.addi %mul3A_15, %broadcast_in_dim3A_286 : vector<16xi32>
        %get3A_292 = arith.index_cast %add3A_285 : i32 to index
        %get3A_293 = arith.constant 16 : index
        %get3A_294 = tpu.vector_load %arg13[%get3A_292, %get3A_293] {strides = array<i32>} : memref<128x48xf32, #tpu.memory_space<vmem>>, vector<16xf32>,
        tpu.vector_store_idx %arg15[%add3A_291], %get3A_294 : memref<6192xf32, #tpu.memory_space<vmem>>[vector<16xi32>], vector<16xf32>,
        %add3A_295 = arith.addi %mul3A_22, %broadcast_in_dim3A_286 : vector<16xi32>
        %get3A_296 = arith.index_cast %add3A_285 : i32 to index
        %get3A_297 = arith.constant 32 : index
        %get3A_298 = tpu.vector_load %arg13[%get3A_296, %get3A_297] {strides = array<i32>} : memref<128x48xf32, #tpu.memory_space<vmem>>, vector<16xf32>,
        tpu.vector_store_idx %arg15[%add3A_295], %get3A_298 : memref<6192xf32, #tpu.memory_space<vmem>>[vector<16xi32>], vector<16xf32>,
        %add3A_299 = arith.constant 10 : i32
        %add3A_300 = arith.addi %mul3A_149, %add3A_299 : i32
        %broadcast_in_dim3A_301 = vector.broadcast %add3A_300 : i32 to vector<16xi32>
        %add3A_302 = arith.addi %mul3A_8, %broadcast_in_dim3A_301 : vector<16xi32>
        %get3A_303 = arith.index_cast %add3A_300 : i32 to index
        %get3A_304 = arith.constant 0 : index
        %get3A_305 = tpu.vector_load %arg13[%get3A_303, %get3A_304] {strides = array<i32>} : memref<128x48xf32, #tpu.memory_space<vmem>>, vector<16xf32>,
        tpu.vector_store_idx %arg15[%add3A_302], %get3A_305 : memref<6192xf32, #tpu.memory_space<vmem>>[vector<16xi32>], vector<16xf32>,
        %add3A_306 = arith.addi %mul3A_15, %broadcast_in_dim3A_301 : vector<16xi32>
        %get3A_307 = arith.index_cast %add3A_300 : i32 to index
        %get3A_308 = arith.constant 16 : index
        %get3A_309 = tpu.vector_load %arg13[%get3A_307, %get3A_308] {strides = array<i32>} : memref<128x48xf32, #tpu.memory_space<vmem>>, vector<16xf32>,
        tpu.vector_store_idx %arg15[%add3A_306], %get3A_309 : memref<6192xf32, #tpu.memory_space<vmem>>[vector<16xi32>], vector<16xf32>,
        %add3A_310 = arith.addi %mul3A_22, %broadcast_in_dim3A_301 : vector<16xi32>
        %get3A_311 = arith.index_cast %add3A_300 : i32 to index
        %get3A_312 = arith.constant 32 : index
        %get3A_313 = tpu.vector_load %arg13[%get3A_311, %get3A_312] {strides = array<i32>} : memref<128x48xf32, #tpu.memory_space<vmem>>, vector<16xf32>,
        tpu.vector_store_idx %arg15[%add3A_310], %get3A_313 : memref<6192xf32, #tpu.memory_space<vmem>>[vector<16xi32>], vector<16xf32>,
        %add3A_314 = arith.constant 11 : i32
        %add3A_315 = arith.addi %mul3A_149, %add3A_314 : i32
        %broadcast_in_dim3A_316 = vector.broadcast %add3A_315 : i32 to vector<16xi32>
        %add3A_317 = arith.addi %mul3A_8, %broadcast_in_dim3A_316 : vector<16xi32>
        %get3A_318 = arith.index_cast %add3A_315 : i32 to index
        %get3A_319 = arith.constant 0 : index
        %get3A_320 = tpu.vector_load %arg13[%get3A_318, %get3A_319] {strides = array<i32>} : memref<128x48xf32, #tpu.memory_space<vmem>>, vector<16xf32>,
        tpu.vector_store_idx %arg15[%add3A_317], %get3A_320 : memref<6192xf32, #tpu.memory_space<vmem>>[vector<16xi32>], vector<16xf32>,
        %add3A_321 = arith.addi %mul3A_15, %broadcast_in_dim3A_316 : vector<16xi32>
        %get3A_322 = arith.index_cast %add3A_315 : i32 to index
        %get3A_323 = arith.constant 16 : index
        %get3A_324 = tpu.vector_load %arg13[%get3A_322, %get3A_323] {strides = array<i32>} : memref<128x48xf32, #tpu.memory_space<vmem>>, vector<16xf32>,
        tpu.vector_store_idx %arg15[%add3A_321], %get3A_324 : memref<6192xf32, #tpu.memory_space<vmem>>[vector<16xi32>], vector<16xf32>,
        %add3A_325 = arith.addi %mul3A_22, %broadcast_in_dim3A_316 : vector<16xi32>
        %get3A_326 = arith.index_cast %add3A_315 : i32 to index
        %get3A_327 = arith.constant 32 : index
        %get3A_328 = tpu.vector_load %arg13[%get3A_326, %get3A_327] {strides = array<i32>} : memref<128x48xf32, #tpu.memory_space<vmem>>, vector<16xf32>,
        tpu.vector_store_idx %arg15[%add3A_325], %get3A_328 : memref<6192xf32, #tpu.memory_space<vmem>>[vector<16xi32>], vector<16xf32>,
        %add3A_329 = arith.constant 12 : i32
        %add3A_330 = arith.addi %mul3A_149, %add3A_329 : i32
        %broadcast_in_dim3A_331 = vector.broadcast %add3A_330 : i32 to vector<16xi32>
        %add3A_332 = arith.addi %mul3A_8, %broadcast_in_dim3A_331 : vector<16xi32>
        %get3A_333 = arith.index_cast %add3A_330 : i32 to index
        %get3A_334 = arith.constant 0 : index
        %get3A_335 = tpu.vector_load %arg13[%get3A_333, %get3A_334] {strides = array<i32>} : memref<128x48xf32, #tpu.memory_space<vmem>>, vector<16xf32>,
        tpu.vector_store_idx %arg15[%add3A_332], %get3A_335 : memref<6192xf32, #tpu.memory_space<vmem>>[vector<16xi32>], vector<16xf32>,
        %add3A_336 = arith.addi %mul3A_15, %broadcast_in_dim3A_331 : vector<16xi32>
        %get3A_337 = arith.index_cast %add3A_330 : i32 to index
        %get3A_338 = arith.constant 16 : index
        %get3A_339 = tpu.vector_load %arg13[%get3A_337, %get3A_338] {strides = array<i32>} : memref<128x48xf32, #tpu.memory_space<vmem>>, vector<16xf32>,
        tpu.vector_store_idx %arg15[%add3A_336], %get3A_339 : memref<6192xf32, #tpu.memory_space<vmem>>[vector<16xi32>], vector<16xf32>,
        %add3A_340 = arith.addi %mul3A_22, %broadcast_in_dim3A_331 : vector<16xi32>
        %get3A_341 = arith.index_cast %add3A_330 : i32 to index
        %get3A_342 = arith.constant 32 : index
        %get3A_343 = tpu.vector_load %arg13[%get3A_341, %get3A_342] {strides = array<i32>} : memref<128x48xf32, #tpu.memory_space<vmem>>, vector<16xf32>,
        tpu.vector_store_idx %arg15[%add3A_340], %get3A_343 : memref<6192xf32, #tpu.memory_space<vmem>>[vector<16xi32>], vector<16xf32>,
        %add3A_344 = arith.constant 13 : i32
        %add3A_345 = arith.addi %mul3A_149, %add3A_344 : i32
        %broadcast_in_dim3A_346 = vector.broadcast %add3A_345 : i32 to vector<16xi32>
        %add3A_347 = arith.addi %mul3A_8, %broadcast_in_dim3A_346 : vector<16xi32>
        %get3A_348 = arith.index_cast %add3A_345 : i32 to index
        %get3A_349 = arith.constant 0 : index
        %get3A_350 = tpu.vector_load %arg13[%get3A_348, %get3A_349] {strides = array<i32>} : memref<128x48xf32, #tpu.memory_space<vmem>>, vector<16xf32>,
        tpu.vector_store_idx %arg15[%add3A_347], %get3A_350 : memref<6192xf32, #tpu.memory_space<vmem>>[vector<16xi32>], vector<16xf32>,
        %add3A_351 = arith.addi %mul3A_15, %broadcast_in_dim3A_346 : vector<16xi32>
        %get3A_352 = arith.index_cast %add3A_345 : i32 to index
        %get3A_353 = arith.constant 16 : index
        %get3A_354 = tpu.vector_load %arg13[%get3A_352, %get3A_353] {strides = array<i32>} : memref<128x48xf32, #tpu.memory_space<vmem>>, vector<16xf32>,
        tpu.vector_store_idx %arg15[%add3A_351], %get3A_354 : memref<6192xf32, #tpu.memory_space<vmem>>[vector<16xi32>], vector<16xf32>,
        %add3A_355 = arith.addi %mul3A_22, %broadcast_in_dim3A_346 : vector<16xi32>
        %get3A_356 = arith.index_cast %add3A_345 : i32 to index
        %get3A_357 = arith.constant 32 : index
        %get3A_358 = tpu.vector_load %arg13[%get3A_356, %get3A_357] {strides = array<i32>} : memref<128x48xf32, #tpu.memory_space<vmem>>, vector<16xf32>,
        tpu.vector_store_idx %arg15[%add3A_355], %get3A_358 : memref<6192xf32, #tpu.memory_space<vmem>>[vector<16xi32>], vector<16xf32>,
        %add3A_359 = arith.constant 14 : i32
        %add3A_360 = arith.addi %mul3A_149, %add3A_359 : i32
        %broadcast_in_dim3A_361 = vector.broadcast %add3A_360 : i32 to vector<16xi32>
        %add3A_362 = arith.addi %mul3A_8, %broadcast_in_dim3A_361 : vector<16xi32>
        %get3A_363 = arith.index_cast %add3A_360 : i32 to index
        %get3A_364 = arith.constant 0 : index
        %get3A_365 = tpu.vector_load %arg13[%get3A_363, %get3A_364] {strides = array<i32>} : memref<128x48xf32, #tpu.memory_space<vmem>>, vector<16xf32>,
        tpu.vector_store_idx %arg15[%add3A_362], %get3A_365 : memref<6192xf32, #tpu.memory_space<vmem>>[vector<16xi32>], vector<16xf32>,
        %add3A_366 = arith.addi %mul3A_15, %broadcast_in_dim3A_361 : vector<16xi32>
        %get3A_367 = arith.index_cast %add3A_360 : i32 to index
        %get3A_368 = arith.constant 16 : index
        %get3A_369 = tpu.vector_load %arg13[%get3A_367, %get3A_368] {strides = array<i32>} : memref<128x48xf32, #tpu.memory_space<vmem>>, vector<16xf32>,
        tpu.vector_store_idx %arg15[%add3A_366], %get3A_369 : memref<6192xf32, #tpu.memory_space<vmem>>[vector<16xi32>], vector<16xf32>,
        %add3A_370 = arith.addi %mul3A_22, %broadcast_in_dim3A_361 : vector<16xi32>
        %get3A_371 = arith.index_cast %add3A_360 : i32 to index
        %get3A_372 = arith.constant 32 : index
        %get3A_373 = tpu.vector_load %arg13[%get3A_371, %get3A_372] {strides = array<i32>} : memref<128x48xf32, #tpu.memory_space<vmem>>, vector<16xf32>,
        tpu.vector_store_idx %arg15[%add3A_370], %get3A_373 : memref<6192xf32, #tpu.memory_space<vmem>>[vector<16xi32>], vector<16xf32>,
        %add3A_374 = arith.constant 15 : i32
        %add3A_375 = arith.addi %mul3A_149, %add3A_374 : i32
        %broadcast_in_dim3A_376 = vector.broadcast %add3A_375 : i32 to vector<16xi32>
        %add3A_377 = arith.addi %mul3A_8, %broadcast_in_dim3A_376 : vector<16xi32>
        %get3A_378 = arith.index_cast %add3A_375 : i32 to index
        %get3A_379 = arith.constant 0 : index
        %get3A_380 = tpu.vector_load %arg13[%get3A_378, %get3A_379] {strides = array<i32>} : memref<128x48xf32, #tpu.memory_space<vmem>>, vector<16xf32>,
        tpu.vector_store_idx %arg15[%add3A_377], %get3A_380 : memref<6192xf32, #tpu.memory_space<vmem>>[vector<16xi32>], vector<16xf32>,
        %add3A_381 = arith.addi %mul3A_15, %broadcast_in_dim3A_376 : vector<16xi32>
        %get3A_382 = arith.index_cast %add3A_375 : i32 to index
        %get3A_383 = arith.constant 16 : index
        %get3A_384 = tpu.vector_load %arg13[%get3A_382, %get3A_383] {strides = array<i32>} : memref<128x48xf32, #tpu.memory_space<vmem>>, vector<16xf32>,
        tpu.vector_store_idx %arg15[%add3A_381], %get3A_384 : memref<6192xf32, #tpu.memory_space<vmem>>[vector<16xi32>], vector<16xf32>,
        %add3A_385 = arith.addi %mul3A_22, %broadcast_in_dim3A_376 : vector<16xi32>
        %get3A_386 = arith.index_cast %add3A_375 : i32 to index
        %get3A_387 = arith.constant 32 : index
        %get3A_388 = tpu.vector_load %arg13[%get3A_386, %get3A_387] {strides = array<i32>} : memref<128x48xf32, #tpu.memory_space<vmem>>, vector<16xf32>,
        tpu.vector_store_idx %arg15[%add3A_385], %get3A_388 : memref<6192xf32, #tpu.memory_space<vmem>>[vector<16xi32>], vector<16xf32>,
        %get3A_389 = arith.index_cast %mul3A_149 : i32 to index
        %get3A_390 = tpu.vector_load %arg9[%get3A_389] {strides = array<i32>} : memref<128xi32, #tpu.memory_space<vmem>>, vector<16xi32>,
        %add3A_391 = arith.constant 0 : i32
        %add3A_392 = arith.addi %add3A_391, %mul3A_149 : i32
        %get3A_393 = arith.index_cast %add3A_392 : i32 to index
        %get3A_394 = tpu.vector_load %arg11[%get3A_393] {strides = array<i32>} : memref<768xf32, #tpu.memory_space<vmem>>, vector<16xf32>,
        %add3A_395 = arith.constant 128 : i32
        %add3A_396 = arith.addi %add3A_395, %mul3A_149 : i32
        %get3A_397 = arith.index_cast %add3A_396 : i32 to index
        %get3A_398 = tpu.vector_load %arg11[%get3A_397] {strides = array<i32>} : memref<768xf32, #tpu.memory_space<vmem>>, vector<16xf32>,
        %add3A_399 = arith.constant 256 : i32
        %add3A_400 = arith.addi %add3A_399, %mul3A_149 : i32
        %get3A_401 = arith.index_cast %add3A_400 : i32 to index
        %get3A_402 = tpu.vector_load %arg11[%get3A_401] {strides = array<i32>} : memref<768xf32, #tpu.memory_space<vmem>>, vector<16xf32>,
        %add3A_403 = arith.constant 384 : i32
        %add3A_404 = arith.addi %add3A_403, %mul3A_149 : i32
        %get3A_405 = arith.index_cast %add3A_404 : i32 to index
        %get3A_406 = tpu.vector_load %arg11[%get3A_405] {strides = array<i32>} : memref<768xf32, #tpu.memory_space<vmem>>, vector<16xf32>,
        %add3A_407 = arith.constant 512 : i32
        %add3A_408 = arith.addi %add3A_407, %mul3A_149 : i32
        %get3A_409 = arith.index_cast %add3A_408 : i32 to index
        %get3A_410 = tpu.vector_load %arg11[%get3A_409] {strides = array<i32>} : memref<768xf32, #tpu.memory_space<vmem>>, vector<16xf32>,
        %add3A_411 = arith.constant 640 : i32
        %add3A_412 = arith.addi %add3A_411, %mul3A_149 : i32
        %get3A_413 = arith.index_cast %add3A_412 : i32 to index
        %get3A_414 = tpu.vector_load %arg11[%get3A_413] {strides = array<i32>} : memref<768xf32, #tpu.memory_space<vmem>>, vector<16xf32>,
        %add3A_415 = arith.constant 0 : i32
        %add3A_416 = arith.addi %add3A_415, %mul3A_149 : i32
        %get3A_417 = arith.index_cast %add3A_416 : i32 to index
        %get3A_418 = tpu.vector_load %arg15[%get3A_417] {strides = array<i32>} : memref<6192xf32, #tpu.memory_space<vmem>>, vector<16xf32>,
        %mul3A_419 = arith.mulf %get3A_394, %get3A_418 : vector<16xf32>
        %add3A_420 = arith.constant 1032 : i32
        %add3A_421 = arith.addi %add3A_420, %mul3A_149 : i32
        %get3A_422 = arith.index_cast %add3A_421 : i32 to index
        %get3A_423 = tpu.vector_load %arg15[%get3A_422] {strides = array<i32>} : memref<6192xf32, #tpu.memory_space<vmem>>, vector<16xf32>,
        %mul3A_424 = arith.mulf %get3A_398, %get3A_423 : vector<16xf32>
        %add3A_425 = arith.addf %mul3A_419, %mul3A_424 : vector<16xf32>
        %add3A_426 = arith.constant 2064 : i32
        %add3A_427 = arith.addi %add3A_426, %mul3A_149 : i32
        %get3A_428 = arith.index_cast %add3A_427 : i32 to index
        %get3A_429 = tpu.vector_load %arg15[%get3A_428] {strides = array<i32>} : memref<6192xf32, #tpu.memory_space<vmem>>, vector<16xf32>,
        %mul3A_430 = arith.mulf %get3A_402, %get3A_429 : vector<16xf32>
        %add3A_431 = arith.addf %add3A_425, %mul3A_430 : vector<16xf32>
        %add3A_432 = arith.constant 3096 : i32
        %add3A_433 = arith.addi %add3A_432, %mul3A_149 : i32
        %get3A_434 = arith.index_cast %add3A_433 : i32 to index
        %get3A_435 = tpu.vector_load %arg15[%get3A_434] {strides = array<i32>} : memref<6192xf32, #tpu.memory_space<vmem>>, vector<16xf32>,
        %mul3A_436 = arith.mulf %get3A_406, %get3A_435 : vector<16xf32>
        %add3A_437 = arith.addf %add3A_431, %mul3A_436 : vector<16xf32>
        %add3A_438 = arith.constant 4128 : i32
        %add3A_439 = arith.addi %add3A_438, %mul3A_149 : i32
        %get3A_440 = arith.index_cast %add3A_439 : i32 to index
        %get3A_441 = tpu.vector_load %arg15[%get3A_440] {strides = array<i32>} : memref<6192xf32, #tpu.memory_space<vmem>>, vector<16xf32>,
        %mul3A_442 = arith.mulf %get3A_410, %get3A_441 : vector<16xf32>
        %add3A_443 = arith.addf %add3A_437, %mul3A_442 : vector<16xf32>
        %add3A_444 = arith.constant 5160 : i32
        %add3A_445 = arith.addi %add3A_444, %mul3A_149 : i32
        %get3A_446 = arith.index_cast %add3A_445 : i32 to index
        %get3A_447 = tpu.vector_load %arg15[%get3A_446] {strides = array<i32>} : memref<6192xf32, #tpu.memory_space<vmem>>, vector<16xf32>,
        %mul3A_448 = arith.mulf %get3A_414, %get3A_447 : vector<16xf32>
        %add3A_449 = arith.addf %add3A_443, %mul3A_448 : vector<16xf32>
        %add3A_450 = arith.constant 0 : i32
        %add3A_451 = vector.broadcast %add3A_450 : i32 to vector<16xi32>
        %add3A_452 = arith.addi %get3A_390, %add3A_451 : vector<16xi32>
        tpu.vector_store_idx %arg7[%add3A_452], %add3A_449 {add = true} : memref<81920xf32, #tpu.memory_space<vmem>>[vector<16xi32>], vector<16xf32>,
        %add3A_453 = arith.constant 129 : i32
        %add3A_454 = arith.addi %add3A_453, %mul3A_149 : i32
        %get3A_455 = arith.index_cast %add3A_454 : i32 to index
        %get3A_456 = tpu.vector_load %arg15[%get3A_455] {strides = array<i32>} : memref<6192xf32, #tpu.memory_space<vmem>>, vector<16xf32>,
        %mul3A_457 = arith.mulf %get3A_394, %get3A_456 : vector<16xf32>
        %add3A_458 = arith.constant 1161 : i32
        %add3A_459 = arith.addi %add3A_458, %mul3A_149 : i32
        %get3A_460 = arith.index_cast %add3A_459 : i32 to index
        %get3A_461 = tpu.vector_load %arg15[%get3A_460] {strides = array<i32>} : memref<6192xf32, #tpu.memory_space<vmem>>, vector<16xf32>,
        %mul3A_462 = arith.mulf %get3A_398, %get3A_461 : vector<16xf32>
        %add3A_463 = arith.addf %mul3A_457, %mul3A_462 : vector<16xf32>
        %add3A_464 = arith.constant 2193 : i32
        %add3A_465 = arith.addi %add3A_464, %mul3A_149 : i32
        %get3A_466 = arith.index_cast %add3A_465 : i32 to index
        %get3A_467 = tpu.vector_load %arg15[%get3A_466] {strides = array<i32>} : memref<6192xf32, #tpu.memory_space<vmem>>, vector<16xf32>,
        %mul3A_468 = arith.mulf %get3A_402, %get3A_467 : vector<16xf32>
        %add3A_469 = arith.addf %add3A_463, %mul3A_468 : vector<16xf32>
        %add3A_470 = arith.constant 3225 : i32
        %add3A_471 = arith.addi %add3A_470, %mul3A_149 : i32
        %get3A_472 = arith.index_cast %add3A_471 : i32 to index
        %get3A_473 = tpu.vector_load %arg15[%get3A_472] {strides = array<i32>} : memref<6192xf32, #tpu.memory_space<vmem>>, vector<16xf32>,
        %mul3A_474 = arith.mulf %get3A_406, %get3A_473 : vector<16xf32>
        %add3A_475 = arith.addf %add3A_469, %mul3A_474 : vector<16xf32>
        %add3A_476 = arith.constant 4257 : i32
        %add3A_477 = arith.addi %add3A_476, %mul3A_149 : i32
        %get3A_478 = arith.index_cast %add3A_477 : i32 to index
        %get3A_479 = tpu.vector_load %arg15[%get3A_478] {strides = array<i32>} : memref<6192xf32, #tpu.memory_space<vmem>>, vector<16xf32>,
        %mul3A_480 = arith.mulf %get3A_410, %get3A_479 : vector<16xf32>
        %add3A_481 = arith.addf %add3A_475, %mul3A_480 : vector<16xf32>
        %add3A_482 = arith.constant 5289 : i32
        %add3A_483 = arith.addi %add3A_482, %mul3A_149 : i32
        %get3A_484 = arith.index_cast %add3A_483 : i32 to index
        %get3A_485 = tpu.vector_load %arg15[%get3A_484] {strides = array<i32>} : memref<6192xf32, #tpu.memory_space<vmem>>, vector<16xf32>,
        %mul3A_486 = arith.mulf %get3A_414, %get3A_485 : vector<16xf32>
        %add3A_487 = arith.addf %add3A_481, %mul3A_486 : vector<16xf32>
        %add3A_488 = arith.constant 10240 : i32
        %add3A_489 = vector.broadcast %add3A_488 : i32 to vector<16xi32>
        %add3A_490 = arith.addi %get3A_390, %add3A_489 : vector<16xi32>
        tpu.vector_store_idx %arg7[%add3A_490], %add3A_487 {add = true} : memref<81920xf32, #tpu.memory_space<vmem>>[vector<16xi32>], vector<16xf32>,
        %add3A_491 = arith.constant 258 : i32
        %add3A_492 = arith.addi %add3A_491, %mul3A_149 : i32
        %get3A_493 = arith.index_cast %add3A_492 : i32 to index
        %get3A_494 = tpu.vector_load %arg15[%get3A_493] {strides = array<i32>} : memref<6192xf32, #tpu.memory_space<vmem>>, vector<16xf32>,
        %mul3A_495 = arith.mulf %get3A_394, %get3A_494 : vector<16xf32>
        %add3A_496 = arith.constant 1290 : i32
        %add3A_497 = arith.addi %add3A_496, %mul3A_149 : i32
        %get3A_498 = arith.index_cast %add3A_497 : i32 to index
        %get3A_499 = tpu.vector_load %arg15[%get3A_498] {strides = array<i32>} : memref<6192xf32, #tpu.memory_space<vmem>>, vector<16xf32>,
        %mul3A_500 = arith.mulf %get3A_398, %get3A_499 : vector<16xf32>
        %add3A_501 = arith.addf %mul3A_495, %mul3A_500 : vector<16xf32>
        %add3A_502 = arith.constant 2322 : i32
        %add3A_503 = arith.addi %add3A_502, %mul3A_149 : i32
        %get3A_504 = arith.index_cast %add3A_503 : i32 to index
        %get3A_505 = tpu.vector_load %arg15[%get3A_504] {strides = array<i32>} : memref<6192xf32, #tpu.memory_space<vmem>>, vector<16xf32>,
        %mul3A_506 = arith.mulf %get3A_402, %get3A_505 : vector<16xf32>
        %add3A_507 = arith.addf %add3A_501, %mul3A_506 : vector<16xf32>
        %add3A_508 = arith.constant 3354 : i32
        %add3A_509 = arith.addi %add3A_508, %mul3A_149 : i32
        %get3A_510 = arith.index_cast %add3A_509 : i32 to index
        %get3A_511 = tpu.vector_load %arg15[%get3A_510] {strides = array<i32>} : memref<6192xf32, #tpu.memory_space<vmem>>, vector<16xf32>,
        %mul3A_512 = arith.mulf %get3A_406, %get3A_511 : vector<16xf32>
        %add3A_513 = arith.addf %add3A_507, %mul3A_512 : vector<16xf32>
        %add3A_514 = arith.constant 4386 : i32
        %add3A_515 = arith.addi %add3A_514, %mul3A_149 : i32
        %get3A_516 = arith.index_cast %add3A_515 : i32 to index
        %get3A_517 = tpu.vector_load %arg15[%get3A_516] {strides = array<i32>} : memref<6192xf32, #tpu.memory_space<vmem>>, vector<16xf32>,
        %mul3A_518 = arith.mulf %get3A_410, %get3A_517 : vector<16xf32>
        %add3A_519 = arith.addf %add3A_513, %mul3A_518 : vector<16xf32>
        %add3A_520 = arith.constant 5418 : i32
        %add3A_521 = arith.addi %add3A_520, %mul3A_149 : i32
        %get3A_522 = arith.index_cast %add3A_521 : i32 to index
        %get3A_523 = tpu.vector_load %arg15[%get3A_522] {strides = array<i32>} : memref<6192xf32, #tpu.memory_space<vmem>>, vector<16xf32>,
        %mul3A_524 = arith.mulf %get3A_414, %get3A_523 : vector<16xf32>
        %add3A_525 = arith.addf %add3A_519, %mul3A_524 : vector<16xf32>
        %add3A_526 = arith.constant 20480 : i32
        %add3A_527 = vector.broadcast %add3A_526 : i32 to vector<16xi32>
        %add3A_528 = arith.addi %get3A_390, %add3A_527 : vector<16xi32>
        tpu.vector_store_idx %arg7[%add3A_528], %add3A_525 {add = true} : memref<81920xf32, #tpu.memory_space<vmem>>[vector<16xi32>], vector<16xf32>,
        %add3A_529 = arith.constant 387 : i32
        %add3A_530 = arith.addi %add3A_529, %mul3A_149 : i32
        %get3A_531 = arith.index_cast %add3A_530 : i32 to index
        %get3A_532 = tpu.vector_load %arg15[%get3A_531] {strides = array<i32>} : memref<6192xf32, #tpu.memory_space<vmem>>, vector<16xf32>,
        %mul3A_533 = arith.mulf %get3A_394, %get3A_532 : vector<16xf32>
        %add3A_534 = arith.constant 1419 : i32
        %add3A_535 = arith.addi %add3A_534, %mul3A_149 : i32
        %get3A_536 = arith.index_cast %add3A_535 : i32 to index
        %get3A_537 = tpu.vector_load %arg15[%get3A_536] {strides = array<i32>} : memref<6192xf32, #tpu.memory_space<vmem>>, vector<16xf32>,
        %mul3A_538 = arith.mulf %get3A_398, %get3A_537 : vector<16xf32>
        %add3A_539 = arith.addf %mul3A_533, %mul3A_538 : vector<16xf32>
        %add3A_540 = arith.constant 2451 : i32
        %add3A_541 = arith.addi %add3A_540, %mul3A_149 : i32
        %get3A_542 = arith.index_cast %add3A_541 : i32 to index
        %get3A_543 = tpu.vector_load %arg15[%get3A_542] {strides = array<i32>} : memref<6192xf32, #tpu.memory_space<vmem>>, vector<16xf32>,
        %mul3A_544 = arith.mulf %get3A_402, %get3A_543 : vector<16xf32>
        %add3A_545 = arith.addf %add3A_539, %mul3A_544 : vector<16xf32>
        %add3A_546 = arith.constant 3483 : i32
        %add3A_547 = arith.addi %add3A_546, %mul3A_149 : i32
        %get3A_548 = arith.index_cast %add3A_547 : i32 to index
        %get3A_549 = tpu.vector_load %arg15[%get3A_548] {strides = array<i32>} : memref<6192xf32, #tpu.memory_space<vmem>>, vector<16xf32>,
        %mul3A_550 = arith.mulf %get3A_406, %get3A_549 : vector<16xf32>
        %add3A_551 = arith.addf %add3A_545, %mul3A_550 : vector<16xf32>
        %add3A_552 = arith.constant 4515 : i32
        %add3A_553 = arith.addi %add3A_552, %mul3A_149 : i32
        %get3A_554 = arith.index_cast %add3A_553 : i32 to index
        %get3A_555 = tpu.vector_load %arg15[%get3A_554] {strides = array<i32>} : memref<6192xf32, #tpu.memory_space<vmem>>, vector<16xf32>,
        %mul3A_556 = arith.mulf %get3A_410, %get3A_555 : vector<16xf32>
        %add3A_557 = arith.addf %add3A_551, %mul3A_556 : vector<16xf32>
        %add3A_558 = arith.constant 5547 : i32
        %add3A_559 = arith.addi %add3A_558, %mul3A_149 : i32
        %get3A_560 = arith.index_cast %add3A_559 : i32 to index
        %get3A_561 = tpu.vector_load %arg15[%get3A_560] {strides = array<i32>} : memref<6192xf32, #tpu.memory_space<vmem>>, vector<16xf32>,
        %mul3A_562 = arith.mulf %get3A_414, %get3A_561 : vector<16xf32>
        %add3A_563 = arith.addf %add3A_557, %mul3A_562 : vector<16xf32>
        %add3A_564 = arith.constant 30720 : i32
        %add3A_565 = vector.broadcast %add3A_564 : i32 to vector<16xi32>
        %add3A_566 = arith.addi %get3A_390, %add3A_565 : vector<16xi32>
        tpu.vector_store_idx %arg7[%add3A_566], %add3A_563 {add = true} : memref<81920xf32, #tpu.memory_space<vmem>>[vector<16xi32>], vector<16xf32>,
        %add3A_567 = arith.constant 516 : i32
        %add3A_568 = arith.addi %add3A_567, %mul3A_149 : i32
        %get3A_569 = arith.index_cast %add3A_568 : i32 to index
        %get3A_570 = tpu.vector_load %arg15[%get3A_569] {strides = array<i32>} : memref<6192xf32, #tpu.memory_space<vmem>>, vector<16xf32>,
        %mul3A_571 = arith.mulf %get3A_394, %get3A_570 : vector<16xf32>
        %add3A_572 = arith.constant 1548 : i32
        %add3A_573 = arith.addi %add3A_572, %mul3A_149 : i32
        %get3A_574 = arith.index_cast %add3A_573 : i32 to index
        %get3A_575 = tpu.vector_load %arg15[%get3A_574] {strides = array<i32>} : memref<6192xf32, #tpu.memory_space<vmem>>, vector<16xf32>,
        %mul3A_576 = arith.mulf %get3A_398, %get3A_575 : vector<16xf32>
        %add3A_577 = arith.addf %mul3A_571, %mul3A_576 : vector<16xf32>
        %add3A_578 = arith.constant 2580 : i32
        %add3A_579 = arith.addi %add3A_578, %mul3A_149 : i32
        %get3A_580 = arith.index_cast %add3A_579 : i32 to index
        %get3A_581 = tpu.vector_load %arg15[%get3A_580] {strides = array<i32>} : memref<6192xf32, #tpu.memory_space<vmem>>, vector<16xf32>,
        %mul3A_582 = arith.mulf %get3A_402, %get3A_581 : vector<16xf32>
        %add3A_583 = arith.addf %add3A_577, %mul3A_582 : vector<16xf32>
        %add3A_584 = arith.constant 3612 : i32
        %add3A_585 = arith.addi %add3A_584, %mul3A_149 : i32
        %get3A_586 = arith.index_cast %add3A_585 : i32 to index
        %get3A_587 = tpu.vector_load %arg15[%get3A_586] {strides = array<i32>} : memref<6192xf32, #tpu.memory_space<vmem>>, vector<16xf32>,
        %mul3A_588 = arith.mulf %get3A_406, %get3A_587 : vector<16xf32>
        %add3A_589 = arith.addf %add3A_583, %mul3A_588 : vector<16xf32>
        %add3A_590 = arith.constant 4644 : i32
        %add3A_591 = arith.addi %add3A_590, %mul3A_149 : i32
        %get3A_592 = arith.index_cast %add3A_591 : i32 to index
        %get3A_593 = tpu.vector_load %arg15[%get3A_592] {strides = array<i32>} : memref<6192xf32, #tpu.memory_space<vmem>>, vector<16xf32>,
        %mul3A_594 = arith.mulf %get3A_410, %get3A_593 : vector<16xf32>
        %add3A_595 = arith.addf %add3A_589, %mul3A_594 : vector<16xf32>
        %add3A_596 = arith.constant 5676 : i32
        %add3A_597 = arith.addi %add3A_596, %mul3A_149 : i32
        %get3A_598 = arith.index_cast %add3A_597 : i32 to index
        %get3A_599 = tpu.vector_load %arg15[%get3A_598] {strides = array<i32>} : memref<6192xf32, #tpu.memory_space<vmem>>, vector<16xf32>,
        %mul3A_600 = arith.mulf %get3A_414, %get3A_599 : vector<16xf32>
        %add3A_601 = arith.addf %add3A_595, %mul3A_600 : vector<16xf32>
        %add3A_602 = arith.constant 40960 : i32
        %add3A_603 = vector.broadcast %add3A_602 : i32 to vector<16xi32>
        %add3A_604 = arith.addi %get3A_390, %add3A_603 : vector<16xi32>
        tpu.vector_store_idx %arg7[%add3A_604], %add3A_601 {add = true} : memref<81920xf32, #tpu.memory_space<vmem>>[vector<16xi32>], vector<16xf32>,
        %add3A_605 = arith.constant 645 : i32
        %add3A_606 = arith.addi %add3A_605, %mul3A_149 : i32
        %get3A_607 = arith.index_cast %add3A_606 : i32 to index
        %get3A_608 = tpu.vector_load %arg15[%get3A_607] {strides = array<i32>} : memref<6192xf32, #tpu.memory_space<vmem>>, vector<16xf32>,
        %mul3A_609 = arith.mulf %get3A_394, %get3A_608 : vector<16xf32>
        %add3A_610 = arith.constant 1677 : i32
        %add3A_611 = arith.addi %add3A_610, %mul3A_149 : i32
        %get3A_612 = arith.index_cast %add3A_611 : i32 to index
        %get3A_613 = tpu.vector_load %arg15[%get3A_612] {strides = array<i32>} : memref<6192xf32, #tpu.memory_space<vmem>>, vector<16xf32>,
        %mul3A_614 = arith.mulf %get3A_398, %get3A_613 : vector<16xf32>
        %add3A_615 = arith.addf %mul3A_609, %mul3A_614 : vector<16xf32>
        %add3A_616 = arith.constant 2709 : i32
        %add3A_617 = arith.addi %add3A_616, %mul3A_149 : i32
        %get3A_618 = arith.index_cast %add3A_617 : i32 to index
        %get3A_619 = tpu.vector_load %arg15[%get3A_618] {strides = array<i32>} : memref<6192xf32, #tpu.memory_space<vmem>>, vector<16xf32>,
        %mul3A_620 = arith.mulf %get3A_402, %get3A_619 : vector<16xf32>
        %add3A_621 = arith.addf %add3A_615, %mul3A_620 : vector<16xf32>
        %add3A_622 = arith.constant 3741 : i32
        %add3A_623 = arith.addi %add3A_622, %mul3A_149 : i32
        %get3A_624 = arith.index_cast %add3A_623 : i32 to index
        %get3A_625 = tpu.vector_load %arg15[%get3A_624] {strides = array<i32>} : memref<6192xf32, #tpu.memory_space<vmem>>, vector<16xf32>,
        %mul3A_626 = arith.mulf %get3A_406, %get3A_625 : vector<16xf32>
        %add3A_627 = arith.addf %add3A_621, %mul3A_626 : vector<16xf32>
        %add3A_628 = arith.constant 4773 : i32
        %add3A_629 = arith.addi %add3A_628, %mul3A_149 : i32
        %get3A_630 = arith.index_cast %add3A_629 : i32 to index
        %get3A_631 = tpu.vector_load %arg15[%get3A_630] {strides = array<i32>} : memref<6192xf32, #tpu.memory_space<vmem>>, vector<16xf32>,
        %mul3A_632 = arith.mulf %get3A_410, %get3A_631 : vector<16xf32>
        %add3A_633 = arith.addf %add3A_627, %mul3A_632 : vector<16xf32>
        %add3A_634 = arith.constant 5805 : i32
        %add3A_635 = arith.addi %add3A_634, %mul3A_149 : i32
        %get3A_636 = arith.index_cast %add3A_635 : i32 to index
        %get3A_637 = tpu.vector_load %arg15[%get3A_636] {strides = array<i32>} : memref<6192xf32, #tpu.memory_space<vmem>>, vector<16xf32>,
        %mul3A_638 = arith.mulf %get3A_414, %get3A_637 : vector<16xf32>
        %add3A_639 = arith.addf %add3A_633, %mul3A_638 : vector<16xf32>
        %add3A_640 = arith.constant 51200 : i32
        %add3A_641 = vector.broadcast %add3A_640 : i32 to vector<16xi32>
        %add3A_642 = arith.addi %get3A_390, %add3A_641 : vector<16xi32>
        tpu.vector_store_idx %arg7[%add3A_642], %add3A_639 {add = true} : memref<81920xf32, #tpu.memory_space<vmem>>[vector<16xi32>], vector<16xf32>,
        %add3A_643 = arith.constant 774 : i32
        %add3A_644 = arith.addi %add3A_643, %mul3A_149 : i32
        %get3A_645 = arith.index_cast %add3A_644 : i32 to index
        %get3A_646 = tpu.vector_load %arg15[%get3A_645] {strides = array<i32>} : memref<6192xf32, #tpu.memory_space<vmem>>, vector<16xf32>,
        %mul3A_647 = arith.mulf %get3A_394, %get3A_646 : vector<16xf32>
        %add3A_648 = arith.constant 1806 : i32
        %add3A_649 = arith.addi %add3A_648, %mul3A_149 : i32
        %get3A_650 = arith.index_cast %add3A_649 : i32 to index
        %get3A_651 = tpu.vector_load %arg15[%get3A_650] {strides = array<i32>} : memref<6192xf32, #tpu.memory_space<vmem>>, vector<16xf32>,
        %mul3A_652 = arith.mulf %get3A_398, %get3A_651 : vector<16xf32>
        %add3A_653 = arith.addf %mul3A_647, %mul3A_652 : vector<16xf32>
        %add3A_654 = arith.constant 2838 : i32
        %add3A_655 = arith.addi %add3A_654, %mul3A_149 : i32
        %get3A_656 = arith.index_cast %add3A_655 : i32 to index
        %get3A_657 = tpu.vector_load %arg15[%get3A_656] {strides = array<i32>} : memref<6192xf32, #tpu.memory_space<vmem>>, vector<16xf32>,
        %mul3A_658 = arith.mulf %get3A_402, %get3A_657 : vector<16xf32>
        %add3A_659 = arith.addf %add3A_653, %mul3A_658 : vector<16xf32>
        %add3A_660 = arith.constant 3870 : i32
        %add3A_661 = arith.addi %add3A_660, %mul3A_149 : i32
        %get3A_662 = arith.index_cast %add3A_661 : i32 to index
        %get3A_663 = tpu.vector_load %arg15[%get3A_662] {strides = array<i32>} : memref<6192xf32, #tpu.memory_space<vmem>>, vector<16xf32>,
        %mul3A_664 = arith.mulf %get3A_406, %get3A_663 : vector<16xf32>
        %add3A_665 = arith.addf %add3A_659, %mul3A_664 : vector<16xf32>
        %add3A_666 = arith.constant 4902 : i32
        %add3A_667 = arith.addi %add3A_666, %mul3A_149 : i32
        %get3A_668 = arith.index_cast %add3A_667 : i32 to index
        %get3A_669 = tpu.vector_load %arg15[%get3A_668] {strides = array<i32>} : memref<6192xf32, #tpu.memory_space<vmem>>, vector<16xf32>,
        %mul3A_670 = arith.mulf %get3A_410, %get3A_669 : vector<16xf32>
        %add3A_671 = arith.addf %add3A_665, %mul3A_670 : vector<16xf32>
        %add3A_672 = arith.constant 5934 : i32
        %add3A_673 = arith.addi %add3A_672, %mul3A_149 : i32
        %get3A_674 = arith.index_cast %add3A_673 : i32 to index
        %get3A_675 = tpu.vector_load %arg15[%get3A_674] {strides = array<i32>} : memref<6192xf32, #tpu.memory_space<vmem>>, vector<16xf32>,
        %mul3A_676 = arith.mulf %get3A_414, %get3A_675 : vector<16xf32>
        %add3A_677 = arith.addf %add3A_671, %mul3A_676 : vector<16xf32>
        %add3A_678 = arith.constant 61440 : i32
        %add3A_679 = vector.broadcast %add3A_678 : i32 to vector<16xi32>
        %add3A_680 = arith.addi %get3A_390, %add3A_679 : vector<16xi32>
        tpu.vector_store_idx %arg7[%add3A_680], %add3A_677 {add = true} : memref<81920xf32, #tpu.memory_space<vmem>>[vector<16xi32>], vector<16xf32>,
        %add3A_681 = arith.constant 903 : i32
        %add3A_682 = arith.addi %add3A_681, %mul3A_149 : i32
        %get3A_683 = arith.index_cast %add3A_682 : i32 to index
        %get3A_684 = tpu.vector_load %arg15[%get3A_683] {strides = array<i32>} : memref<6192xf32, #tpu.memory_space<vmem>>, vector<16xf32>,
        %mul3A_685 = arith.mulf %get3A_394, %get3A_684 : vector<16xf32>
        %add3A_686 = arith.constant 1935 : i32
        %add3A_687 = arith.addi %add3A_686, %mul3A_149 : i32
        %get3A_688 = arith.index_cast %add3A_687 : i32 to index
        %get3A_689 = tpu.vector_load %arg15[%get3A_688] {strides = array<i32>} : memref<6192xf32, #tpu.memory_space<vmem>>, vector<16xf32>,
        %mul3A_690 = arith.mulf %get3A_398, %get3A_689 : vector<16xf32>
        %add3A_691 = arith.addf %mul3A_685, %mul3A_690 : vector<16xf32>
        %add3A_692 = arith.constant 2967 : i32
        %add3A_693 = arith.addi %add3A_692, %mul3A_149 : i32
        %get3A_694 = arith.index_cast %add3A_693 : i32 to index
        %get3A_695 = tpu.vector_load %arg15[%get3A_694] {strides = array<i32>} : memref<6192xf32, #tpu.memory_space<vmem>>, vector<16xf32>,
        %mul3A_696 = arith.mulf %get3A_402, %get3A_695 : vector<16xf32>
        %add3A_697 = arith.addf %add3A_691, %mul3A_696 : vector<16xf32>
        %add3A_698 = arith.constant 3999 : i32
        %add3A_699 = arith.addi %add3A_698, %mul3A_149 : i32
        %get3A_700 = arith.index_cast %add3A_699 : i32 to index
        %get3A_701 = tpu.vector_load %arg15[%get3A_700] {strides = array<i32>} : memref<6192xf32, #tpu.memory_space<vmem>>, vector<16xf32>,
        %mul3A_702 = arith.mulf %get3A_406, %get3A_701 : vector<16xf32>
        %add3A_703 = arith.addf %add3A_697, %mul3A_702 : vector<16xf32>
        %add3A_704 = arith.constant 5031 : i32
        %add3A_705 = arith.addi %add3A_704, %mul3A_149 : i32
        %get3A_706 = arith.index_cast %add3A_705 : i32 to index
        %get3A_707 = tpu.vector_load %arg15[%get3A_706] {strides = array<i32>} : memref<6192xf32, #tpu.memory_space<vmem>>, vector<16xf32>,
        %mul3A_708 = arith.mulf %get3A_410, %get3A_707 : vector<16xf32>
        %add3A_709 = arith.addf %add3A_703, %mul3A_708 : vector<16xf32>
        %add3A_710 = arith.constant 6063 : i32
        %add3A_711 = arith.addi %add3A_710, %mul3A_149 : i32
        %get3A_712 = arith.index_cast %add3A_711 : i32 to index
        %get3A_713 = tpu.vector_load %arg15[%get3A_712] {strides = array<i32>} : memref<6192xf32, #tpu.memory_space<vmem>>, vector<16xf32>,
        %mul3A_714 = arith.mulf %get3A_414, %get3A_713 : vector<16xf32>
        %add3A_715 = arith.addf %add3A_709, %mul3A_714 : vector<16xf32>
        %add3A_716 = arith.constant 71680 : i32
        %add3A_717 = vector.broadcast %add3A_716 : i32 to vector<16xi32>
        %add3A_718 = arith.addi %get3A_390, %add3A_717 : vector<16xi32>
        tpu.vector_store_idx %arg7[%add3A_718], %add3A_715 {add = true} : memref<81920xf32, #tpu.memory_space<vmem>>[vector<16xi32>], vector<16xf32>,
        %scan3A_719 = arith.constant 0 : i32
        scf.yield %scan3A_719 : i32
      }
      %scan3A_109 = arith.constant 8 : i32
      %lt3A = arith.constant 19 : i32
      %lt3A_110 = arith.cmpi slt, %scan3A_81, %lt3A : i32
      %convert_element_type3A = arith.extui %lt3A_110 : i1 to i32
      %cond3A = arith.constant 0 : i32
      %cond3A_111 = arith.cmpi ne, %convert_element_type3A, %cond3A : i32
      scf.if %cond3A_111 {
        %add3A_146 = arith.constant 2 : i32
        %add3A_147 = arith.addi %mul3A_84, %add3A_146 : i32
        %mul3A_148 = arith.constant 40 : i32
        %mul3A_149 = arith.muli %add3A, %mul3A_148 : i32
        %add3A_150 = arith.addi %mul3A_149, %add3A_147 : i32
        %mul3A_151 = arith.constant 128 : i32
        %mul3A_152 = arith.muli %add3A_150, %mul3A_151 : i32
        %dma_start3A_153 = tpu.memref_slice %arg4[%mul3A_152] : memref<163840xi32, #tpu.memory_space<hbm>> -> memref<128xi32, #tpu.memory_space<hbm>>
        %dma_start3A_154 = tpu.memref_slice %arg4[%mul3A_152] : memref<163840xi32, #tpu.memory_space<hbm>> -> memref<128xi32, #tpu.memory_space<hbm>>
        tpu.enqueue_dma source(%dma_start3A_154 : memref<128xi32, #tpu.memory_space<hbm>>) target(%arg9 : memref<128xi32, #tpu.memory_space<vmem>>) target_semaphore(%arg18 : memref<!tpu.dma_semaphore, #tpu.memory_space<semaphore_mem>>)
        %mul3A_155 = arith.constant 6 : i32
        %mul3A_156 = arith.muli %add3A_150, %mul3A_155 : i32
        %mul3A_157 = arith.constant 128 : i32
        %mul3A_158 = arith.muli %mul3A_156, %mul3A_157 : i32
        %dma_start3A_159 = tpu.memref_slice %arg5[%mul3A_158] : memref<983040xf32, #tpu.memory_space<hbm>> -> memref<768xf32, #tpu.memory_space<hbm>>
        %dma_start3A_160 = tpu.memref_slice %arg5[%mul3A_158] : memref<983040xf32, #tpu.memory_space<hbm>> -> memref<768xf32, #tpu.memory_space<hbm>>
        tpu.enqueue_dma source(%dma_start3A_160 : memref<768xf32, #tpu.memory_space<hbm>>) target(%arg11 : memref<768xf32, #tpu.memory_space<vmem>>) target_semaphore(%arg18 : memref<!tpu.dma_semaphore, #tpu.memory_space<semaphore_mem>>)
        %mul3A_161 = arith.constant 128 : i32
        %mul3A_162 = arith.muli %add3A_147, %mul3A_161 : i32
        %dma_start3A_163 = tpu.memref_slice %arg8[%mul3A_162] : memref<5120xi32, #tpu.memory_space<vmem>> -> memref<128xi32, #tpu.memory_space<vmem>>
        %dma_start3A_164 = arith.constant 0 : i32
        %dma_start3A_165 = arith.constant 0 : i32
        %dma_start3A_166 = tpu.memref_slice %arg2[%dma_start3A_164, %dma_start3A_165] : memref<10240x48xf32, #tpu.memory_space<hbm>> -> memref<10240x48xf32, #tpu.memory_space<hbm>>
        tpu.enqueue_indirect_dma source(%dma_start3A_166 : memref<10240x48xf32, #tpu.memory_space<hbm>>) target(%arg13 : memref<128x48xf32, #tpu.memory_space<vmem>>) offsets(%dma_start3A_163 : memref<128xi32, #tpu.memory_space<vmem>>) semaphore(%arg16 : memref<!tpu.dma_semaphore, #tpu.memory_space<semaphore_mem>>)
      } else {
      }
      %add3A_112 = arith.constant 1 : i32
      %add3A_113 = arith.addi %mul3A_84, %add3A_112 : i32
      %mul3A_114 = arith.constant 40 : i32
      %mul3A_115 = arith.muli %add3A, %mul3A_114 : i32
      %add3A_116 = arith.addi %mul3A_115, %add3A_113 : i32
      %mul3A_117 = arith.constant 128 : i32
      %mul3A_118 = arith.muli %add3A_116, %mul3A_117 : i32
      %dma_wait3A_119 = tpu.memref_slice %arg4[%mul3A_118] : memref<163840xi32, #tpu.memory_space<hbm>> -> memref<128xi32, #tpu.memory_space<hbm>>
      %dma_wait3A_120 = tpu.memref_slice %arg4[%mul3A_118] : memref<163840xi32, #tpu.memory_space<hbm>> -> memref<128xi32, #tpu.memory_space<hbm>>
      tpu.wait_dma2 semaphore(%arg19 : memref<!tpu.dma_semaphore, #tpu.memory_space<semaphore_mem>>) src(%dma_wait3A_120 : memref<128xi32, #tpu.memory_space<hbm>>) dst(%arg10 : memref<128xi32, #tpu.memory_space<vmem>>)
      %mul3A_121 = arith.constant 6 : i32
      %mul3A_122 = arith.muli %add3A_116, %mul3A_121 : i32
      %mul3A_123 = arith.constant 128 : i32
      %mul3A_124 = arith.muli %mul3A_122, %mul3A_123 : i32
      %dma_wait3A_125 = tpu.memref_slice %arg5[%mul3A_124] : memref<983040xf32, #tpu.memory_space<hbm>> -> memref<768xf32, #tpu.memory_space<hbm>>
      %dma_wait3A_126 = tpu.memref_slice %arg5[%mul3A_124] : memref<983040xf32, #tpu.memory_space<hbm>> -> memref<768xf32, #tpu.memory_space<hbm>>
      tpu.wait_dma2 semaphore(%arg19 : memref<!tpu.dma_semaphore, #tpu.memory_space<semaphore_mem>>) src(%dma_wait3A_126 : memref<768xf32, #tpu.memory_space<hbm>>) dst(%arg12 : memref<768xf32, #tpu.memory_space<vmem>>)
      %mul3A_127 = arith.constant 128 : i32
      %mul3A_128 = arith.muli %add3A_113, %mul3A_127 : i32
      %dma_wait3A_129 = tpu.memref_slice %arg8[%mul3A_128] : memref<5120xi32, #tpu.memory_space<vmem>> -> memref<128xi32, #tpu.memory_space<vmem>>
      %dma_wait3A_130 = arith.constant 0 : i32
      %dma_wait3A_131 = arith.constant 0 : i32
      %dma_wait3A_132 = tpu.memref_slice %arg2[%dma_wait3A_130, %dma_wait3A_131] : memref<10240x48xf32, #tpu.memory_space<hbm>> -> memref<10240x48xf32, #tpu.memory_space<hbm>>
      tpu.wait_indirect_dma semaphore(%arg17 : memref<!tpu.dma_semaphore, #tpu.memory_space<semaphore_mem>>) src(%dma_wait3A_132 : memref<10240x48xf32, #tpu.memory_space<hbm>>) dst(%arg14 : memref<128x48xf32, #tpu.memory_space<vmem>>)
      %scan3A_133 = arith.constant 0 : i32
      %scan3A_134 = arith.constant 0 : i32
      %scan3A_135 = arith.constant 8 : i32
      %scan3A_136 = arith.addi %scan3A_134, %scan3A_135 : i32
      %scan3A_137 = arith.constant 1 : i32
      %scan3A_138 = scf.for %scan3A_146 = %scan3A_134 to %scan3A_136 step %scan3A_137 iter_args(%scan3A_147 = %scan3A_133) -> (i32)  : i32 {
        %mul3A_148 = arith.constant 16 : i32
        %mul3A_149 = arith.muli %scan3A_146, %mul3A_148 : i32
        %add3A_150 = arith.constant 0 : i32
        %add3A_151 = arith.addi %mul3A_149, %add3A_150 : i32
        %broadcast_in_dim3A_152 = vector.broadcast %add3A_151 : i32 to vector<16xi32>
        %add3A_153 = arith.addi %mul3A_8, %broadcast_in_dim3A_152 : vector<16xi32>
        %get3A = arith.index_cast %add3A_151 : i32 to index
        %get3A_154 = arith.constant 0 : index
        %get3A_155 = tpu.vector_load %arg14[%get3A, %get3A_154] {strides = array<i32>} : memref<128x48xf32, #tpu.memory_space<vmem>>, vector<16xf32>,
        tpu.vector_store_idx %arg15[%add3A_153], %get3A_155 : memref<6192xf32, #tpu.memory_space<vmem>>[vector<16xi32>], vector<16xf32>,
        %add3A_156 = arith.addi %mul3A_15, %broadcast_in_dim3A_152 : vector<16xi32>
        %get3A_157 = arith.index_cast %add3A_151 : i32 to index
        %get3A_158 = arith.constant 16 : index
        %get3A_159 = tpu.vector_load %arg14[%get3A_157, %get3A_158] {strides = array<i32>} : memref<128x48xf32, #tpu.memory_space<vmem>>, vector<16xf32>,
        tpu.vector_store_idx %arg15[%add3A_156], %get3A_159 : memref<6192xf32, #tpu.memory_space<vmem>>[vector<16xi32>], vector<16xf32>,
        %add3A_160 = arith.addi %mul3A_22, %broadcast_in_dim3A_152 : vector<16xi32>
        %get3A_161 = arith.index_cast %add3A_151 : i32 to index
        %get3A_162 = arith.constant 32 : index
        %get3A_163 = tpu.vector_load %arg14[%get3A_161, %get3A_162] {strides = array<i32>} : memref<128x48xf32, #tpu.memory_space<vmem>>, vector<16xf32>,
        tpu.vector_store_idx %arg15[%add3A_160], %get3A_163 : memref<6192xf32, #tpu.memory_space<vmem>>[vector<16xi32>], vector<16xf32>,
        %add3A_164 = arith.constant 1 : i32
        %add3A_165 = arith.addi %mul3A_149, %add3A_164 : i32
        %broadcast_in_dim3A_166 = vector.broadcast %add3A_165 : i32 to vector<16xi32>
        %add3A_167 = arith.addi %mul3A_8, %broadcast_in_dim3A_166 : vector<16xi32>
        %get3A_168 = arith.index_cast %add3A_165 : i32 to index
        %get3A_169 = arith.constant 0 : index
        %get3A_170 = tpu.vector_load %arg14[%get3A_168, %get3A_169] {strides = array<i32>} : memref<128x48xf32, #tpu.memory_space<vmem>>, vector<16xf32>,
        tpu.vector_store_idx %arg15[%add3A_167], %get3A_170 : memref<6192xf32, #tpu.memory_space<vmem>>[vector<16xi32>], vector<16xf32>,
        %add3A_171 = arith.addi %mul3A_15, %broadcast_in_dim3A_166 : vector<16xi32>
        %get3A_172 = arith.index_cast %add3A_165 : i32 to index
        %get3A_173 = arith.constant 16 : index
        %get3A_174 = tpu.vector_load %arg14[%get3A_172, %get3A_173] {strides = array<i32>} : memref<128x48xf32, #tpu.memory_space<vmem>>, vector<16xf32>,
        tpu.vector_store_idx %arg15[%add3A_171], %get3A_174 : memref<6192xf32, #tpu.memory_space<vmem>>[vector<16xi32>], vector<16xf32>,
        %add3A_175 = arith.addi %mul3A_22, %broadcast_in_dim3A_166 : vector<16xi32>
        %get3A_176 = arith.index_cast %add3A_165 : i32 to index
        %get3A_177 = arith.constant 32 : index
        %get3A_178 = tpu.vector_load %arg14[%get3A_176, %get3A_177] {strides = array<i32>} : memref<128x48xf32, #tpu.memory_space<vmem>>, vector<16xf32>,
        tpu.vector_store_idx %arg15[%add3A_175], %get3A_178 : memref<6192xf32, #tpu.memory_space<vmem>>[vector<16xi32>], vector<16xf32>,
        %add3A_179 = arith.constant 2 : i32
        %add3A_180 = arith.addi %mul3A_149, %add3A_179 : i32
        %broadcast_in_dim3A_181 = vector.broadcast %add3A_180 : i32 to vector<16xi32>
        %add3A_182 = arith.addi %mul3A_8, %broadcast_in_dim3A_181 : vector<16xi32>
        %get3A_183 = arith.index_cast %add3A_180 : i32 to index
        %get3A_184 = arith.constant 0 : index
        %get3A_185 = tpu.vector_load %arg14[%get3A_183, %get3A_184] {strides = array<i32>} : memref<128x48xf32, #tpu.memory_space<vmem>>, vector<16xf32>,
        tpu.vector_store_idx %arg15[%add3A_182], %get3A_185 : memref<6192xf32, #tpu.memory_space<vmem>>[vector<16xi32>], vector<16xf32>,
        %add3A_186 = arith.addi %mul3A_15, %broadcast_in_dim3A_181 : vector<16xi32>
        %get3A_187 = arith.index_cast %add3A_180 : i32 to index
        %get3A_188 = arith.constant 16 : index
        %get3A_189 = tpu.vector_load %arg14[%get3A_187, %get3A_188] {strides = array<i32>} : memref<128x48xf32, #tpu.memory_space<vmem>>, vector<16xf32>,
        tpu.vector_store_idx %arg15[%add3A_186], %get3A_189 : memref<6192xf32, #tpu.memory_space<vmem>>[vector<16xi32>], vector<16xf32>,
        %add3A_190 = arith.addi %mul3A_22, %broadcast_in_dim3A_181 : vector<16xi32>
        %get3A_191 = arith.index_cast %add3A_180 : i32 to index
        %get3A_192 = arith.constant 32 : index
        %get3A_193 = tpu.vector_load %arg14[%get3A_191, %get3A_192] {strides = array<i32>} : memref<128x48xf32, #tpu.memory_space<vmem>>, vector<16xf32>,
        tpu.vector_store_idx %arg15[%add3A_190], %get3A_193 : memref<6192xf32, #tpu.memory_space<vmem>>[vector<16xi32>], vector<16xf32>,
        %add3A_194 = arith.constant 3 : i32
        %add3A_195 = arith.addi %mul3A_149, %add3A_194 : i32
        %broadcast_in_dim3A_196 = vector.broadcast %add3A_195 : i32 to vector<16xi32>
        %add3A_197 = arith.addi %mul3A_8, %broadcast_in_dim3A_196 : vector<16xi32>
        %get3A_198 = arith.index_cast %add3A_195 : i32 to index
        %get3A_199 = arith.constant 0 : index
        %get3A_200 = tpu.vector_load %arg14[%get3A_198, %get3A_199] {strides = array<i32>} : memref<128x48xf32, #tpu.memory_space<vmem>>, vector<16xf32>,
        tpu.vector_store_idx %arg15[%add3A_197], %get3A_200 : memref<6192xf32, #tpu.memory_space<vmem>>[vector<16xi32>], vector<16xf32>,
        %add3A_201 = arith.addi %mul3A_15, %broadcast_in_dim3A_196 : vector<16xi32>
        %get3A_202 = arith.index_cast %add3A_195 : i32 to index
        %get3A_203 = arith.constant 16 : index
        %get3A_204 = tpu.vector_load %arg14[%get3A_202, %get3A_203] {strides = array<i32>} : memref<128x48xf32, #tpu.memory_space<vmem>>, vector<16xf32>,
        tpu.vector_store_idx %arg15[%add3A_201], %get3A_204 : memref<6192xf32, #tpu.memory_space<vmem>>[vector<16xi32>], vector<16xf32>,
        %add3A_205 = arith.addi %mul3A_22, %broadcast_in_dim3A_196 : vector<16xi32>
        %get3A_206 = arith.index_cast %add3A_195 : i32 to index
        %get3A_207 = arith.constant 32 : index
        %get3A_208 = tpu.vector_load %arg14[%get3A_206, %get3A_207] {strides = array<i32>} : memref<128x48xf32, #tpu.memory_space<vmem>>, vector<16xf32>,
        tpu.vector_store_idx %arg15[%add3A_205], %get3A_208 : memref<6192xf32, #tpu.memory_space<vmem>>[vector<16xi32>], vector<16xf32>,
        %add3A_209 = arith.constant 4 : i32
        %add3A_210 = arith.addi %mul3A_149, %add3A_209 : i32
        %broadcast_in_dim3A_211 = vector.broadcast %add3A_210 : i32 to vector<16xi32>
        %add3A_212 = arith.addi %mul3A_8, %broadcast_in_dim3A_211 : vector<16xi32>
        %get3A_213 = arith.index_cast %add3A_210 : i32 to index
        %get3A_214 = arith.constant 0 : index
        %get3A_215 = tpu.vector_load %arg14[%get3A_213, %get3A_214] {strides = array<i32>} : memref<128x48xf32, #tpu.memory_space<vmem>>, vector<16xf32>,
        tpu.vector_store_idx %arg15[%add3A_212], %get3A_215 : memref<6192xf32, #tpu.memory_space<vmem>>[vector<16xi32>], vector<16xf32>,
        %add3A_216 = arith.addi %mul3A_15, %broadcast_in_dim3A_211 : vector<16xi32>
        %get3A_217 = arith.index_cast %add3A_210 : i32 to index
        %get3A_218 = arith.constant 16 : index
        %get3A_219 = tpu.vector_load %arg14[%get3A_217, %get3A_218] {strides = array<i32>} : memref<128x48xf32, #tpu.memory_space<vmem>>, vector<16xf32>,
        tpu.vector_store_idx %arg15[%add3A_216], %get3A_219 : memref<6192xf32, #tpu.memory_space<vmem>>[vector<16xi32>], vector<16xf32>,
        %add3A_220 = arith.addi %mul3A_22, %broadcast_in_dim3A_211 : vector<16xi32>
        %get3A_221 = arith.index_cast %add3A_210 : i32 to index
        %get3A_222 = arith.constant 32 : index
        %get3A_223 = tpu.vector_load %arg14[%get3A_221, %get3A_222] {strides = array<i32>} : memref<128x48xf32, #tpu.memory_space<vmem>>, vector<16xf32>,
        tpu.vector_store_idx %arg15[%add3A_220], %get3A_223 : memref<6192xf32, #tpu.memory_space<vmem>>[vector<16xi32>], vector<16xf32>,
        %add3A_224 = arith.constant 5 : i32
        %add3A_225 = arith.addi %mul3A_149, %add3A_224 : i32
        %broadcast_in_dim3A_226 = vector.broadcast %add3A_225 : i32 to vector<16xi32>
        %add3A_227 = arith.addi %mul3A_8, %broadcast_in_dim3A_226 : vector<16xi32>
        %get3A_228 = arith.index_cast %add3A_225 : i32 to index
        %get3A_229 = arith.constant 0 : index
        %get3A_230 = tpu.vector_load %arg14[%get3A_228, %get3A_229] {strides = array<i32>} : memref<128x48xf32, #tpu.memory_space<vmem>>, vector<16xf32>,
        tpu.vector_store_idx %arg15[%add3A_227], %get3A_230 : memref<6192xf32, #tpu.memory_space<vmem>>[vector<16xi32>], vector<16xf32>,
        %add3A_231 = arith.addi %mul3A_15, %broadcast_in_dim3A_226 : vector<16xi32>
        %get3A_232 = arith.index_cast %add3A_225 : i32 to index
        %get3A_233 = arith.constant 16 : index
        %get3A_234 = tpu.vector_load %arg14[%get3A_232, %get3A_233] {strides = array<i32>} : memref<128x48xf32, #tpu.memory_space<vmem>>, vector<16xf32>,
        tpu.vector_store_idx %arg15[%add3A_231], %get3A_234 : memref<6192xf32, #tpu.memory_space<vmem>>[vector<16xi32>], vector<16xf32>,
        %add3A_235 = arith.addi %mul3A_22, %broadcast_in_dim3A_226 : vector<16xi32>
        %get3A_236 = arith.index_cast %add3A_225 : i32 to index
        %get3A_237 = arith.constant 32 : index
        %get3A_238 = tpu.vector_load %arg14[%get3A_236, %get3A_237] {strides = array<i32>} : memref<128x48xf32, #tpu.memory_space<vmem>>, vector<16xf32>,
        tpu.vector_store_idx %arg15[%add3A_235], %get3A_238 : memref<6192xf32, #tpu.memory_space<vmem>>[vector<16xi32>], vector<16xf32>,
        %add3A_239 = arith.constant 6 : i32
        %add3A_240 = arith.addi %mul3A_149, %add3A_239 : i32
        %broadcast_in_dim3A_241 = vector.broadcast %add3A_240 : i32 to vector<16xi32>
        %add3A_242 = arith.addi %mul3A_8, %broadcast_in_dim3A_241 : vector<16xi32>
        %get3A_243 = arith.index_cast %add3A_240 : i32 to index
        %get3A_244 = arith.constant 0 : index
        %get3A_245 = tpu.vector_load %arg14[%get3A_243, %get3A_244] {strides = array<i32>} : memref<128x48xf32, #tpu.memory_space<vmem>>, vector<16xf32>,
        tpu.vector_store_idx %arg15[%add3A_242], %get3A_245 : memref<6192xf32, #tpu.memory_space<vmem>>[vector<16xi32>], vector<16xf32>,
        %add3A_246 = arith.addi %mul3A_15, %broadcast_in_dim3A_241 : vector<16xi32>
        %get3A_247 = arith.index_cast %add3A_240 : i32 to index
        %get3A_248 = arith.constant 16 : index
        %get3A_249 = tpu.vector_load %arg14[%get3A_247, %get3A_248] {strides = array<i32>} : memref<128x48xf32, #tpu.memory_space<vmem>>, vector<16xf32>,
        tpu.vector_store_idx %arg15[%add3A_246], %get3A_249 : memref<6192xf32, #tpu.memory_space<vmem>>[vector<16xi32>], vector<16xf32>,
        %add3A_250 = arith.addi %mul3A_22, %broadcast_in_dim3A_241 : vector<16xi32>
        %get3A_251 = arith.index_cast %add3A_240 : i32 to index
        %get3A_252 = arith.constant 32 : index
        %get3A_253 = tpu.vector_load %arg14[%get3A_251, %get3A_252] {strides = array<i32>} : memref<128x48xf32, #tpu.memory_space<vmem>>, vector<16xf32>,
        tpu.vector_store_idx %arg15[%add3A_250], %get3A_253 : memref<6192xf32, #tpu.memory_space<vmem>>[vector<16xi32>], vector<16xf32>,
        %add3A_254 = arith.constant 7 : i32
        %add3A_255 = arith.addi %mul3A_149, %add3A_254 : i32
        %broadcast_in_dim3A_256 = vector.broadcast %add3A_255 : i32 to vector<16xi32>
        %add3A_257 = arith.addi %mul3A_8, %broadcast_in_dim3A_256 : vector<16xi32>
        %get3A_258 = arith.index_cast %add3A_255 : i32 to index
        %get3A_259 = arith.constant 0 : index
        %get3A_260 = tpu.vector_load %arg14[%get3A_258, %get3A_259] {strides = array<i32>} : memref<128x48xf32, #tpu.memory_space<vmem>>, vector<16xf32>,
        tpu.vector_store_idx %arg15[%add3A_257], %get3A_260 : memref<6192xf32, #tpu.memory_space<vmem>>[vector<16xi32>], vector<16xf32>,
        %add3A_261 = arith.addi %mul3A_15, %broadcast_in_dim3A_256 : vector<16xi32>
        %get3A_262 = arith.index_cast %add3A_255 : i32 to index
        %get3A_263 = arith.constant 16 : index
        %get3A_264 = tpu.vector_load %arg14[%get3A_262, %get3A_263] {strides = array<i32>} : memref<128x48xf32, #tpu.memory_space<vmem>>, vector<16xf32>,
        tpu.vector_store_idx %arg15[%add3A_261], %get3A_264 : memref<6192xf32, #tpu.memory_space<vmem>>[vector<16xi32>], vector<16xf32>,
        %add3A_265 = arith.addi %mul3A_22, %broadcast_in_dim3A_256 : vector<16xi32>
        %get3A_266 = arith.index_cast %add3A_255 : i32 to index
        %get3A_267 = arith.constant 32 : index
        %get3A_268 = tpu.vector_load %arg14[%get3A_266, %get3A_267] {strides = array<i32>} : memref<128x48xf32, #tpu.memory_space<vmem>>, vector<16xf32>,
        tpu.vector_store_idx %arg15[%add3A_265], %get3A_268 : memref<6192xf32, #tpu.memory_space<vmem>>[vector<16xi32>], vector<16xf32>,
        %add3A_269 = arith.constant 8 : i32
        %add3A_270 = arith.addi %mul3A_149, %add3A_269 : i32
        %broadcast_in_dim3A_271 = vector.broadcast %add3A_270 : i32 to vector<16xi32>
        %add3A_272 = arith.addi %mul3A_8, %broadcast_in_dim3A_271 : vector<16xi32>
        %get3A_273 = arith.index_cast %add3A_270 : i32 to index
        %get3A_274 = arith.constant 0 : index
        %get3A_275 = tpu.vector_load %arg14[%get3A_273, %get3A_274] {strides = array<i32>} : memref<128x48xf32, #tpu.memory_space<vmem>>, vector<16xf32>,
        tpu.vector_store_idx %arg15[%add3A_272], %get3A_275 : memref<6192xf32, #tpu.memory_space<vmem>>[vector<16xi32>], vector<16xf32>,
        %add3A_276 = arith.addi %mul3A_15, %broadcast_in_dim3A_271 : vector<16xi32>
        %get3A_277 = arith.index_cast %add3A_270 : i32 to index
        %get3A_278 = arith.constant 16 : index
        %get3A_279 = tpu.vector_load %arg14[%get3A_277, %get3A_278] {strides = array<i32>} : memref<128x48xf32, #tpu.memory_space<vmem>>, vector<16xf32>,
        tpu.vector_store_idx %arg15[%add3A_276], %get3A_279 : memref<6192xf32, #tpu.memory_space<vmem>>[vector<16xi32>], vector<16xf32>,
        %add3A_280 = arith.addi %mul3A_22, %broadcast_in_dim3A_271 : vector<16xi32>
        %get3A_281 = arith.index_cast %add3A_270 : i32 to index
        %get3A_282 = arith.constant 32 : index
        %get3A_283 = tpu.vector_load %arg14[%get3A_281, %get3A_282] {strides = array<i32>} : memref<128x48xf32, #tpu.memory_space<vmem>>, vector<16xf32>,
        tpu.vector_store_idx %arg15[%add3A_280], %get3A_283 : memref<6192xf32, #tpu.memory_space<vmem>>[vector<16xi32>], vector<16xf32>,
        %add3A_284 = arith.constant 9 : i32
        %add3A_285 = arith.addi %mul3A_149, %add3A_284 : i32
        %broadcast_in_dim3A_286 = vector.broadcast %add3A_285 : i32 to vector<16xi32>
        %add3A_287 = arith.addi %mul3A_8, %broadcast_in_dim3A_286 : vector<16xi32>
        %get3A_288 = arith.index_cast %add3A_285 : i32 to index
        %get3A_289 = arith.constant 0 : index
        %get3A_290 = tpu.vector_load %arg14[%get3A_288, %get3A_289] {strides = array<i32>} : memref<128x48xf32, #tpu.memory_space<vmem>>, vector<16xf32>,
        tpu.vector_store_idx %arg15[%add3A_287], %get3A_290 : memref<6192xf32, #tpu.memory_space<vmem>>[vector<16xi32>], vector<16xf32>,
        %add3A_291 = arith.addi %mul3A_15, %broadcast_in_dim3A_286 : vector<16xi32>
        %get3A_292 = arith.index_cast %add3A_285 : i32 to index
        %get3A_293 = arith.constant 16 : index
        %get3A_294 = tpu.vector_load %arg14[%get3A_292, %get3A_293] {strides = array<i32>} : memref<128x48xf32, #tpu.memory_space<vmem>>, vector<16xf32>,
        tpu.vector_store_idx %arg15[%add3A_291], %get3A_294 : memref<6192xf32, #tpu.memory_space<vmem>>[vector<16xi32>], vector<16xf32>,
        %add3A_295 = arith.addi %mul3A_22, %broadcast_in_dim3A_286 : vector<16xi32>
        %get3A_296 = arith.index_cast %add3A_285 : i32 to index
        %get3A_297 = arith.constant 32 : index
        %get3A_298 = tpu.vector_load %arg14[%get3A_296, %get3A_297] {strides = array<i32>} : memref<128x48xf32, #tpu.memory_space<vmem>>, vector<16xf32>,
        tpu.vector_store_idx %arg15[%add3A_295], %get3A_298 : memref<6192xf32, #tpu.memory_space<vmem>>[vector<16xi32>], vector<16xf32>,
        %add3A_299 = arith.constant 10 : i32
        %add3A_300 = arith.addi %mul3A_149, %add3A_299 : i32
        %broadcast_in_dim3A_301 = vector.broadcast %add3A_300 : i32 to vector<16xi32>
        %add3A_302 = arith.addi %mul3A_8, %broadcast_in_dim3A_301 : vector<16xi32>
        %get3A_303 = arith.index_cast %add3A_300 : i32 to index
        %get3A_304 = arith.constant 0 : index
        %get3A_305 = tpu.vector_load %arg14[%get3A_303, %get3A_304] {strides = array<i32>} : memref<128x48xf32, #tpu.memory_space<vmem>>, vector<16xf32>,
        tpu.vector_store_idx %arg15[%add3A_302], %get3A_305 : memref<6192xf32, #tpu.memory_space<vmem>>[vector<16xi32>], vector<16xf32>,
        %add3A_306 = arith.addi %mul3A_15, %broadcast_in_dim3A_301 : vector<16xi32>
        %get3A_307 = arith.index_cast %add3A_300 : i32 to index
        %get3A_308 = arith.constant 16 : index
        %get3A_309 = tpu.vector_load %arg14[%get3A_307, %get3A_308] {strides = array<i32>} : memref<128x48xf32, #tpu.memory_space<vmem>>, vector<16xf32>,
        tpu.vector_store_idx %arg15[%add3A_306], %get3A_309 : memref<6192xf32, #tpu.memory_space<vmem>>[vector<16xi32>], vector<16xf32>,
        %add3A_310 = arith.addi %mul3A_22, %broadcast_in_dim3A_301 : vector<16xi32>
        %get3A_311 = arith.index_cast %add3A_300 : i32 to index
        %get3A_312 = arith.constant 32 : index
        %get3A_313 = tpu.vector_load %arg14[%get3A_311, %get3A_312] {strides = array<i32>} : memref<128x48xf32, #tpu.memory_space<vmem>>, vector<16xf32>,
        tpu.vector_store_idx %arg15[%add3A_310], %get3A_313 : memref<6192xf32, #tpu.memory_space<vmem>>[vector<16xi32>], vector<16xf32>,
        %add3A_314 = arith.constant 11 : i32
        %add3A_315 = arith.addi %mul3A_149, %add3A_314 : i32
        %broadcast_in_dim3A_316 = vector.broadcast %add3A_315 : i32 to vector<16xi32>
        %add3A_317 = arith.addi %mul3A_8, %broadcast_in_dim3A_316 : vector<16xi32>
        %get3A_318 = arith.index_cast %add3A_315 : i32 to index
        %get3A_319 = arith.constant 0 : index
        %get3A_320 = tpu.vector_load %arg14[%get3A_318, %get3A_319] {strides = array<i32>} : memref<128x48xf32, #tpu.memory_space<vmem>>, vector<16xf32>,
        tpu.vector_store_idx %arg15[%add3A_317], %get3A_320 : memref<6192xf32, #tpu.memory_space<vmem>>[vector<16xi32>], vector<16xf32>,
        %add3A_321 = arith.addi %mul3A_15, %broadcast_in_dim3A_316 : vector<16xi32>
        %get3A_322 = arith.index_cast %add3A_315 : i32 to index
        %get3A_323 = arith.constant 16 : index
        %get3A_324 = tpu.vector_load %arg14[%get3A_322, %get3A_323] {strides = array<i32>} : memref<128x48xf32, #tpu.memory_space<vmem>>, vector<16xf32>,
        tpu.vector_store_idx %arg15[%add3A_321], %get3A_324 : memref<6192xf32, #tpu.memory_space<vmem>>[vector<16xi32>], vector<16xf32>,
        %add3A_325 = arith.addi %mul3A_22, %broadcast_in_dim3A_316 : vector<16xi32>
        %get3A_326 = arith.index_cast %add3A_315 : i32 to index
        %get3A_327 = arith.constant 32 : index
        %get3A_328 = tpu.vector_load %arg14[%get3A_326, %get3A_327] {strides = array<i32>} : memref<128x48xf32, #tpu.memory_space<vmem>>, vector<16xf32>,
        tpu.vector_store_idx %arg15[%add3A_325], %get3A_328 : memref<6192xf32, #tpu.memory_space<vmem>>[vector<16xi32>], vector<16xf32>,
        %add3A_329 = arith.constant 12 : i32
        %add3A_330 = arith.addi %mul3A_149, %add3A_329 : i32
        %broadcast_in_dim3A_331 = vector.broadcast %add3A_330 : i32 to vector<16xi32>
        %add3A_332 = arith.addi %mul3A_8, %broadcast_in_dim3A_331 : vector<16xi32>
        %get3A_333 = arith.index_cast %add3A_330 : i32 to index
        %get3A_334 = arith.constant 0 : index
        %get3A_335 = tpu.vector_load %arg14[%get3A_333, %get3A_334] {strides = array<i32>} : memref<128x48xf32, #tpu.memory_space<vmem>>, vector<16xf32>,
        tpu.vector_store_idx %arg15[%add3A_332], %get3A_335 : memref<6192xf32, #tpu.memory_space<vmem>>[vector<16xi32>], vector<16xf32>,
        %add3A_336 = arith.addi %mul3A_15, %broadcast_in_dim3A_331 : vector<16xi32>
        %get3A_337 = arith.index_cast %add3A_330 : i32 to index
        %get3A_338 = arith.constant 16 : index
        %get3A_339 = tpu.vector_load %arg14[%get3A_337, %get3A_338] {strides = array<i32>} : memref<128x48xf32, #tpu.memory_space<vmem>>, vector<16xf32>,
        tpu.vector_store_idx %arg15[%add3A_336], %get3A_339 : memref<6192xf32, #tpu.memory_space<vmem>>[vector<16xi32>], vector<16xf32>,
        %add3A_340 = arith.addi %mul3A_22, %broadcast_in_dim3A_331 : vector<16xi32>
        %get3A_341 = arith.index_cast %add3A_330 : i32 to index
        %get3A_342 = arith.constant 32 : index
        %get3A_343 = tpu.vector_load %arg14[%get3A_341, %get3A_342] {strides = array<i32>} : memref<128x48xf32, #tpu.memory_space<vmem>>, vector<16xf32>,
        tpu.vector_store_idx %arg15[%add3A_340], %get3A_343 : memref<6192xf32, #tpu.memory_space<vmem>>[vector<16xi32>], vector<16xf32>,
        %add3A_344 = arith.constant 13 : i32
        %add3A_345 = arith.addi %mul3A_149, %add3A_344 : i32
        %broadcast_in_dim3A_346 = vector.broadcast %add3A_345 : i32 to vector<16xi32>
        %add3A_347 = arith.addi %mul3A_8, %broadcast_in_dim3A_346 : vector<16xi32>
        %get3A_348 = arith.index_cast %add3A_345 : i32 to index
        %get3A_349 = arith.constant 0 : index
        %get3A_350 = tpu.vector_load %arg14[%get3A_348, %get3A_349] {strides = array<i32>} : memref<128x48xf32, #tpu.memory_space<vmem>>, vector<16xf32>,
        tpu.vector_store_idx %arg15[%add3A_347], %get3A_350 : memref<6192xf32, #tpu.memory_space<vmem>>[vector<16xi32>], vector<16xf32>,
        %add3A_351 = arith.addi %mul3A_15, %broadcast_in_dim3A_346 : vector<16xi32>
        %get3A_352 = arith.index_cast %add3A_345 : i32 to index
        %get3A_353 = arith.constant 16 : index
        %get3A_354 = tpu.vector_load %arg14[%get3A_352, %get3A_353] {strides = array<i32>} : memref<128x48xf32, #tpu.memory_space<vmem>>, vector<16xf32>,
        tpu.vector_store_idx %arg15[%add3A_351], %get3A_354 : memref<6192xf32, #tpu.memory_space<vmem>>[vector<16xi32>], vector<16xf32>,
        %add3A_355 = arith.addi %mul3A_22, %broadcast_in_dim3A_346 : vector<16xi32>
        %get3A_356 = arith.index_cast %add3A_345 : i32 to index
        %get3A_357 = arith.constant 32 : index
        %get3A_358 = tpu.vector_load %arg14[%get3A_356, %get3A_357] {strides = array<i32>} : memref<128x48xf32, #tpu.memory_space<vmem>>, vector<16xf32>,
        tpu.vector_store_idx %arg15[%add3A_355], %get3A_358 : memref<6192xf32, #tpu.memory_space<vmem>>[vector<16xi32>], vector<16xf32>,
        %add3A_359 = arith.constant 14 : i32
        %add3A_360 = arith.addi %mul3A_149, %add3A_359 : i32
        %broadcast_in_dim3A_361 = vector.broadcast %add3A_360 : i32 to vector<16xi32>
        %add3A_362 = arith.addi %mul3A_8, %broadcast_in_dim3A_361 : vector<16xi32>
        %get3A_363 = arith.index_cast %add3A_360 : i32 to index
        %get3A_364 = arith.constant 0 : index
        %get3A_365 = tpu.vector_load %arg14[%get3A_363, %get3A_364] {strides = array<i32>} : memref<128x48xf32, #tpu.memory_space<vmem>>, vector<16xf32>,
        tpu.vector_store_idx %arg15[%add3A_362], %get3A_365 : memref<6192xf32, #tpu.memory_space<vmem>>[vector<16xi32>], vector<16xf32>,
        %add3A_366 = arith.addi %mul3A_15, %broadcast_in_dim3A_361 : vector<16xi32>
        %get3A_367 = arith.index_cast %add3A_360 : i32 to index
        %get3A_368 = arith.constant 16 : index
        %get3A_369 = tpu.vector_load %arg14[%get3A_367, %get3A_368] {strides = array<i32>} : memref<128x48xf32, #tpu.memory_space<vmem>>, vector<16xf32>,
        tpu.vector_store_idx %arg15[%add3A_366], %get3A_369 : memref<6192xf32, #tpu.memory_space<vmem>>[vector<16xi32>], vector<16xf32>,
        %add3A_370 = arith.addi %mul3A_22, %broadcast_in_dim3A_361 : vector<16xi32>
        %get3A_371 = arith.index_cast %add3A_360 : i32 to index
        %get3A_372 = arith.constant 32 : index
        %get3A_373 = tpu.vector_load %arg14[%get3A_371, %get3A_372] {strides = array<i32>} : memref<128x48xf32, #tpu.memory_space<vmem>>, vector<16xf32>,
        tpu.vector_store_idx %arg15[%add3A_370], %get3A_373 : memref<6192xf32, #tpu.memory_space<vmem>>[vector<16xi32>], vector<16xf32>,
        %add3A_374 = arith.constant 15 : i32
        %add3A_375 = arith.addi %mul3A_149, %add3A_374 : i32
        %broadcast_in_dim3A_376 = vector.broadcast %add3A_375 : i32 to vector<16xi32>
        %add3A_377 = arith.addi %mul3A_8, %broadcast_in_dim3A_376 : vector<16xi32>
        %get3A_378 = arith.index_cast %add3A_375 : i32 to index
        %get3A_379 = arith.constant 0 : index
        %get3A_380 = tpu.vector_load %arg14[%get3A_378, %get3A_379] {strides = array<i32>} : memref<128x48xf32, #tpu.memory_space<vmem>>, vector<16xf32>,
        tpu.vector_store_idx %arg15[%add3A_377], %get3A_380 : memref<6192xf32, #tpu.memory_space<vmem>>[vector<16xi32>], vector<16xf32>,
        %add3A_381 = arith.addi %mul3A_15, %broadcast_in_dim3A_376 : vector<16xi32>
        %get3A_382 = arith.index_cast %add3A_375 : i32 to index
        %get3A_383 = arith.constant 16 : index
        %get3A_384 = tpu.vector_load %arg14[%get3A_382, %get3A_383] {strides = array<i32>} : memref<128x48xf32, #tpu.memory_space<vmem>>, vector<16xf32>,
        tpu.vector_store_idx %arg15[%add3A_381], %get3A_384 : memref<6192xf32, #tpu.memory_space<vmem>>[vector<16xi32>], vector<16xf32>,
        %add3A_385 = arith.addi %mul3A_22, %broadcast_in_dim3A_376 : vector<16xi32>
        %get3A_386 = arith.index_cast %add3A_375 : i32 to index
        %get3A_387 = arith.constant 32 : index
        %get3A_388 = tpu.vector_load %arg14[%get3A_386, %get3A_387] {strides = array<i32>} : memref<128x48xf32, #tpu.memory_space<vmem>>, vector<16xf32>,
        tpu.vector_store_idx %arg15[%add3A_385], %get3A_388 : memref<6192xf32, #tpu.memory_space<vmem>>[vector<16xi32>], vector<16xf32>,
        %get3A_389 = arith.index_cast %mul3A_149 : i32 to index
        %get3A_390 = tpu.vector_load %arg10[%get3A_389] {strides = array<i32>} : memref<128xi32, #tpu.memory_space<vmem>>, vector<16xi32>,
        %add3A_391 = arith.constant 0 : i32
        %add3A_392 = arith.addi %add3A_391, %mul3A_149 : i32
        %get3A_393 = arith.index_cast %add3A_392 : i32 to index
        %get3A_394 = tpu.vector_load %arg12[%get3A_393] {strides = array<i32>} : memref<768xf32, #tpu.memory_space<vmem>>, vector<16xf32>,
        %add3A_395 = arith.constant 128 : i32
        %add3A_396 = arith.addi %add3A_395, %mul3A_149 : i32
        %get3A_397 = arith.index_cast %add3A_396 : i32 to index
        %get3A_398 = tpu.vector_load %arg12[%get3A_397] {strides = array<i32>} : memref<768xf32, #tpu.memory_space<vmem>>, vector<16xf32>,
        %add3A_399 = arith.constant 256 : i32
        %add3A_400 = arith.addi %add3A_399, %mul3A_149 : i32
        %get3A_401 = arith.index_cast %add3A_400 : i32 to index
        %get3A_402 = tpu.vector_load %arg12[%get3A_401] {strides = array<i32>} : memref<768xf32, #tpu.memory_space<vmem>>, vector<16xf32>,
        %add3A_403 = arith.constant 384 : i32
        %add3A_404 = arith.addi %add3A_403, %mul3A_149 : i32
        %get3A_405 = arith.index_cast %add3A_404 : i32 to index
        %get3A_406 = tpu.vector_load %arg12[%get3A_405] {strides = array<i32>} : memref<768xf32, #tpu.memory_space<vmem>>, vector<16xf32>,
        %add3A_407 = arith.constant 512 : i32
        %add3A_408 = arith.addi %add3A_407, %mul3A_149 : i32
        %get3A_409 = arith.index_cast %add3A_408 : i32 to index
        %get3A_410 = tpu.vector_load %arg12[%get3A_409] {strides = array<i32>} : memref<768xf32, #tpu.memory_space<vmem>>, vector<16xf32>,
        %add3A_411 = arith.constant 640 : i32
        %add3A_412 = arith.addi %add3A_411, %mul3A_149 : i32
        %get3A_413 = arith.index_cast %add3A_412 : i32 to index
        %get3A_414 = tpu.vector_load %arg12[%get3A_413] {strides = array<i32>} : memref<768xf32, #tpu.memory_space<vmem>>, vector<16xf32>,
        %add3A_415 = arith.constant 0 : i32
        %add3A_416 = arith.addi %add3A_415, %mul3A_149 : i32
        %get3A_417 = arith.index_cast %add3A_416 : i32 to index
        %get3A_418 = tpu.vector_load %arg15[%get3A_417] {strides = array<i32>} : memref<6192xf32, #tpu.memory_space<vmem>>, vector<16xf32>,
        %mul3A_419 = arith.mulf %get3A_394, %get3A_418 : vector<16xf32>
        %add3A_420 = arith.constant 1032 : i32
        %add3A_421 = arith.addi %add3A_420, %mul3A_149 : i32
        %get3A_422 = arith.index_cast %add3A_421 : i32 to index
        %get3A_423 = tpu.vector_load %arg15[%get3A_422] {strides = array<i32>} : memref<6192xf32, #tpu.memory_space<vmem>>, vector<16xf32>,
        %mul3A_424 = arith.mulf %get3A_398, %get3A_423 : vector<16xf32>
        %add3A_425 = arith.addf %mul3A_419, %mul3A_424 : vector<16xf32>
        %add3A_426 = arith.constant 2064 : i32
        %add3A_427 = arith.addi %add3A_426, %mul3A_149 : i32
        %get3A_428 = arith.index_cast %add3A_427 : i32 to index
        %get3A_429 = tpu.vector_load %arg15[%get3A_428] {strides = array<i32>} : memref<6192xf32, #tpu.memory_space<vmem>>, vector<16xf32>,
        %mul3A_430 = arith.mulf %get3A_402, %get3A_429 : vector<16xf32>
        %add3A_431 = arith.addf %add3A_425, %mul3A_430 : vector<16xf32>
        %add3A_432 = arith.constant 3096 : i32
        %add3A_433 = arith.addi %add3A_432, %mul3A_149 : i32
        %get3A_434 = arith.index_cast %add3A_433 : i32 to index
        %get3A_435 = tpu.vector_load %arg15[%get3A_434] {strides = array<i32>} : memref<6192xf32, #tpu.memory_space<vmem>>, vector<16xf32>,
        %mul3A_436 = arith.mulf %get3A_406, %get3A_435 : vector<16xf32>
        %add3A_437 = arith.addf %add3A_431, %mul3A_436 : vector<16xf32>
        %add3A_438 = arith.constant 4128 : i32
        %add3A_439 = arith.addi %add3A_438, %mul3A_149 : i32
        %get3A_440 = arith.index_cast %add3A_439 : i32 to index
        %get3A_441 = tpu.vector_load %arg15[%get3A_440] {strides = array<i32>} : memref<6192xf32, #tpu.memory_space<vmem>>, vector<16xf32>,
        %mul3A_442 = arith.mulf %get3A_410, %get3A_441 : vector<16xf32>
        %add3A_443 = arith.addf %add3A_437, %mul3A_442 : vector<16xf32>
        %add3A_444 = arith.constant 5160 : i32
        %add3A_445 = arith.addi %add3A_444, %mul3A_149 : i32
        %get3A_446 = arith.index_cast %add3A_445 : i32 to index
        %get3A_447 = tpu.vector_load %arg15[%get3A_446] {strides = array<i32>} : memref<6192xf32, #tpu.memory_space<vmem>>, vector<16xf32>,
        %mul3A_448 = arith.mulf %get3A_414, %get3A_447 : vector<16xf32>
        %add3A_449 = arith.addf %add3A_443, %mul3A_448 : vector<16xf32>
        %add3A_450 = arith.constant 0 : i32
        %add3A_451 = vector.broadcast %add3A_450 : i32 to vector<16xi32>
        %add3A_452 = arith.addi %get3A_390, %add3A_451 : vector<16xi32>
        tpu.vector_store_idx %arg7[%add3A_452], %add3A_449 {add = true} : memref<81920xf32, #tpu.memory_space<vmem>>[vector<16xi32>], vector<16xf32>,
        %add3A_453 = arith.constant 129 : i32
        %add3A_454 = arith.addi %add3A_453, %mul3A_149 : i32
        %get3A_455 = arith.index_cast %add3A_454 : i32 to index
        %get3A_456 = tpu.vector_load %arg15[%get3A_455] {strides = array<i32>} : memref<6192xf32, #tpu.memory_space<vmem>>, vector<16xf32>,
        %mul3A_457 = arith.mulf %get3A_394, %get3A_456 : vector<16xf32>
        %add3A_458 = arith.constant 1161 : i32
        %add3A_459 = arith.addi %add3A_458, %mul3A_149 : i32
        %get3A_460 = arith.index_cast %add3A_459 : i32 to index
        %get3A_461 = tpu.vector_load %arg15[%get3A_460] {strides = array<i32>} : memref<6192xf32, #tpu.memory_space<vmem>>, vector<16xf32>,
        %mul3A_462 = arith.mulf %get3A_398, %get3A_461 : vector<16xf32>
        %add3A_463 = arith.addf %mul3A_457, %mul3A_462 : vector<16xf32>
        %add3A_464 = arith.constant 2193 : i32
        %add3A_465 = arith.addi %add3A_464, %mul3A_149 : i32
        %get3A_466 = arith.index_cast %add3A_465 : i32 to index
        %get3A_467 = tpu.vector_load %arg15[%get3A_466] {strides = array<i32>} : memref<6192xf32, #tpu.memory_space<vmem>>, vector<16xf32>,
        %mul3A_468 = arith.mulf %get3A_402, %get3A_467 : vector<16xf32>
        %add3A_469 = arith.addf %add3A_463, %mul3A_468 : vector<16xf32>
        %add3A_470 = arith.constant 3225 : i32
        %add3A_471 = arith.addi %add3A_470, %mul3A_149 : i32
        %get3A_472 = arith.index_cast %add3A_471 : i32 to index
        %get3A_473 = tpu.vector_load %arg15[%get3A_472] {strides = array<i32>} : memref<6192xf32, #tpu.memory_space<vmem>>, vector<16xf32>,
        %mul3A_474 = arith.mulf %get3A_406, %get3A_473 : vector<16xf32>
        %add3A_475 = arith.addf %add3A_469, %mul3A_474 : vector<16xf32>
        %add3A_476 = arith.constant 4257 : i32
        %add3A_477 = arith.addi %add3A_476, %mul3A_149 : i32
        %get3A_478 = arith.index_cast %add3A_477 : i32 to index
        %get3A_479 = tpu.vector_load %arg15[%get3A_478] {strides = array<i32>} : memref<6192xf32, #tpu.memory_space<vmem>>, vector<16xf32>,
        %mul3A_480 = arith.mulf %get3A_410, %get3A_479 : vector<16xf32>
        %add3A_481 = arith.addf %add3A_475, %mul3A_480 : vector<16xf32>
        %add3A_482 = arith.constant 5289 : i32
        %add3A_483 = arith.addi %add3A_482, %mul3A_149 : i32
        %get3A_484 = arith.index_cast %add3A_483 : i32 to index
        %get3A_485 = tpu.vector_load %arg15[%get3A_484] {strides = array<i32>} : memref<6192xf32, #tpu.memory_space<vmem>>, vector<16xf32>,
        %mul3A_486 = arith.mulf %get3A_414, %get3A_485 : vector<16xf32>
        %add3A_487 = arith.addf %add3A_481, %mul3A_486 : vector<16xf32>
        %add3A_488 = arith.constant 10240 : i32
        %add3A_489 = vector.broadcast %add3A_488 : i32 to vector<16xi32>
        %add3A_490 = arith.addi %get3A_390, %add3A_489 : vector<16xi32>
        tpu.vector_store_idx %arg7[%add3A_490], %add3A_487 {add = true} : memref<81920xf32, #tpu.memory_space<vmem>>[vector<16xi32>], vector<16xf32>,
        %add3A_491 = arith.constant 258 : i32
        %add3A_492 = arith.addi %add3A_491, %mul3A_149 : i32
        %get3A_493 = arith.index_cast %add3A_492 : i32 to index
        %get3A_494 = tpu.vector_load %arg15[%get3A_493] {strides = array<i32>} : memref<6192xf32, #tpu.memory_space<vmem>>, vector<16xf32>,
        %mul3A_495 = arith.mulf %get3A_394, %get3A_494 : vector<16xf32>
        %add3A_496 = arith.constant 1290 : i32
        %add3A_497 = arith.addi %add3A_496, %mul3A_149 : i32
        %get3A_498 = arith.index_cast %add3A_497 : i32 to index
        %get3A_499 = tpu.vector_load %arg15[%get3A_498] {strides = array<i32>} : memref<6192xf32, #tpu.memory_space<vmem>>, vector<16xf32>,
        %mul3A_500 = arith.mulf %get3A_398, %get3A_499 : vector<16xf32>
        %add3A_501 = arith.addf %mul3A_495, %mul3A_500 : vector<16xf32>
        %add3A_502 = arith.constant 2322 : i32
        %add3A_503 = arith.addi %add3A_502, %mul3A_149 : i32
        %get3A_504 = arith.index_cast %add3A_503 : i32 to index
        %get3A_505 = tpu.vector_load %arg15[%get3A_504] {strides = array<i32>} : memref<6192xf32, #tpu.memory_space<vmem>>, vector<16xf32>,
        %mul3A_506 = arith.mulf %get3A_402, %get3A_505 : vector<16xf32>
        %add3A_507 = arith.addf %add3A_501, %mul3A_506 : vector<16xf32>
        %add3A_508 = arith.constant 3354 : i32
        %add3A_509 = arith.addi %add3A_508, %mul3A_149 : i32
        %get3A_510 = arith.index_cast %add3A_509 : i32 to index
        %get3A_511 = tpu.vector_load %arg15[%get3A_510] {strides = array<i32>} : memref<6192xf32, #tpu.memory_space<vmem>>, vector<16xf32>,
        %mul3A_512 = arith.mulf %get3A_406, %get3A_511 : vector<16xf32>
        %add3A_513 = arith.addf %add3A_507, %mul3A_512 : vector<16xf32>
        %add3A_514 = arith.constant 4386 : i32
        %add3A_515 = arith.addi %add3A_514, %mul3A_149 : i32
        %get3A_516 = arith.index_cast %add3A_515 : i32 to index
        %get3A_517 = tpu.vector_load %arg15[%get3A_516] {strides = array<i32>} : memref<6192xf32, #tpu.memory_space<vmem>>, vector<16xf32>,
        %mul3A_518 = arith.mulf %get3A_410, %get3A_517 : vector<16xf32>
        %add3A_519 = arith.addf %add3A_513, %mul3A_518 : vector<16xf32>
        %add3A_520 = arith.constant 5418 : i32
        %add3A_521 = arith.addi %add3A_520, %mul3A_149 : i32
        %get3A_522 = arith.index_cast %add3A_521 : i32 to index
        %get3A_523 = tpu.vector_load %arg15[%get3A_522] {strides = array<i32>} : memref<6192xf32, #tpu.memory_space<vmem>>, vector<16xf32>,
        %mul3A_524 = arith.mulf %get3A_414, %get3A_523 : vector<16xf32>
        %add3A_525 = arith.addf %add3A_519, %mul3A_524 : vector<16xf32>
        %add3A_526 = arith.constant 20480 : i32
        %add3A_527 = vector.broadcast %add3A_526 : i32 to vector<16xi32>
        %add3A_528 = arith.addi %get3A_390, %add3A_527 : vector<16xi32>
        tpu.vector_store_idx %arg7[%add3A_528], %add3A_525 {add = true} : memref<81920xf32, #tpu.memory_space<vmem>>[vector<16xi32>], vector<16xf32>,
        %add3A_529 = arith.constant 387 : i32
        %add3A_530 = arith.addi %add3A_529, %mul3A_149 : i32
        %get3A_531 = arith.index_cast %add3A_530 : i32 to index
        %get3A_532 = tpu.vector_load %arg15[%get3A_531] {strides = array<i32>} : memref<6192xf32, #tpu.memory_space<vmem>>, vector<16xf32>,
        %mul3A_533 = arith.mulf %get3A_394, %get3A_532 : vector<16xf32>
        %add3A_534 = arith.constant 1419 : i32
        %add3A_535 = arith.addi %add3A_534, %mul3A_149 : i32
        %get3A_536 = arith.index_cast %add3A_535 : i32 to index
        %get3A_537 = tpu.vector_load %arg15[%get3A_536] {strides = array<i32>} : memref<6192xf32, #tpu.memory_space<vmem>>, vector<16xf32>,
        %mul3A_538 = arith.mulf %get3A_398, %get3A_537 : vector<16xf32>
        %add3A_539 = arith.addf %mul3A_533, %mul3A_538 : vector<16xf32>
        %add3A_540 = arith.constant 2451 : i32
        %add3A_541 = arith.addi %add3A_540, %mul3A_149 : i32
        %get3A_542 = arith.index_cast %add3A_541 : i32 to index
        %get3A_543 = tpu.vector_load %arg15[%get3A_542] {strides = array<i32>} : memref<6192xf32, #tpu.memory_space<vmem>>, vector<16xf32>,
        %mul3A_544 = arith.mulf %get3A_402, %get3A_543 : vector<16xf32>
        %add3A_545 = arith.addf %add3A_539, %mul3A_544 : vector<16xf32>
        %add3A_546 = arith.constant 3483 : i32
        %add3A_547 = arith.addi %add3A_546, %mul3A_149 : i32
        %get3A_548 = arith.index_cast %add3A_547 : i32 to index
        %get3A_549 = tpu.vector_load %arg15[%get3A_548] {strides = array<i32>} : memref<6192xf32, #tpu.memory_space<vmem>>, vector<16xf32>,
        %mul3A_550 = arith.mulf %get3A_406, %get3A_549 : vector<16xf32>
        %add3A_551 = arith.addf %add3A_545, %mul3A_550 : vector<16xf32>
        %add3A_552 = arith.constant 4515 : i32
        %add3A_553 = arith.addi %add3A_552, %mul3A_149 : i32
        %get3A_554 = arith.index_cast %add3A_553 : i32 to index
        %get3A_555 = tpu.vector_load %arg15[%get3A_554] {strides = array<i32>} : memref<6192xf32, #tpu.memory_space<vmem>>, vector<16xf32>,
        %mul3A_556 = arith.mulf %get3A_410, %get3A_555 : vector<16xf32>
        %add3A_557 = arith.addf %add3A_551, %mul3A_556 : vector<16xf32>
        %add3A_558 = arith.constant 5547 : i32
        %add3A_559 = arith.addi %add3A_558, %mul3A_149 : i32
        %get3A_560 = arith.index_cast %add3A_559 : i32 to index
        %get3A_561 = tpu.vector_load %arg15[%get3A_560] {strides = array<i32>} : memref<6192xf32, #tpu.memory_space<vmem>>, vector<16xf32>,
        %mul3A_562 = arith.mulf %get3A_414, %get3A_561 : vector<16xf32>
        %add3A_563 = arith.addf %add3A_557, %mul3A_562 : vector<16xf32>
        %add3A_564 = arith.constant 30720 : i32
        %add3A_565 = vector.broadcast %add3A_564 : i32 to vector<16xi32>
        %add3A_566 = arith.addi %get3A_390, %add3A_565 : vector<16xi32>
        tpu.vector_store_idx %arg7[%add3A_566], %add3A_563 {add = true} : memref<81920xf32, #tpu.memory_space<vmem>>[vector<16xi32>], vector<16xf32>,
        %add3A_567 = arith.constant 516 : i32
        %add3A_568 = arith.addi %add3A_567, %mul3A_149 : i32
        %get3A_569 = arith.index_cast %add3A_568 : i32 to index
        %get3A_570 = tpu.vector_load %arg15[%get3A_569] {strides = array<i32>} : memref<6192xf32, #tpu.memory_space<vmem>>, vector<16xf32>,
        %mul3A_571 = arith.mulf %get3A_394, %get3A_570 : vector<16xf32>
        %add3A_572 = arith.constant 1548 : i32
        %add3A_573 = arith.addi %add3A_572, %mul3A_149 : i32
        %get3A_574 = arith.index_cast %add3A_573 : i32 to index
        %get3A_575 = tpu.vector_load %arg15[%get3A_574] {strides = array<i32>} : memref<6192xf32, #tpu.memory_space<vmem>>, vector<16xf32>,
        %mul3A_576 = arith.mulf %get3A_398, %get3A_575 : vector<16xf32>
        %add3A_577 = arith.addf %mul3A_571, %mul3A_576 : vector<16xf32>
        %add3A_578 = arith.constant 2580 : i32
        %add3A_579 = arith.addi %add3A_578, %mul3A_149 : i32
        %get3A_580 = arith.index_cast %add3A_579 : i32 to index
        %get3A_581 = tpu.vector_load %arg15[%get3A_580] {strides = array<i32>} : memref<6192xf32, #tpu.memory_space<vmem>>, vector<16xf32>,
        %mul3A_582 = arith.mulf %get3A_402, %get3A_581 : vector<16xf32>
        %add3A_583 = arith.addf %add3A_577, %mul3A_582 : vector<16xf32>
        %add3A_584 = arith.constant 3612 : i32
        %add3A_585 = arith.addi %add3A_584, %mul3A_149 : i32
        %get3A_586 = arith.index_cast %add3A_585 : i32 to index
        %get3A_587 = tpu.vector_load %arg15[%get3A_586] {strides = array<i32>} : memref<6192xf32, #tpu.memory_space<vmem>>, vector<16xf32>,
        %mul3A_588 = arith.mulf %get3A_406, %get3A_587 : vector<16xf32>
        %add3A_589 = arith.addf %add3A_583, %mul3A_588 : vector<16xf32>
        %add3A_590 = arith.constant 4644 : i32
        %add3A_591 = arith.addi %add3A_590, %mul3A_149 : i32
        %get3A_592 = arith.index_cast %add3A_591 : i32 to index
        %get3A_593 = tpu.vector_load %arg15[%get3A_592] {strides = array<i32>} : memref<6192xf32, #tpu.memory_space<vmem>>, vector<16xf32>,
        %mul3A_594 = arith.mulf %get3A_410, %get3A_593 : vector<16xf32>
        %add3A_595 = arith.addf %add3A_589, %mul3A_594 : vector<16xf32>
        %add3A_596 = arith.constant 5676 : i32
        %add3A_597 = arith.addi %add3A_596, %mul3A_149 : i32
        %get3A_598 = arith.index_cast %add3A_597 : i32 to index
        %get3A_599 = tpu.vector_load %arg15[%get3A_598] {strides = array<i32>} : memref<6192xf32, #tpu.memory_space<vmem>>, vector<16xf32>,
        %mul3A_600 = arith.mulf %get3A_414, %get3A_599 : vector<16xf32>
        %add3A_601 = arith.addf %add3A_595, %mul3A_600 : vector<16xf32>
        %add3A_602 = arith.constant 40960 : i32
        %add3A_603 = vector.broadcast %add3A_602 : i32 to vector<16xi32>
        %add3A_604 = arith.addi %get3A_390, %add3A_603 : vector<16xi32>
        tpu.vector_store_idx %arg7[%add3A_604], %add3A_601 {add = true} : memref<81920xf32, #tpu.memory_space<vmem>>[vector<16xi32>], vector<16xf32>,
        %add3A_605 = arith.constant 645 : i32
        %add3A_606 = arith.addi %add3A_605, %mul3A_149 : i32
        %get3A_607 = arith.index_cast %add3A_606 : i32 to index
        %get3A_608 = tpu.vector_load %arg15[%get3A_607] {strides = array<i32>} : memref<6192xf32, #tpu.memory_space<vmem>>, vector<16xf32>,
        %mul3A_609 = arith.mulf %get3A_394, %get3A_608 : vector<16xf32>
        %add3A_610 = arith.constant 1677 : i32
        %add3A_611 = arith.addi %add3A_610, %mul3A_149 : i32
        %get3A_612 = arith.index_cast %add3A_611 : i32 to index
        %get3A_613 = tpu.vector_load %arg15[%get3A_612] {strides = array<i32>} : memref<6192xf32, #tpu.memory_space<vmem>>, vector<16xf32>,
        %mul3A_614 = arith.mulf %get3A_398, %get3A_613 : vector<16xf32>
        %add3A_615 = arith.addf %mul3A_609, %mul3A_614 : vector<16xf32>
        %add3A_616 = arith.constant 2709 : i32
        %add3A_617 = arith.addi %add3A_616, %mul3A_149 : i32
        %get3A_618 = arith.index_cast %add3A_617 : i32 to index
        %get3A_619 = tpu.vector_load %arg15[%get3A_618] {strides = array<i32>} : memref<6192xf32, #tpu.memory_space<vmem>>, vector<16xf32>,
        %mul3A_620 = arith.mulf %get3A_402, %get3A_619 : vector<16xf32>
        %add3A_621 = arith.addf %add3A_615, %mul3A_620 : vector<16xf32>
        %add3A_622 = arith.constant 3741 : i32
        %add3A_623 = arith.addi %add3A_622, %mul3A_149 : i32
        %get3A_624 = arith.index_cast %add3A_623 : i32 to index
        %get3A_625 = tpu.vector_load %arg15[%get3A_624] {strides = array<i32>} : memref<6192xf32, #tpu.memory_space<vmem>>, vector<16xf32>,
        %mul3A_626 = arith.mulf %get3A_406, %get3A_625 : vector<16xf32>
        %add3A_627 = arith.addf %add3A_621, %mul3A_626 : vector<16xf32>
        %add3A_628 = arith.constant 4773 : i32
        %add3A_629 = arith.addi %add3A_628, %mul3A_149 : i32
        %get3A_630 = arith.index_cast %add3A_629 : i32 to index
        %get3A_631 = tpu.vector_load %arg15[%get3A_630] {strides = array<i32>} : memref<6192xf32, #tpu.memory_space<vmem>>, vector<16xf32>,
        %mul3A_632 = arith.mulf %get3A_410, %get3A_631 : vector<16xf32>
        %add3A_633 = arith.addf %add3A_627, %mul3A_632 : vector<16xf32>
        %add3A_634 = arith.constant 5805 : i32
        %add3A_635 = arith.addi %add3A_634, %mul3A_149 : i32
        %get3A_636 = arith.index_cast %add3A_635 : i32 to index
        %get3A_637 = tpu.vector_load %arg15[%get3A_636] {strides = array<i32>} : memref<6192xf32, #tpu.memory_space<vmem>>, vector<16xf32>,
        %mul3A_638 = arith.mulf %get3A_414, %get3A_637 : vector<16xf32>
        %add3A_639 = arith.addf %add3A_633, %mul3A_638 : vector<16xf32>
        %add3A_640 = arith.constant 51200 : i32
        %add3A_641 = vector.broadcast %add3A_640 : i32 to vector<16xi32>
        %add3A_642 = arith.addi %get3A_390, %add3A_641 : vector<16xi32>
        tpu.vector_store_idx %arg7[%add3A_642], %add3A_639 {add = true} : memref<81920xf32, #tpu.memory_space<vmem>>[vector<16xi32>], vector<16xf32>,
        %add3A_643 = arith.constant 774 : i32
        %add3A_644 = arith.addi %add3A_643, %mul3A_149 : i32
        %get3A_645 = arith.index_cast %add3A_644 : i32 to index
        %get3A_646 = tpu.vector_load %arg15[%get3A_645] {strides = array<i32>} : memref<6192xf32, #tpu.memory_space<vmem>>, vector<16xf32>,
        %mul3A_647 = arith.mulf %get3A_394, %get3A_646 : vector<16xf32>
        %add3A_648 = arith.constant 1806 : i32
        %add3A_649 = arith.addi %add3A_648, %mul3A_149 : i32
        %get3A_650 = arith.index_cast %add3A_649 : i32 to index
        %get3A_651 = tpu.vector_load %arg15[%get3A_650] {strides = array<i32>} : memref<6192xf32, #tpu.memory_space<vmem>>, vector<16xf32>,
        %mul3A_652 = arith.mulf %get3A_398, %get3A_651 : vector<16xf32>
        %add3A_653 = arith.addf %mul3A_647, %mul3A_652 : vector<16xf32>
        %add3A_654 = arith.constant 2838 : i32
        %add3A_655 = arith.addi %add3A_654, %mul3A_149 : i32
        %get3A_656 = arith.index_cast %add3A_655 : i32 to index
        %get3A_657 = tpu.vector_load %arg15[%get3A_656] {strides = array<i32>} : memref<6192xf32, #tpu.memory_space<vmem>>, vector<16xf32>,
        %mul3A_658 = arith.mulf %get3A_402, %get3A_657 : vector<16xf32>
        %add3A_659 = arith.addf %add3A_653, %mul3A_658 : vector<16xf32>
        %add3A_660 = arith.constant 3870 : i32
        %add3A_661 = arith.addi %add3A_660, %mul3A_149 : i32
        %get3A_662 = arith.index_cast %add3A_661 : i32 to index
        %get3A_663 = tpu.vector_load %arg15[%get3A_662] {strides = array<i32>} : memref<6192xf32, #tpu.memory_space<vmem>>, vector<16xf32>,
        %mul3A_664 = arith.mulf %get3A_406, %get3A_663 : vector<16xf32>
        %add3A_665 = arith.addf %add3A_659, %mul3A_664 : vector<16xf32>
        %add3A_666 = arith.constant 4902 : i32
        %add3A_667 = arith.addi %add3A_666, %mul3A_149 : i32
        %get3A_668 = arith.index_cast %add3A_667 : i32 to index
        %get3A_669 = tpu.vector_load %arg15[%get3A_668] {strides = array<i32>} : memref<6192xf32, #tpu.memory_space<vmem>>, vector<16xf32>,
        %mul3A_670 = arith.mulf %get3A_410, %get3A_669 : vector<16xf32>
        %add3A_671 = arith.addf %add3A_665, %mul3A_670 : vector<16xf32>
        %add3A_672 = arith.constant 5934 : i32
        %add3A_673 = arith.addi %add3A_672, %mul3A_149 : i32
        %get3A_674 = arith.index_cast %add3A_673 : i32 to index
        %get3A_675 = tpu.vector_load %arg15[%get3A_674] {strides = array<i32>} : memref<6192xf32, #tpu.memory_space<vmem>>, vector<16xf32>,
        %mul3A_676 = arith.mulf %get3A_414, %get3A_675 : vector<16xf32>
        %add3A_677 = arith.addf %add3A_671, %mul3A_676 : vector<16xf32>
        %add3A_678 = arith.constant 61440 : i32
        %add3A_679 = vector.broadcast %add3A_678 : i32 to vector<16xi32>
        %add3A_680 = arith.addi %get3A_390, %add3A_679 : vector<16xi32>
        tpu.vector_store_idx %arg7[%add3A_680], %add3A_677 {add = true} : memref<81920xf32, #tpu.memory_space<vmem>>[vector<16xi32>], vector<16xf32>,
        %add3A_681 = arith.constant 903 : i32
        %add3A_682 = arith.addi %add3A_681, %mul3A_149 : i32
        %get3A_683 = arith.index_cast %add3A_682 : i32 to index
        %get3A_684 = tpu.vector_load %arg15[%get3A_683] {strides = array<i32>} : memref<6192xf32, #tpu.memory_space<vmem>>, vector<16xf32>,
        %mul3A_685 = arith.mulf %get3A_394, %get3A_684 : vector<16xf32>
        %add3A_686 = arith.constant 1935 : i32
        %add3A_687 = arith.addi %add3A_686, %mul3A_149 : i32
        %get3A_688 = arith.index_cast %add3A_687 : i32 to index
        %get3A_689 = tpu.vector_load %arg15[%get3A_688] {strides = array<i32>} : memref<6192xf32, #tpu.memory_space<vmem>>, vector<16xf32>,
        %mul3A_690 = arith.mulf %get3A_398, %get3A_689 : vector<16xf32>
        %add3A_691 = arith.addf %mul3A_685, %mul3A_690 : vector<16xf32>
        %add3A_692 = arith.constant 2967 : i32
        %add3A_693 = arith.addi %add3A_692, %mul3A_149 : i32
        %get3A_694 = arith.index_cast %add3A_693 : i32 to index
        %get3A_695 = tpu.vector_load %arg15[%get3A_694] {strides = array<i32>} : memref<6192xf32, #tpu.memory_space<vmem>>, vector<16xf32>,
        %mul3A_696 = arith.mulf %get3A_402, %get3A_695 : vector<16xf32>
        %add3A_697 = arith.addf %add3A_691, %mul3A_696 : vector<16xf32>
        %add3A_698 = arith.constant 3999 : i32
        %add3A_699 = arith.addi %add3A_698, %mul3A_149 : i32
        %get3A_700 = arith.index_cast %add3A_699 : i32 to index
        %get3A_701 = tpu.vector_load %arg15[%get3A_700] {strides = array<i32>} : memref<6192xf32, #tpu.memory_space<vmem>>, vector<16xf32>,
        %mul3A_702 = arith.mulf %get3A_406, %get3A_701 : vector<16xf32>
        %add3A_703 = arith.addf %add3A_697, %mul3A_702 : vector<16xf32>
        %add3A_704 = arith.constant 5031 : i32
        %add3A_705 = arith.addi %add3A_704, %mul3A_149 : i32
        %get3A_706 = arith.index_cast %add3A_705 : i32 to index
        %get3A_707 = tpu.vector_load %arg15[%get3A_706] {strides = array<i32>} : memref<6192xf32, #tpu.memory_space<vmem>>, vector<16xf32>,
        %mul3A_708 = arith.mulf %get3A_410, %get3A_707 : vector<16xf32>
        %add3A_709 = arith.addf %add3A_703, %mul3A_708 : vector<16xf32>
        %add3A_710 = arith.constant 6063 : i32
        %add3A_711 = arith.addi %add3A_710, %mul3A_149 : i32
        %get3A_712 = arith.index_cast %add3A_711 : i32 to index
        %get3A_713 = tpu.vector_load %arg15[%get3A_712] {strides = array<i32>} : memref<6192xf32, #tpu.memory_space<vmem>>, vector<16xf32>,
        %mul3A_714 = arith.mulf %get3A_414, %get3A_713 : vector<16xf32>
        %add3A_715 = arith.addf %add3A_709, %mul3A_714 : vector<16xf32>
        %add3A_716 = arith.constant 71680 : i32
        %add3A_717 = vector.broadcast %add3A_716 : i32 to vector<16xi32>
        %add3A_718 = arith.addi %get3A_390, %add3A_717 : vector<16xi32>
        tpu.vector_store_idx %arg7[%add3A_718], %add3A_715 {add = true} : memref<81920xf32, #tpu.memory_space<vmem>>[vector<16xi32>], vector<16xf32>,
        %scan3A_719 = arith.constant 0 : i32
        scf.yield %scan3A_719 : i32
      }
      %scan3A_139 = arith.constant 8 : i32
      %lt3A_140 = arith.constant 19 : i32
      %lt3A_141 = arith.cmpi slt, %scan3A_81, %lt3A_140 : i32
      %convert_element_type3A_142 = arith.extui %lt3A_141 : i1 to i32
      %cond3A_143 = arith.constant 0 : i32
      %cond3A_144 = arith.cmpi ne, %convert_element_type3A_142, %cond3A_143 : i32
      scf.if %cond3A_144 {
        %add3A_146 = arith.constant 3 : i32
        %add3A_147 = arith.addi %mul3A_84, %add3A_146 : i32
        %mul3A_148 = arith.constant 40 : i32
        %mul3A_149 = arith.muli %add3A, %mul3A_148 : i32
        %add3A_150 = arith.addi %mul3A_149, %add3A_147 : i32
        %mul3A_151 = arith.constant 128 : i32
        %mul3A_152 = arith.muli %add3A_150, %mul3A_151 : i32
        %dma_start3A_153 = tpu.memref_slice %arg4[%mul3A_152] : memref<163840xi32, #tpu.memory_space<hbm>> -> memref<128xi32, #tpu.memory_space<hbm>>
        %dma_start3A_154 = tpu.memref_slice %arg4[%mul3A_152] : memref<163840xi32, #tpu.memory_space<hbm>> -> memref<128xi32, #tpu.memory_space<hbm>>
        tpu.enqueue_dma source(%dma_start3A_154 : memref<128xi32, #tpu.memory_space<hbm>>) target(%arg10 : memref<128xi32, #tpu.memory_space<vmem>>) target_semaphore(%arg19 : memref<!tpu.dma_semaphore, #tpu.memory_space<semaphore_mem>>)
        %mul3A_155 = arith.constant 6 : i32
        %mul3A_156 = arith.muli %add3A_150, %mul3A_155 : i32
        %mul3A_157 = arith.constant 128 : i32
        %mul3A_158 = arith.muli %mul3A_156, %mul3A_157 : i32
        %dma_start3A_159 = tpu.memref_slice %arg5[%mul3A_158] : memref<983040xf32, #tpu.memory_space<hbm>> -> memref<768xf32, #tpu.memory_space<hbm>>
        %dma_start3A_160 = tpu.memref_slice %arg5[%mul3A_158] : memref<983040xf32, #tpu.memory_space<hbm>> -> memref<768xf32, #tpu.memory_space<hbm>>
        tpu.enqueue_dma source(%dma_start3A_160 : memref<768xf32, #tpu.memory_space<hbm>>) target(%arg12 : memref<768xf32, #tpu.memory_space<vmem>>) target_semaphore(%arg19 : memref<!tpu.dma_semaphore, #tpu.memory_space<semaphore_mem>>)
        %mul3A_161 = arith.constant 128 : i32
        %mul3A_162 = arith.muli %add3A_147, %mul3A_161 : i32
        %dma_start3A_163 = tpu.memref_slice %arg8[%mul3A_162] : memref<5120xi32, #tpu.memory_space<vmem>> -> memref<128xi32, #tpu.memory_space<vmem>>
        %dma_start3A_164 = arith.constant 0 : i32
        %dma_start3A_165 = arith.constant 0 : i32
        %dma_start3A_166 = tpu.memref_slice %arg2[%dma_start3A_164, %dma_start3A_165] : memref<10240x48xf32, #tpu.memory_space<hbm>> -> memref<10240x48xf32, #tpu.memory_space<hbm>>
        tpu.enqueue_indirect_dma source(%dma_start3A_166 : memref<10240x48xf32, #tpu.memory_space<hbm>>) target(%arg14 : memref<128x48xf32, #tpu.memory_space<vmem>>) offsets(%dma_start3A_163 : memref<128xi32, #tpu.memory_space<vmem>>) semaphore(%arg17 : memref<!tpu.dma_semaphore, #tpu.memory_space<semaphore_mem>>)
      } else {
      }
      %scan3A_145 = arith.constant 0 : i32
      scf.yield %scan3A_145 : i32
    }
    %scan3A_73 = arith.constant 20 : i32
    %run_scoped3A = arith.constant 0 : i32
    "tpu.region"() ({
      %run_scoped3A_81 = tpu.sem_alloc : memref<!tpu.dma_semaphore, #tpu.memory_space<semaphore_mem>>
      %dma_start3A_82 = arith.constant 0 : i32
      %dma_start3A_83 = tpu.memref_slice %arg7[%dma_start3A_82] : memref<81920xf32, #tpu.memory_space<vmem>> -> memref<10240xf32, #tpu.memory_space<vmem>>
      %dma_start3A_84 = arith.constant 0 : i32
      %dma_start3A_85 = tpu.memref_slice %arg6[%add3A, %run_scoped3A, %dma_start3A_84] : memref<32x8x10240xf32, #tpu.memory_space<hbm>> -> memref<1x1x10240xf32, #tpu.memory_space<hbm>>
      %dma_start3A_86 = tpu.memref_squeeze %dma_start3A_85 : memref<1x1x10240xf32, #tpu.memory_space<hbm>> -> memref<10240xf32, #tpu.memory_space<hbm>>
      %dma_start3A_87 = arith.constant 0 : i32
      %dma_start3A_88 = tpu.memref_slice %arg6[%add3A, %run_scoped3A, %dma_start3A_87] : memref<32x8x10240xf32, #tpu.memory_space<hbm>> -> memref<1x1x10240xf32, #tpu.memory_space<hbm>>
      %dma_start3A_89 = tpu.memref_squeeze %dma_start3A_88 : memref<1x1x10240xf32, #tpu.memory_space<hbm>> -> memref<10240xf32, #tpu.memory_space<hbm>>
      %dma_start3A_90 = arith.constant 0 : i32
      %dma_start3A_91 = tpu.memref_slice %arg7[%dma_start3A_90] : memref<81920xf32, #tpu.memory_space<vmem>> -> memref<10240xf32, #tpu.memory_space<vmem>>
      tpu.enqueue_dma source(%dma_start3A_91 : memref<10240xf32, #tpu.memory_space<vmem>>) target(%dma_start3A_89 : memref<10240xf32, #tpu.memory_space<hbm>>) target_semaphore(%run_scoped3A_81 : memref<!tpu.dma_semaphore, #tpu.memory_space<semaphore_mem>>)
      %dma_wait3A = arith.constant 0 : i32
      %dma_wait3A_92 = tpu.memref_slice %arg7[%dma_wait3A] : memref<81920xf32, #tpu.memory_space<vmem>> -> memref<10240xf32, #tpu.memory_space<vmem>>
      %dma_wait3A_93 = arith.constant 0 : i32
      %dma_wait3A_94 = tpu.memref_slice %arg6[%add3A, %run_scoped3A, %dma_wait3A_93] : memref<32x8x10240xf32, #tpu.memory_space<hbm>> -> memref<1x1x10240xf32, #tpu.memory_space<hbm>>
      %dma_wait3A_95 = tpu.memref_squeeze %dma_wait3A_94 : memref<1x1x10240xf32, #tpu.memory_space<hbm>> -> memref<10240xf32, #tpu.memory_space<hbm>>
      %dma_wait3A_96 = arith.constant 0 : i32
      %dma_wait3A_97 = tpu.memref_slice %arg6[%add3A, %run_scoped3A, %dma_wait3A_96] : memref<32x8x10240xf32, #tpu.memory_space<hbm>> -> memref<1x1x10240xf32, #tpu.memory_space<hbm>>
      %dma_wait3A_98 = tpu.memref_squeeze %dma_wait3A_97 : memref<1x1x10240xf32, #tpu.memory_space<hbm>> -> memref<10240xf32, #tpu.memory_space<hbm>>
      %dma_wait3A_99 = arith.constant 0 : i32
      %dma_wait3A_100 = tpu.memref_slice %arg7[%dma_wait3A_99] : memref<81920xf32, #tpu.memory_space<vmem>> -> memref<10240xf32, #tpu.memory_space<vmem>>
      tpu.wait_dma2 semaphore(%run_scoped3A_81 : memref<!tpu.dma_semaphore, #tpu.memory_space<semaphore_mem>>) src(%dma_wait3A_100 : memref<10240xf32, #tpu.memory_space<vmem>>) dst(%dma_wait3A_98 : memref<10240xf32, #tpu.memory_space<hbm>>)
      tpu.yield
    }) : () -> ()
    %run_scoped3A_74 = arith.constant 1 : i32
    "tpu.region"() ({
      %run_scoped3A_81 = tpu.sem_alloc : memref<!tpu.dma_semaphore, #tpu.memory_space<semaphore_mem>>
      %dma_start3A_82 = arith.constant 10240 : i32
      %dma_start3A_83 = tpu.memref_slice %arg7[%dma_start3A_82] : memref<81920xf32, #tpu.memory_space<vmem>> -> memref<10240xf32, #tpu.memory_space<vmem>>
      %dma_start3A_84 = arith.constant 0 : i32
      %dma_start3A_85 = tpu.memref_slice %arg6[%add3A, %run_scoped3A_74, %dma_start3A_84] : memref<32x8x10240xf32, #tpu.memory_space<hbm>> -> memref<1x1x10240xf32, #tpu.memory_space<hbm>>
      %dma_start3A_86 = tpu.memref_squeeze %dma_start3A_85 : memref<1x1x10240xf32, #tpu.memory_space<hbm>> -> memref<10240xf32, #tpu.memory_space<hbm>>
      %dma_start3A_87 = arith.constant 0 : i32
      %dma_start3A_88 = tpu.memref_slice %arg6[%add3A, %run_scoped3A_74, %dma_start3A_87] : memref<32x8x10240xf32, #tpu.memory_space<hbm>> -> memref<1x1x10240xf32, #tpu.memory_space<hbm>>
      %dma_start3A_89 = tpu.memref_squeeze %dma_start3A_88 : memref<1x1x10240xf32, #tpu.memory_space<hbm>> -> memref<10240xf32, #tpu.memory_space<hbm>>
      %dma_start3A_90 = arith.constant 10240 : i32
      %dma_start3A_91 = tpu.memref_slice %arg7[%dma_start3A_90] : memref<81920xf32, #tpu.memory_space<vmem>> -> memref<10240xf32, #tpu.memory_space<vmem>>
      tpu.enqueue_dma source(%dma_start3A_91 : memref<10240xf32, #tpu.memory_space<vmem>>) target(%dma_start3A_89 : memref<10240xf32, #tpu.memory_space<hbm>>) target_semaphore(%run_scoped3A_81 : memref<!tpu.dma_semaphore, #tpu.memory_space<semaphore_mem>>)
      %dma_wait3A = arith.constant 10240 : i32
      %dma_wait3A_92 = tpu.memref_slice %arg7[%dma_wait3A] : memref<81920xf32, #tpu.memory_space<vmem>> -> memref<10240xf32, #tpu.memory_space<vmem>>
      %dma_wait3A_93 = arith.constant 0 : i32
      %dma_wait3A_94 = tpu.memref_slice %arg6[%add3A, %run_scoped3A_74, %dma_wait3A_93] : memref<32x8x10240xf32, #tpu.memory_space<hbm>> -> memref<1x1x10240xf32, #tpu.memory_space<hbm>>
      %dma_wait3A_95 = tpu.memref_squeeze %dma_wait3A_94 : memref<1x1x10240xf32, #tpu.memory_space<hbm>> -> memref<10240xf32, #tpu.memory_space<hbm>>
      %dma_wait3A_96 = arith.constant 0 : i32
      %dma_wait3A_97 = tpu.memref_slice %arg6[%add3A, %run_scoped3A_74, %dma_wait3A_96] : memref<32x8x10240xf32, #tpu.memory_space<hbm>> -> memref<1x1x10240xf32, #tpu.memory_space<hbm>>
      %dma_wait3A_98 = tpu.memref_squeeze %dma_wait3A_97 : memref<1x1x10240xf32, #tpu.memory_space<hbm>> -> memref<10240xf32, #tpu.memory_space<hbm>>
      %dma_wait3A_99 = arith.constant 10240 : i32
      %dma_wait3A_100 = tpu.memref_slice %arg7[%dma_wait3A_99] : memref<81920xf32, #tpu.memory_space<vmem>> -> memref<10240xf32, #tpu.memory_space<vmem>>
      tpu.wait_dma2 semaphore(%run_scoped3A_81 : memref<!tpu.dma_semaphore, #tpu.memory_space<semaphore_mem>>) src(%dma_wait3A_100 : memref<10240xf32, #tpu.memory_space<vmem>>) dst(%dma_wait3A_98 : memref<10240xf32, #tpu.memory_space<hbm>>)
      tpu.yield
    }) : () -> ()
    %run_scoped3A_75 = arith.constant 2 : i32
    "tpu.region"() ({
      %run_scoped3A_81 = tpu.sem_alloc : memref<!tpu.dma_semaphore, #tpu.memory_space<semaphore_mem>>
      %dma_start3A_82 = arith.constant 20480 : i32
      %dma_start3A_83 = tpu.memref_slice %arg7[%dma_start3A_82] : memref<81920xf32, #tpu.memory_space<vmem>> -> memref<10240xf32, #tpu.memory_space<vmem>>
      %dma_start3A_84 = arith.constant 0 : i32
      %dma_start3A_85 = tpu.memref_slice %arg6[%add3A, %run_scoped3A_75, %dma_start3A_84] : memref<32x8x10240xf32, #tpu.memory_space<hbm>> -> memref<1x1x10240xf32, #tpu.memory_space<hbm>>
      %dma_start3A_86 = tpu.memref_squeeze %dma_start3A_85 : memref<1x1x10240xf32, #tpu.memory_space<hbm>> -> memref<10240xf32, #tpu.memory_space<hbm>>
      %dma_start3A_87 = arith.constant 0 : i32
      %dma_start3A_88 = tpu.memref_slice %arg6[%add3A, %run_scoped3A_75, %dma_start3A_87] : memref<32x8x10240xf32, #tpu.memory_space<hbm>> -> memref<1x1x10240xf32, #tpu.memory_space<hbm>>
      %dma_start3A_89 = tpu.memref_squeeze %dma_start3A_88 : memref<1x1x10240xf32, #tpu.memory_space<hbm>> -> memref<10240xf32, #tpu.memory_space<hbm>>
      %dma_start3A_90 = arith.constant 20480 : i32
      %dma_start3A_91 = tpu.memref_slice %arg7[%dma_start3A_90] : memref<81920xf32, #tpu.memory_space<vmem>> -> memref<10240xf32, #tpu.memory_space<vmem>>
      tpu.enqueue_dma source(%dma_start3A_91 : memref<10240xf32, #tpu.memory_space<vmem>>) target(%dma_start3A_89 : memref<10240xf32, #tpu.memory_space<hbm>>) target_semaphore(%run_scoped3A_81 : memref<!tpu.dma_semaphore, #tpu.memory_space<semaphore_mem>>)
      %dma_wait3A = arith.constant 20480 : i32
      %dma_wait3A_92 = tpu.memref_slice %arg7[%dma_wait3A] : memref<81920xf32, #tpu.memory_space<vmem>> -> memref<10240xf32, #tpu.memory_space<vmem>>
      %dma_wait3A_93 = arith.constant 0 : i32
      %dma_wait3A_94 = tpu.memref_slice %arg6[%add3A, %run_scoped3A_75, %dma_wait3A_93] : memref<32x8x10240xf32, #tpu.memory_space<hbm>> -> memref<1x1x10240xf32, #tpu.memory_space<hbm>>
      %dma_wait3A_95 = tpu.memref_squeeze %dma_wait3A_94 : memref<1x1x10240xf32, #tpu.memory_space<hbm>> -> memref<10240xf32, #tpu.memory_space<hbm>>
      %dma_wait3A_96 = arith.constant 0 : i32
      %dma_wait3A_97 = tpu.memref_slice %arg6[%add3A, %run_scoped3A_75, %dma_wait3A_96] : memref<32x8x10240xf32, #tpu.memory_space<hbm>> -> memref<1x1x10240xf32, #tpu.memory_space<hbm>>
      %dma_wait3A_98 = tpu.memref_squeeze %dma_wait3A_97 : memref<1x1x10240xf32, #tpu.memory_space<hbm>> -> memref<10240xf32, #tpu.memory_space<hbm>>
      %dma_wait3A_99 = arith.constant 20480 : i32
      %dma_wait3A_100 = tpu.memref_slice %arg7[%dma_wait3A_99] : memref<81920xf32, #tpu.memory_space<vmem>> -> memref<10240xf32, #tpu.memory_space<vmem>>
      tpu.wait_dma2 semaphore(%run_scoped3A_81 : memref<!tpu.dma_semaphore, #tpu.memory_space<semaphore_mem>>) src(%dma_wait3A_100 : memref<10240xf32, #tpu.memory_space<vmem>>) dst(%dma_wait3A_98 : memref<10240xf32, #tpu.memory_space<hbm>>)
      tpu.yield
    }) : () -> ()
    %run_scoped3A_76 = arith.constant 3 : i32
    "tpu.region"() ({
      %run_scoped3A_81 = tpu.sem_alloc : memref<!tpu.dma_semaphore, #tpu.memory_space<semaphore_mem>>
      %dma_start3A_82 = arith.constant 30720 : i32
      %dma_start3A_83 = tpu.memref_slice %arg7[%dma_start3A_82] : memref<81920xf32, #tpu.memory_space<vmem>> -> memref<10240xf32, #tpu.memory_space<vmem>>
      %dma_start3A_84 = arith.constant 0 : i32
      %dma_start3A_85 = tpu.memref_slice %arg6[%add3A, %run_scoped3A_76, %dma_start3A_84] : memref<32x8x10240xf32, #tpu.memory_space<hbm>> -> memref<1x1x10240xf32, #tpu.memory_space<hbm>>
      %dma_start3A_86 = tpu.memref_squeeze %dma_start3A_85 : memref<1x1x10240xf32, #tpu.memory_space<hbm>> -> memref<10240xf32, #tpu.memory_space<hbm>>
      %dma_start3A_87 = arith.constant 0 : i32
      %dma_start3A_88 = tpu.memref_slice %arg6[%add3A, %run_scoped3A_76, %dma_start3A_87] : memref<32x8x10240xf32, #tpu.memory_space<hbm>> -> memref<1x1x10240xf32, #tpu.memory_space<hbm>>
      %dma_start3A_89 = tpu.memref_squeeze %dma_start3A_88 : memref<1x1x10240xf32, #tpu.memory_space<hbm>> -> memref<10240xf32, #tpu.memory_space<hbm>>
      %dma_start3A_90 = arith.constant 30720 : i32
      %dma_start3A_91 = tpu.memref_slice %arg7[%dma_start3A_90] : memref<81920xf32, #tpu.memory_space<vmem>> -> memref<10240xf32, #tpu.memory_space<vmem>>
      tpu.enqueue_dma source(%dma_start3A_91 : memref<10240xf32, #tpu.memory_space<vmem>>) target(%dma_start3A_89 : memref<10240xf32, #tpu.memory_space<hbm>>) target_semaphore(%run_scoped3A_81 : memref<!tpu.dma_semaphore, #tpu.memory_space<semaphore_mem>>)
      %dma_wait3A = arith.constant 30720 : i32
      %dma_wait3A_92 = tpu.memref_slice %arg7[%dma_wait3A] : memref<81920xf32, #tpu.memory_space<vmem>> -> memref<10240xf32, #tpu.memory_space<vmem>>
      %dma_wait3A_93 = arith.constant 0 : i32
      %dma_wait3A_94 = tpu.memref_slice %arg6[%add3A, %run_scoped3A_76, %dma_wait3A_93] : memref<32x8x10240xf32, #tpu.memory_space<hbm>> -> memref<1x1x10240xf32, #tpu.memory_space<hbm>>
      %dma_wait3A_95 = tpu.memref_squeeze %dma_wait3A_94 : memref<1x1x10240xf32, #tpu.memory_space<hbm>> -> memref<10240xf32, #tpu.memory_space<hbm>>
      %dma_wait3A_96 = arith.constant 0 : i32
      %dma_wait3A_97 = tpu.memref_slice %arg6[%add3A, %run_scoped3A_76, %dma_wait3A_96] : memref<32x8x10240xf32, #tpu.memory_space<hbm>> -> memref<1x1x10240xf32, #tpu.memory_space<hbm>>
      %dma_wait3A_98 = tpu.memref_squeeze %dma_wait3A_97 : memref<1x1x10240xf32, #tpu.memory_space<hbm>> -> memref<10240xf32, #tpu.memory_space<hbm>>
      %dma_wait3A_99 = arith.constant 30720 : i32
      %dma_wait3A_100 = tpu.memref_slice %arg7[%dma_wait3A_99] : memref<81920xf32, #tpu.memory_space<vmem>> -> memref<10240xf32, #tpu.memory_space<vmem>>
      tpu.wait_dma2 semaphore(%run_scoped3A_81 : memref<!tpu.dma_semaphore, #tpu.memory_space<semaphore_mem>>) src(%dma_wait3A_100 : memref<10240xf32, #tpu.memory_space<vmem>>) dst(%dma_wait3A_98 : memref<10240xf32, #tpu.memory_space<hbm>>)
      tpu.yield
    }) : () -> ()
    %run_scoped3A_77 = arith.constant 4 : i32
    "tpu.region"() ({
      %run_scoped3A_81 = tpu.sem_alloc : memref<!tpu.dma_semaphore, #tpu.memory_space<semaphore_mem>>
      %dma_start3A_82 = arith.constant 40960 : i32
      %dma_start3A_83 = tpu.memref_slice %arg7[%dma_start3A_82] : memref<81920xf32, #tpu.memory_space<vmem>> -> memref<10240xf32, #tpu.memory_space<vmem>>
      %dma_start3A_84 = arith.constant 0 : i32
      %dma_start3A_85 = tpu.memref_slice %arg6[%add3A, %run_scoped3A_77, %dma_start3A_84] : memref<32x8x10240xf32, #tpu.memory_space<hbm>> -> memref<1x1x10240xf32, #tpu.memory_space<hbm>>
      %dma_start3A_86 = tpu.memref_squeeze %dma_start3A_85 : memref<1x1x10240xf32, #tpu.memory_space<hbm>> -> memref<10240xf32, #tpu.memory_space<hbm>>
      %dma_start3A_87 = arith.constant 0 : i32
      %dma_start3A_88 = tpu.memref_slice %arg6[%add3A, %run_scoped3A_77, %dma_start3A_87] : memref<32x8x10240xf32, #tpu.memory_space<hbm>> -> memref<1x1x10240xf32, #tpu.memory_space<hbm>>
      %dma_start3A_89 = tpu.memref_squeeze %dma_start3A_88 : memref<1x1x10240xf32, #tpu.memory_space<hbm>> -> memref<10240xf32, #tpu.memory_space<hbm>>
      %dma_start3A_90 = arith.constant 40960 : i32
      %dma_start3A_91 = tpu.memref_slice %arg7[%dma_start3A_90] : memref<81920xf32, #tpu.memory_space<vmem>> -> memref<10240xf32, #tpu.memory_space<vmem>>
      tpu.enqueue_dma source(%dma_start3A_91 : memref<10240xf32, #tpu.memory_space<vmem>>) target(%dma_start3A_89 : memref<10240xf32, #tpu.memory_space<hbm>>) target_semaphore(%run_scoped3A_81 : memref<!tpu.dma_semaphore, #tpu.memory_space<semaphore_mem>>)
      %dma_wait3A = arith.constant 40960 : i32
      %dma_wait3A_92 = tpu.memref_slice %arg7[%dma_wait3A] : memref<81920xf32, #tpu.memory_space<vmem>> -> memref<10240xf32, #tpu.memory_space<vmem>>
      %dma_wait3A_93 = arith.constant 0 : i32
      %dma_wait3A_94 = tpu.memref_slice %arg6[%add3A, %run_scoped3A_77, %dma_wait3A_93] : memref<32x8x10240xf32, #tpu.memory_space<hbm>> -> memref<1x1x10240xf32, #tpu.memory_space<hbm>>
      %dma_wait3A_95 = tpu.memref_squeeze %dma_wait3A_94 : memref<1x1x10240xf32, #tpu.memory_space<hbm>> -> memref<10240xf32, #tpu.memory_space<hbm>>
      %dma_wait3A_96 = arith.constant 0 : i32
      %dma_wait3A_97 = tpu.memref_slice %arg6[%add3A, %run_scoped3A_77, %dma_wait3A_96] : memref<32x8x10240xf32, #tpu.memory_space<hbm>> -> memref<1x1x10240xf32, #tpu.memory_space<hbm>>
      %dma_wait3A_98 = tpu.memref_squeeze %dma_wait3A_97 : memref<1x1x10240xf32, #tpu.memory_space<hbm>> -> memref<10240xf32, #tpu.memory_space<hbm>>
      %dma_wait3A_99 = arith.constant 40960 : i32
      %dma_wait3A_100 = tpu.memref_slice %arg7[%dma_wait3A_99] : memref<81920xf32, #tpu.memory_space<vmem>> -> memref<10240xf32, #tpu.memory_space<vmem>>
      tpu.wait_dma2 semaphore(%run_scoped3A_81 : memref<!tpu.dma_semaphore, #tpu.memory_space<semaphore_mem>>) src(%dma_wait3A_100 : memref<10240xf32, #tpu.memory_space<vmem>>) dst(%dma_wait3A_98 : memref<10240xf32, #tpu.memory_space<hbm>>)
      tpu.yield
    }) : () -> ()
    %run_scoped3A_78 = arith.constant 5 : i32
    "tpu.region"() ({
      %run_scoped3A_81 = tpu.sem_alloc : memref<!tpu.dma_semaphore, #tpu.memory_space<semaphore_mem>>
      %dma_start3A_82 = arith.constant 51200 : i32
      %dma_start3A_83 = tpu.memref_slice %arg7[%dma_start3A_82] : memref<81920xf32, #tpu.memory_space<vmem>> -> memref<10240xf32, #tpu.memory_space<vmem>>
      %dma_start3A_84 = arith.constant 0 : i32
      %dma_start3A_85 = tpu.memref_slice %arg6[%add3A, %run_scoped3A_78, %dma_start3A_84] : memref<32x8x10240xf32, #tpu.memory_space<hbm>> -> memref<1x1x10240xf32, #tpu.memory_space<hbm>>
      %dma_start3A_86 = tpu.memref_squeeze %dma_start3A_85 : memref<1x1x10240xf32, #tpu.memory_space<hbm>> -> memref<10240xf32, #tpu.memory_space<hbm>>
      %dma_start3A_87 = arith.constant 0 : i32
      %dma_start3A_88 = tpu.memref_slice %arg6[%add3A, %run_scoped3A_78, %dma_start3A_87] : memref<32x8x10240xf32, #tpu.memory_space<hbm>> -> memref<1x1x10240xf32, #tpu.memory_space<hbm>>
      %dma_start3A_89 = tpu.memref_squeeze %dma_start3A_88 : memref<1x1x10240xf32, #tpu.memory_space<hbm>> -> memref<10240xf32, #tpu.memory_space<hbm>>
      %dma_start3A_90 = arith.constant 51200 : i32
      %dma_start3A_91 = tpu.memref_slice %arg7[%dma_start3A_90] : memref<81920xf32, #tpu.memory_space<vmem>> -> memref<10240xf32, #tpu.memory_space<vmem>>
      tpu.enqueue_dma source(%dma_start3A_91 : memref<10240xf32, #tpu.memory_space<vmem>>) target(%dma_start3A_89 : memref<10240xf32, #tpu.memory_space<hbm>>) target_semaphore(%run_scoped3A_81 : memref<!tpu.dma_semaphore, #tpu.memory_space<semaphore_mem>>)
      %dma_wait3A = arith.constant 51200 : i32
      %dma_wait3A_92 = tpu.memref_slice %arg7[%dma_wait3A] : memref<81920xf32, #tpu.memory_space<vmem>> -> memref<10240xf32, #tpu.memory_space<vmem>>
      %dma_wait3A_93 = arith.constant 0 : i32
      %dma_wait3A_94 = tpu.memref_slice %arg6[%add3A, %run_scoped3A_78, %dma_wait3A_93] : memref<32x8x10240xf32, #tpu.memory_space<hbm>> -> memref<1x1x10240xf32, #tpu.memory_space<hbm>>
      %dma_wait3A_95 = tpu.memref_squeeze %dma_wait3A_94 : memref<1x1x10240xf32, #tpu.memory_space<hbm>> -> memref<10240xf32, #tpu.memory_space<hbm>>
      %dma_wait3A_96 = arith.constant 0 : i32
      %dma_wait3A_97 = tpu.memref_slice %arg6[%add3A, %run_scoped3A_78, %dma_wait3A_96] : memref<32x8x10240xf32, #tpu.memory_space<hbm>> -> memref<1x1x10240xf32, #tpu.memory_space<hbm>>
      %dma_wait3A_98 = tpu.memref_squeeze %dma_wait3A_97 : memref<1x1x10240xf32, #tpu.memory_space<hbm>> -> memref<10240xf32, #tpu.memory_space<hbm>>
      %dma_wait3A_99 = arith.constant 51200 : i32
      %dma_wait3A_100 = tpu.memref_slice %arg7[%dma_wait3A_99] : memref<81920xf32, #tpu.memory_space<vmem>> -> memref<10240xf32, #tpu.memory_space<vmem>>
      tpu.wait_dma2 semaphore(%run_scoped3A_81 : memref<!tpu.dma_semaphore, #tpu.memory_space<semaphore_mem>>) src(%dma_wait3A_100 : memref<10240xf32, #tpu.memory_space<vmem>>) dst(%dma_wait3A_98 : memref<10240xf32, #tpu.memory_space<hbm>>)
      tpu.yield
    }) : () -> ()
    %run_scoped3A_79 = arith.constant 6 : i32
    "tpu.region"() ({
      %run_scoped3A_81 = tpu.sem_alloc : memref<!tpu.dma_semaphore, #tpu.memory_space<semaphore_mem>>
      %dma_start3A_82 = arith.constant 61440 : i32
      %dma_start3A_83 = tpu.memref_slice %arg7[%dma_start3A_82] : memref<81920xf32, #tpu.memory_space<vmem>> -> memref<10240xf32, #tpu.memory_space<vmem>>
      %dma_start3A_84 = arith.constant 0 : i32
      %dma_start3A_85 = tpu.memref_slice %arg6[%add3A, %run_scoped3A_79, %dma_start3A_84] : memref<32x8x10240xf32, #tpu.memory_space<hbm>> -> memref<1x1x10240xf32, #tpu.memory_space<hbm>>
      %dma_start3A_86 = tpu.memref_squeeze %dma_start3A_85 : memref<1x1x10240xf32, #tpu.memory_space<hbm>> -> memref<10240xf32, #tpu.memory_space<hbm>>
      %dma_start3A_87 = arith.constant 0 : i32
      %dma_start3A_88 = tpu.memref_slice %arg6[%add3A, %run_scoped3A_79, %dma_start3A_87] : memref<32x8x10240xf32, #tpu.memory_space<hbm>> -> memref<1x1x10240xf32, #tpu.memory_space<hbm>>
      %dma_start3A_89 = tpu.memref_squeeze %dma_start3A_88 : memref<1x1x10240xf32, #tpu.memory_space<hbm>> -> memref<10240xf32, #tpu.memory_space<hbm>>
      %dma_start3A_90 = arith.constant 61440 : i32
      %dma_start3A_91 = tpu.memref_slice %arg7[%dma_start3A_90] : memref<81920xf32, #tpu.memory_space<vmem>> -> memref<10240xf32, #tpu.memory_space<vmem>>
      tpu.enqueue_dma source(%dma_start3A_91 : memref<10240xf32, #tpu.memory_space<vmem>>) target(%dma_start3A_89 : memref<10240xf32, #tpu.memory_space<hbm>>) target_semaphore(%run_scoped3A_81 : memref<!tpu.dma_semaphore, #tpu.memory_space<semaphore_mem>>)
      %dma_wait3A = arith.constant 61440 : i32
      %dma_wait3A_92 = tpu.memref_slice %arg7[%dma_wait3A] : memref<81920xf32, #tpu.memory_space<vmem>> -> memref<10240xf32, #tpu.memory_space<vmem>>
      %dma_wait3A_93 = arith.constant 0 : i32
      %dma_wait3A_94 = tpu.memref_slice %arg6[%add3A, %run_scoped3A_79, %dma_wait3A_93] : memref<32x8x10240xf32, #tpu.memory_space<hbm>> -> memref<1x1x10240xf32, #tpu.memory_space<hbm>>
      %dma_wait3A_95 = tpu.memref_squeeze %dma_wait3A_94 : memref<1x1x10240xf32, #tpu.memory_space<hbm>> -> memref<10240xf32, #tpu.memory_space<hbm>>
      %dma_wait3A_96 = arith.constant 0 : i32
      %dma_wait3A_97 = tpu.memref_slice %arg6[%add3A, %run_scoped3A_79, %dma_wait3A_96] : memref<32x8x10240xf32, #tpu.memory_space<hbm>> -> memref<1x1x10240xf32, #tpu.memory_space<hbm>>
      %dma_wait3A_98 = tpu.memref_squeeze %dma_wait3A_97 : memref<1x1x10240xf32, #tpu.memory_space<hbm>> -> memref<10240xf32, #tpu.memory_space<hbm>>
      %dma_wait3A_99 = arith.constant 61440 : i32
      %dma_wait3A_100 = tpu.memref_slice %arg7[%dma_wait3A_99] : memref<81920xf32, #tpu.memory_space<vmem>> -> memref<10240xf32, #tpu.memory_space<vmem>>
      tpu.wait_dma2 semaphore(%run_scoped3A_81 : memref<!tpu.dma_semaphore, #tpu.memory_space<semaphore_mem>>) src(%dma_wait3A_100 : memref<10240xf32, #tpu.memory_space<vmem>>) dst(%dma_wait3A_98 : memref<10240xf32, #tpu.memory_space<hbm>>)
      tpu.yield
    }) : () -> ()
    %run_scoped3A_80 = arith.constant 7 : i32
    "tpu.region"() ({
      %run_scoped3A_81 = tpu.sem_alloc : memref<!tpu.dma_semaphore, #tpu.memory_space<semaphore_mem>>
      %dma_start3A_82 = arith.constant 71680 : i32
      %dma_start3A_83 = tpu.memref_slice %arg7[%dma_start3A_82] : memref<81920xf32, #tpu.memory_space<vmem>> -> memref<10240xf32, #tpu.memory_space<vmem>>
      %dma_start3A_84 = arith.constant 0 : i32
      %dma_start3A_85 = tpu.memref_slice %arg6[%add3A, %run_scoped3A_80, %dma_start3A_84] : memref<32x8x10240xf32, #tpu.memory_space<hbm>> -> memref<1x1x10240xf32, #tpu.memory_space<hbm>>
      %dma_start3A_86 = tpu.memref_squeeze %dma_start3A_85 : memref<1x1x10240xf32, #tpu.memory_space<hbm>> -> memref<10240xf32, #tpu.memory_space<hbm>>
      %dma_start3A_87 = arith.constant 0 : i32
      %dma_start3A_88 = tpu.memref_slice %arg6[%add3A, %run_scoped3A_80, %dma_start3A_87] : memref<32x8x10240xf32, #tpu.memory_space<hbm>> -> memref<1x1x10240xf32, #tpu.memory_space<hbm>>
      %dma_start3A_89 = tpu.memref_squeeze %dma_start3A_88 : memref<1x1x10240xf32, #tpu.memory_space<hbm>> -> memref<10240xf32, #tpu.memory_space<hbm>>
      %dma_start3A_90 = arith.constant 71680 : i32
      %dma_start3A_91 = tpu.memref_slice %arg7[%dma_start3A_90] : memref<81920xf32, #tpu.memory_space<vmem>> -> memref<10240xf32, #tpu.memory_space<vmem>>
      tpu.enqueue_dma source(%dma_start3A_91 : memref<10240xf32, #tpu.memory_space<vmem>>) target(%dma_start3A_89 : memref<10240xf32, #tpu.memory_space<hbm>>) target_semaphore(%run_scoped3A_81 : memref<!tpu.dma_semaphore, #tpu.memory_space<semaphore_mem>>)
      %dma_wait3A = arith.constant 71680 : i32
      %dma_wait3A_92 = tpu.memref_slice %arg7[%dma_wait3A] : memref<81920xf32, #tpu.memory_space<vmem>> -> memref<10240xf32, #tpu.memory_space<vmem>>
      %dma_wait3A_93 = arith.constant 0 : i32
      %dma_wait3A_94 = tpu.memref_slice %arg6[%add3A, %run_scoped3A_80, %dma_wait3A_93] : memref<32x8x10240xf32, #tpu.memory_space<hbm>> -> memref<1x1x10240xf32, #tpu.memory_space<hbm>>
      %dma_wait3A_95 = tpu.memref_squeeze %dma_wait3A_94 : memref<1x1x10240xf32, #tpu.memory_space<hbm>> -> memref<10240xf32, #tpu.memory_space<hbm>>
      %dma_wait3A_96 = arith.constant 0 : i32
      %dma_wait3A_97 = tpu.memref_slice %arg6[%add3A, %run_scoped3A_80, %dma_wait3A_96] : memref<32x8x10240xf32, #tpu.memory_space<hbm>> -> memref<1x1x10240xf32, #tpu.memory_space<hbm>>
      %dma_wait3A_98 = tpu.memref_squeeze %dma_wait3A_97 : memref<1x1x10240xf32, #tpu.memory_space<hbm>> -> memref<10240xf32, #tpu.memory_space<hbm>>
      %dma_wait3A_99 = arith.constant 71680 : i32
      %dma_wait3A_100 = tpu.memref_slice %arg7[%dma_wait3A_99] : memref<81920xf32, #tpu.memory_space<vmem>> -> memref<10240xf32, #tpu.memory_space<vmem>>
      tpu.wait_dma2 semaphore(%run_scoped3A_81 : memref<!tpu.dma_semaphore, #tpu.memory_space<semaphore_mem>>) src(%dma_wait3A_100 : memref<10240xf32, #tpu.memory_space<vmem>>) dst(%dma_wait3A_98 : memref<10240xf32, #tpu.memory_space<hbm>>)
      tpu.yield
    }) : () -> ()
    return
  }
}

#map = affine_map<(d0, d1) -> (0, 0)>
#map1 = affine_map<(d0, d1) -> (0)>
#map2 = affine_map<(d0, d1) -> (0, 0, 0)>
module attributes {stable_mosaic.version = 14 : i64} {
  func.func @_edge_body(%arg0: i32, %arg1: i32, %arg2: memref<10240x48xf32, #tpu.memory_space<hbm>>, %arg3: memref<163840xi32, #tpu.memory_space<hbm>>, %arg4: memref<163840xi32, #tpu.memory_space<hbm>>, %arg5: memref<983040xf32, #tpu.memory_space<hbm>>, %arg6: memref<32x8x10240xf32, #tpu.memory_space<hbm>>, %arg7: memref<81920xf32, #tpu.memory_space<vmem>>, %arg8: memref<5120xi32, #tpu.memory_space<vmem>>, %arg9: memref<128xi32, #tpu.memory_space<vmem>>, %arg10: memref<128xi32, #tpu.memory_space<vmem>>, %arg11: memref<768xf32, #tpu.memory_space<vmem>>, %arg12: memref<768xf32, #tpu.memory_space<vmem>>, %arg13: memref<128x48xf32, #tpu.memory_space<vmem>>, %arg14: memref<128x48xf32, #tpu.memory_space<vmem>>, %arg15: memref<6192xf32, #tpu.memory_space<vmem>>, %arg16: memref<!tpu.dma_semaphore, #tpu.memory_space<semaphore_mem>>, %arg17: memref<!tpu.dma_semaphore, #tpu.memory_space<semaphore_mem>>, %arg18: memref<!tpu.dma_semaphore, #tpu.memory_space<semaphore_mem>>, %arg19: memref<!tpu.dma_semaphore, #tpu.memory_space<semaphore_mem>>) attributes {dimension_semantics = [#tpu.dimension_semantics<core_parallel>, #tpu.dimension_semantics<subcore_parallel>], iteration_bounds = array<i64: 2, 16>, scalar_prefetch = 0 : i64, scratch_operands = 13 : i64, tpu.core_type = #tpu.core_type<sc_vector_subcore>, window_params = [{transform_indices = #map}, {transform_indices = #map1}, {transform_indices = #map1}, {transform_indices = #map1}, {transform_indices = #map2}]} {
    %mul3A = arith.constant 2 : i32
    %mul3A_0 = arith.muli %arg1, %mul3A : i32
    %add3A = arith.addi %mul3A_0, %arg0 : i32
    %mul3A_1 = arith.constant 5120 : i32
    %mul3A_2 = arith.muli %add3A, %mul3A_1 : i32
    %iota3A = tpu.iota {dimensions = array<i32: 0>} : vector<16xi32>
    %add3A_3 = arith.constant 0 : i32
    %add3A_4 = vector.broadcast %add3A_3 : i32 to vector<16xi32>
    %add3A_5 = arith.addi %iota3A, %add3A_4 : vector<16xi32>
    %mul3A_6 = arith.constant 129 : i32
    %mul3A_7 = vector.broadcast %mul3A_6 : i32 to vector<16xi32>
    %mul3A_8 = arith.muli %add3A_5, %mul3A_7 : vector<16xi32>
    %iota3A_9 = tpu.iota {dimensions = array<i32: 0>} : vector<16xi32>
    %add3A_10 = arith.constant 16 : i32
    %add3A_11 = vector.broadcast %add3A_10 : i32 to vector<16xi32>
    %add3A_12 = arith.addi %iota3A_9, %add3A_11 : vector<16xi32>
    %mul3A_13 = arith.constant 129 : i32
    %mul3A_14 = vector.broadcast %mul3A_13 : i32 to vector<16xi32>
    %mul3A_15 = arith.muli %add3A_12, %mul3A_14 : vector<16xi32>
    %iota3A_16 = tpu.iota {dimensions = array<i32: 0>} : vector<16xi32>
    %add3A_17 = arith.constant 32 : i32
    %add3A_18 = vector.broadcast %add3A_17 : i32 to vector<16xi32>
    %add3A_19 = arith.addi %iota3A_16, %add3A_18 : vector<16xi32>
    %mul3A_20 = arith.constant 129 : i32
    %mul3A_21 = vector.broadcast %mul3A_20 : i32 to vector<16xi32>
    %mul3A_22 = arith.muli %add3A_19, %mul3A_21 : vector<16xi32>
    "tpu.region"() ({
      %run_scoped3A_81 = tpu.sem_alloc : memref<!tpu.dma_semaphore, #tpu.memory_space<semaphore_mem>>
      %dma_start3A_82 = tpu.memref_slice %arg3[%mul3A_2] : memref<163840xi32, #tpu.memory_space<hbm>> -> memref<5120xi32, #tpu.memory_space<hbm>>
      %dma_start3A_83 = tpu.memref_slice %arg3[%mul3A_2] : memref<163840xi32, #tpu.memory_space<hbm>> -> memref<5120xi32, #tpu.memory_space<hbm>>
      tpu.enqueue_dma source(%dma_start3A_83 : memref<5120xi32, #tpu.memory_space<hbm>>) target(%arg8 : memref<5120xi32, #tpu.memory_space<vmem>>) target_semaphore(%run_scoped3A_81 : memref<!tpu.dma_semaphore, #tpu.memory_space<semaphore_mem>>)
      %dma_wait3A = tpu.memref_slice %arg3[%mul3A_2] : memref<163840xi32, #tpu.memory_space<hbm>> -> memref<5120xi32, #tpu.memory_space<hbm>>
      %dma_wait3A_84 = tpu.memref_slice %arg3[%mul3A_2] : memref<163840xi32, #tpu.memory_space<hbm>> -> memref<5120xi32, #tpu.memory_space<hbm>>
      tpu.wait_dma2 semaphore(%run_scoped3A_81 : memref<!tpu.dma_semaphore, #tpu.memory_space<semaphore_mem>>) src(%dma_wait3A_84 : memref<5120xi32, #tpu.memory_space<hbm>>) dst(%arg8 : memref<5120xi32, #tpu.memory_space<vmem>>)
      tpu.yield
    }) : () -> ()
    %mul3A_23 = arith.constant 40 : i32
    %mul3A_24 = arith.muli %add3A, %mul3A_23 : i32
    %add3A_25 = arith.constant 0 : i32
    %add3A_26 = arith.addi %mul3A_24, %add3A_25 : i32
    %mul3A_27 = arith.constant 128 : i32
    %mul3A_28 = arith.muli %add3A_26, %mul3A_27 : i32
    %dma_start3A = tpu.memref_slice %arg4[%mul3A_28] : memref<163840xi32, #tpu.memory_space<hbm>> -> memref<128xi32, #tpu.memory_space<hbm>>
    %dma_start3A_29 = tpu.memref_slice %arg4[%mul3A_28] : memref<163840xi32, #tpu.memory_space<hbm>> -> memref<128xi32, #tpu.memory_space<hbm>>
    tpu.enqueue_dma source(%dma_start3A_29 : memref<128xi32, #tpu.memory_space<hbm>>) target(%arg9 : memref<128xi32, #tpu.memory_space<vmem>>) target_semaphore(%arg18 : memref<!tpu.dma_semaphore, #tpu.memory_space<semaphore_mem>>)
    %mul3A_30 = arith.constant 6 : i32
    %mul3A_31 = arith.muli %add3A_26, %mul3A_30 : i32
    %mul3A_32 = arith.constant 128 : i32
    %mul3A_33 = arith.muli %mul3A_31, %mul3A_32 : i32
    %dma_start3A_34 = tpu.memref_slice %arg5[%mul3A_33] : memref<983040xf32, #tpu.memory_space<hbm>> -> memref<768xf32, #tpu.memory_space<hbm>>
    %dma_start3A_35 = tpu.memref_slice %arg5[%mul3A_33] : memref<983040xf32, #tpu.memory_space<hbm>> -> memref<768xf32, #tpu.memory_space<hbm>>
    tpu.enqueue_dma source(%dma_start3A_35 : memref<768xf32, #tpu.memory_space<hbm>>) target(%arg11 : memref<768xf32, #tpu.memory_space<vmem>>) target_semaphore(%arg18 : memref<!tpu.dma_semaphore, #tpu.memory_space<semaphore_mem>>)
    %dma_start3A_36 = arith.constant 0 : i32
    %dma_start3A_37 = tpu.memref_slice %arg8[%dma_start3A_36] : memref<5120xi32, #tpu.memory_space<vmem>> -> memref<128xi32, #tpu.memory_space<vmem>>
    %dma_start3A_38 = arith.constant 0 : i32
    %dma_start3A_39 = arith.constant 0 : i32
    %dma_start3A_40 = tpu.memref_slice %arg2[%dma_start3A_38, %dma_start3A_39] : memref<10240x48xf32, #tpu.memory_space<hbm>> -> memref<10240x48xf32, #tpu.memory_space<hbm>>
    tpu.enqueue_indirect_dma source(%dma_start3A_40 : memref<10240x48xf32, #tpu.memory_space<hbm>>) target(%arg13 : memref<128x48xf32, #tpu.memory_space<vmem>>) offsets(%dma_start3A_37 : memref<128xi32, #tpu.memory_space<vmem>>) semaphore(%arg16 : memref<!tpu.dma_semaphore, #tpu.memory_space<semaphore_mem>>)
    %mul3A_41 = arith.constant 40 : i32
    %mul3A_42 = arith.muli %add3A, %mul3A_41 : i32
    %add3A_43 = arith.constant 1 : i32
    %add3A_44 = arith.addi %mul3A_42, %add3A_43 : i32
    %mul3A_45 = arith.constant 128 : i32
    %mul3A_46 = arith.muli %add3A_44, %mul3A_45 : i32
    %dma_start3A_47 = tpu.memref_slice %arg4[%mul3A_46] : memref<163840xi32, #tpu.memory_space<hbm>> -> memref<128xi32, #tpu.memory_space<hbm>>
    %dma_start3A_48 = tpu.memref_slice %arg4[%mul3A_46] : memref<163840xi32, #tpu.memory_space<hbm>> -> memref<128xi32, #tpu.memory_space<hbm>>
    tpu.enqueue_dma source(%dma_start3A_48 : memref<128xi32, #tpu.memory_space<hbm>>) target(%arg10 : memref<128xi32, #tpu.memory_space<vmem>>) target_semaphore(%arg19 : memref<!tpu.dma_semaphore, #tpu.memory_space<semaphore_mem>>)
    %mul3A_49 = arith.constant 6 : i32
    %mul3A_50 = arith.muli %add3A_44, %mul3A_49 : i32
    %mul3A_51 = arith.constant 128 : i32
    %mul3A_52 = arith.muli %mul3A_50, %mul3A_51 : i32
    %dma_start3A_53 = tpu.memref_slice %arg5[%mul3A_52] : memref<983040xf32, #tpu.memory_space<hbm>> -> memref<768xf32, #tpu.memory_space<hbm>>
    %dma_start3A_54 = tpu.memref_slice %arg5[%mul3A_52] : memref<983040xf32, #tpu.memory_space<hbm>> -> memref<768xf32, #tpu.memory_space<hbm>>
    tpu.enqueue_dma source(%dma_start3A_54 : memref<768xf32, #tpu.memory_space<hbm>>) target(%arg12 : memref<768xf32, #tpu.memory_space<vmem>>) target_semaphore(%arg19 : memref<!tpu.dma_semaphore, #tpu.memory_space<semaphore_mem>>)
    %dma_start3A_55 = arith.constant 128 : i32
    %dma_start3A_56 = tpu.memref_slice %arg8[%dma_start3A_55] : memref<5120xi32, #tpu.memory_space<vmem>> -> memref<128xi32, #tpu.memory_space<vmem>>
    %dma_start3A_57 = arith.constant 0 : i32
    %dma_start3A_58 = arith.constant 0 : i32
    %dma_start3A_59 = tpu.memref_slice %arg2[%dma_start3A_57, %dma_start3A_58] : memref<10240x48xf32, #tpu.memory_space<hbm>> -> memref<10240x48xf32, #tpu.memory_space<hbm>>
    tpu.enqueue_indirect_dma source(%dma_start3A_59 : memref<10240x48xf32, #tpu.memory_space<hbm>>) target(%arg14 : memref<128x48xf32, #tpu.memory_space<vmem>>) offsets(%dma_start3A_56 : memref<128xi32, #tpu.memory_space<vmem>>) semaphore(%arg17 : memref<!tpu.dma_semaphore, #tpu.memory_space<semaphore_mem>>)
    %broadcast_in_dim3A = arith.constant 0.000000e+00 : f32
    %broadcast_in_dim3A_60 = vector.broadcast %broadcast_in_dim3A : f32 to vector<16xf32>
    %scan3A = arith.constant 0 : i32
    %scan3A_61 = arith.constant 0 : i32
    %scan3A_62 = arith.constant 320 : i32
    %scan3A_63 = arith.addi %scan3A_61, %scan3A_62 : i32
    %scan3A_64 = arith.constant 1 : i32
    %scan3A_65 = scf.for %scan3A_81 = %scan3A_61 to %scan3A_63 step %scan3A_64 iter_args(%scan3A_82 = %scan3A) -> (i32)  : i32 {
      %mul3A_83 = arith.constant 16 : i32
      %mul3A_84 = arith.muli %scan3A_81, %mul3A_83 : i32
      %add3A_85 = arith.constant 0 : i32
      %add3A_86 = arith.addi %mul3A_84, %add3A_85 : i32
      %mul3A_87 = arith.constant 16 : i32
      %mul3A_88 = arith.muli %add3A_86, %mul3A_87 : i32
      %swap3A = arith.index_cast %mul3A_88 : i32 to index
      %swap3A_89 = tpu.vector_load %arg7[%swap3A] {strides = array<i32>} : memref<81920xf32, #tpu.memory_space<vmem>>, vector<16xf32>,
      tpu.vector_store %arg7[%swap3A], %broadcast_in_dim3A_60 {strides = array<i32>} : memref<81920xf32, #tpu.memory_space<vmem>>, vector<16xf32>,
      %mul3A_90 = arith.constant 16 : i32
      %mul3A_91 = arith.muli %scan3A_81, %mul3A_90 : i32
      %add3A_92 = arith.constant 1 : i32
      %add3A_93 = arith.addi %mul3A_91, %add3A_92 : i32
      %mul3A_94 = arith.constant 16 : i32
      %mul3A_95 = arith.muli %add3A_93, %mul3A_94 : i32
      %swap3A_96 = arith.index_cast %mul3A_95 : i32 to index
      %swap3A_97 = tpu.vector_load %arg7[%swap3A_96] {strides = array<i32>} : memref<81920xf32, #tpu.memory_space<vmem>>, vector<16xf32>,
      tpu.vector_store %arg7[%swap3A_96], %broadcast_in_dim3A_60 {strides = array<i32>} : memref<81920xf32, #tpu.memory_space<vmem>>, vector<16xf32>,
      %mul3A_98 = arith.constant 16 : i32
      %mul3A_99 = arith.muli %scan3A_81, %mul3A_98 : i32
      %add3A_100 = arith.constant 2 : i32
      %add3A_101 = arith.addi %mul3A_99, %add3A_100 : i32
      %mul3A_102 = arith.constant 16 : i32
      %mul3A_103 = arith.muli %add3A_101, %mul3A_102 : i32
      %swap3A_104 = arith.index_cast %mul3A_103 : i32 to index
      %swap3A_105 = tpu.vector_load %arg7[%swap3A_104] {strides = array<i32>} : memref<81920xf32, #tpu.memory_space<vmem>>, vector<16xf32>,
      tpu.vector_store %arg7[%swap3A_104], %broadcast_in_dim3A_60 {strides = array<i32>} : memref<81920xf32, #tpu.memory_space<vmem>>, vector<16xf32>,
      %mul3A_106 = arith.constant 16 : i32
      %mul3A_107 = arith.muli %scan3A_81, %mul3A_106 : i32
      %add3A_108 = arith.constant 3 : i32
      %add3A_109 = arith.addi %mul3A_107, %add3A_108 : i32
      %mul3A_110 = arith.constant 16 : i32
      %mul3A_111 = arith.muli %add3A_109, %mul3A_110 : i32
      %swap3A_112 = arith.index_cast %mul3A_111 : i32 to index
      %swap3A_113 = tpu.vector_load %arg7[%swap3A_112] {strides = array<i32>} : memref<81920xf32, #tpu.memory_space<vmem>>, vector<16xf32>,
      tpu.vector_store %arg7[%swap3A_112], %broadcast_in_dim3A_60 {strides = array<i32>} : memref<81920xf32, #tpu.memory_space<vmem>>, vector<16xf32>,
      %mul3A_114 = arith.constant 16 : i32
      %mul3A_115 = arith.muli %scan3A_81, %mul3A_114 : i32
      %add3A_116 = arith.constant 4 : i32
      %add3A_117 = arith.addi %mul3A_115, %add3A_116 : i32
      %mul3A_118 = arith.constant 16 : i32
      %mul3A_119 = arith.muli %add3A_117, %mul3A_118 : i32
      %swap3A_120 = arith.index_cast %mul3A_119 : i32 to index
      %swap3A_121 = tpu.vector_load %arg7[%swap3A_120] {strides = array<i32>} : memref<81920xf32, #tpu.memory_space<vmem>>, vector<16xf32>,
      tpu.vector_store %arg7[%swap3A_120], %broadcast_in_dim3A_60 {strides = array<i32>} : memref<81920xf32, #tpu.memory_space<vmem>>, vector<16xf32>,
      %mul3A_122 = arith.constant 16 : i32
      %mul3A_123 = arith.muli %scan3A_81, %mul3A_122 : i32
      %add3A_124 = arith.constant 5 : i32
      %add3A_125 = arith.addi %mul3A_123, %add3A_124 : i32
      %mul3A_126 = arith.constant 16 : i32
      %mul3A_127 = arith.muli %add3A_125, %mul3A_126 : i32
      %swap3A_128 = arith.index_cast %mul3A_127 : i32 to index
      %swap3A_129 = tpu.vector_load %arg7[%swap3A_128] {strides = array<i32>} : memref<81920xf32, #tpu.memory_space<vmem>>, vector<16xf32>,
      tpu.vector_store %arg7[%swap3A_128], %broadcast_in_dim3A_60 {strides = array<i32>} : memref<81920xf32, #tpu.memory_space<vmem>>, vector<16xf32>,
      %mul3A_130 = arith.constant 16 : i32
      %mul3A_131 = arith.muli %scan3A_81, %mul3A_130 : i32
      %add3A_132 = arith.constant 6 : i32
      %add3A_133 = arith.addi %mul3A_131, %add3A_132 : i32
      %mul3A_134 = arith.constant 16 : i32
      %mul3A_135 = arith.muli %add3A_133, %mul3A_134 : i32
      %swap3A_136 = arith.index_cast %mul3A_135 : i32 to index
      %swap3A_137 = tpu.vector_load %arg7[%swap3A_136] {strides = array<i32>} : memref<81920xf32, #tpu.memory_space<vmem>>, vector<16xf32>,
      tpu.vector_store %arg7[%swap3A_136], %broadcast_in_dim3A_60 {strides = array<i32>} : memref<81920xf32, #tpu.memory_space<vmem>>, vector<16xf32>,
      %mul3A_138 = arith.constant 16 : i32
      %mul3A_139 = arith.muli %scan3A_81, %mul3A_138 : i32
      %add3A_140 = arith.constant 7 : i32
      %add3A_141 = arith.addi %mul3A_139, %add3A_140 : i32
      %mul3A_142 = arith.constant 16 : i32
      %mul3A_143 = arith.muli %add3A_141, %mul3A_142 : i32
      %swap3A_144 = arith.index_cast %mul3A_143 : i32 to index
      %swap3A_145 = tpu.vector_load %arg7[%swap3A_144] {strides = array<i32>} : memref<81920xf32, #tpu.memory_space<vmem>>, vector<16xf32>,
      tpu.vector_store %arg7[%swap3A_144], %broadcast_in_dim3A_60 {strides = array<i32>} : memref<81920xf32, #tpu.memory_space<vmem>>, vector<16xf32>,
      %mul3A_146 = arith.constant 16 : i32
      %mul3A_147 = arith.muli %scan3A_81, %mul3A_146 : i32
      %add3A_148 = arith.constant 8 : i32
      %add3A_149 = arith.addi %mul3A_147, %add3A_148 : i32
      %mul3A_150 = arith.constant 16 : i32
      %mul3A_151 = arith.muli %add3A_149, %mul3A_150 : i32
      %swap3A_152 = arith.index_cast %mul3A_151 : i32 to index
      %swap3A_153 = tpu.vector_load %arg7[%swap3A_152] {strides = array<i32>} : memref<81920xf32, #tpu.memory_space<vmem>>, vector<16xf32>,
      tpu.vector_store %arg7[%swap3A_152], %broadcast_in_dim3A_60 {strides = array<i32>} : memref<81920xf32, #tpu.memory_space<vmem>>, vector<16xf32>,
      %mul3A_154 = arith.constant 16 : i32
      %mul3A_155 = arith.muli %scan3A_81, %mul3A_154 : i32
      %add3A_156 = arith.constant 9 : i32
      %add3A_157 = arith.addi %mul3A_155, %add3A_156 : i32
      %mul3A_158 = arith.constant 16 : i32
      %mul3A_159 = arith.muli %add3A_157, %mul3A_158 : i32
      %swap3A_160 = arith.index_cast %mul3A_159 : i32 to index
      %swap3A_161 = tpu.vector_load %arg7[%swap3A_160] {strides = array<i32>} : memref<81920xf32, #tpu.memory_space<vmem>>, vector<16xf32>,
      tpu.vector_store %arg7[%swap3A_160], %broadcast_in_dim3A_60 {strides = array<i32>} : memref<81920xf32, #tpu.memory_space<vmem>>, vector<16xf32>,
      %mul3A_162 = arith.constant 16 : i32
      %mul3A_163 = arith.muli %scan3A_81, %mul3A_162 : i32
      %add3A_164 = arith.constant 10 : i32
      %add3A_165 = arith.addi %mul3A_163, %add3A_164 : i32
      %mul3A_166 = arith.constant 16 : i32
      %mul3A_167 = arith.muli %add3A_165, %mul3A_166 : i32
      %swap3A_168 = arith.index_cast %mul3A_167 : i32 to index
      %swap3A_169 = tpu.vector_load %arg7[%swap3A_168] {strides = array<i32>} : memref<81920xf32, #tpu.memory_space<vmem>>, vector<16xf32>,
      tpu.vector_store %arg7[%swap3A_168], %broadcast_in_dim3A_60 {strides = array<i32>} : memref<81920xf32, #tpu.memory_space<vmem>>, vector<16xf32>,
      %mul3A_170 = arith.constant 16 : i32
      %mul3A_171 = arith.muli %scan3A_81, %mul3A_170 : i32
      %add3A_172 = arith.constant 11 : i32
      %add3A_173 = arith.addi %mul3A_171, %add3A_172 : i32
      %mul3A_174 = arith.constant 16 : i32
      %mul3A_175 = arith.muli %add3A_173, %mul3A_174 : i32
      %swap3A_176 = arith.index_cast %mul3A_175 : i32 to index
      %swap3A_177 = tpu.vector_load %arg7[%swap3A_176] {strides = array<i32>} : memref<81920xf32, #tpu.memory_space<vmem>>, vector<16xf32>,
      tpu.vector_store %arg7[%swap3A_176], %broadcast_in_dim3A_60 {strides = array<i32>} : memref<81920xf32, #tpu.memory_space<vmem>>, vector<16xf32>,
      %mul3A_178 = arith.constant 16 : i32
      %mul3A_179 = arith.muli %scan3A_81, %mul3A_178 : i32
      %add3A_180 = arith.constant 12 : i32
      %add3A_181 = arith.addi %mul3A_179, %add3A_180 : i32
      %mul3A_182 = arith.constant 16 : i32
      %mul3A_183 = arith.muli %add3A_181, %mul3A_182 : i32
      %swap3A_184 = arith.index_cast %mul3A_183 : i32 to index
      %swap3A_185 = tpu.vector_load %arg7[%swap3A_184] {strides = array<i32>} : memref<81920xf32, #tpu.memory_space<vmem>>, vector<16xf32>,
      tpu.vector_store %arg7[%swap3A_184], %broadcast_in_dim3A_60 {strides = array<i32>} : memref<81920xf32, #tpu.memory_space<vmem>>, vector<16xf32>,
      %mul3A_186 = arith.constant 16 : i32
      %mul3A_187 = arith.muli %scan3A_81, %mul3A_186 : i32
      %add3A_188 = arith.constant 13 : i32
      %add3A_189 = arith.addi %mul3A_187, %add3A_188 : i32
      %mul3A_190 = arith.constant 16 : i32
      %mul3A_191 = arith.muli %add3A_189, %mul3A_190 : i32
      %swap3A_192 = arith.index_cast %mul3A_191 : i32 to index
      %swap3A_193 = tpu.vector_load %arg7[%swap3A_192] {strides = array<i32>} : memref<81920xf32, #tpu.memory_space<vmem>>, vector<16xf32>,
      tpu.vector_store %arg7[%swap3A_192], %broadcast_in_dim3A_60 {strides = array<i32>} : memref<81920xf32, #tpu.memory_space<vmem>>, vector<16xf32>,
      %mul3A_194 = arith.constant 16 : i32
      %mul3A_195 = arith.muli %scan3A_81, %mul3A_194 : i32
      %add3A_196 = arith.constant 14 : i32
      %add3A_197 = arith.addi %mul3A_195, %add3A_196 : i32
      %mul3A_198 = arith.constant 16 : i32
      %mul3A_199 = arith.muli %add3A_197, %mul3A_198 : i32
      %swap3A_200 = arith.index_cast %mul3A_199 : i32 to index
      %swap3A_201 = tpu.vector_load %arg7[%swap3A_200] {strides = array<i32>} : memref<81920xf32, #tpu.memory_space<vmem>>, vector<16xf32>,
      tpu.vector_store %arg7[%swap3A_200], %broadcast_in_dim3A_60 {strides = array<i32>} : memref<81920xf32, #tpu.memory_space<vmem>>, vector<16xf32>,
      %mul3A_202 = arith.constant 16 : i32
      %mul3A_203 = arith.muli %scan3A_81, %mul3A_202 : i32
      %add3A_204 = arith.constant 15 : i32
      %add3A_205 = arith.addi %mul3A_203, %add3A_204 : i32
      %mul3A_206 = arith.constant 16 : i32
      %mul3A_207 = arith.muli %add3A_205, %mul3A_206 : i32
      %swap3A_208 = arith.index_cast %mul3A_207 : i32 to index
      %swap3A_209 = tpu.vector_load %arg7[%swap3A_208] {strides = array<i32>} : memref<81920xf32, #tpu.memory_space<vmem>>, vector<16xf32>,
      tpu.vector_store %arg7[%swap3A_208], %broadcast_in_dim3A_60 {strides = array<i32>} : memref<81920xf32, #tpu.memory_space<vmem>>, vector<16xf32>,
      %scan3A_210 = arith.constant 0 : i32
      scf.yield %scan3A_210 : i32
    }
    %scan3A_66 = arith.constant 320 : i32
    %scan3A_67 = arith.constant 0 : i32
    %scan3A_68 = arith.constant 0 : i32
    %scan3A_69 = arith.constant 20 : i32
    %scan3A_70 = arith.addi %scan3A_68, %scan3A_69 : i32
    %scan3A_71 = arith.constant 1 : i32
    %scan3A_72 = scf.for %scan3A_81 = %scan3A_68 to %scan3A_70 step %scan3A_71 iter_args(%scan3A_82 = %scan3A_67) -> (i32)  : i32 {
      %mul3A_83 = arith.constant 2 : i32
      %mul3A_84 = arith.muli %mul3A_83, %scan3A_81 : i32
      %mul3A_85 = arith.constant 40 : i32
      %mul3A_86 = arith.muli %add3A, %mul3A_85 : i32
      %add3A_87 = arith.addi %mul3A_86, %mul3A_84 : i32
      %mul3A_88 = arith.constant 128 : i32
      %mul3A_89 = arith.muli %add3A_87, %mul3A_88 : i32
      %dma_wait3A = tpu.memref_slice %arg4[%mul3A_89] : memref<163840xi32, #tpu.memory_space<hbm>> -> memref<128xi32, #tpu.memory_space<hbm>>
      %dma_wait3A_90 = tpu.memref_slice %arg4[%mul3A_89] : memref<163840xi32, #tpu.memory_space<hbm>> -> memref<128xi32, #tpu.memory_space<hbm>>
      tpu.wait_dma2 semaphore(%arg18 : memref<!tpu.dma_semaphore, #tpu.memory_space<semaphore_mem>>) src(%dma_wait3A_90 : memref<128xi32, #tpu.memory_space<hbm>>) dst(%arg9 : memref<128xi32, #tpu.memory_space<vmem>>)
      %mul3A_91 = arith.constant 6 : i32
      %mul3A_92 = arith.muli %add3A_87, %mul3A_91 : i32
      %mul3A_93 = arith.constant 128 : i32
      %mul3A_94 = arith.muli %mul3A_92, %mul3A_93 : i32
      %dma_wait3A_95 = tpu.memref_slice %arg5[%mul3A_94] : memref<983040xf32, #tpu.memory_space<hbm>> -> memref<768xf32, #tpu.memory_space<hbm>>
      %dma_wait3A_96 = tpu.memref_slice %arg5[%mul3A_94] : memref<983040xf32, #tpu.memory_space<hbm>> -> memref<768xf32, #tpu.memory_space<hbm>>
      tpu.wait_dma2 semaphore(%arg18 : memref<!tpu.dma_semaphore, #tpu.memory_space<semaphore_mem>>) src(%dma_wait3A_96 : memref<768xf32, #tpu.memory_space<hbm>>) dst(%arg11 : memref<768xf32, #tpu.memory_space<vmem>>)
      %mul3A_97 = arith.constant 128 : i32
      %mul3A_98 = arith.muli %mul3A_84, %mul3A_97 : i32
      %dma_wait3A_99 = tpu.memref_slice %arg8[%mul3A_98] : memref<5120xi32, #tpu.memory_space<vmem>> -> memref<128xi32, #tpu.memory_space<vmem>>
      %dma_wait3A_100 = arith.constant 0 : i32
      %dma_wait3A_101 = arith.constant 0 : i32
      %dma_wait3A_102 = tpu.memref_slice %arg2[%dma_wait3A_100, %dma_wait3A_101] : memref<10240x48xf32, #tpu.memory_space<hbm>> -> memref<10240x48xf32, #tpu.memory_space<hbm>>
      tpu.wait_indirect_dma semaphore(%arg16 : memref<!tpu.dma_semaphore, #tpu.memory_space<semaphore_mem>>) src(%dma_wait3A_102 : memref<10240x48xf32, #tpu.memory_space<hbm>>) dst(%arg13 : memref<128x48xf32, #tpu.memory_space<vmem>>)
      %scan3A_103 = arith.constant 0 : i32
      %scan3A_104 = arith.constant 0 : i32
      %scan3A_105 = arith.constant 8 : i32
      %scan3A_106 = arith.addi %scan3A_104, %scan3A_105 : i32
      %scan3A_107 = arith.constant 1 : i32
      %scan3A_108 = scf.for %scan3A_146 = %scan3A_104 to %scan3A_106 step %scan3A_107 iter_args(%scan3A_147 = %scan3A_103) -> (i32)  : i32 {
        %mul3A_148 = arith.constant 16 : i32
        %mul3A_149 = arith.muli %scan3A_146, %mul3A_148 : i32
        %add3A_150 = arith.constant 0 : i32
        %add3A_151 = arith.addi %mul3A_149, %add3A_150 : i32
        %broadcast_in_dim3A_152 = vector.broadcast %add3A_151 : i32 to vector<16xi32>
        %add3A_153 = arith.addi %mul3A_8, %broadcast_in_dim3A_152 : vector<16xi32>
        %get3A = arith.index_cast %add3A_151 : i32 to index
        %get3A_154 = arith.constant 0 : index
        %get3A_155 = tpu.vector_load %arg13[%get3A, %get3A_154] {strides = array<i32>} : memref<128x48xf32, #tpu.memory_space<vmem>>, vector<16xf32>,
        tpu.vector_store_idx %arg15[%add3A_153], %get3A_155 : memref<6192xf32, #tpu.memory_space<vmem>>[vector<16xi32>], vector<16xf32>,
        %add3A_156 = arith.addi %mul3A_15, %broadcast_in_dim3A_152 : vector<16xi32>
        %get3A_157 = arith.index_cast %add3A_151 : i32 to index
        %get3A_158 = arith.constant 16 : index
        %get3A_159 = tpu.vector_load %arg13[%get3A_157, %get3A_158] {strides = array<i32>} : memref<128x48xf32, #tpu.memory_space<vmem>>, vector<16xf32>,
        tpu.vector_store_idx %arg15[%add3A_156], %get3A_159 : memref<6192xf32, #tpu.memory_space<vmem>>[vector<16xi32>], vector<16xf32>,
        %add3A_160 = arith.addi %mul3A_22, %broadcast_in_dim3A_152 : vector<16xi32>
        %get3A_161 = arith.index_cast %add3A_151 : i32 to index
        %get3A_162 = arith.constant 32 : index
        %get3A_163 = tpu.vector_load %arg13[%get3A_161, %get3A_162] {strides = array<i32>} : memref<128x48xf32, #tpu.memory_space<vmem>>, vector<16xf32>,
        tpu.vector_store_idx %arg15[%add3A_160], %get3A_163 : memref<6192xf32, #tpu.memory_space<vmem>>[vector<16xi32>], vector<16xf32>,
        %add3A_164 = arith.constant 1 : i32
        %add3A_165 = arith.addi %mul3A_149, %add3A_164 : i32
        %broadcast_in_dim3A_166 = vector.broadcast %add3A_165 : i32 to vector<16xi32>
        %add3A_167 = arith.addi %mul3A_8, %broadcast_in_dim3A_166 : vector<16xi32>
        %get3A_168 = arith.index_cast %add3A_165 : i32 to index
        %get3A_169 = arith.constant 0 : index
        %get3A_170 = tpu.vector_load %arg13[%get3A_168, %get3A_169] {strides = array<i32>} : memref<128x48xf32, #tpu.memory_space<vmem>>, vector<16xf32>,
        tpu.vector_store_idx %arg15[%add3A_167], %get3A_170 : memref<6192xf32, #tpu.memory_space<vmem>>[vector<16xi32>], vector<16xf32>,
        %add3A_171 = arith.addi %mul3A_15, %broadcast_in_dim3A_166 : vector<16xi32>
        %get3A_172 = arith.index_cast %add3A_165 : i32 to index
        %get3A_173 = arith.constant 16 : index
        %get3A_174 = tpu.vector_load %arg13[%get3A_172, %get3A_173] {strides = array<i32>} : memref<128x48xf32, #tpu.memory_space<vmem>>, vector<16xf32>,
        tpu.vector_store_idx %arg15[%add3A_171], %get3A_174 : memref<6192xf32, #tpu.memory_space<vmem>>[vector<16xi32>], vector<16xf32>,
        %add3A_175 = arith.addi %mul3A_22, %broadcast_in_dim3A_166 : vector<16xi32>
        %get3A_176 = arith.index_cast %add3A_165 : i32 to index
        %get3A_177 = arith.constant 32 : index
        %get3A_178 = tpu.vector_load %arg13[%get3A_176, %get3A_177] {strides = array<i32>} : memref<128x48xf32, #tpu.memory_space<vmem>>, vector<16xf32>,
        tpu.vector_store_idx %arg15[%add3A_175], %get3A_178 : memref<6192xf32, #tpu.memory_space<vmem>>[vector<16xi32>], vector<16xf32>,
        %add3A_179 = arith.constant 2 : i32
        %add3A_180 = arith.addi %mul3A_149, %add3A_179 : i32
        %broadcast_in_dim3A_181 = vector.broadcast %add3A_180 : i32 to vector<16xi32>
        %add3A_182 = arith.addi %mul3A_8, %broadcast_in_dim3A_181 : vector<16xi32>
        %get3A_183 = arith.index_cast %add3A_180 : i32 to index
        %get3A_184 = arith.constant 0 : index
        %get3A_185 = tpu.vector_load %arg13[%get3A_183, %get3A_184] {strides = array<i32>} : memref<128x48xf32, #tpu.memory_space<vmem>>, vector<16xf32>,
        tpu.vector_store_idx %arg15[%add3A_182], %get3A_185 : memref<6192xf32, #tpu.memory_space<vmem>>[vector<16xi32>], vector<16xf32>,
        %add3A_186 = arith.addi %mul3A_15, %broadcast_in_dim3A_181 : vector<16xi32>
        %get3A_187 = arith.index_cast %add3A_180 : i32 to index
        %get3A_188 = arith.constant 16 : index
        %get3A_189 = tpu.vector_load %arg13[%get3A_187, %get3A_188] {strides = array<i32>} : memref<128x48xf32, #tpu.memory_space<vmem>>, vector<16xf32>,
        tpu.vector_store_idx %arg15[%add3A_186], %get3A_189 : memref<6192xf32, #tpu.memory_space<vmem>>[vector<16xi32>], vector<16xf32>,
        %add3A_190 = arith.addi %mul3A_22, %broadcast_in_dim3A_181 : vector<16xi32>
        %get3A_191 = arith.index_cast %add3A_180 : i32 to index
        %get3A_192 = arith.constant 32 : index
        %get3A_193 = tpu.vector_load %arg13[%get3A_191, %get3A_192] {strides = array<i32>} : memref<128x48xf32, #tpu.memory_space<vmem>>, vector<16xf32>,
        tpu.vector_store_idx %arg15[%add3A_190], %get3A_193 : memref<6192xf32, #tpu.memory_space<vmem>>[vector<16xi32>], vector<16xf32>,
        %add3A_194 = arith.constant 3 : i32
        %add3A_195 = arith.addi %mul3A_149, %add3A_194 : i32
        %broadcast_in_dim3A_196 = vector.broadcast %add3A_195 : i32 to vector<16xi32>
        %add3A_197 = arith.addi %mul3A_8, %broadcast_in_dim3A_196 : vector<16xi32>
        %get3A_198 = arith.index_cast %add3A_195 : i32 to index
        %get3A_199 = arith.constant 0 : index
        %get3A_200 = tpu.vector_load %arg13[%get3A_198, %get3A_199] {strides = array<i32>} : memref<128x48xf32, #tpu.memory_space<vmem>>, vector<16xf32>,
        tpu.vector_store_idx %arg15[%add3A_197], %get3A_200 : memref<6192xf32, #tpu.memory_space<vmem>>[vector<16xi32>], vector<16xf32>,
        %add3A_201 = arith.addi %mul3A_15, %broadcast_in_dim3A_196 : vector<16xi32>
        %get3A_202 = arith.index_cast %add3A_195 : i32 to index
        %get3A_203 = arith.constant 16 : index
        %get3A_204 = tpu.vector_load %arg13[%get3A_202, %get3A_203] {strides = array<i32>} : memref<128x48xf32, #tpu.memory_space<vmem>>, vector<16xf32>,
        tpu.vector_store_idx %arg15[%add3A_201], %get3A_204 : memref<6192xf32, #tpu.memory_space<vmem>>[vector<16xi32>], vector<16xf32>,
        %add3A_205 = arith.addi %mul3A_22, %broadcast_in_dim3A_196 : vector<16xi32>
        %get3A_206 = arith.index_cast %add3A_195 : i32 to index
        %get3A_207 = arith.constant 32 : index
        %get3A_208 = tpu.vector_load %arg13[%get3A_206, %get3A_207] {strides = array<i32>} : memref<128x48xf32, #tpu.memory_space<vmem>>, vector<16xf32>,
        tpu.vector_store_idx %arg15[%add3A_205], %get3A_208 : memref<6192xf32, #tpu.memory_space<vmem>>[vector<16xi32>], vector<16xf32>,
        %add3A_209 = arith.constant 4 : i32
        %add3A_210 = arith.addi %mul3A_149, %add3A_209 : i32
        %broadcast_in_dim3A_211 = vector.broadcast %add3A_210 : i32 to vector<16xi32>
        %add3A_212 = arith.addi %mul3A_8, %broadcast_in_dim3A_211 : vector<16xi32>
        %get3A_213 = arith.index_cast %add3A_210 : i32 to index
        %get3A_214 = arith.constant 0 : index
        %get3A_215 = tpu.vector_load %arg13[%get3A_213, %get3A_214] {strides = array<i32>} : memref<128x48xf32, #tpu.memory_space<vmem>>, vector<16xf32>,
        tpu.vector_store_idx %arg15[%add3A_212], %get3A_215 : memref<6192xf32, #tpu.memory_space<vmem>>[vector<16xi32>], vector<16xf32>,
        %add3A_216 = arith.addi %mul3A_15, %broadcast_in_dim3A_211 : vector<16xi32>
        %get3A_217 = arith.index_cast %add3A_210 : i32 to index
        %get3A_218 = arith.constant 16 : index
        %get3A_219 = tpu.vector_load %arg13[%get3A_217, %get3A_218] {strides = array<i32>} : memref<128x48xf32, #tpu.memory_space<vmem>>, vector<16xf32>,
        tpu.vector_store_idx %arg15[%add3A_216], %get3A_219 : memref<6192xf32, #tpu.memory_space<vmem>>[vector<16xi32>], vector<16xf32>,
        %add3A_220 = arith.addi %mul3A_22, %broadcast_in_dim3A_211 : vector<16xi32>
        %get3A_221 = arith.index_cast %add3A_210 : i32 to index
        %get3A_222 = arith.constant 32 : index
        %get3A_223 = tpu.vector_load %arg13[%get3A_221, %get3A_222] {strides = array<i32>} : memref<128x48xf32, #tpu.memory_space<vmem>>, vector<16xf32>,
        tpu.vector_store_idx %arg15[%add3A_220], %get3A_223 : memref<6192xf32, #tpu.memory_space<vmem>>[vector<16xi32>], vector<16xf32>,
        %add3A_224 = arith.constant 5 : i32
        %add3A_225 = arith.addi %mul3A_149, %add3A_224 : i32
        %broadcast_in_dim3A_226 = vector.broadcast %add3A_225 : i32 to vector<16xi32>
        %add3A_227 = arith.addi %mul3A_8, %broadcast_in_dim3A_226 : vector<16xi32>
        %get3A_228 = arith.index_cast %add3A_225 : i32 to index
        %get3A_229 = arith.constant 0 : index
        %get3A_230 = tpu.vector_load %arg13[%get3A_228, %get3A_229] {strides = array<i32>} : memref<128x48xf32, #tpu.memory_space<vmem>>, vector<16xf32>,
        tpu.vector_store_idx %arg15[%add3A_227], %get3A_230 : memref<6192xf32, #tpu.memory_space<vmem>>[vector<16xi32>], vector<16xf32>,
        %add3A_231 = arith.addi %mul3A_15, %broadcast_in_dim3A_226 : vector<16xi32>
        %get3A_232 = arith.index_cast %add3A_225 : i32 to index
        %get3A_233 = arith.constant 16 : index
        %get3A_234 = tpu.vector_load %arg13[%get3A_232, %get3A_233] {strides = array<i32>} : memref<128x48xf32, #tpu.memory_space<vmem>>, vector<16xf32>,
        tpu.vector_store_idx %arg15[%add3A_231], %get3A_234 : memref<6192xf32, #tpu.memory_space<vmem>>[vector<16xi32>], vector<16xf32>,
        %add3A_235 = arith.addi %mul3A_22, %broadcast_in_dim3A_226 : vector<16xi32>
        %get3A_236 = arith.index_cast %add3A_225 : i32 to index
        %get3A_237 = arith.constant 32 : index
        %get3A_238 = tpu.vector_load %arg13[%get3A_236, %get3A_237] {strides = array<i32>} : memref<128x48xf32, #tpu.memory_space<vmem>>, vector<16xf32>,
        tpu.vector_store_idx %arg15[%add3A_235], %get3A_238 : memref<6192xf32, #tpu.memory_space<vmem>>[vector<16xi32>], vector<16xf32>,
        %add3A_239 = arith.constant 6 : i32
        %add3A_240 = arith.addi %mul3A_149, %add3A_239 : i32
        %broadcast_in_dim3A_241 = vector.broadcast %add3A_240 : i32 to vector<16xi32>
        %add3A_242 = arith.addi %mul3A_8, %broadcast_in_dim3A_241 : vector<16xi32>
        %get3A_243 = arith.index_cast %add3A_240 : i32 to index
        %get3A_244 = arith.constant 0 : index
        %get3A_245 = tpu.vector_load %arg13[%get3A_243, %get3A_244] {strides = array<i32>} : memref<128x48xf32, #tpu.memory_space<vmem>>, vector<16xf32>,
        tpu.vector_store_idx %arg15[%add3A_242], %get3A_245 : memref<6192xf32, #tpu.memory_space<vmem>>[vector<16xi32>], vector<16xf32>,
        %add3A_246 = arith.addi %mul3A_15, %broadcast_in_dim3A_241 : vector<16xi32>
        %get3A_247 = arith.index_cast %add3A_240 : i32 to index
        %get3A_248 = arith.constant 16 : index
        %get3A_249 = tpu.vector_load %arg13[%get3A_247, %get3A_248] {strides = array<i32>} : memref<128x48xf32, #tpu.memory_space<vmem>>, vector<16xf32>,
        tpu.vector_store_idx %arg15[%add3A_246], %get3A_249 : memref<6192xf32, #tpu.memory_space<vmem>>[vector<16xi32>], vector<16xf32>,
        %add3A_250 = arith.addi %mul3A_22, %broadcast_in_dim3A_241 : vector<16xi32>
        %get3A_251 = arith.index_cast %add3A_240 : i32 to index
        %get3A_252 = arith.constant 32 : index
        %get3A_253 = tpu.vector_load %arg13[%get3A_251, %get3A_252] {strides = array<i32>} : memref<128x48xf32, #tpu.memory_space<vmem>>, vector<16xf32>,
        tpu.vector_store_idx %arg15[%add3A_250], %get3A_253 : memref<6192xf32, #tpu.memory_space<vmem>>[vector<16xi32>], vector<16xf32>,
        %add3A_254 = arith.constant 7 : i32
        %add3A_255 = arith.addi %mul3A_149, %add3A_254 : i32
        %broadcast_in_dim3A_256 = vector.broadcast %add3A_255 : i32 to vector<16xi32>
        %add3A_257 = arith.addi %mul3A_8, %broadcast_in_dim3A_256 : vector<16xi32>
        %get3A_258 = arith.index_cast %add3A_255 : i32 to index
        %get3A_259 = arith.constant 0 : index
        %get3A_260 = tpu.vector_load %arg13[%get3A_258, %get3A_259] {strides = array<i32>} : memref<128x48xf32, #tpu.memory_space<vmem>>, vector<16xf32>,
        tpu.vector_store_idx %arg15[%add3A_257], %get3A_260 : memref<6192xf32, #tpu.memory_space<vmem>>[vector<16xi32>], vector<16xf32>,
        %add3A_261 = arith.addi %mul3A_15, %broadcast_in_dim3A_256 : vector<16xi32>
        %get3A_262 = arith.index_cast %add3A_255 : i32 to index
        %get3A_263 = arith.constant 16 : index
        %get3A_264 = tpu.vector_load %arg13[%get3A_262, %get3A_263] {strides = array<i32>} : memref<128x48xf32, #tpu.memory_space<vmem>>, vector<16xf32>,
        tpu.vector_store_idx %arg15[%add3A_261], %get3A_264 : memref<6192xf32, #tpu.memory_space<vmem>>[vector<16xi32>], vector<16xf32>,
        %add3A_265 = arith.addi %mul3A_22, %broadcast_in_dim3A_256 : vector<16xi32>
        %get3A_266 = arith.index_cast %add3A_255 : i32 to index
        %get3A_267 = arith.constant 32 : index
        %get3A_268 = tpu.vector_load %arg13[%get3A_266, %get3A_267] {strides = array<i32>} : memref<128x48xf32, #tpu.memory_space<vmem>>, vector<16xf32>,
        tpu.vector_store_idx %arg15[%add3A_265], %get3A_268 : memref<6192xf32, #tpu.memory_space<vmem>>[vector<16xi32>], vector<16xf32>,
        %add3A_269 = arith.constant 8 : i32
        %add3A_270 = arith.addi %mul3A_149, %add3A_269 : i32
        %broadcast_in_dim3A_271 = vector.broadcast %add3A_270 : i32 to vector<16xi32>
        %add3A_272 = arith.addi %mul3A_8, %broadcast_in_dim3A_271 : vector<16xi32>
        %get3A_273 = arith.index_cast %add3A_270 : i32 to index
        %get3A_274 = arith.constant 0 : index
        %get3A_275 = tpu.vector_load %arg13[%get3A_273, %get3A_274] {strides = array<i32>} : memref<128x48xf32, #tpu.memory_space<vmem>>, vector<16xf32>,
        tpu.vector_store_idx %arg15[%add3A_272], %get3A_275 : memref<6192xf32, #tpu.memory_space<vmem>>[vector<16xi32>], vector<16xf32>,
        %add3A_276 = arith.addi %mul3A_15, %broadcast_in_dim3A_271 : vector<16xi32>
        %get3A_277 = arith.index_cast %add3A_270 : i32 to index
        %get3A_278 = arith.constant 16 : index
        %get3A_279 = tpu.vector_load %arg13[%get3A_277, %get3A_278] {strides = array<i32>} : memref<128x48xf32, #tpu.memory_space<vmem>>, vector<16xf32>,
        tpu.vector_store_idx %arg15[%add3A_276], %get3A_279 : memref<6192xf32, #tpu.memory_space<vmem>>[vector<16xi32>], vector<16xf32>,
        %add3A_280 = arith.addi %mul3A_22, %broadcast_in_dim3A_271 : vector<16xi32>
        %get3A_281 = arith.index_cast %add3A_270 : i32 to index
        %get3A_282 = arith.constant 32 : index
        %get3A_283 = tpu.vector_load %arg13[%get3A_281, %get3A_282] {strides = array<i32>} : memref<128x48xf32, #tpu.memory_space<vmem>>, vector<16xf32>,
        tpu.vector_store_idx %arg15[%add3A_280], %get3A_283 : memref<6192xf32, #tpu.memory_space<vmem>>[vector<16xi32>], vector<16xf32>,
        %add3A_284 = arith.constant 9 : i32
        %add3A_285 = arith.addi %mul3A_149, %add3A_284 : i32
        %broadcast_in_dim3A_286 = vector.broadcast %add3A_285 : i32 to vector<16xi32>
        %add3A_287 = arith.addi %mul3A_8, %broadcast_in_dim3A_286 : vector<16xi32>
        %get3A_288 = arith.index_cast %add3A_285 : i32 to index
        %get3A_289 = arith.constant 0 : index
        %get3A_290 = tpu.vector_load %arg13[%get3A_288, %get3A_289] {strides = array<i32>} : memref<128x48xf32, #tpu.memory_space<vmem>>, vector<16xf32>,
        tpu.vector_store_idx %arg15[%add3A_287], %get3A_290 : memref<6192xf32, #tpu.memory_space<vmem>>[vector<16xi32>], vector<16xf32>,
        %add3A_291 = arith.addi %mul3A_15, %broadcast_in_dim3A_286 : vector<16xi32>
        %get3A_292 = arith.index_cast %add3A_285 : i32 to index
        %get3A_293 = arith.constant 16 : index
        %get3A_294 = tpu.vector_load %arg13[%get3A_292, %get3A_293] {strides = array<i32>} : memref<128x48xf32, #tpu.memory_space<vmem>>, vector<16xf32>,
        tpu.vector_store_idx %arg15[%add3A_291], %get3A_294 : memref<6192xf32, #tpu.memory_space<vmem>>[vector<16xi32>], vector<16xf32>,
        %add3A_295 = arith.addi %mul3A_22, %broadcast_in_dim3A_286 : vector<16xi32>
        %get3A_296 = arith.index_cast %add3A_285 : i32 to index
        %get3A_297 = arith.constant 32 : index
        %get3A_298 = tpu.vector_load %arg13[%get3A_296, %get3A_297] {strides = array<i32>} : memref<128x48xf32, #tpu.memory_space<vmem>>, vector<16xf32>,
        tpu.vector_store_idx %arg15[%add3A_295], %get3A_298 : memref<6192xf32, #tpu.memory_space<vmem>>[vector<16xi32>], vector<16xf32>,
        %add3A_299 = arith.constant 10 : i32
        %add3A_300 = arith.addi %mul3A_149, %add3A_299 : i32
        %broadcast_in_dim3A_301 = vector.broadcast %add3A_300 : i32 to vector<16xi32>
        %add3A_302 = arith.addi %mul3A_8, %broadcast_in_dim3A_301 : vector<16xi32>
        %get3A_303 = arith.index_cast %add3A_300 : i32 to index
        %get3A_304 = arith.constant 0 : index
        %get3A_305 = tpu.vector_load %arg13[%get3A_303, %get3A_304] {strides = array<i32>} : memref<128x48xf32, #tpu.memory_space<vmem>>, vector<16xf32>,
        tpu.vector_store_idx %arg15[%add3A_302], %get3A_305 : memref<6192xf32, #tpu.memory_space<vmem>>[vector<16xi32>], vector<16xf32>,
        %add3A_306 = arith.addi %mul3A_15, %broadcast_in_dim3A_301 : vector<16xi32>
        %get3A_307 = arith.index_cast %add3A_300 : i32 to index
        %get3A_308 = arith.constant 16 : index
        %get3A_309 = tpu.vector_load %arg13[%get3A_307, %get3A_308] {strides = array<i32>} : memref<128x48xf32, #tpu.memory_space<vmem>>, vector<16xf32>,
        tpu.vector_store_idx %arg15[%add3A_306], %get3A_309 : memref<6192xf32, #tpu.memory_space<vmem>>[vector<16xi32>], vector<16xf32>,
        %add3A_310 = arith.addi %mul3A_22, %broadcast_in_dim3A_301 : vector<16xi32>
        %get3A_311 = arith.index_cast %add3A_300 : i32 to index
        %get3A_312 = arith.constant 32 : index
        %get3A_313 = tpu.vector_load %arg13[%get3A_311, %get3A_312] {strides = array<i32>} : memref<128x48xf32, #tpu.memory_space<vmem>>, vector<16xf32>,
        tpu.vector_store_idx %arg15[%add3A_310], %get3A_313 : memref<6192xf32, #tpu.memory_space<vmem>>[vector<16xi32>], vector<16xf32>,
        %add3A_314 = arith.constant 11 : i32
        %add3A_315 = arith.addi %mul3A_149, %add3A_314 : i32
        %broadcast_in_dim3A_316 = vector.broadcast %add3A_315 : i32 to vector<16xi32>
        %add3A_317 = arith.addi %mul3A_8, %broadcast_in_dim3A_316 : vector<16xi32>
        %get3A_318 = arith.index_cast %add3A_315 : i32 to index
        %get3A_319 = arith.constant 0 : index
        %get3A_320 = tpu.vector_load %arg13[%get3A_318, %get3A_319] {strides = array<i32>} : memref<128x48xf32, #tpu.memory_space<vmem>>, vector<16xf32>,
        tpu.vector_store_idx %arg15[%add3A_317], %get3A_320 : memref<6192xf32, #tpu.memory_space<vmem>>[vector<16xi32>], vector<16xf32>,
        %add3A_321 = arith.addi %mul3A_15, %broadcast_in_dim3A_316 : vector<16xi32>
        %get3A_322 = arith.index_cast %add3A_315 : i32 to index
        %get3A_323 = arith.constant 16 : index
        %get3A_324 = tpu.vector_load %arg13[%get3A_322, %get3A_323] {strides = array<i32>} : memref<128x48xf32, #tpu.memory_space<vmem>>, vector<16xf32>,
        tpu.vector_store_idx %arg15[%add3A_321], %get3A_324 : memref<6192xf32, #tpu.memory_space<vmem>>[vector<16xi32>], vector<16xf32>,
        %add3A_325 = arith.addi %mul3A_22, %broadcast_in_dim3A_316 : vector<16xi32>
        %get3A_326 = arith.index_cast %add3A_315 : i32 to index
        %get3A_327 = arith.constant 32 : index
        %get3A_328 = tpu.vector_load %arg13[%get3A_326, %get3A_327] {strides = array<i32>} : memref<128x48xf32, #tpu.memory_space<vmem>>, vector<16xf32>,
        tpu.vector_store_idx %arg15[%add3A_325], %get3A_328 : memref<6192xf32, #tpu.memory_space<vmem>>[vector<16xi32>], vector<16xf32>,
        %add3A_329 = arith.constant 12 : i32
        %add3A_330 = arith.addi %mul3A_149, %add3A_329 : i32
        %broadcast_in_dim3A_331 = vector.broadcast %add3A_330 : i32 to vector<16xi32>
        %add3A_332 = arith.addi %mul3A_8, %broadcast_in_dim3A_331 : vector<16xi32>
        %get3A_333 = arith.index_cast %add3A_330 : i32 to index
        %get3A_334 = arith.constant 0 : index
        %get3A_335 = tpu.vector_load %arg13[%get3A_333, %get3A_334] {strides = array<i32>} : memref<128x48xf32, #tpu.memory_space<vmem>>, vector<16xf32>,
        tpu.vector_store_idx %arg15[%add3A_332], %get3A_335 : memref<6192xf32, #tpu.memory_space<vmem>>[vector<16xi32>], vector<16xf32>,
        %add3A_336 = arith.addi %mul3A_15, %broadcast_in_dim3A_331 : vector<16xi32>
        %get3A_337 = arith.index_cast %add3A_330 : i32 to index
        %get3A_338 = arith.constant 16 : index
        %get3A_339 = tpu.vector_load %arg13[%get3A_337, %get3A_338] {strides = array<i32>} : memref<128x48xf32, #tpu.memory_space<vmem>>, vector<16xf32>,
        tpu.vector_store_idx %arg15[%add3A_336], %get3A_339 : memref<6192xf32, #tpu.memory_space<vmem>>[vector<16xi32>], vector<16xf32>,
        %add3A_340 = arith.addi %mul3A_22, %broadcast_in_dim3A_331 : vector<16xi32>
        %get3A_341 = arith.index_cast %add3A_330 : i32 to index
        %get3A_342 = arith.constant 32 : index
        %get3A_343 = tpu.vector_load %arg13[%get3A_341, %get3A_342] {strides = array<i32>} : memref<128x48xf32, #tpu.memory_space<vmem>>, vector<16xf32>,
        tpu.vector_store_idx %arg15[%add3A_340], %get3A_343 : memref<6192xf32, #tpu.memory_space<vmem>>[vector<16xi32>], vector<16xf32>,
        %add3A_344 = arith.constant 13 : i32
        %add3A_345 = arith.addi %mul3A_149, %add3A_344 : i32
        %broadcast_in_dim3A_346 = vector.broadcast %add3A_345 : i32 to vector<16xi32>
        %add3A_347 = arith.addi %mul3A_8, %broadcast_in_dim3A_346 : vector<16xi32>
        %get3A_348 = arith.index_cast %add3A_345 : i32 to index
        %get3A_349 = arith.constant 0 : index
        %get3A_350 = tpu.vector_load %arg13[%get3A_348, %get3A_349] {strides = array<i32>} : memref<128x48xf32, #tpu.memory_space<vmem>>, vector<16xf32>,
        tpu.vector_store_idx %arg15[%add3A_347], %get3A_350 : memref<6192xf32, #tpu.memory_space<vmem>>[vector<16xi32>], vector<16xf32>,
        %add3A_351 = arith.addi %mul3A_15, %broadcast_in_dim3A_346 : vector<16xi32>
        %get3A_352 = arith.index_cast %add3A_345 : i32 to index
        %get3A_353 = arith.constant 16 : index
        %get3A_354 = tpu.vector_load %arg13[%get3A_352, %get3A_353] {strides = array<i32>} : memref<128x48xf32, #tpu.memory_space<vmem>>, vector<16xf32>,
        tpu.vector_store_idx %arg15[%add3A_351], %get3A_354 : memref<6192xf32, #tpu.memory_space<vmem>>[vector<16xi32>], vector<16xf32>,
        %add3A_355 = arith.addi %mul3A_22, %broadcast_in_dim3A_346 : vector<16xi32>
        %get3A_356 = arith.index_cast %add3A_345 : i32 to index
        %get3A_357 = arith.constant 32 : index
        %get3A_358 = tpu.vector_load %arg13[%get3A_356, %get3A_357] {strides = array<i32>} : memref<128x48xf32, #tpu.memory_space<vmem>>, vector<16xf32>,
        tpu.vector_store_idx %arg15[%add3A_355], %get3A_358 : memref<6192xf32, #tpu.memory_space<vmem>>[vector<16xi32>], vector<16xf32>,
        %add3A_359 = arith.constant 14 : i32
        %add3A_360 = arith.addi %mul3A_149, %add3A_359 : i32
        %broadcast_in_dim3A_361 = vector.broadcast %add3A_360 : i32 to vector<16xi32>
        %add3A_362 = arith.addi %mul3A_8, %broadcast_in_dim3A_361 : vector<16xi32>
        %get3A_363 = arith.index_cast %add3A_360 : i32 to index
        %get3A_364 = arith.constant 0 : index
        %get3A_365 = tpu.vector_load %arg13[%get3A_363, %get3A_364] {strides = array<i32>} : memref<128x48xf32, #tpu.memory_space<vmem>>, vector<16xf32>,
        tpu.vector_store_idx %arg15[%add3A_362], %get3A_365 : memref<6192xf32, #tpu.memory_space<vmem>>[vector<16xi32>], vector<16xf32>,
        %add3A_366 = arith.addi %mul3A_15, %broadcast_in_dim3A_361 : vector<16xi32>
        %get3A_367 = arith.index_cast %add3A_360 : i32 to index
        %get3A_368 = arith.constant 16 : index
        %get3A_369 = tpu.vector_load %arg13[%get3A_367, %get3A_368] {strides = array<i32>} : memref<128x48xf32, #tpu.memory_space<vmem>>, vector<16xf32>,
        tpu.vector_store_idx %arg15[%add3A_366], %get3A_369 : memref<6192xf32, #tpu.memory_space<vmem>>[vector<16xi32>], vector<16xf32>,
        %add3A_370 = arith.addi %mul3A_22, %broadcast_in_dim3A_361 : vector<16xi32>
        %get3A_371 = arith.index_cast %add3A_360 : i32 to index
        %get3A_372 = arith.constant 32 : index
        %get3A_373 = tpu.vector_load %arg13[%get3A_371, %get3A_372] {strides = array<i32>} : memref<128x48xf32, #tpu.memory_space<vmem>>, vector<16xf32>,
        tpu.vector_store_idx %arg15[%add3A_370], %get3A_373 : memref<6192xf32, #tpu.memory_space<vmem>>[vector<16xi32>], vector<16xf32>,
        %add3A_374 = arith.constant 15 : i32
        %add3A_375 = arith.addi %mul3A_149, %add3A_374 : i32
        %broadcast_in_dim3A_376 = vector.broadcast %add3A_375 : i32 to vector<16xi32>
        %add3A_377 = arith.addi %mul3A_8, %broadcast_in_dim3A_376 : vector<16xi32>
        %get3A_378 = arith.index_cast %add3A_375 : i32 to index
        %get3A_379 = arith.constant 0 : index
        %get3A_380 = tpu.vector_load %arg13[%get3A_378, %get3A_379] {strides = array<i32>} : memref<128x48xf32, #tpu.memory_space<vmem>>, vector<16xf32>,
        tpu.vector_store_idx %arg15[%add3A_377], %get3A_380 : memref<6192xf32, #tpu.memory_space<vmem>>[vector<16xi32>], vector<16xf32>,
        %add3A_381 = arith.addi %mul3A_15, %broadcast_in_dim3A_376 : vector<16xi32>
        %get3A_382 = arith.index_cast %add3A_375 : i32 to index
        %get3A_383 = arith.constant 16 : index
        %get3A_384 = tpu.vector_load %arg13[%get3A_382, %get3A_383] {strides = array<i32>} : memref<128x48xf32, #tpu.memory_space<vmem>>, vector<16xf32>,
        tpu.vector_store_idx %arg15[%add3A_381], %get3A_384 : memref<6192xf32, #tpu.memory_space<vmem>>[vector<16xi32>], vector<16xf32>,
        %add3A_385 = arith.addi %mul3A_22, %broadcast_in_dim3A_376 : vector<16xi32>
        %get3A_386 = arith.index_cast %add3A_375 : i32 to index
        %get3A_387 = arith.constant 32 : index
        %get3A_388 = tpu.vector_load %arg13[%get3A_386, %get3A_387] {strides = array<i32>} : memref<128x48xf32, #tpu.memory_space<vmem>>, vector<16xf32>,
        tpu.vector_store_idx %arg15[%add3A_385], %get3A_388 : memref<6192xf32, #tpu.memory_space<vmem>>[vector<16xi32>], vector<16xf32>,
        %get3A_389 = arith.index_cast %mul3A_149 : i32 to index
        %get3A_390 = tpu.vector_load %arg9[%get3A_389] {strides = array<i32>} : memref<128xi32, #tpu.memory_space<vmem>>, vector<16xi32>,
        %add3A_391 = arith.constant 0 : i32
        %add3A_392 = arith.addi %add3A_391, %mul3A_149 : i32
        %get3A_393 = arith.index_cast %add3A_392 : i32 to index
        %get3A_394 = tpu.vector_load %arg11[%get3A_393] {strides = array<i32>} : memref<768xf32, #tpu.memory_space<vmem>>, vector<16xf32>,
        %add3A_395 = arith.constant 128 : i32
        %add3A_396 = arith.addi %add3A_395, %mul3A_149 : i32
        %get3A_397 = arith.index_cast %add3A_396 : i32 to index
        %get3A_398 = tpu.vector_load %arg11[%get3A_397] {strides = array<i32>} : memref<768xf32, #tpu.memory_space<vmem>>, vector<16xf32>,
        %add3A_399 = arith.constant 256 : i32
        %add3A_400 = arith.addi %add3A_399, %mul3A_149 : i32
        %get3A_401 = arith.index_cast %add3A_400 : i32 to index
        %get3A_402 = tpu.vector_load %arg11[%get3A_401] {strides = array<i32>} : memref<768xf32, #tpu.memory_space<vmem>>, vector<16xf32>,
        %add3A_403 = arith.constant 384 : i32
        %add3A_404 = arith.addi %add3A_403, %mul3A_149 : i32
        %get3A_405 = arith.index_cast %add3A_404 : i32 to index
        %get3A_406 = tpu.vector_load %arg11[%get3A_405] {strides = array<i32>} : memref<768xf32, #tpu.memory_space<vmem>>, vector<16xf32>,
        %add3A_407 = arith.constant 512 : i32
        %add3A_408 = arith.addi %add3A_407, %mul3A_149 : i32
        %get3A_409 = arith.index_cast %add3A_408 : i32 to index
        %get3A_410 = tpu.vector_load %arg11[%get3A_409] {strides = array<i32>} : memref<768xf32, #tpu.memory_space<vmem>>, vector<16xf32>,
        %add3A_411 = arith.constant 640 : i32
        %add3A_412 = arith.addi %add3A_411, %mul3A_149 : i32
        %get3A_413 = arith.index_cast %add3A_412 : i32 to index
        %get3A_414 = tpu.vector_load %arg11[%get3A_413] {strides = array<i32>} : memref<768xf32, #tpu.memory_space<vmem>>, vector<16xf32>,
        %add3A_415 = arith.constant 0 : i32
        %add3A_416 = arith.addi %add3A_415, %mul3A_149 : i32
        %get3A_417 = arith.index_cast %add3A_416 : i32 to index
        %get3A_418 = tpu.vector_load %arg15[%get3A_417] {strides = array<i32>} : memref<6192xf32, #tpu.memory_space<vmem>>, vector<16xf32>,
        %mul3A_419 = arith.mulf %get3A_394, %get3A_418 : vector<16xf32>
        %add3A_420 = arith.constant 1032 : i32
        %add3A_421 = arith.addi %add3A_420, %mul3A_149 : i32
        %get3A_422 = arith.index_cast %add3A_421 : i32 to index
        %get3A_423 = tpu.vector_load %arg15[%get3A_422] {strides = array<i32>} : memref<6192xf32, #tpu.memory_space<vmem>>, vector<16xf32>,
        %mul3A_424 = arith.mulf %get3A_398, %get3A_423 : vector<16xf32>
        %add3A_425 = arith.addf %mul3A_419, %mul3A_424 : vector<16xf32>
        %add3A_426 = arith.constant 2064 : i32
        %add3A_427 = arith.addi %add3A_426, %mul3A_149 : i32
        %get3A_428 = arith.index_cast %add3A_427 : i32 to index
        %get3A_429 = tpu.vector_load %arg15[%get3A_428] {strides = array<i32>} : memref<6192xf32, #tpu.memory_space<vmem>>, vector<16xf32>,
        %mul3A_430 = arith.mulf %get3A_402, %get3A_429 : vector<16xf32>
        %add3A_431 = arith.addf %add3A_425, %mul3A_430 : vector<16xf32>
        %add3A_432 = arith.constant 3096 : i32
        %add3A_433 = arith.addi %add3A_432, %mul3A_149 : i32
        %get3A_434 = arith.index_cast %add3A_433 : i32 to index
        %get3A_435 = tpu.vector_load %arg15[%get3A_434] {strides = array<i32>} : memref<6192xf32, #tpu.memory_space<vmem>>, vector<16xf32>,
        %mul3A_436 = arith.mulf %get3A_406, %get3A_435 : vector<16xf32>
        %add3A_437 = arith.addf %add3A_431, %mul3A_436 : vector<16xf32>
        %add3A_438 = arith.constant 4128 : i32
        %add3A_439 = arith.addi %add3A_438, %mul3A_149 : i32
        %get3A_440 = arith.index_cast %add3A_439 : i32 to index
        %get3A_441 = tpu.vector_load %arg15[%get3A_440] {strides = array<i32>} : memref<6192xf32, #tpu.memory_space<vmem>>, vector<16xf32>,
        %mul3A_442 = arith.mulf %get3A_410, %get3A_441 : vector<16xf32>
        %add3A_443 = arith.addf %add3A_437, %mul3A_442 : vector<16xf32>
        %add3A_444 = arith.constant 5160 : i32
        %add3A_445 = arith.addi %add3A_444, %mul3A_149 : i32
        %get3A_446 = arith.index_cast %add3A_445 : i32 to index
        %get3A_447 = tpu.vector_load %arg15[%get3A_446] {strides = array<i32>} : memref<6192xf32, #tpu.memory_space<vmem>>, vector<16xf32>,
        %mul3A_448 = arith.mulf %get3A_414, %get3A_447 : vector<16xf32>
        %add3A_449 = arith.addf %add3A_443, %mul3A_448 : vector<16xf32>
        %add3A_450 = arith.constant 0 : i32
        %add3A_451 = vector.broadcast %add3A_450 : i32 to vector<16xi32>
        %add3A_452 = arith.addi %get3A_390, %add3A_451 : vector<16xi32>
        tpu.vector_store_idx %arg7[%add3A_452], %add3A_449 {add = true} : memref<81920xf32, #tpu.memory_space<vmem>>[vector<16xi32>], vector<16xf32>,
        %add3A_453 = arith.constant 129 : i32
        %add3A_454 = arith.addi %add3A_453, %mul3A_149 : i32
        %get3A_455 = arith.index_cast %add3A_454 : i32 to index
        %get3A_456 = tpu.vector_load %arg15[%get3A_455] {strides = array<i32>} : memref<6192xf32, #tpu.memory_space<vmem>>, vector<16xf32>,
        %mul3A_457 = arith.mulf %get3A_394, %get3A_456 : vector<16xf32>
        %add3A_458 = arith.constant 1161 : i32
        %add3A_459 = arith.addi %add3A_458, %mul3A_149 : i32
        %get3A_460 = arith.index_cast %add3A_459 : i32 to index
        %get3A_461 = tpu.vector_load %arg15[%get3A_460] {strides = array<i32>} : memref<6192xf32, #tpu.memory_space<vmem>>, vector<16xf32>,
        %mul3A_462 = arith.mulf %get3A_398, %get3A_461 : vector<16xf32>
        %add3A_463 = arith.addf %mul3A_457, %mul3A_462 : vector<16xf32>
        %add3A_464 = arith.constant 2193 : i32
        %add3A_465 = arith.addi %add3A_464, %mul3A_149 : i32
        %get3A_466 = arith.index_cast %add3A_465 : i32 to index
        %get3A_467 = tpu.vector_load %arg15[%get3A_466] {strides = array<i32>} : memref<6192xf32, #tpu.memory_space<vmem>>, vector<16xf32>,
        %mul3A_468 = arith.mulf %get3A_402, %get3A_467 : vector<16xf32>
        %add3A_469 = arith.addf %add3A_463, %mul3A_468 : vector<16xf32>
        %add3A_470 = arith.constant 3225 : i32
        %add3A_471 = arith.addi %add3A_470, %mul3A_149 : i32
        %get3A_472 = arith.index_cast %add3A_471 : i32 to index
        %get3A_473 = tpu.vector_load %arg15[%get3A_472] {strides = array<i32>} : memref<6192xf32, #tpu.memory_space<vmem>>, vector<16xf32>,
        %mul3A_474 = arith.mulf %get3A_406, %get3A_473 : vector<16xf32>
        %add3A_475 = arith.addf %add3A_469, %mul3A_474 : vector<16xf32>
        %add3A_476 = arith.constant 4257 : i32
        %add3A_477 = arith.addi %add3A_476, %mul3A_149 : i32
        %get3A_478 = arith.index_cast %add3A_477 : i32 to index
        %get3A_479 = tpu.vector_load %arg15[%get3A_478] {strides = array<i32>} : memref<6192xf32, #tpu.memory_space<vmem>>, vector<16xf32>,
        %mul3A_480 = arith.mulf %get3A_410, %get3A_479 : vector<16xf32>
        %add3A_481 = arith.addf %add3A_475, %mul3A_480 : vector<16xf32>
        %add3A_482 = arith.constant 5289 : i32
        %add3A_483 = arith.addi %add3A_482, %mul3A_149 : i32
        %get3A_484 = arith.index_cast %add3A_483 : i32 to index
        %get3A_485 = tpu.vector_load %arg15[%get3A_484] {strides = array<i32>} : memref<6192xf32, #tpu.memory_space<vmem>>, vector<16xf32>,
        %mul3A_486 = arith.mulf %get3A_414, %get3A_485 : vector<16xf32>
        %add3A_487 = arith.addf %add3A_481, %mul3A_486 : vector<16xf32>
        %add3A_488 = arith.constant 10240 : i32
        %add3A_489 = vector.broadcast %add3A_488 : i32 to vector<16xi32>
        %add3A_490 = arith.addi %get3A_390, %add3A_489 : vector<16xi32>
        tpu.vector_store_idx %arg7[%add3A_490], %add3A_487 {add = true} : memref<81920xf32, #tpu.memory_space<vmem>>[vector<16xi32>], vector<16xf32>,
        %add3A_491 = arith.constant 258 : i32
        %add3A_492 = arith.addi %add3A_491, %mul3A_149 : i32
        %get3A_493 = arith.index_cast %add3A_492 : i32 to index
        %get3A_494 = tpu.vector_load %arg15[%get3A_493] {strides = array<i32>} : memref<6192xf32, #tpu.memory_space<vmem>>, vector<16xf32>,
        %mul3A_495 = arith.mulf %get3A_394, %get3A_494 : vector<16xf32>
        %add3A_496 = arith.constant 1290 : i32
        %add3A_497 = arith.addi %add3A_496, %mul3A_149 : i32
        %get3A_498 = arith.index_cast %add3A_497 : i32 to index
        %get3A_499 = tpu.vector_load %arg15[%get3A_498] {strides = array<i32>} : memref<6192xf32, #tpu.memory_space<vmem>>, vector<16xf32>,
        %mul3A_500 = arith.mulf %get3A_398, %get3A_499 : vector<16xf32>
        %add3A_501 = arith.addf %mul3A_495, %mul3A_500 : vector<16xf32>
        %add3A_502 = arith.constant 2322 : i32
        %add3A_503 = arith.addi %add3A_502, %mul3A_149 : i32
        %get3A_504 = arith.index_cast %add3A_503 : i32 to index
        %get3A_505 = tpu.vector_load %arg15[%get3A_504] {strides = array<i32>} : memref<6192xf32, #tpu.memory_space<vmem>>, vector<16xf32>,
        %mul3A_506 = arith.mulf %get3A_402, %get3A_505 : vector<16xf32>
        %add3A_507 = arith.addf %add3A_501, %mul3A_506 : vector<16xf32>
        %add3A_508 = arith.constant 3354 : i32
        %add3A_509 = arith.addi %add3A_508, %mul3A_149 : i32
        %get3A_510 = arith.index_cast %add3A_509 : i32 to index
        %get3A_511 = tpu.vector_load %arg15[%get3A_510] {strides = array<i32>} : memref<6192xf32, #tpu.memory_space<vmem>>, vector<16xf32>,
        %mul3A_512 = arith.mulf %get3A_406, %get3A_511 : vector<16xf32>
        %add3A_513 = arith.addf %add3A_507, %mul3A_512 : vector<16xf32>
        %add3A_514 = arith.constant 4386 : i32
        %add3A_515 = arith.addi %add3A_514, %mul3A_149 : i32
        %get3A_516 = arith.index_cast %add3A_515 : i32 to index
        %get3A_517 = tpu.vector_load %arg15[%get3A_516] {strides = array<i32>} : memref<6192xf32, #tpu.memory_space<vmem>>, vector<16xf32>,
        %mul3A_518 = arith.mulf %get3A_410, %get3A_517 : vector<16xf32>
        %add3A_519 = arith.addf %add3A_513, %mul3A_518 : vector<16xf32>
        %add3A_520 = arith.constant 5418 : i32
        %add3A_521 = arith.addi %add3A_520, %mul3A_149 : i32
        %get3A_522 = arith.index_cast %add3A_521 : i32 to index
        %get3A_523 = tpu.vector_load %arg15[%get3A_522] {strides = array<i32>} : memref<6192xf32, #tpu.memory_space<vmem>>, vector<16xf32>,
        %mul3A_524 = arith.mulf %get3A_414, %get3A_523 : vector<16xf32>
        %add3A_525 = arith.addf %add3A_519, %mul3A_524 : vector<16xf32>
        %add3A_526 = arith.constant 20480 : i32
        %add3A_527 = vector.broadcast %add3A_526 : i32 to vector<16xi32>
        %add3A_528 = arith.addi %get3A_390, %add3A_527 : vector<16xi32>
        tpu.vector_store_idx %arg7[%add3A_528], %add3A_525 {add = true} : memref<81920xf32, #tpu.memory_space<vmem>>[vector<16xi32>], vector<16xf32>,
        %add3A_529 = arith.constant 387 : i32
        %add3A_530 = arith.addi %add3A_529, %mul3A_149 : i32
        %get3A_531 = arith.index_cast %add3A_530 : i32 to index
        %get3A_532 = tpu.vector_load %arg15[%get3A_531] {strides = array<i32>} : memref<6192xf32, #tpu.memory_space<vmem>>, vector<16xf32>,
        %mul3A_533 = arith.mulf %get3A_394, %get3A_532 : vector<16xf32>
        %add3A_534 = arith.constant 1419 : i32
        %add3A_535 = arith.addi %add3A_534, %mul3A_149 : i32
        %get3A_536 = arith.index_cast %add3A_535 : i32 to index
        %get3A_537 = tpu.vector_load %arg15[%get3A_536] {strides = array<i32>} : memref<6192xf32, #tpu.memory_space<vmem>>, vector<16xf32>,
        %mul3A_538 = arith.mulf %get3A_398, %get3A_537 : vector<16xf32>
        %add3A_539 = arith.addf %mul3A_533, %mul3A_538 : vector<16xf32>
        %add3A_540 = arith.constant 2451 : i32
        %add3A_541 = arith.addi %add3A_540, %mul3A_149 : i32
        %get3A_542 = arith.index_cast %add3A_541 : i32 to index
        %get3A_543 = tpu.vector_load %arg15[%get3A_542] {strides = array<i32>} : memref<6192xf32, #tpu.memory_space<vmem>>, vector<16xf32>,
        %mul3A_544 = arith.mulf %get3A_402, %get3A_543 : vector<16xf32>
        %add3A_545 = arith.addf %add3A_539, %mul3A_544 : vector<16xf32>
        %add3A_546 = arith.constant 3483 : i32
        %add3A_547 = arith.addi %add3A_546, %mul3A_149 : i32
        %get3A_548 = arith.index_cast %add3A_547 : i32 to index
        %get3A_549 = tpu.vector_load %arg15[%get3A_548] {strides = array<i32>} : memref<6192xf32, #tpu.memory_space<vmem>>, vector<16xf32>,
        %mul3A_550 = arith.mulf %get3A_406, %get3A_549 : vector<16xf32>
        %add3A_551 = arith.addf %add3A_545, %mul3A_550 : vector<16xf32>
        %add3A_552 = arith.constant 4515 : i32
        %add3A_553 = arith.addi %add3A_552, %mul3A_149 : i32
        %get3A_554 = arith.index_cast %add3A_553 : i32 to index
        %get3A_555 = tpu.vector_load %arg15[%get3A_554] {strides = array<i32>} : memref<6192xf32, #tpu.memory_space<vmem>>, vector<16xf32>,
        %mul3A_556 = arith.mulf %get3A_410, %get3A_555 : vector<16xf32>
        %add3A_557 = arith.addf %add3A_551, %mul3A_556 : vector<16xf32>
        %add3A_558 = arith.constant 5547 : i32
        %add3A_559 = arith.addi %add3A_558, %mul3A_149 : i32
        %get3A_560 = arith.index_cast %add3A_559 : i32 to index
        %get3A_561 = tpu.vector_load %arg15[%get3A_560] {strides = array<i32>} : memref<6192xf32, #tpu.memory_space<vmem>>, vector<16xf32>,
        %mul3A_562 = arith.mulf %get3A_414, %get3A_561 : vector<16xf32>
        %add3A_563 = arith.addf %add3A_557, %mul3A_562 : vector<16xf32>
        %add3A_564 = arith.constant 30720 : i32
        %add3A_565 = vector.broadcast %add3A_564 : i32 to vector<16xi32>
        %add3A_566 = arith.addi %get3A_390, %add3A_565 : vector<16xi32>
        tpu.vector_store_idx %arg7[%add3A_566], %add3A_563 {add = true} : memref<81920xf32, #tpu.memory_space<vmem>>[vector<16xi32>], vector<16xf32>,
        %add3A_567 = arith.constant 516 : i32
        %add3A_568 = arith.addi %add3A_567, %mul3A_149 : i32
        %get3A_569 = arith.index_cast %add3A_568 : i32 to index
        %get3A_570 = tpu.vector_load %arg15[%get3A_569] {strides = array<i32>} : memref<6192xf32, #tpu.memory_space<vmem>>, vector<16xf32>,
        %mul3A_571 = arith.mulf %get3A_394, %get3A_570 : vector<16xf32>
        %add3A_572 = arith.constant 1548 : i32
        %add3A_573 = arith.addi %add3A_572, %mul3A_149 : i32
        %get3A_574 = arith.index_cast %add3A_573 : i32 to index
        %get3A_575 = tpu.vector_load %arg15[%get3A_574] {strides = array<i32>} : memref<6192xf32, #tpu.memory_space<vmem>>, vector<16xf32>,
        %mul3A_576 = arith.mulf %get3A_398, %get3A_575 : vector<16xf32>
        %add3A_577 = arith.addf %mul3A_571, %mul3A_576 : vector<16xf32>
        %add3A_578 = arith.constant 2580 : i32
        %add3A_579 = arith.addi %add3A_578, %mul3A_149 : i32
        %get3A_580 = arith.index_cast %add3A_579 : i32 to index
        %get3A_581 = tpu.vector_load %arg15[%get3A_580] {strides = array<i32>} : memref<6192xf32, #tpu.memory_space<vmem>>, vector<16xf32>,
        %mul3A_582 = arith.mulf %get3A_402, %get3A_581 : vector<16xf32>
        %add3A_583 = arith.addf %add3A_577, %mul3A_582 : vector<16xf32>
        %add3A_584 = arith.constant 3612 : i32
        %add3A_585 = arith.addi %add3A_584, %mul3A_149 : i32
        %get3A_586 = arith.index_cast %add3A_585 : i32 to index
        %get3A_587 = tpu.vector_load %arg15[%get3A_586] {strides = array<i32>} : memref<6192xf32, #tpu.memory_space<vmem>>, vector<16xf32>,
        %mul3A_588 = arith.mulf %get3A_406, %get3A_587 : vector<16xf32>
        %add3A_589 = arith.addf %add3A_583, %mul3A_588 : vector<16xf32>
        %add3A_590 = arith.constant 4644 : i32
        %add3A_591 = arith.addi %add3A_590, %mul3A_149 : i32
        %get3A_592 = arith.index_cast %add3A_591 : i32 to index
        %get3A_593 = tpu.vector_load %arg15[%get3A_592] {strides = array<i32>} : memref<6192xf32, #tpu.memory_space<vmem>>, vector<16xf32>,
        %mul3A_594 = arith.mulf %get3A_410, %get3A_593 : vector<16xf32>
        %add3A_595 = arith.addf %add3A_589, %mul3A_594 : vector<16xf32>
        %add3A_596 = arith.constant 5676 : i32
        %add3A_597 = arith.addi %add3A_596, %mul3A_149 : i32
        %get3A_598 = arith.index_cast %add3A_597 : i32 to index
        %get3A_599 = tpu.vector_load %arg15[%get3A_598] {strides = array<i32>} : memref<6192xf32, #tpu.memory_space<vmem>>, vector<16xf32>,
        %mul3A_600 = arith.mulf %get3A_414, %get3A_599 : vector<16xf32>
        %add3A_601 = arith.addf %add3A_595, %mul3A_600 : vector<16xf32>
        %add3A_602 = arith.constant 40960 : i32
        %add3A_603 = vector.broadcast %add3A_602 : i32 to vector<16xi32>
        %add3A_604 = arith.addi %get3A_390, %add3A_603 : vector<16xi32>
        tpu.vector_store_idx %arg7[%add3A_604], %add3A_601 {add = true} : memref<81920xf32, #tpu.memory_space<vmem>>[vector<16xi32>], vector<16xf32>,
        %add3A_605 = arith.constant 645 : i32
        %add3A_606 = arith.addi %add3A_605, %mul3A_149 : i32
        %get3A_607 = arith.index_cast %add3A_606 : i32 to index
        %get3A_608 = tpu.vector_load %arg15[%get3A_607] {strides = array<i32>} : memref<6192xf32, #tpu.memory_space<vmem>>, vector<16xf32>,
        %mul3A_609 = arith.mulf %get3A_394, %get3A_608 : vector<16xf32>
        %add3A_610 = arith.constant 1677 : i32
        %add3A_611 = arith.addi %add3A_610, %mul3A_149 : i32
        %get3A_612 = arith.index_cast %add3A_611 : i32 to index
        %get3A_613 = tpu.vector_load %arg15[%get3A_612] {strides = array<i32>} : memref<6192xf32, #tpu.memory_space<vmem>>, vector<16xf32>,
        %mul3A_614 = arith.mulf %get3A_398, %get3A_613 : vector<16xf32>
        %add3A_615 = arith.addf %mul3A_609, %mul3A_614 : vector<16xf32>
        %add3A_616 = arith.constant 2709 : i32
        %add3A_617 = arith.addi %add3A_616, %mul3A_149 : i32
        %get3A_618 = arith.index_cast %add3A_617 : i32 to index
        %get3A_619 = tpu.vector_load %arg15[%get3A_618] {strides = array<i32>} : memref<6192xf32, #tpu.memory_space<vmem>>, vector<16xf32>,
        %mul3A_620 = arith.mulf %get3A_402, %get3A_619 : vector<16xf32>
        %add3A_621 = arith.addf %add3A_615, %mul3A_620 : vector<16xf32>
        %add3A_622 = arith.constant 3741 : i32
        %add3A_623 = arith.addi %add3A_622, %mul3A_149 : i32
        %get3A_624 = arith.index_cast %add3A_623 : i32 to index
        %get3A_625 = tpu.vector_load %arg15[%get3A_624] {strides = array<i32>} : memref<6192xf32, #tpu.memory_space<vmem>>, vector<16xf32>,
        %mul3A_626 = arith.mulf %get3A_406, %get3A_625 : vector<16xf32>
        %add3A_627 = arith.addf %add3A_621, %mul3A_626 : vector<16xf32>
        %add3A_628 = arith.constant 4773 : i32
        %add3A_629 = arith.addi %add3A_628, %mul3A_149 : i32
        %get3A_630 = arith.index_cast %add3A_629 : i32 to index
        %get3A_631 = tpu.vector_load %arg15[%get3A_630] {strides = array<i32>} : memref<6192xf32, #tpu.memory_space<vmem>>, vector<16xf32>,
        %mul3A_632 = arith.mulf %get3A_410, %get3A_631 : vector<16xf32>
        %add3A_633 = arith.addf %add3A_627, %mul3A_632 : vector<16xf32>
        %add3A_634 = arith.constant 5805 : i32
        %add3A_635 = arith.addi %add3A_634, %mul3A_149 : i32
        %get3A_636 = arith.index_cast %add3A_635 : i32 to index
        %get3A_637 = tpu.vector_load %arg15[%get3A_636] {strides = array<i32>} : memref<6192xf32, #tpu.memory_space<vmem>>, vector<16xf32>,
        %mul3A_638 = arith.mulf %get3A_414, %get3A_637 : vector<16xf32>
        %add3A_639 = arith.addf %add3A_633, %mul3A_638 : vector<16xf32>
        %add3A_640 = arith.constant 51200 : i32
        %add3A_641 = vector.broadcast %add3A_640 : i32 to vector<16xi32>
        %add3A_642 = arith.addi %get3A_390, %add3A_641 : vector<16xi32>
        tpu.vector_store_idx %arg7[%add3A_642], %add3A_639 {add = true} : memref<81920xf32, #tpu.memory_space<vmem>>[vector<16xi32>], vector<16xf32>,
        %add3A_643 = arith.constant 774 : i32
        %add3A_644 = arith.addi %add3A_643, %mul3A_149 : i32
        %get3A_645 = arith.index_cast %add3A_644 : i32 to index
        %get3A_646 = tpu.vector_load %arg15[%get3A_645] {strides = array<i32>} : memref<6192xf32, #tpu.memory_space<vmem>>, vector<16xf32>,
        %mul3A_647 = arith.mulf %get3A_394, %get3A_646 : vector<16xf32>
        %add3A_648 = arith.constant 1806 : i32
        %add3A_649 = arith.addi %add3A_648, %mul3A_149 : i32
        %get3A_650 = arith.index_cast %add3A_649 : i32 to index
        %get3A_651 = tpu.vector_load %arg15[%get3A_650] {strides = array<i32>} : memref<6192xf32, #tpu.memory_space<vmem>>, vector<16xf32>,
        %mul3A_652 = arith.mulf %get3A_398, %get3A_651 : vector<16xf32>
        %add3A_653 = arith.addf %mul3A_647, %mul3A_652 : vector<16xf32>
        %add3A_654 = arith.constant 2838 : i32
        %add3A_655 = arith.addi %add3A_654, %mul3A_149 : i32
        %get3A_656 = arith.index_cast %add3A_655 : i32 to index
        %get3A_657 = tpu.vector_load %arg15[%get3A_656] {strides = array<i32>} : memref<6192xf32, #tpu.memory_space<vmem>>, vector<16xf32>,
        %mul3A_658 = arith.mulf %get3A_402, %get3A_657 : vector<16xf32>
        %add3A_659 = arith.addf %add3A_653, %mul3A_658 : vector<16xf32>
        %add3A_660 = arith.constant 3870 : i32
        %add3A_661 = arith.addi %add3A_660, %mul3A_149 : i32
        %get3A_662 = arith.index_cast %add3A_661 : i32 to index
        %get3A_663 = tpu.vector_load %arg15[%get3A_662] {strides = array<i32>} : memref<6192xf32, #tpu.memory_space<vmem>>, vector<16xf32>,
        %mul3A_664 = arith.mulf %get3A_406, %get3A_663 : vector<16xf32>
        %add3A_665 = arith.addf %add3A_659, %mul3A_664 : vector<16xf32>
        %add3A_666 = arith.constant 4902 : i32
        %add3A_667 = arith.addi %add3A_666, %mul3A_149 : i32
        %get3A_668 = arith.index_cast %add3A_667 : i32 to index
        %get3A_669 = tpu.vector_load %arg15[%get3A_668] {strides = array<i32>} : memref<6192xf32, #tpu.memory_space<vmem>>, vector<16xf32>,
        %mul3A_670 = arith.mulf %get3A_410, %get3A_669 : vector<16xf32>
        %add3A_671 = arith.addf %add3A_665, %mul3A_670 : vector<16xf32>
        %add3A_672 = arith.constant 5934 : i32
        %add3A_673 = arith.addi %add3A_672, %mul3A_149 : i32
        %get3A_674 = arith.index_cast %add3A_673 : i32 to index
        %get3A_675 = tpu.vector_load %arg15[%get3A_674] {strides = array<i32>} : memref<6192xf32, #tpu.memory_space<vmem>>, vector<16xf32>,
        %mul3A_676 = arith.mulf %get3A_414, %get3A_675 : vector<16xf32>
        %add3A_677 = arith.addf %add3A_671, %mul3A_676 : vector<16xf32>
        %add3A_678 = arith.constant 61440 : i32
        %add3A_679 = vector.broadcast %add3A_678 : i32 to vector<16xi32>
        %add3A_680 = arith.addi %get3A_390, %add3A_679 : vector<16xi32>
        tpu.vector_store_idx %arg7[%add3A_680], %add3A_677 {add = true} : memref<81920xf32, #tpu.memory_space<vmem>>[vector<16xi32>], vector<16xf32>,
        %add3A_681 = arith.constant 903 : i32
        %add3A_682 = arith.addi %add3A_681, %mul3A_149 : i32
        %get3A_683 = arith.index_cast %add3A_682 : i32 to index
        %get3A_684 = tpu.vector_load %arg15[%get3A_683] {strides = array<i32>} : memref<6192xf32, #tpu.memory_space<vmem>>, vector<16xf32>,
        %mul3A_685 = arith.mulf %get3A_394, %get3A_684 : vector<16xf32>
        %add3A_686 = arith.constant 1935 : i32
        %add3A_687 = arith.addi %add3A_686, %mul3A_149 : i32
        %get3A_688 = arith.index_cast %add3A_687 : i32 to index
        %get3A_689 = tpu.vector_load %arg15[%get3A_688] {strides = array<i32>} : memref<6192xf32, #tpu.memory_space<vmem>>, vector<16xf32>,
        %mul3A_690 = arith.mulf %get3A_398, %get3A_689 : vector<16xf32>
        %add3A_691 = arith.addf %mul3A_685, %mul3A_690 : vector<16xf32>
        %add3A_692 = arith.constant 2967 : i32
        %add3A_693 = arith.addi %add3A_692, %mul3A_149 : i32
        %get3A_694 = arith.index_cast %add3A_693 : i32 to index
        %get3A_695 = tpu.vector_load %arg15[%get3A_694] {strides = array<i32>} : memref<6192xf32, #tpu.memory_space<vmem>>, vector<16xf32>,
        %mul3A_696 = arith.mulf %get3A_402, %get3A_695 : vector<16xf32>
        %add3A_697 = arith.addf %add3A_691, %mul3A_696 : vector<16xf32>
        %add3A_698 = arith.constant 3999 : i32
        %add3A_699 = arith.addi %add3A_698, %mul3A_149 : i32
        %get3A_700 = arith.index_cast %add3A_699 : i32 to index
        %get3A_701 = tpu.vector_load %arg15[%get3A_700] {strides = array<i32>} : memref<6192xf32, #tpu.memory_space<vmem>>, vector<16xf32>,
        %mul3A_702 = arith.mulf %get3A_406, %get3A_701 : vector<16xf32>
        %add3A_703 = arith.addf %add3A_697, %mul3A_702 : vector<16xf32>
        %add3A_704 = arith.constant 5031 : i32
        %add3A_705 = arith.addi %add3A_704, %mul3A_149 : i32
        %get3A_706 = arith.index_cast %add3A_705 : i32 to index
        %get3A_707 = tpu.vector_load %arg15[%get3A_706] {strides = array<i32>} : memref<6192xf32, #tpu.memory_space<vmem>>, vector<16xf32>,
        %mul3A_708 = arith.mulf %get3A_410, %get3A_707 : vector<16xf32>
        %add3A_709 = arith.addf %add3A_703, %mul3A_708 : vector<16xf32>
        %add3A_710 = arith.constant 6063 : i32
        %add3A_711 = arith.addi %add3A_710, %mul3A_149 : i32
        %get3A_712 = arith.index_cast %add3A_711 : i32 to index
        %get3A_713 = tpu.vector_load %arg15[%get3A_712] {strides = array<i32>} : memref<6192xf32, #tpu.memory_space<vmem>>, vector<16xf32>,
        %mul3A_714 = arith.mulf %get3A_414, %get3A_713 : vector<16xf32>
        %add3A_715 = arith.addf %add3A_709, %mul3A_714 : vector<16xf32>
        %add3A_716 = arith.constant 71680 : i32
        %add3A_717 = vector.broadcast %add3A_716 : i32 to vector<16xi32>
        %add3A_718 = arith.addi %get3A_390, %add3A_717 : vector<16xi32>
        tpu.vector_store_idx %arg7[%add3A_718], %add3A_715 {add = true} : memref<81920xf32, #tpu.memory_space<vmem>>[vector<16xi32>], vector<16xf32>,
        %scan3A_719 = arith.constant 0 : i32
        scf.yield %scan3A_719 : i32
      }
      %scan3A_109 = arith.constant 8 : i32
      %lt3A = arith.constant 19 : i32
      %lt3A_110 = arith.cmpi slt, %scan3A_81, %lt3A : i32
      %convert_element_type3A = arith.extui %lt3A_110 : i1 to i32
      %cond3A = arith.constant 0 : i32
      %cond3A_111 = arith.cmpi ne, %convert_element_type3A, %cond3A : i32
      scf.if %cond3A_111 {
        %add3A_146 = arith.constant 2 : i32
        %add3A_147 = arith.addi %mul3A_84, %add3A_146 : i32
        %mul3A_148 = arith.constant 40 : i32
        %mul3A_149 = arith.muli %add3A, %mul3A_148 : i32
        %add3A_150 = arith.addi %mul3A_149, %add3A_147 : i32
        %mul3A_151 = arith.constant 128 : i32
        %mul3A_152 = arith.muli %add3A_150, %mul3A_151 : i32
        %dma_start3A_153 = tpu.memref_slice %arg4[%mul3A_152] : memref<163840xi32, #tpu.memory_space<hbm>> -> memref<128xi32, #tpu.memory_space<hbm>>
        %dma_start3A_154 = tpu.memref_slice %arg4[%mul3A_152] : memref<163840xi32, #tpu.memory_space<hbm>> -> memref<128xi32, #tpu.memory_space<hbm>>
        tpu.enqueue_dma source(%dma_start3A_154 : memref<128xi32, #tpu.memory_space<hbm>>) target(%arg9 : memref<128xi32, #tpu.memory_space<vmem>>) target_semaphore(%arg18 : memref<!tpu.dma_semaphore, #tpu.memory_space<semaphore_mem>>)
        %mul3A_155 = arith.constant 6 : i32
        %mul3A_156 = arith.muli %add3A_150, %mul3A_155 : i32
        %mul3A_157 = arith.constant 128 : i32
        %mul3A_158 = arith.muli %mul3A_156, %mul3A_157 : i32
        %dma_start3A_159 = tpu.memref_slice %arg5[%mul3A_158] : memref<983040xf32, #tpu.memory_space<hbm>> -> memref<768xf32, #tpu.memory_space<hbm>>
        %dma_start3A_160 = tpu.memref_slice %arg5[%mul3A_158] : memref<983040xf32, #tpu.memory_space<hbm>> -> memref<768xf32, #tpu.memory_space<hbm>>
        tpu.enqueue_dma source(%dma_start3A_160 : memref<768xf32, #tpu.memory_space<hbm>>) target(%arg11 : memref<768xf32, #tpu.memory_space<vmem>>) target_semaphore(%arg18 : memref<!tpu.dma_semaphore, #tpu.memory_space<semaphore_mem>>)
        %mul3A_161 = arith.constant 128 : i32
        %mul3A_162 = arith.muli %add3A_147, %mul3A_161 : i32
        %dma_start3A_163 = tpu.memref_slice %arg8[%mul3A_162] : memref<5120xi32, #tpu.memory_space<vmem>> -> memref<128xi32, #tpu.memory_space<vmem>>
        %dma_start3A_164 = arith.constant 0 : i32
        %dma_start3A_165 = arith.constant 0 : i32
        %dma_start3A_166 = tpu.memref_slice %arg2[%dma_start3A_164, %dma_start3A_165] : memref<10240x48xf32, #tpu.memory_space<hbm>> -> memref<10240x48xf32, #tpu.memory_space<hbm>>
        tpu.enqueue_indirect_dma source(%dma_start3A_166 : memref<10240x48xf32, #tpu.memory_space<hbm>>) target(%arg13 : memref<128x48xf32, #tpu.memory_space<vmem>>) offsets(%dma_start3A_163 : memref<128xi32, #tpu.memory_space<vmem>>) semaphore(%arg16 : memref<!tpu.dma_semaphore, #tpu.memory_space<semaphore_mem>>)
      } else {
      }
      %add3A_112 = arith.constant 1 : i32
      %add3A_113 = arith.addi %mul3A_84, %add3A_112 : i32
      %mul3A_114 = arith.constant 40 : i32
      %mul3A_115 = arith.muli %add3A, %mul3A_114 : i32
      %add3A_116 = arith.addi %mul3A_115, %add3A_113 : i32
      %mul3A_117 = arith.constant 128 : i32
      %mul3A_118 = arith.muli %add3A_116, %mul3A_117 : i32
      %dma_wait3A_119 = tpu.memref_slice %arg4[%mul3A_118] : memref<163840xi32, #tpu.memory_space<hbm>> -> memref<128xi32, #tpu.memory_space<hbm>>
      %dma_wait3A_120 = tpu.memref_slice %arg4[%mul3A_118] : memref<163840xi32, #tpu.memory_space<hbm>> -> memref<128xi32, #tpu.memory_space<hbm>>
      tpu.wait_dma2 semaphore(%arg19 : memref<!tpu.dma_semaphore, #tpu.memory_space<semaphore_mem>>) src(%dma_wait3A_120 : memref<128xi32, #tpu.memory_space<hbm>>) dst(%arg10 : memref<128xi32, #tpu.memory_space<vmem>>)
      %mul3A_121 = arith.constant 6 : i32
      %mul3A_122 = arith.muli %add3A_116, %mul3A_121 : i32
      %mul3A_123 = arith.constant 128 : i32
      %mul3A_124 = arith.muli %mul3A_122, %mul3A_123 : i32
      %dma_wait3A_125 = tpu.memref_slice %arg5[%mul3A_124] : memref<983040xf32, #tpu.memory_space<hbm>> -> memref<768xf32, #tpu.memory_space<hbm>>
      %dma_wait3A_126 = tpu.memref_slice %arg5[%mul3A_124] : memref<983040xf32, #tpu.memory_space<hbm>> -> memref<768xf32, #tpu.memory_space<hbm>>
      tpu.wait_dma2 semaphore(%arg19 : memref<!tpu.dma_semaphore, #tpu.memory_space<semaphore_mem>>) src(%dma_wait3A_126 : memref<768xf32, #tpu.memory_space<hbm>>) dst(%arg12 : memref<768xf32, #tpu.memory_space<vmem>>)
      %mul3A_127 = arith.constant 128 : i32
      %mul3A_128 = arith.muli %add3A_113, %mul3A_127 : i32
      %dma_wait3A_129 = tpu.memref_slice %arg8[%mul3A_128] : memref<5120xi32, #tpu.memory_space<vmem>> -> memref<128xi32, #tpu.memory_space<vmem>>
      %dma_wait3A_130 = arith.constant 0 : i32
      %dma_wait3A_131 = arith.constant 0 : i32
      %dma_wait3A_132 = tpu.memref_slice %arg2[%dma_wait3A_130, %dma_wait3A_131] : memref<10240x48xf32, #tpu.memory_space<hbm>> -> memref<10240x48xf32, #tpu.memory_space<hbm>>
      tpu.wait_indirect_dma semaphore(%arg17 : memref<!tpu.dma_semaphore, #tpu.memory_space<semaphore_mem>>) src(%dma_wait3A_132 : memref<10240x48xf32, #tpu.memory_space<hbm>>) dst(%arg14 : memref<128x48xf32, #tpu.memory_space<vmem>>)
      %scan3A_133 = arith.constant 0 : i32
      %scan3A_134 = arith.constant 0 : i32
      %scan3A_135 = arith.constant 8 : i32
      %scan3A_136 = arith.addi %scan3A_134, %scan3A_135 : i32
      %scan3A_137 = arith.constant 1 : i32
      %scan3A_138 = scf.for %scan3A_146 = %scan3A_134 to %scan3A_136 step %scan3A_137 iter_args(%scan3A_147 = %scan3A_133) -> (i32)  : i32 {
        %mul3A_148 = arith.constant 16 : i32
        %mul3A_149 = arith.muli %scan3A_146, %mul3A_148 : i32
        %add3A_150 = arith.constant 0 : i32
        %add3A_151 = arith.addi %mul3A_149, %add3A_150 : i32
        %broadcast_in_dim3A_152 = vector.broadcast %add3A_151 : i32 to vector<16xi32>
        %add3A_153 = arith.addi %mul3A_8, %broadcast_in_dim3A_152 : vector<16xi32>
        %get3A = arith.index_cast %add3A_151 : i32 to index
        %get3A_154 = arith.constant 0 : index
        %get3A_155 = tpu.vector_load %arg14[%get3A, %get3A_154] {strides = array<i32>} : memref<128x48xf32, #tpu.memory_space<vmem>>, vector<16xf32>,
        tpu.vector_store_idx %arg15[%add3A_153], %get3A_155 : memref<6192xf32, #tpu.memory_space<vmem>>[vector<16xi32>], vector<16xf32>,
        %add3A_156 = arith.addi %mul3A_15, %broadcast_in_dim3A_152 : vector<16xi32>
        %get3A_157 = arith.index_cast %add3A_151 : i32 to index
        %get3A_158 = arith.constant 16 : index
        %get3A_159 = tpu.vector_load %arg14[%get3A_157, %get3A_158] {strides = array<i32>} : memref<128x48xf32, #tpu.memory_space<vmem>>, vector<16xf32>,
        tpu.vector_store_idx %arg15[%add3A_156], %get3A_159 : memref<6192xf32, #tpu.memory_space<vmem>>[vector<16xi32>], vector<16xf32>,
        %add3A_160 = arith.addi %mul3A_22, %broadcast_in_dim3A_152 : vector<16xi32>
        %get3A_161 = arith.index_cast %add3A_151 : i32 to index
        %get3A_162 = arith.constant 32 : index
        %get3A_163 = tpu.vector_load %arg14[%get3A_161, %get3A_162] {strides = array<i32>} : memref<128x48xf32, #tpu.memory_space<vmem>>, vector<16xf32>,
        tpu.vector_store_idx %arg15[%add3A_160], %get3A_163 : memref<6192xf32, #tpu.memory_space<vmem>>[vector<16xi32>], vector<16xf32>,
        %add3A_164 = arith.constant 1 : i32
        %add3A_165 = arith.addi %mul3A_149, %add3A_164 : i32
        %broadcast_in_dim3A_166 = vector.broadcast %add3A_165 : i32 to vector<16xi32>
        %add3A_167 = arith.addi %mul3A_8, %broadcast_in_dim3A_166 : vector<16xi32>
        %get3A_168 = arith.index_cast %add3A_165 : i32 to index
        %get3A_169 = arith.constant 0 : index
        %get3A_170 = tpu.vector_load %arg14[%get3A_168, %get3A_169] {strides = array<i32>} : memref<128x48xf32, #tpu.memory_space<vmem>>, vector<16xf32>,
        tpu.vector_store_idx %arg15[%add3A_167], %get3A_170 : memref<6192xf32, #tpu.memory_space<vmem>>[vector<16xi32>], vector<16xf32>,
        %add3A_171 = arith.addi %mul3A_15, %broadcast_in_dim3A_166 : vector<16xi32>
        %get3A_172 = arith.index_cast %add3A_165 : i32 to index
        %get3A_173 = arith.constant 16 : index
        %get3A_174 = tpu.vector_load %arg14[%get3A_172, %get3A_173] {strides = array<i32>} : memref<128x48xf32, #tpu.memory_space<vmem>>, vector<16xf32>,
        tpu.vector_store_idx %arg15[%add3A_171], %get3A_174 : memref<6192xf32, #tpu.memory_space<vmem>>[vector<16xi32>], vector<16xf32>,
        %add3A_175 = arith.addi %mul3A_22, %broadcast_in_dim3A_166 : vector<16xi32>
        %get3A_176 = arith.index_cast %add3A_165 : i32 to index
        %get3A_177 = arith.constant 32 : index
        %get3A_178 = tpu.vector_load %arg14[%get3A_176, %get3A_177] {strides = array<i32>} : memref<128x48xf32, #tpu.memory_space<vmem>>, vector<16xf32>,
        tpu.vector_store_idx %arg15[%add3A_175], %get3A_178 : memref<6192xf32, #tpu.memory_space<vmem>>[vector<16xi32>], vector<16xf32>,
        %add3A_179 = arith.constant 2 : i32
        %add3A_180 = arith.addi %mul3A_149, %add3A_179 : i32
        %broadcast_in_dim3A_181 = vector.broadcast %add3A_180 : i32 to vector<16xi32>
        %add3A_182 = arith.addi %mul3A_8, %broadcast_in_dim3A_181 : vector<16xi32>
        %get3A_183 = arith.index_cast %add3A_180 : i32 to index
        %get3A_184 = arith.constant 0 : index
        %get3A_185 = tpu.vector_load %arg14[%get3A_183, %get3A_184] {strides = array<i32>} : memref<128x48xf32, #tpu.memory_space<vmem>>, vector<16xf32>,
        tpu.vector_store_idx %arg15[%add3A_182], %get3A_185 : memref<6192xf32, #tpu.memory_space<vmem>>[vector<16xi32>], vector<16xf32>,
        %add3A_186 = arith.addi %mul3A_15, %broadcast_in_dim3A_181 : vector<16xi32>
        %get3A_187 = arith.index_cast %add3A_180 : i32 to index
        %get3A_188 = arith.constant 16 : index
        %get3A_189 = tpu.vector_load %arg14[%get3A_187, %get3A_188] {strides = array<i32>} : memref<128x48xf32, #tpu.memory_space<vmem>>, vector<16xf32>,
        tpu.vector_store_idx %arg15[%add3A_186], %get3A_189 : memref<6192xf32, #tpu.memory_space<vmem>>[vector<16xi32>], vector<16xf32>,
        %add3A_190 = arith.addi %mul3A_22, %broadcast_in_dim3A_181 : vector<16xi32>
        %get3A_191 = arith.index_cast %add3A_180 : i32 to index
        %get3A_192 = arith.constant 32 : index
        %get3A_193 = tpu.vector_load %arg14[%get3A_191, %get3A_192] {strides = array<i32>} : memref<128x48xf32, #tpu.memory_space<vmem>>, vector<16xf32>,
        tpu.vector_store_idx %arg15[%add3A_190], %get3A_193 : memref<6192xf32, #tpu.memory_space<vmem>>[vector<16xi32>], vector<16xf32>,
        %add3A_194 = arith.constant 3 : i32
        %add3A_195 = arith.addi %mul3A_149, %add3A_194 : i32
        %broadcast_in_dim3A_196 = vector.broadcast %add3A_195 : i32 to vector<16xi32>
        %add3A_197 = arith.addi %mul3A_8, %broadcast_in_dim3A_196 : vector<16xi32>
        %get3A_198 = arith.index_cast %add3A_195 : i32 to index
        %get3A_199 = arith.constant 0 : index
        %get3A_200 = tpu.vector_load %arg14[%get3A_198, %get3A_199] {strides = array<i32>} : memref<128x48xf32, #tpu.memory_space<vmem>>, vector<16xf32>,
        tpu.vector_store_idx %arg15[%add3A_197], %get3A_200 : memref<6192xf32, #tpu.memory_space<vmem>>[vector<16xi32>], vector<16xf32>,
        %add3A_201 = arith.addi %mul3A_15, %broadcast_in_dim3A_196 : vector<16xi32>
        %get3A_202 = arith.index_cast %add3A_195 : i32 to index
        %get3A_203 = arith.constant 16 : index
        %get3A_204 = tpu.vector_load %arg14[%get3A_202, %get3A_203] {strides = array<i32>} : memref<128x48xf32, #tpu.memory_space<vmem>>, vector<16xf32>,
        tpu.vector_store_idx %arg15[%add3A_201], %get3A_204 : memref<6192xf32, #tpu.memory_space<vmem>>[vector<16xi32>], vector<16xf32>,
        %add3A_205 = arith.addi %mul3A_22, %broadcast_in_dim3A_196 : vector<16xi32>
        %get3A_206 = arith.index_cast %add3A_195 : i32 to index
        %get3A_207 = arith.constant 32 : index
        %get3A_208 = tpu.vector_load %arg14[%get3A_206, %get3A_207] {strides = array<i32>} : memref<128x48xf32, #tpu.memory_space<vmem>>, vector<16xf32>,
        tpu.vector_store_idx %arg15[%add3A_205], %get3A_208 : memref<6192xf32, #tpu.memory_space<vmem>>[vector<16xi32>], vector<16xf32>,
        %add3A_209 = arith.constant 4 : i32
        %add3A_210 = arith.addi %mul3A_149, %add3A_209 : i32
        %broadcast_in_dim3A_211 = vector.broadcast %add3A_210 : i32 to vector<16xi32>
        %add3A_212 = arith.addi %mul3A_8, %broadcast_in_dim3A_211 : vector<16xi32>
        %get3A_213 = arith.index_cast %add3A_210 : i32 to index
        %get3A_214 = arith.constant 0 : index
        %get3A_215 = tpu.vector_load %arg14[%get3A_213, %get3A_214] {strides = array<i32>} : memref<128x48xf32, #tpu.memory_space<vmem>>, vector<16xf32>,
        tpu.vector_store_idx %arg15[%add3A_212], %get3A_215 : memref<6192xf32, #tpu.memory_space<vmem>>[vector<16xi32>], vector<16xf32>,
        %add3A_216 = arith.addi %mul3A_15, %broadcast_in_dim3A_211 : vector<16xi32>
        %get3A_217 = arith.index_cast %add3A_210 : i32 to index
        %get3A_218 = arith.constant 16 : index
        %get3A_219 = tpu.vector_load %arg14[%get3A_217, %get3A_218] {strides = array<i32>} : memref<128x48xf32, #tpu.memory_space<vmem>>, vector<16xf32>,
        tpu.vector_store_idx %arg15[%add3A_216], %get3A_219 : memref<6192xf32, #tpu.memory_space<vmem>>[vector<16xi32>], vector<16xf32>,
        %add3A_220 = arith.addi %mul3A_22, %broadcast_in_dim3A_211 : vector<16xi32>
        %get3A_221 = arith.index_cast %add3A_210 : i32 to index
        %get3A_222 = arith.constant 32 : index
        %get3A_223 = tpu.vector_load %arg14[%get3A_221, %get3A_222] {strides = array<i32>} : memref<128x48xf32, #tpu.memory_space<vmem>>, vector<16xf32>,
        tpu.vector_store_idx %arg15[%add3A_220], %get3A_223 : memref<6192xf32, #tpu.memory_space<vmem>>[vector<16xi32>], vector<16xf32>,
        %add3A_224 = arith.constant 5 : i32
        %add3A_225 = arith.addi %mul3A_149, %add3A_224 : i32
        %broadcast_in_dim3A_226 = vector.broadcast %add3A_225 : i32 to vector<16xi32>
        %add3A_227 = arith.addi %mul3A_8, %broadcast_in_dim3A_226 : vector<16xi32>
        %get3A_228 = arith.index_cast %add3A_225 : i32 to index
        %get3A_229 = arith.constant 0 : index
        %get3A_230 = tpu.vector_load %arg14[%get3A_228, %get3A_229] {strides = array<i32>} : memref<128x48xf32, #tpu.memory_space<vmem>>, vector<16xf32>,
        tpu.vector_store_idx %arg15[%add3A_227], %get3A_230 : memref<6192xf32, #tpu.memory_space<vmem>>[vector<16xi32>], vector<16xf32>,
        %add3A_231 = arith.addi %mul3A_15, %broadcast_in_dim3A_226 : vector<16xi32>
        %get3A_232 = arith.index_cast %add3A_225 : i32 to index
        %get3A_233 = arith.constant 16 : index
        %get3A_234 = tpu.vector_load %arg14[%get3A_232, %get3A_233] {strides = array<i32>} : memref<128x48xf32, #tpu.memory_space<vmem>>, vector<16xf32>,
        tpu.vector_store_idx %arg15[%add3A_231], %get3A_234 : memref<6192xf32, #tpu.memory_space<vmem>>[vector<16xi32>], vector<16xf32>,
        %add3A_235 = arith.addi %mul3A_22, %broadcast_in_dim3A_226 : vector<16xi32>
        %get3A_236 = arith.index_cast %add3A_225 : i32 to index
        %get3A_237 = arith.constant 32 : index
        %get3A_238 = tpu.vector_load %arg14[%get3A_236, %get3A_237] {strides = array<i32>} : memref<128x48xf32, #tpu.memory_space<vmem>>, vector<16xf32>,
        tpu.vector_store_idx %arg15[%add3A_235], %get3A_238 : memref<6192xf32, #tpu.memory_space<vmem>>[vector<16xi32>], vector<16xf32>,
        %add3A_239 = arith.constant 6 : i32
        %add3A_240 = arith.addi %mul3A_149, %add3A_239 : i32
        %broadcast_in_dim3A_241 = vector.broadcast %add3A_240 : i32 to vector<16xi32>
        %add3A_242 = arith.addi %mul3A_8, %broadcast_in_dim3A_241 : vector<16xi32>
        %get3A_243 = arith.index_cast %add3A_240 : i32 to index
        %get3A_244 = arith.constant 0 : index
        %get3A_245 = tpu.vector_load %arg14[%get3A_243, %get3A_244] {strides = array<i32>} : memref<128x48xf32, #tpu.memory_space<vmem>>, vector<16xf32>,
        tpu.vector_store_idx %arg15[%add3A_242], %get3A_245 : memref<6192xf32, #tpu.memory_space<vmem>>[vector<16xi32>], vector<16xf32>,
        %add3A_246 = arith.addi %mul3A_15, %broadcast_in_dim3A_241 : vector<16xi32>
        %get3A_247 = arith.index_cast %add3A_240 : i32 to index
        %get3A_248 = arith.constant 16 : index
        %get3A_249 = tpu.vector_load %arg14[%get3A_247, %get3A_248] {strides = array<i32>} : memref<128x48xf32, #tpu.memory_space<vmem>>, vector<16xf32>,
        tpu.vector_store_idx %arg15[%add3A_246], %get3A_249 : memref<6192xf32, #tpu.memory_space<vmem>>[vector<16xi32>], vector<16xf32>,
        %add3A_250 = arith.addi %mul3A_22, %broadcast_in_dim3A_241 : vector<16xi32>
        %get3A_251 = arith.index_cast %add3A_240 : i32 to index
        %get3A_252 = arith.constant 32 : index
        %get3A_253 = tpu.vector_load %arg14[%get3A_251, %get3A_252] {strides = array<i32>} : memref<128x48xf32, #tpu.memory_space<vmem>>, vector<16xf32>,
        tpu.vector_store_idx %arg15[%add3A_250], %get3A_253 : memref<6192xf32, #tpu.memory_space<vmem>>[vector<16xi32>], vector<16xf32>,
        %add3A_254 = arith.constant 7 : i32
        %add3A_255 = arith.addi %mul3A_149, %add3A_254 : i32
        %broadcast_in_dim3A_256 = vector.broadcast %add3A_255 : i32 to vector<16xi32>
        %add3A_257 = arith.addi %mul3A_8, %broadcast_in_dim3A_256 : vector<16xi32>
        %get3A_258 = arith.index_cast %add3A_255 : i32 to index
        %get3A_259 = arith.constant 0 : index
        %get3A_260 = tpu.vector_load %arg14[%get3A_258, %get3A_259] {strides = array<i32>} : memref<128x48xf32, #tpu.memory_space<vmem>>, vector<16xf32>,
        tpu.vector_store_idx %arg15[%add3A_257], %get3A_260 : memref<6192xf32, #tpu.memory_space<vmem>>[vector<16xi32>], vector<16xf32>,
        %add3A_261 = arith.addi %mul3A_15, %broadcast_in_dim3A_256 : vector<16xi32>
        %get3A_262 = arith.index_cast %add3A_255 : i32 to index
        %get3A_263 = arith.constant 16 : index
        %get3A_264 = tpu.vector_load %arg14[%get3A_262, %get3A_263] {strides = array<i32>} : memref<128x48xf32, #tpu.memory_space<vmem>>, vector<16xf32>,
        tpu.vector_store_idx %arg15[%add3A_261], %get3A_264 : memref<6192xf32, #tpu.memory_space<vmem>>[vector<16xi32>], vector<16xf32>,
        %add3A_265 = arith.addi %mul3A_22, %broadcast_in_dim3A_256 : vector<16xi32>
        %get3A_266 = arith.index_cast %add3A_255 : i32 to index
        %get3A_267 = arith.constant 32 : index
        %get3A_268 = tpu.vector_load %arg14[%get3A_266, %get3A_267] {strides = array<i32>} : memref<128x48xf32, #tpu.memory_space<vmem>>, vector<16xf32>,
        tpu.vector_store_idx %arg15[%add3A_265], %get3A_268 : memref<6192xf32, #tpu.memory_space<vmem>>[vector<16xi32>], vector<16xf32>,
        %add3A_269 = arith.constant 8 : i32
        %add3A_270 = arith.addi %mul3A_149, %add3A_269 : i32
        %broadcast_in_dim3A_271 = vector.broadcast %add3A_270 : i32 to vector<16xi32>
        %add3A_272 = arith.addi %mul3A_8, %broadcast_in_dim3A_271 : vector<16xi32>
        %get3A_273 = arith.index_cast %add3A_270 : i32 to index
        %get3A_274 = arith.constant 0 : index
        %get3A_275 = tpu.vector_load %arg14[%get3A_273, %get3A_274] {strides = array<i32>} : memref<128x48xf32, #tpu.memory_space<vmem>>, vector<16xf32>,
        tpu.vector_store_idx %arg15[%add3A_272], %get3A_275 : memref<6192xf32, #tpu.memory_space<vmem>>[vector<16xi32>], vector<16xf32>,
        %add3A_276 = arith.addi %mul3A_15, %broadcast_in_dim3A_271 : vector<16xi32>
        %get3A_277 = arith.index_cast %add3A_270 : i32 to index
        %get3A_278 = arith.constant 16 : index
        %get3A_279 = tpu.vector_load %arg14[%get3A_277, %get3A_278] {strides = array<i32>} : memref<128x48xf32, #tpu.memory_space<vmem>>, vector<16xf32>,
        tpu.vector_store_idx %arg15[%add3A_276], %get3A_279 : memref<6192xf32, #tpu.memory_space<vmem>>[vector<16xi32>], vector<16xf32>,
        %add3A_280 = arith.addi %mul3A_22, %broadcast_in_dim3A_271 : vector<16xi32>
        %get3A_281 = arith.index_cast %add3A_270 : i32 to index
        %get3A_282 = arith.constant 32 : index
        %get3A_283 = tpu.vector_load %arg14[%get3A_281, %get3A_282] {strides = array<i32>} : memref<128x48xf32, #tpu.memory_space<vmem>>, vector<16xf32>,
        tpu.vector_store_idx %arg15[%add3A_280], %get3A_283 : memref<6192xf32, #tpu.memory_space<vmem>>[vector<16xi32>], vector<16xf32>,
        %add3A_284 = arith.constant 9 : i32
        %add3A_285 = arith.addi %mul3A_149, %add3A_284 : i32
        %broadcast_in_dim3A_286 = vector.broadcast %add3A_285 : i32 to vector<16xi32>
        %add3A_287 = arith.addi %mul3A_8, %broadcast_in_dim3A_286 : vector<16xi32>
        %get3A_288 = arith.index_cast %add3A_285 : i32 to index
        %get3A_289 = arith.constant 0 : index
        %get3A_290 = tpu.vector_load %arg14[%get3A_288, %get3A_289] {strides = array<i32>} : memref<128x48xf32, #tpu.memory_space<vmem>>, vector<16xf32>,
        tpu.vector_store_idx %arg15[%add3A_287], %get3A_290 : memref<6192xf32, #tpu.memory_space<vmem>>[vector<16xi32>], vector<16xf32>,
        %add3A_291 = arith.addi %mul3A_15, %broadcast_in_dim3A_286 : vector<16xi32>
        %get3A_292 = arith.index_cast %add3A_285 : i32 to index
        %get3A_293 = arith.constant 16 : index
        %get3A_294 = tpu.vector_load %arg14[%get3A_292, %get3A_293] {strides = array<i32>} : memref<128x48xf32, #tpu.memory_space<vmem>>, vector<16xf32>,
        tpu.vector_store_idx %arg15[%add3A_291], %get3A_294 : memref<6192xf32, #tpu.memory_space<vmem>>[vector<16xi32>], vector<16xf32>,
        %add3A_295 = arith.addi %mul3A_22, %broadcast_in_dim3A_286 : vector<16xi32>
        %get3A_296 = arith.index_cast %add3A_285 : i32 to index
        %get3A_297 = arith.constant 32 : index
        %get3A_298 = tpu.vector_load %arg14[%get3A_296, %get3A_297] {strides = array<i32>} : memref<128x48xf32, #tpu.memory_space<vmem>>, vector<16xf32>,
        tpu.vector_store_idx %arg15[%add3A_295], %get3A_298 : memref<6192xf32, #tpu.memory_space<vmem>>[vector<16xi32>], vector<16xf32>,
        %add3A_299 = arith.constant 10 : i32
        %add3A_300 = arith.addi %mul3A_149, %add3A_299 : i32
        %broadcast_in_dim3A_301 = vector.broadcast %add3A_300 : i32 to vector<16xi32>
        %add3A_302 = arith.addi %mul3A_8, %broadcast_in_dim3A_301 : vector<16xi32>
        %get3A_303 = arith.index_cast %add3A_300 : i32 to index
        %get3A_304 = arith.constant 0 : index
        %get3A_305 = tpu.vector_load %arg14[%get3A_303, %get3A_304] {strides = array<i32>} : memref<128x48xf32, #tpu.memory_space<vmem>>, vector<16xf32>,
        tpu.vector_store_idx %arg15[%add3A_302], %get3A_305 : memref<6192xf32, #tpu.memory_space<vmem>>[vector<16xi32>], vector<16xf32>,
        %add3A_306 = arith.addi %mul3A_15, %broadcast_in_dim3A_301 : vector<16xi32>
        %get3A_307 = arith.index_cast %add3A_300 : i32 to index
        %get3A_308 = arith.constant 16 : index
        %get3A_309 = tpu.vector_load %arg14[%get3A_307, %get3A_308] {strides = array<i32>} : memref<128x48xf32, #tpu.memory_space<vmem>>, vector<16xf32>,
        tpu.vector_store_idx %arg15[%add3A_306], %get3A_309 : memref<6192xf32, #tpu.memory_space<vmem>>[vector<16xi32>], vector<16xf32>,
        %add3A_310 = arith.addi %mul3A_22, %broadcast_in_dim3A_301 : vector<16xi32>
        %get3A_311 = arith.index_cast %add3A_300 : i32 to index
        %get3A_312 = arith.constant 32 : index
        %get3A_313 = tpu.vector_load %arg14[%get3A_311, %get3A_312] {strides = array<i32>} : memref<128x48xf32, #tpu.memory_space<vmem>>, vector<16xf32>,
        tpu.vector_store_idx %arg15[%add3A_310], %get3A_313 : memref<6192xf32, #tpu.memory_space<vmem>>[vector<16xi32>], vector<16xf32>,
        %add3A_314 = arith.constant 11 : i32
        %add3A_315 = arith.addi %mul3A_149, %add3A_314 : i32
        %broadcast_in_dim3A_316 = vector.broadcast %add3A_315 : i32 to vector<16xi32>
        %add3A_317 = arith.addi %mul3A_8, %broadcast_in_dim3A_316 : vector<16xi32>
        %get3A_318 = arith.index_cast %add3A_315 : i32 to index
        %get3A_319 = arith.constant 0 : index
        %get3A_320 = tpu.vector_load %arg14[%get3A_318, %get3A_319] {strides = array<i32>} : memref<128x48xf32, #tpu.memory_space<vmem>>, vector<16xf32>,
        tpu.vector_store_idx %arg15[%add3A_317], %get3A_320 : memref<6192xf32, #tpu.memory_space<vmem>>[vector<16xi32>], vector<16xf32>,
        %add3A_321 = arith.addi %mul3A_15, %broadcast_in_dim3A_316 : vector<16xi32>
        %get3A_322 = arith.index_cast %add3A_315 : i32 to index
        %get3A_323 = arith.constant 16 : index
        %get3A_324 = tpu.vector_load %arg14[%get3A_322, %get3A_323] {strides = array<i32>} : memref<128x48xf32, #tpu.memory_space<vmem>>, vector<16xf32>,
        tpu.vector_store_idx %arg15[%add3A_321], %get3A_324 : memref<6192xf32, #tpu.memory_space<vmem>>[vector<16xi32>], vector<16xf32>,
        %add3A_325 = arith.addi %mul3A_22, %broadcast_in_dim3A_316 : vector<16xi32>
        %get3A_326 = arith.index_cast %add3A_315 : i32 to index
        %get3A_327 = arith.constant 32 : index
        %get3A_328 = tpu.vector_load %arg14[%get3A_326, %get3A_327] {strides = array<i32>} : memref<128x48xf32, #tpu.memory_space<vmem>>, vector<16xf32>,
        tpu.vector_store_idx %arg15[%add3A_325], %get3A_328 : memref<6192xf32, #tpu.memory_space<vmem>>[vector<16xi32>], vector<16xf32>,
        %add3A_329 = arith.constant 12 : i32
        %add3A_330 = arith.addi %mul3A_149, %add3A_329 : i32
        %broadcast_in_dim3A_331 = vector.broadcast %add3A_330 : i32 to vector<16xi32>
        %add3A_332 = arith.addi %mul3A_8, %broadcast_in_dim3A_331 : vector<16xi32>
        %get3A_333 = arith.index_cast %add3A_330 : i32 to index
        %get3A_334 = arith.constant 0 : index
        %get3A_335 = tpu.vector_load %arg14[%get3A_333, %get3A_334] {strides = array<i32>} : memref<128x48xf32, #tpu.memory_space<vmem>>, vector<16xf32>,
        tpu.vector_store_idx %arg15[%add3A_332], %get3A_335 : memref<6192xf32, #tpu.memory_space<vmem>>[vector<16xi32>], vector<16xf32>,
        %add3A_336 = arith.addi %mul3A_15, %broadcast_in_dim3A_331 : vector<16xi32>
        %get3A_337 = arith.index_cast %add3A_330 : i32 to index
        %get3A_338 = arith.constant 16 : index
        %get3A_339 = tpu.vector_load %arg14[%get3A_337, %get3A_338] {strides = array<i32>} : memref<128x48xf32, #tpu.memory_space<vmem>>, vector<16xf32>,
        tpu.vector_store_idx %arg15[%add3A_336], %get3A_339 : memref<6192xf32, #tpu.memory_space<vmem>>[vector<16xi32>], vector<16xf32>,
        %add3A_340 = arith.addi %mul3A_22, %broadcast_in_dim3A_331 : vector<16xi32>
        %get3A_341 = arith.index_cast %add3A_330 : i32 to index
        %get3A_342 = arith.constant 32 : index
        %get3A_343 = tpu.vector_load %arg14[%get3A_341, %get3A_342] {strides = array<i32>} : memref<128x48xf32, #tpu.memory_space<vmem>>, vector<16xf32>,
        tpu.vector_store_idx %arg15[%add3A_340], %get3A_343 : memref<6192xf32, #tpu.memory_space<vmem>>[vector<16xi32>], vector<16xf32>,
        %add3A_344 = arith.constant 13 : i32
        %add3A_345 = arith.addi %mul3A_149, %add3A_344 : i32
        %broadcast_in_dim3A_346 = vector.broadcast %add3A_345 : i32 to vector<16xi32>
        %add3A_347 = arith.addi %mul3A_8, %broadcast_in_dim3A_346 : vector<16xi32>
        %get3A_348 = arith.index_cast %add3A_345 : i32 to index
        %get3A_349 = arith.constant 0 : index
        %get3A_350 = tpu.vector_load %arg14[%get3A_348, %get3A_349] {strides = array<i32>} : memref<128x48xf32, #tpu.memory_space<vmem>>, vector<16xf32>,
        tpu.vector_store_idx %arg15[%add3A_347], %get3A_350 : memref<6192xf32, #tpu.memory_space<vmem>>[vector<16xi32>], vector<16xf32>,
        %add3A_351 = arith.addi %mul3A_15, %broadcast_in_dim3A_346 : vector<16xi32>
        %get3A_352 = arith.index_cast %add3A_345 : i32 to index
        %get3A_353 = arith.constant 16 : index
        %get3A_354 = tpu.vector_load %arg14[%get3A_352, %get3A_353] {strides = array<i32>} : memref<128x48xf32, #tpu.memory_space<vmem>>, vector<16xf32>,
        tpu.vector_store_idx %arg15[%add3A_351], %get3A_354 : memref<6192xf32, #tpu.memory_space<vmem>>[vector<16xi32>], vector<16xf32>,
        %add3A_355 = arith.addi %mul3A_22, %broadcast_in_dim3A_346 : vector<16xi32>
        %get3A_356 = arith.index_cast %add3A_345 : i32 to index
        %get3A_357 = arith.constant 32 : index
        %get3A_358 = tpu.vector_load %arg14[%get3A_356, %get3A_357] {strides = array<i32>} : memref<128x48xf32, #tpu.memory_space<vmem>>, vector<16xf32>,
        tpu.vector_store_idx %arg15[%add3A_355], %get3A_358 : memref<6192xf32, #tpu.memory_space<vmem>>[vector<16xi32>], vector<16xf32>,
        %add3A_359 = arith.constant 14 : i32
        %add3A_360 = arith.addi %mul3A_149, %add3A_359 : i32
        %broadcast_in_dim3A_361 = vector.broadcast %add3A_360 : i32 to vector<16xi32>
        %add3A_362 = arith.addi %mul3A_8, %broadcast_in_dim3A_361 : vector<16xi32>
        %get3A_363 = arith.index_cast %add3A_360 : i32 to index
        %get3A_364 = arith.constant 0 : index
        %get3A_365 = tpu.vector_load %arg14[%get3A_363, %get3A_364] {strides = array<i32>} : memref<128x48xf32, #tpu.memory_space<vmem>>, vector<16xf32>,
        tpu.vector_store_idx %arg15[%add3A_362], %get3A_365 : memref<6192xf32, #tpu.memory_space<vmem>>[vector<16xi32>], vector<16xf32>,
        %add3A_366 = arith.addi %mul3A_15, %broadcast_in_dim3A_361 : vector<16xi32>
        %get3A_367 = arith.index_cast %add3A_360 : i32 to index
        %get3A_368 = arith.constant 16 : index
        %get3A_369 = tpu.vector_load %arg14[%get3A_367, %get3A_368] {strides = array<i32>} : memref<128x48xf32, #tpu.memory_space<vmem>>, vector<16xf32>,
        tpu.vector_store_idx %arg15[%add3A_366], %get3A_369 : memref<6192xf32, #tpu.memory_space<vmem>>[vector<16xi32>], vector<16xf32>,
        %add3A_370 = arith.addi %mul3A_22, %broadcast_in_dim3A_361 : vector<16xi32>
        %get3A_371 = arith.index_cast %add3A_360 : i32 to index
        %get3A_372 = arith.constant 32 : index
        %get3A_373 = tpu.vector_load %arg14[%get3A_371, %get3A_372] {strides = array<i32>} : memref<128x48xf32, #tpu.memory_space<vmem>>, vector<16xf32>,
        tpu.vector_store_idx %arg15[%add3A_370], %get3A_373 : memref<6192xf32, #tpu.memory_space<vmem>>[vector<16xi32>], vector<16xf32>,
        %add3A_374 = arith.constant 15 : i32
        %add3A_375 = arith.addi %mul3A_149, %add3A_374 : i32
        %broadcast_in_dim3A_376 = vector.broadcast %add3A_375 : i32 to vector<16xi32>
        %add3A_377 = arith.addi %mul3A_8, %broadcast_in_dim3A_376 : vector<16xi32>
        %get3A_378 = arith.index_cast %add3A_375 : i32 to index
        %get3A_379 = arith.constant 0 : index
        %get3A_380 = tpu.vector_load %arg14[%get3A_378, %get3A_379] {strides = array<i32>} : memref<128x48xf32, #tpu.memory_space<vmem>>, vector<16xf32>,
        tpu.vector_store_idx %arg15[%add3A_377], %get3A_380 : memref<6192xf32, #tpu.memory_space<vmem>>[vector<16xi32>], vector<16xf32>,
        %add3A_381 = arith.addi %mul3A_15, %broadcast_in_dim3A_376 : vector<16xi32>
        %get3A_382 = arith.index_cast %add3A_375 : i32 to index
        %get3A_383 = arith.constant 16 : index
        %get3A_384 = tpu.vector_load %arg14[%get3A_382, %get3A_383] {strides = array<i32>} : memref<128x48xf32, #tpu.memory_space<vmem>>, vector<16xf32>,
        tpu.vector_store_idx %arg15[%add3A_381], %get3A_384 : memref<6192xf32, #tpu.memory_space<vmem>>[vector<16xi32>], vector<16xf32>,
        %add3A_385 = arith.addi %mul3A_22, %broadcast_in_dim3A_376 : vector<16xi32>
        %get3A_386 = arith.index_cast %add3A_375 : i32 to index
        %get3A_387 = arith.constant 32 : index
        %get3A_388 = tpu.vector_load %arg14[%get3A_386, %get3A_387] {strides = array<i32>} : memref<128x48xf32, #tpu.memory_space<vmem>>, vector<16xf32>,
        tpu.vector_store_idx %arg15[%add3A_385], %get3A_388 : memref<6192xf32, #tpu.memory_space<vmem>>[vector<16xi32>], vector<16xf32>,
        %get3A_389 = arith.index_cast %mul3A_149 : i32 to index
        %get3A_390 = tpu.vector_load %arg10[%get3A_389] {strides = array<i32>} : memref<128xi32, #tpu.memory_space<vmem>>, vector<16xi32>,
        %add3A_391 = arith.constant 0 : i32
        %add3A_392 = arith.addi %add3A_391, %mul3A_149 : i32
        %get3A_393 = arith.index_cast %add3A_392 : i32 to index
        %get3A_394 = tpu.vector_load %arg12[%get3A_393] {strides = array<i32>} : memref<768xf32, #tpu.memory_space<vmem>>, vector<16xf32>,
        %add3A_395 = arith.constant 128 : i32
        %add3A_396 = arith.addi %add3A_395, %mul3A_149 : i32
        %get3A_397 = arith.index_cast %add3A_396 : i32 to index
        %get3A_398 = tpu.vector_load %arg12[%get3A_397] {strides = array<i32>} : memref<768xf32, #tpu.memory_space<vmem>>, vector<16xf32>,
        %add3A_399 = arith.constant 256 : i32
        %add3A_400 = arith.addi %add3A_399, %mul3A_149 : i32
        %get3A_401 = arith.index_cast %add3A_400 : i32 to index
        %get3A_402 = tpu.vector_load %arg12[%get3A_401] {strides = array<i32>} : memref<768xf32, #tpu.memory_space<vmem>>, vector<16xf32>,
        %add3A_403 = arith.constant 384 : i32
        %add3A_404 = arith.addi %add3A_403, %mul3A_149 : i32
        %get3A_405 = arith.index_cast %add3A_404 : i32 to index
        %get3A_406 = tpu.vector_load %arg12[%get3A_405] {strides = array<i32>} : memref<768xf32, #tpu.memory_space<vmem>>, vector<16xf32>,
        %add3A_407 = arith.constant 512 : i32
        %add3A_408 = arith.addi %add3A_407, %mul3A_149 : i32
        %get3A_409 = arith.index_cast %add3A_408 : i32 to index
        %get3A_410 = tpu.vector_load %arg12[%get3A_409] {strides = array<i32>} : memref<768xf32, #tpu.memory_space<vmem>>, vector<16xf32>,
        %add3A_411 = arith.constant 640 : i32
        %add3A_412 = arith.addi %add3A_411, %mul3A_149 : i32
        %get3A_413 = arith.index_cast %add3A_412 : i32 to index
        %get3A_414 = tpu.vector_load %arg12[%get3A_413] {strides = array<i32>} : memref<768xf32, #tpu.memory_space<vmem>>, vector<16xf32>,
        %add3A_415 = arith.constant 0 : i32
        %add3A_416 = arith.addi %add3A_415, %mul3A_149 : i32
        %get3A_417 = arith.index_cast %add3A_416 : i32 to index
        %get3A_418 = tpu.vector_load %arg15[%get3A_417] {strides = array<i32>} : memref<6192xf32, #tpu.memory_space<vmem>>, vector<16xf32>,
        %mul3A_419 = arith.mulf %get3A_394, %get3A_418 : vector<16xf32>
        %add3A_420 = arith.constant 1032 : i32
        %add3A_421 = arith.addi %add3A_420, %mul3A_149 : i32
        %get3A_422 = arith.index_cast %add3A_421 : i32 to index
        %get3A_423 = tpu.vector_load %arg15[%get3A_422] {strides = array<i32>} : memref<6192xf32, #tpu.memory_space<vmem>>, vector<16xf32>,
        %mul3A_424 = arith.mulf %get3A_398, %get3A_423 : vector<16xf32>
        %add3A_425 = arith.addf %mul3A_419, %mul3A_424 : vector<16xf32>
        %add3A_426 = arith.constant 2064 : i32
        %add3A_427 = arith.addi %add3A_426, %mul3A_149 : i32
        %get3A_428 = arith.index_cast %add3A_427 : i32 to index
        %get3A_429 = tpu.vector_load %arg15[%get3A_428] {strides = array<i32>} : memref<6192xf32, #tpu.memory_space<vmem>>, vector<16xf32>,
        %mul3A_430 = arith.mulf %get3A_402, %get3A_429 : vector<16xf32>
        %add3A_431 = arith.addf %add3A_425, %mul3A_430 : vector<16xf32>
        %add3A_432 = arith.constant 3096 : i32
        %add3A_433 = arith.addi %add3A_432, %mul3A_149 : i32
        %get3A_434 = arith.index_cast %add3A_433 : i32 to index
        %get3A_435 = tpu.vector_load %arg15[%get3A_434] {strides = array<i32>} : memref<6192xf32, #tpu.memory_space<vmem>>, vector<16xf32>,
        %mul3A_436 = arith.mulf %get3A_406, %get3A_435 : vector<16xf32>
        %add3A_437 = arith.addf %add3A_431, %mul3A_436 : vector<16xf32>
        %add3A_438 = arith.constant 4128 : i32
        %add3A_439 = arith.addi %add3A_438, %mul3A_149 : i32
        %get3A_440 = arith.index_cast %add3A_439 : i32 to index
        %get3A_441 = tpu.vector_load %arg15[%get3A_440] {strides = array<i32>} : memref<6192xf32, #tpu.memory_space<vmem>>, vector<16xf32>,
        %mul3A_442 = arith.mulf %get3A_410, %get3A_441 : vector<16xf32>
        %add3A_443 = arith.addf %add3A_437, %mul3A_442 : vector<16xf32>
        %add3A_444 = arith.constant 5160 : i32
        %add3A_445 = arith.addi %add3A_444, %mul3A_149 : i32
        %get3A_446 = arith.index_cast %add3A_445 : i32 to index
        %get3A_447 = tpu.vector_load %arg15[%get3A_446] {strides = array<i32>} : memref<6192xf32, #tpu.memory_space<vmem>>, vector<16xf32>,
        %mul3A_448 = arith.mulf %get3A_414, %get3A_447 : vector<16xf32>
        %add3A_449 = arith.addf %add3A_443, %mul3A_448 : vector<16xf32>
        %add3A_450 = arith.constant 0 : i32
        %add3A_451 = vector.broadcast %add3A_450 : i32 to vector<16xi32>
        %add3A_452 = arith.addi %get3A_390, %add3A_451 : vector<16xi32>
        tpu.vector_store_idx %arg7[%add3A_452], %add3A_449 {add = true} : memref<81920xf32, #tpu.memory_space<vmem>>[vector<16xi32>], vector<16xf32>,
        %add3A_453 = arith.constant 129 : i32
        %add3A_454 = arith.addi %add3A_453, %mul3A_149 : i32
        %get3A_455 = arith.index_cast %add3A_454 : i32 to index
        %get3A_456 = tpu.vector_load %arg15[%get3A_455] {strides = array<i32>} : memref<6192xf32, #tpu.memory_space<vmem>>, vector<16xf32>,
        %mul3A_457 = arith.mulf %get3A_394, %get3A_456 : vector<16xf32>
        %add3A_458 = arith.constant 1161 : i32
        %add3A_459 = arith.addi %add3A_458, %mul3A_149 : i32
        %get3A_460 = arith.index_cast %add3A_459 : i32 to index
        %get3A_461 = tpu.vector_load %arg15[%get3A_460] {strides = array<i32>} : memref<6192xf32, #tpu.memory_space<vmem>>, vector<16xf32>,
        %mul3A_462 = arith.mulf %get3A_398, %get3A_461 : vector<16xf32>
        %add3A_463 = arith.addf %mul3A_457, %mul3A_462 : vector<16xf32>
        %add3A_464 = arith.constant 2193 : i32
        %add3A_465 = arith.addi %add3A_464, %mul3A_149 : i32
        %get3A_466 = arith.index_cast %add3A_465 : i32 to index
        %get3A_467 = tpu.vector_load %arg15[%get3A_466] {strides = array<i32>} : memref<6192xf32, #tpu.memory_space<vmem>>, vector<16xf32>,
        %mul3A_468 = arith.mulf %get3A_402, %get3A_467 : vector<16xf32>
        %add3A_469 = arith.addf %add3A_463, %mul3A_468 : vector<16xf32>
        %add3A_470 = arith.constant 3225 : i32
        %add3A_471 = arith.addi %add3A_470, %mul3A_149 : i32
        %get3A_472 = arith.index_cast %add3A_471 : i32 to index
        %get3A_473 = tpu.vector_load %arg15[%get3A_472] {strides = array<i32>} : memref<6192xf32, #tpu.memory_space<vmem>>, vector<16xf32>,
        %mul3A_474 = arith.mulf %get3A_406, %get3A_473 : vector<16xf32>
        %add3A_475 = arith.addf %add3A_469, %mul3A_474 : vector<16xf32>
        %add3A_476 = arith.constant 4257 : i32
        %add3A_477 = arith.addi %add3A_476, %mul3A_149 : i32
        %get3A_478 = arith.index_cast %add3A_477 : i32 to index
        %get3A_479 = tpu.vector_load %arg15[%get3A_478] {strides = array<i32>} : memref<6192xf32, #tpu.memory_space<vmem>>, vector<16xf32>,
        %mul3A_480 = arith.mulf %get3A_410, %get3A_479 : vector<16xf32>
        %add3A_481 = arith.addf %add3A_475, %mul3A_480 : vector<16xf32>
        %add3A_482 = arith.constant 5289 : i32
        %add3A_483 = arith.addi %add3A_482, %mul3A_149 : i32
        %get3A_484 = arith.index_cast %add3A_483 : i32 to index
        %get3A_485 = tpu.vector_load %arg15[%get3A_484] {strides = array<i32>} : memref<6192xf32, #tpu.memory_space<vmem>>, vector<16xf32>,
        %mul3A_486 = arith.mulf %get3A_414, %get3A_485 : vector<16xf32>
        %add3A_487 = arith.addf %add3A_481, %mul3A_486 : vector<16xf32>
        %add3A_488 = arith.constant 10240 : i32
        %add3A_489 = vector.broadcast %add3A_488 : i32 to vector<16xi32>
        %add3A_490 = arith.addi %get3A_390, %add3A_489 : vector<16xi32>
        tpu.vector_store_idx %arg7[%add3A_490], %add3A_487 {add = true} : memref<81920xf32, #tpu.memory_space<vmem>>[vector<16xi32>], vector<16xf32>,
        %add3A_491 = arith.constant 258 : i32
        %add3A_492 = arith.addi %add3A_491, %mul3A_149 : i32
        %get3A_493 = arith.index_cast %add3A_492 : i32 to index
        %get3A_494 = tpu.vector_load %arg15[%get3A_493] {strides = array<i32>} : memref<6192xf32, #tpu.memory_space<vmem>>, vector<16xf32>,
        %mul3A_495 = arith.mulf %get3A_394, %get3A_494 : vector<16xf32>
        %add3A_496 = arith.constant 1290 : i32
        %add3A_497 = arith.addi %add3A_496, %mul3A_149 : i32
        %get3A_498 = arith.index_cast %add3A_497 : i32 to index
        %get3A_499 = tpu.vector_load %arg15[%get3A_498] {strides = array<i32>} : memref<6192xf32, #tpu.memory_space<vmem>>, vector<16xf32>,
        %mul3A_500 = arith.mulf %get3A_398, %get3A_499 : vector<16xf32>
        %add3A_501 = arith.addf %mul3A_495, %mul3A_500 : vector<16xf32>
        %add3A_502 = arith.constant 2322 : i32
        %add3A_503 = arith.addi %add3A_502, %mul3A_149 : i32
        %get3A_504 = arith.index_cast %add3A_503 : i32 to index
        %get3A_505 = tpu.vector_load %arg15[%get3A_504] {strides = array<i32>} : memref<6192xf32, #tpu.memory_space<vmem>>, vector<16xf32>,
        %mul3A_506 = arith.mulf %get3A_402, %get3A_505 : vector<16xf32>
        %add3A_507 = arith.addf %add3A_501, %mul3A_506 : vector<16xf32>
        %add3A_508 = arith.constant 3354 : i32
        %add3A_509 = arith.addi %add3A_508, %mul3A_149 : i32
        %get3A_510 = arith.index_cast %add3A_509 : i32 to index
        %get3A_511 = tpu.vector_load %arg15[%get3A_510] {strides = array<i32>} : memref<6192xf32, #tpu.memory_space<vmem>>, vector<16xf32>,
        %mul3A_512 = arith.mulf %get3A_406, %get3A_511 : vector<16xf32>
        %add3A_513 = arith.addf %add3A_507, %mul3A_512 : vector<16xf32>
        %add3A_514 = arith.constant 4386 : i32
        %add3A_515 = arith.addi %add3A_514, %mul3A_149 : i32
        %get3A_516 = arith.index_cast %add3A_515 : i32 to index
        %get3A_517 = tpu.vector_load %arg15[%get3A_516] {strides = array<i32>} : memref<6192xf32, #tpu.memory_space<vmem>>, vector<16xf32>,
        %mul3A_518 = arith.mulf %get3A_410, %get3A_517 : vector<16xf32>
        %add3A_519 = arith.addf %add3A_513, %mul3A_518 : vector<16xf32>
        %add3A_520 = arith.constant 5418 : i32
        %add3A_521 = arith.addi %add3A_520, %mul3A_149 : i32
        %get3A_522 = arith.index_cast %add3A_521 : i32 to index
        %get3A_523 = tpu.vector_load %arg15[%get3A_522] {strides = array<i32>} : memref<6192xf32, #tpu.memory_space<vmem>>, vector<16xf32>,
        %mul3A_524 = arith.mulf %get3A_414, %get3A_523 : vector<16xf32>
        %add3A_525 = arith.addf %add3A_519, %mul3A_524 : vector<16xf32>
        %add3A_526 = arith.constant 20480 : i32
        %add3A_527 = vector.broadcast %add3A_526 : i32 to vector<16xi32>
        %add3A_528 = arith.addi %get3A_390, %add3A_527 : vector<16xi32>
        tpu.vector_store_idx %arg7[%add3A_528], %add3A_525 {add = true} : memref<81920xf32, #tpu.memory_space<vmem>>[vector<16xi32>], vector<16xf32>,
        %add3A_529 = arith.constant 387 : i32
        %add3A_530 = arith.addi %add3A_529, %mul3A_149 : i32
        %get3A_531 = arith.index_cast %add3A_530 : i32 to index
        %get3A_532 = tpu.vector_load %arg15[%get3A_531] {strides = array<i32>} : memref<6192xf32, #tpu.memory_space<vmem>>, vector<16xf32>,
        %mul3A_533 = arith.mulf %get3A_394, %get3A_532 : vector<16xf32>
        %add3A_534 = arith.constant 1419 : i32
        %add3A_535 = arith.addi %add3A_534, %mul3A_149 : i32
        %get3A_536 = arith.index_cast %add3A_535 : i32 to index
        %get3A_537 = tpu.vector_load %arg15[%get3A_536] {strides = array<i32>} : memref<6192xf32, #tpu.memory_space<vmem>>, vector<16xf32>,
        %mul3A_538 = arith.mulf %get3A_398, %get3A_537 : vector<16xf32>
        %add3A_539 = arith.addf %mul3A_533, %mul3A_538 : vector<16xf32>
        %add3A_540 = arith.constant 2451 : i32
        %add3A_541 = arith.addi %add3A_540, %mul3A_149 : i32
        %get3A_542 = arith.index_cast %add3A_541 : i32 to index
        %get3A_543 = tpu.vector_load %arg15[%get3A_542] {strides = array<i32>} : memref<6192xf32, #tpu.memory_space<vmem>>, vector<16xf32>,
        %mul3A_544 = arith.mulf %get3A_402, %get3A_543 : vector<16xf32>
        %add3A_545 = arith.addf %add3A_539, %mul3A_544 : vector<16xf32>
        %add3A_546 = arith.constant 3483 : i32
        %add3A_547 = arith.addi %add3A_546, %mul3A_149 : i32
        %get3A_548 = arith.index_cast %add3A_547 : i32 to index
        %get3A_549 = tpu.vector_load %arg15[%get3A_548] {strides = array<i32>} : memref<6192xf32, #tpu.memory_space<vmem>>, vector<16xf32>,
        %mul3A_550 = arith.mulf %get3A_406, %get3A_549 : vector<16xf32>
        %add3A_551 = arith.addf %add3A_545, %mul3A_550 : vector<16xf32>
        %add3A_552 = arith.constant 4515 : i32
        %add3A_553 = arith.addi %add3A_552, %mul3A_149 : i32
        %get3A_554 = arith.index_cast %add3A_553 : i32 to index
        %get3A_555 = tpu.vector_load %arg15[%get3A_554] {strides = array<i32>} : memref<6192xf32, #tpu.memory_space<vmem>>, vector<16xf32>,
        %mul3A_556 = arith.mulf %get3A_410, %get3A_555 : vector<16xf32>
        %add3A_557 = arith.addf %add3A_551, %mul3A_556 : vector<16xf32>
        %add3A_558 = arith.constant 5547 : i32
        %add3A_559 = arith.addi %add3A_558, %mul3A_149 : i32
        %get3A_560 = arith.index_cast %add3A_559 : i32 to index
        %get3A_561 = tpu.vector_load %arg15[%get3A_560] {strides = array<i32>} : memref<6192xf32, #tpu.memory_space<vmem>>, vector<16xf32>,
        %mul3A_562 = arith.mulf %get3A_414, %get3A_561 : vector<16xf32>
        %add3A_563 = arith.addf %add3A_557, %mul3A_562 : vector<16xf32>
        %add3A_564 = arith.constant 30720 : i32
        %add3A_565 = vector.broadcast %add3A_564 : i32 to vector<16xi32>
        %add3A_566 = arith.addi %get3A_390, %add3A_565 : vector<16xi32>
        tpu.vector_store_idx %arg7[%add3A_566], %add3A_563 {add = true} : memref<81920xf32, #tpu.memory_space<vmem>>[vector<16xi32>], vector<16xf32>,
        %add3A_567 = arith.constant 516 : i32
        %add3A_568 = arith.addi %add3A_567, %mul3A_149 : i32
        %get3A_569 = arith.index_cast %add3A_568 : i32 to index
        %get3A_570 = tpu.vector_load %arg15[%get3A_569] {strides = array<i32>} : memref<6192xf32, #tpu.memory_space<vmem>>, vector<16xf32>,
        %mul3A_571 = arith.mulf %get3A_394, %get3A_570 : vector<16xf32>
        %add3A_572 = arith.constant 1548 : i32
        %add3A_573 = arith.addi %add3A_572, %mul3A_149 : i32
        %get3A_574 = arith.index_cast %add3A_573 : i32 to index
        %get3A_575 = tpu.vector_load %arg15[%get3A_574] {strides = array<i32>} : memref<6192xf32, #tpu.memory_space<vmem>>, vector<16xf32>,
        %mul3A_576 = arith.mulf %get3A_398, %get3A_575 : vector<16xf32>
        %add3A_577 = arith.addf %mul3A_571, %mul3A_576 : vector<16xf32>
        %add3A_578 = arith.constant 2580 : i32
        %add3A_579 = arith.addi %add3A_578, %mul3A_149 : i32
        %get3A_580 = arith.index_cast %add3A_579 : i32 to index
        %get3A_581 = tpu.vector_load %arg15[%get3A_580] {strides = array<i32>} : memref<6192xf32, #tpu.memory_space<vmem>>, vector<16xf32>,
        %mul3A_582 = arith.mulf %get3A_402, %get3A_581 : vector<16xf32>
        %add3A_583 = arith.addf %add3A_577, %mul3A_582 : vector<16xf32>
        %add3A_584 = arith.constant 3612 : i32
        %add3A_585 = arith.addi %add3A_584, %mul3A_149 : i32
        %get3A_586 = arith.index_cast %add3A_585 : i32 to index
        %get3A_587 = tpu.vector_load %arg15[%get3A_586] {strides = array<i32>} : memref<6192xf32, #tpu.memory_space<vmem>>, vector<16xf32>,
        %mul3A_588 = arith.mulf %get3A_406, %get3A_587 : vector<16xf32>
        %add3A_589 = arith.addf %add3A_583, %mul3A_588 : vector<16xf32>
        %add3A_590 = arith.constant 4644 : i32
        %add3A_591 = arith.addi %add3A_590, %mul3A_149 : i32
        %get3A_592 = arith.index_cast %add3A_591 : i32 to index
        %get3A_593 = tpu.vector_load %arg15[%get3A_592] {strides = array<i32>} : memref<6192xf32, #tpu.memory_space<vmem>>, vector<16xf32>,
        %mul3A_594 = arith.mulf %get3A_410, %get3A_593 : vector<16xf32>
        %add3A_595 = arith.addf %add3A_589, %mul3A_594 : vector<16xf32>
        %add3A_596 = arith.constant 5676 : i32
        %add3A_597 = arith.addi %add3A_596, %mul3A_149 : i32
        %get3A_598 = arith.index_cast %add3A_597 : i32 to index
        %get3A_599 = tpu.vector_load %arg15[%get3A_598] {strides = array<i32>} : memref<6192xf32, #tpu.memory_space<vmem>>, vector<16xf32>,
        %mul3A_600 = arith.mulf %get3A_414, %get3A_599 : vector<16xf32>
        %add3A_601 = arith.addf %add3A_595, %mul3A_600 : vector<16xf32>
        %add3A_602 = arith.constant 40960 : i32
        %add3A_603 = vector.broadcast %add3A_602 : i32 to vector<16xi32>
        %add3A_604 = arith.addi %get3A_390, %add3A_603 : vector<16xi32>
        tpu.vector_store_idx %arg7[%add3A_604], %add3A_601 {add = true} : memref<81920xf32, #tpu.memory_space<vmem>>[vector<16xi32>], vector<16xf32>,
        %add3A_605 = arith.constant 645 : i32
        %add3A_606 = arith.addi %add3A_605, %mul3A_149 : i32
        %get3A_607 = arith.index_cast %add3A_606 : i32 to index
        %get3A_608 = tpu.vector_load %arg15[%get3A_607] {strides = array<i32>} : memref<6192xf32, #tpu.memory_space<vmem>>, vector<16xf32>,
        %mul3A_609 = arith.mulf %get3A_394, %get3A_608 : vector<16xf32>
        %add3A_610 = arith.constant 1677 : i32
        %add3A_611 = arith.addi %add3A_610, %mul3A_149 : i32
        %get3A_612 = arith.index_cast %add3A_611 : i32 to index
        %get3A_613 = tpu.vector_load %arg15[%get3A_612] {strides = array<i32>} : memref<6192xf32, #tpu.memory_space<vmem>>, vector<16xf32>,
        %mul3A_614 = arith.mulf %get3A_398, %get3A_613 : vector<16xf32>
        %add3A_615 = arith.addf %mul3A_609, %mul3A_614 : vector<16xf32>
        %add3A_616 = arith.constant 2709 : i32
        %add3A_617 = arith.addi %add3A_616, %mul3A_149 : i32
        %get3A_618 = arith.index_cast %add3A_617 : i32 to index
        %get3A_619 = tpu.vector_load %arg15[%get3A_618] {strides = array<i32>} : memref<6192xf32, #tpu.memory_space<vmem>>, vector<16xf32>,
        %mul3A_620 = arith.mulf %get3A_402, %get3A_619 : vector<16xf32>
        %add3A_621 = arith.addf %add3A_615, %mul3A_620 : vector<16xf32>
        %add3A_622 = arith.constant 3741 : i32
        %add3A_623 = arith.addi %add3A_622, %mul3A_149 : i32
        %get3A_624 = arith.index_cast %add3A_623 : i32 to index
        %get3A_625 = tpu.vector_load %arg15[%get3A_624] {strides = array<i32>} : memref<6192xf32, #tpu.memory_space<vmem>>, vector<16xf32>,
        %mul3A_626 = arith.mulf %get3A_406, %get3A_625 : vector<16xf32>
        %add3A_627 = arith.addf %add3A_621, %mul3A_626 : vector<16xf32>
        %add3A_628 = arith.constant 4773 : i32
        %add3A_629 = arith.addi %add3A_628, %mul3A_149 : i32
        %get3A_630 = arith.index_cast %add3A_629 : i32 to index
        %get3A_631 = tpu.vector_load %arg15[%get3A_630] {strides = array<i32>} : memref<6192xf32, #tpu.memory_space<vmem>>, vector<16xf32>,
        %mul3A_632 = arith.mulf %get3A_410, %get3A_631 : vector<16xf32>
        %add3A_633 = arith.addf %add3A_627, %mul3A_632 : vector<16xf32>
        %add3A_634 = arith.constant 5805 : i32
        %add3A_635 = arith.addi %add3A_634, %mul3A_149 : i32
        %get3A_636 = arith.index_cast %add3A_635 : i32 to index
        %get3A_637 = tpu.vector_load %arg15[%get3A_636] {strides = array<i32>} : memref<6192xf32, #tpu.memory_space<vmem>>, vector<16xf32>,
        %mul3A_638 = arith.mulf %get3A_414, %get3A_637 : vector<16xf32>
        %add3A_639 = arith.addf %add3A_633, %mul3A_638 : vector<16xf32>
        %add3A_640 = arith.constant 51200 : i32
        %add3A_641 = vector.broadcast %add3A_640 : i32 to vector<16xi32>
        %add3A_642 = arith.addi %get3A_390, %add3A_641 : vector<16xi32>
        tpu.vector_store_idx %arg7[%add3A_642], %add3A_639 {add = true} : memref<81920xf32, #tpu.memory_space<vmem>>[vector<16xi32>], vector<16xf32>,
        %add3A_643 = arith.constant 774 : i32
        %add3A_644 = arith.addi %add3A_643, %mul3A_149 : i32
        %get3A_645 = arith.index_cast %add3A_644 : i32 to index
        %get3A_646 = tpu.vector_load %arg15[%get3A_645] {strides = array<i32>} : memref<6192xf32, #tpu.memory_space<vmem>>, vector<16xf32>,
        %mul3A_647 = arith.mulf %get3A_394, %get3A_646 : vector<16xf32>
        %add3A_648 = arith.constant 1806 : i32
        %add3A_649 = arith.addi %add3A_648, %mul3A_149 : i32
        %get3A_650 = arith.index_cast %add3A_649 : i32 to index
        %get3A_651 = tpu.vector_load %arg15[%get3A_650] {strides = array<i32>} : memref<6192xf32, #tpu.memory_space<vmem>>, vector<16xf32>,
        %mul3A_652 = arith.mulf %get3A_398, %get3A_651 : vector<16xf32>
        %add3A_653 = arith.addf %mul3A_647, %mul3A_652 : vector<16xf32>
        %add3A_654 = arith.constant 2838 : i32
        %add3A_655 = arith.addi %add3A_654, %mul3A_149 : i32
        %get3A_656 = arith.index_cast %add3A_655 : i32 to index
        %get3A_657 = tpu.vector_load %arg15[%get3A_656] {strides = array<i32>} : memref<6192xf32, #tpu.memory_space<vmem>>, vector<16xf32>,
        %mul3A_658 = arith.mulf %get3A_402, %get3A_657 : vector<16xf32>
        %add3A_659 = arith.addf %add3A_653, %mul3A_658 : vector<16xf32>
        %add3A_660 = arith.constant 3870 : i32
        %add3A_661 = arith.addi %add3A_660, %mul3A_149 : i32
        %get3A_662 = arith.index_cast %add3A_661 : i32 to index
        %get3A_663 = tpu.vector_load %arg15[%get3A_662] {strides = array<i32>} : memref<6192xf32, #tpu.memory_space<vmem>>, vector<16xf32>,
        %mul3A_664 = arith.mulf %get3A_406, %get3A_663 : vector<16xf32>
        %add3A_665 = arith.addf %add3A_659, %mul3A_664 : vector<16xf32>
        %add3A_666 = arith.constant 4902 : i32
        %add3A_667 = arith.addi %add3A_666, %mul3A_149 : i32
        %get3A_668 = arith.index_cast %add3A_667 : i32 to index
        %get3A_669 = tpu.vector_load %arg15[%get3A_668] {strides = array<i32>} : memref<6192xf32, #tpu.memory_space<vmem>>, vector<16xf32>,
        %mul3A_670 = arith.mulf %get3A_410, %get3A_669 : vector<16xf32>
        %add3A_671 = arith.addf %add3A_665, %mul3A_670 : vector<16xf32>
        %add3A_672 = arith.constant 5934 : i32
        %add3A_673 = arith.addi %add3A_672, %mul3A_149 : i32
        %get3A_674 = arith.index_cast %add3A_673 : i32 to index
        %get3A_675 = tpu.vector_load %arg15[%get3A_674] {strides = array<i32>} : memref<6192xf32, #tpu.memory_space<vmem>>, vector<16xf32>,
        %mul3A_676 = arith.mulf %get3A_414, %get3A_675 : vector<16xf32>
        %add3A_677 = arith.addf %add3A_671, %mul3A_676 : vector<16xf32>
        %add3A_678 = arith.constant 61440 : i32
        %add3A_679 = vector.broadcast %add3A_678 : i32 to vector<16xi32>
        %add3A_680 = arith.addi %get3A_390, %add3A_679 : vector<16xi32>
        tpu.vector_store_idx %arg7[%add3A_680], %add3A_677 {add = true} : memref<81920xf32, #tpu.memory_space<vmem>>[vector<16xi32>], vector<16xf32>,
        %add3A_681 = arith.constant 903 : i32
        %add3A_682 = arith.addi %add3A_681, %mul3A_149 : i32
        %get3A_683 = arith.index_cast %add3A_682 : i32 to index
        %get3A_684 = tpu.vector_load %arg15[%get3A_683] {strides = array<i32>} : memref<6192xf32, #tpu.memory_space<vmem>>, vector<16xf32>,
        %mul3A_685 = arith.mulf %get3A_394, %get3A_684 : vector<16xf32>
        %add3A_686 = arith.constant 1935 : i32
        %add3A_687 = arith.addi %add3A_686, %mul3A_149 : i32
        %get3A_688 = arith.index_cast %add3A_687 : i32 to index
        %get3A_689 = tpu.vector_load %arg15[%get3A_688] {strides = array<i32>} : memref<6192xf32, #tpu.memory_space<vmem>>, vector<16xf32>,
        %mul3A_690 = arith.mulf %get3A_398, %get3A_689 : vector<16xf32>
        %add3A_691 = arith.addf %mul3A_685, %mul3A_690 : vector<16xf32>
        %add3A_692 = arith.constant 2967 : i32
        %add3A_693 = arith.addi %add3A_692, %mul3A_149 : i32
        %get3A_694 = arith.index_cast %add3A_693 : i32 to index
        %get3A_695 = tpu.vector_load %arg15[%get3A_694] {strides = array<i32>} : memref<6192xf32, #tpu.memory_space<vmem>>, vector<16xf32>,
        %mul3A_696 = arith.mulf %get3A_402, %get3A_695 : vector<16xf32>
        %add3A_697 = arith.addf %add3A_691, %mul3A_696 : vector<16xf32>
        %add3A_698 = arith.constant 3999 : i32
        %add3A_699 = arith.addi %add3A_698, %mul3A_149 : i32
        %get3A_700 = arith.index_cast %add3A_699 : i32 to index
        %get3A_701 = tpu.vector_load %arg15[%get3A_700] {strides = array<i32>} : memref<6192xf32, #tpu.memory_space<vmem>>, vector<16xf32>,
        %mul3A_702 = arith.mulf %get3A_406, %get3A_701 : vector<16xf32>
        %add3A_703 = arith.addf %add3A_697, %mul3A_702 : vector<16xf32>
        %add3A_704 = arith.constant 5031 : i32
        %add3A_705 = arith.addi %add3A_704, %mul3A_149 : i32
        %get3A_706 = arith.index_cast %add3A_705 : i32 to index
        %get3A_707 = tpu.vector_load %arg15[%get3A_706] {strides = array<i32>} : memref<6192xf32, #tpu.memory_space<vmem>>, vector<16xf32>,
        %mul3A_708 = arith.mulf %get3A_410, %get3A_707 : vector<16xf32>
        %add3A_709 = arith.addf %add3A_703, %mul3A_708 : vector<16xf32>
        %add3A_710 = arith.constant 6063 : i32
        %add3A_711 = arith.addi %add3A_710, %mul3A_149 : i32
        %get3A_712 = arith.index_cast %add3A_711 : i32 to index
        %get3A_713 = tpu.vector_load %arg15[%get3A_712] {strides = array<i32>} : memref<6192xf32, #tpu.memory_space<vmem>>, vector<16xf32>,
        %mul3A_714 = arith.mulf %get3A_414, %get3A_713 : vector<16xf32>
        %add3A_715 = arith.addf %add3A_709, %mul3A_714 : vector<16xf32>
        %add3A_716 = arith.constant 71680 : i32
        %add3A_717 = vector.broadcast %add3A_716 : i32 to vector<16xi32>
        %add3A_718 = arith.addi %get3A_390, %add3A_717 : vector<16xi32>
        tpu.vector_store_idx %arg7[%add3A_718], %add3A_715 {add = true} : memref<81920xf32, #tpu.memory_space<vmem>>[vector<16xi32>], vector<16xf32>,
        %scan3A_719 = arith.constant 0 : i32
        scf.yield %scan3A_719 : i32
      }
      %scan3A_139 = arith.constant 8 : i32
      %lt3A_140 = arith.constant 19 : i32
      %lt3A_141 = arith.cmpi slt, %scan3A_81, %lt3A_140 : i32
      %convert_element_type3A_142 = arith.extui %lt3A_141 : i1 to i32
      %cond3A_143 = arith.constant 0 : i32
      %cond3A_144 = arith.cmpi ne, %convert_element_type3A_142, %cond3A_143 : i32
      scf.if %cond3A_144 {
        %add3A_146 = arith.constant 3 : i32
        %add3A_147 = arith.addi %mul3A_84, %add3A_146 : i32
        %mul3A_148 = arith.constant 40 : i32
        %mul3A_149 = arith.muli %add3A, %mul3A_148 : i32
        %add3A_150 = arith.addi %mul3A_149, %add3A_147 : i32
        %mul3A_151 = arith.constant 128 : i32
        %mul3A_152 = arith.muli %add3A_150, %mul3A_151 : i32
        %dma_start3A_153 = tpu.memref_slice %arg4[%mul3A_152] : memref<163840xi32, #tpu.memory_space<hbm>> -> memref<128xi32, #tpu.memory_space<hbm>>
        %dma_start3A_154 = tpu.memref_slice %arg4[%mul3A_152] : memref<163840xi32, #tpu.memory_space<hbm>> -> memref<128xi32, #tpu.memory_space<hbm>>
        tpu.enqueue_dma source(%dma_start3A_154 : memref<128xi32, #tpu.memory_space<hbm>>) target(%arg10 : memref<128xi32, #tpu.memory_space<vmem>>) target_semaphore(%arg19 : memref<!tpu.dma_semaphore, #tpu.memory_space<semaphore_mem>>)
        %mul3A_155 = arith.constant 6 : i32
        %mul3A_156 = arith.muli %add3A_150, %mul3A_155 : i32
        %mul3A_157 = arith.constant 128 : i32
        %mul3A_158 = arith.muli %mul3A_156, %mul3A_157 : i32
        %dma_start3A_159 = tpu.memref_slice %arg5[%mul3A_158] : memref<983040xf32, #tpu.memory_space<hbm>> -> memref<768xf32, #tpu.memory_space<hbm>>
        %dma_start3A_160 = tpu.memref_slice %arg5[%mul3A_158] : memref<983040xf32, #tpu.memory_space<hbm>> -> memref<768xf32, #tpu.memory_space<hbm>>
        tpu.enqueue_dma source(%dma_start3A_160 : memref<768xf32, #tpu.memory_space<hbm>>) target(%arg12 : memref<768xf32, #tpu.memory_space<vmem>>) target_semaphore(%arg19 : memref<!tpu.dma_semaphore, #tpu.memory_space<semaphore_mem>>)
        %mul3A_161 = arith.constant 128 : i32
        %mul3A_162 = arith.muli %add3A_147, %mul3A_161 : i32
        %dma_start3A_163 = tpu.memref_slice %arg8[%mul3A_162] : memref<5120xi32, #tpu.memory_space<vmem>> -> memref<128xi32, #tpu.memory_space<vmem>>
        %dma_start3A_164 = arith.constant 0 : i32
        %dma_start3A_165 = arith.constant 0 : i32
        %dma_start3A_166 = tpu.memref_slice %arg2[%dma_start3A_164, %dma_start3A_165] : memref<10240x48xf32, #tpu.memory_space<hbm>> -> memref<10240x48xf32, #tpu.memory_space<hbm>>
        tpu.enqueue_indirect_dma source(%dma_start3A_166 : memref<10240x48xf32, #tpu.memory_space<hbm>>) target(%arg14 : memref<128x48xf32, #tpu.memory_space<vmem>>) offsets(%dma_start3A_163 : memref<128xi32, #tpu.memory_space<vmem>>) semaphore(%arg17 : memref<!tpu.dma_semaphore, #tpu.memory_space<semaphore_mem>>)
      } else {
      }
      %scan3A_145 = arith.constant 0 : i32
      scf.yield %scan3A_145 : i32
    }
    %scan3A_73 = arith.constant 20 : i32
    %run_scoped3A = arith.constant 0 : i32
    "tpu.region"() ({
      %run_scoped3A_81 = tpu.sem_alloc : memref<!tpu.dma_semaphore, #tpu.memory_space<semaphore_mem>>
      %dma_start3A_82 = arith.constant 0 : i32
      %dma_start3A_83 = tpu.memref_slice %arg7[%dma_start3A_82] : memref<81920xf32, #tpu.memory_space<vmem>> -> memref<10240xf32, #tpu.memory_space<vmem>>
      %dma_start3A_84 = arith.constant 0 : i32
      %dma_start3A_85 = tpu.memref_slice %arg6[%add3A, %run_scoped3A, %dma_start3A_84] : memref<32x8x10240xf32, #tpu.memory_space<hbm>> -> memref<1x1x10240xf32, #tpu.memory_space<hbm>>
      %dma_start3A_86 = tpu.memref_squeeze %dma_start3A_85 : memref<1x1x10240xf32, #tpu.memory_space<hbm>> -> memref<10240xf32, #tpu.memory_space<hbm>>
      %dma_start3A_87 = arith.constant 0 : i32
      %dma_start3A_88 = tpu.memref_slice %arg6[%add3A, %run_scoped3A, %dma_start3A_87] : memref<32x8x10240xf32, #tpu.memory_space<hbm>> -> memref<1x1x10240xf32, #tpu.memory_space<hbm>>
      %dma_start3A_89 = tpu.memref_squeeze %dma_start3A_88 : memref<1x1x10240xf32, #tpu.memory_space<hbm>> -> memref<10240xf32, #tpu.memory_space<hbm>>
      %dma_start3A_90 = arith.constant 0 : i32
      %dma_start3A_91 = tpu.memref_slice %arg7[%dma_start3A_90] : memref<81920xf32, #tpu.memory_space<vmem>> -> memref<10240xf32, #tpu.memory_space<vmem>>
      tpu.enqueue_dma source(%dma_start3A_91 : memref<10240xf32, #tpu.memory_space<vmem>>) target(%dma_start3A_89 : memref<10240xf32, #tpu.memory_space<hbm>>) target_semaphore(%run_scoped3A_81 : memref<!tpu.dma_semaphore, #tpu.memory_space<semaphore_mem>>)
      %dma_wait3A = arith.constant 0 : i32
      %dma_wait3A_92 = tpu.memref_slice %arg7[%dma_wait3A] : memref<81920xf32, #tpu.memory_space<vmem>> -> memref<10240xf32, #tpu.memory_space<vmem>>
      %dma_wait3A_93 = arith.constant 0 : i32
      %dma_wait3A_94 = tpu.memref_slice %arg6[%add3A, %run_scoped3A, %dma_wait3A_93] : memref<32x8x10240xf32, #tpu.memory_space<hbm>> -> memref<1x1x10240xf32, #tpu.memory_space<hbm>>
      %dma_wait3A_95 = tpu.memref_squeeze %dma_wait3A_94 : memref<1x1x10240xf32, #tpu.memory_space<hbm>> -> memref<10240xf32, #tpu.memory_space<hbm>>
      %dma_wait3A_96 = arith.constant 0 : i32
      %dma_wait3A_97 = tpu.memref_slice %arg6[%add3A, %run_scoped3A, %dma_wait3A_96] : memref<32x8x10240xf32, #tpu.memory_space<hbm>> -> memref<1x1x10240xf32, #tpu.memory_space<hbm>>
      %dma_wait3A_98 = tpu.memref_squeeze %dma_wait3A_97 : memref<1x1x10240xf32, #tpu.memory_space<hbm>> -> memref<10240xf32, #tpu.memory_space<hbm>>
      %dma_wait3A_99 = arith.constant 0 : i32
      %dma_wait3A_100 = tpu.memref_slice %arg7[%dma_wait3A_99] : memref<81920xf32, #tpu.memory_space<vmem>> -> memref<10240xf32, #tpu.memory_space<vmem>>
      tpu.wait_dma2 semaphore(%run_scoped3A_81 : memref<!tpu.dma_semaphore, #tpu.memory_space<semaphore_mem>>) src(%dma_wait3A_100 : memref<10240xf32, #tpu.memory_space<vmem>>) dst(%dma_wait3A_98 : memref<10240xf32, #tpu.memory_space<hbm>>)
      tpu.yield
    }) : () -> ()
    %run_scoped3A_74 = arith.constant 1 : i32
    "tpu.region"() ({
      %run_scoped3A_81 = tpu.sem_alloc : memref<!tpu.dma_semaphore, #tpu.memory_space<semaphore_mem>>
      %dma_start3A_82 = arith.constant 10240 : i32
      %dma_start3A_83 = tpu.memref_slice %arg7[%dma_start3A_82] : memref<81920xf32, #tpu.memory_space<vmem>> -> memref<10240xf32, #tpu.memory_space<vmem>>
      %dma_start3A_84 = arith.constant 0 : i32
      %dma_start3A_85 = tpu.memref_slice %arg6[%add3A, %run_scoped3A_74, %dma_start3A_84] : memref<32x8x10240xf32, #tpu.memory_space<hbm>> -> memref<1x1x10240xf32, #tpu.memory_space<hbm>>
      %dma_start3A_86 = tpu.memref_squeeze %dma_start3A_85 : memref<1x1x10240xf32, #tpu.memory_space<hbm>> -> memref<10240xf32, #tpu.memory_space<hbm>>
      %dma_start3A_87 = arith.constant 0 : i32
      %dma_start3A_88 = tpu.memref_slice %arg6[%add3A, %run_scoped3A_74, %dma_start3A_87] : memref<32x8x10240xf32, #tpu.memory_space<hbm>> -> memref<1x1x10240xf32, #tpu.memory_space<hbm>>
      %dma_start3A_89 = tpu.memref_squeeze %dma_start3A_88 : memref<1x1x10240xf32, #tpu.memory_space<hbm>> -> memref<10240xf32, #tpu.memory_space<hbm>>
      %dma_start3A_90 = arith.constant 10240 : i32
      %dma_start3A_91 = tpu.memref_slice %arg7[%dma_start3A_90] : memref<81920xf32, #tpu.memory_space<vmem>> -> memref<10240xf32, #tpu.memory_space<vmem>>
      tpu.enqueue_dma source(%dma_start3A_91 : memref<10240xf32, #tpu.memory_space<vmem>>) target(%dma_start3A_89 : memref<10240xf32, #tpu.memory_space<hbm>>) target_semaphore(%run_scoped3A_81 : memref<!tpu.dma_semaphore, #tpu.memory_space<semaphore_mem>>)
      %dma_wait3A = arith.constant 10240 : i32
      %dma_wait3A_92 = tpu.memref_slice %arg7[%dma_wait3A] : memref<81920xf32, #tpu.memory_space<vmem>> -> memref<10240xf32, #tpu.memory_space<vmem>>
      %dma_wait3A_93 = arith.constant 0 : i32
      %dma_wait3A_94 = tpu.memref_slice %arg6[%add3A, %run_scoped3A_74, %dma_wait3A_93] : memref<32x8x10240xf32, #tpu.memory_space<hbm>> -> memref<1x1x10240xf32, #tpu.memory_space<hbm>>
      %dma_wait3A_95 = tpu.memref_squeeze %dma_wait3A_94 : memref<1x1x10240xf32, #tpu.memory_space<hbm>> -> memref<10240xf32, #tpu.memory_space<hbm>>
      %dma_wait3A_96 = arith.constant 0 : i32
      %dma_wait3A_97 = tpu.memref_slice %arg6[%add3A, %run_scoped3A_74, %dma_wait3A_96] : memref<32x8x10240xf32, #tpu.memory_space<hbm>> -> memref<1x1x10240xf32, #tpu.memory_space<hbm>>
      %dma_wait3A_98 = tpu.memref_squeeze %dma_wait3A_97 : memref<1x1x10240xf32, #tpu.memory_space<hbm>> -> memref<10240xf32, #tpu.memory_space<hbm>>
      %dma_wait3A_99 = arith.constant 10240 : i32
      %dma_wait3A_100 = tpu.memref_slice %arg7[%dma_wait3A_99] : memref<81920xf32, #tpu.memory_space<vmem>> -> memref<10240xf32, #tpu.memory_space<vmem>>
      tpu.wait_dma2 semaphore(%run_scoped3A_81 : memref<!tpu.dma_semaphore, #tpu.memory_space<semaphore_mem>>) src(%dma_wait3A_100 : memref<10240xf32, #tpu.memory_space<vmem>>) dst(%dma_wait3A_98 : memref<10240xf32, #tpu.memory_space<hbm>>)
      tpu.yield
    }) : () -> ()
    %run_scoped3A_75 = arith.constant 2 : i32
    "tpu.region"() ({
      %run_scoped3A_81 = tpu.sem_alloc : memref<!tpu.dma_semaphore, #tpu.memory_space<semaphore_mem>>
      %dma_start3A_82 = arith.constant 20480 : i32
      %dma_start3A_83 = tpu.memref_slice %arg7[%dma_start3A_82] : memref<81920xf32, #tpu.memory_space<vmem>> -> memref<10240xf32, #tpu.memory_space<vmem>>
      %dma_start3A_84 = arith.constant 0 : i32
      %dma_start3A_85 = tpu.memref_slice %arg6[%add3A, %run_scoped3A_75, %dma_start3A_84] : memref<32x8x10240xf32, #tpu.memory_space<hbm>> -> memref<1x1x10240xf32, #tpu.memory_space<hbm>>
      %dma_start3A_86 = tpu.memref_squeeze %dma_start3A_85 : memref<1x1x10240xf32, #tpu.memory_space<hbm>> -> memref<10240xf32, #tpu.memory_space<hbm>>
      %dma_start3A_87 = arith.constant 0 : i32
      %dma_start3A_88 = tpu.memref_slice %arg6[%add3A, %run_scoped3A_75, %dma_start3A_87] : memref<32x8x10240xf32, #tpu.memory_space<hbm>> -> memref<1x1x10240xf32, #tpu.memory_space<hbm>>
      %dma_start3A_89 = tpu.memref_squeeze %dma_start3A_88 : memref<1x1x10240xf32, #tpu.memory_space<hbm>> -> memref<10240xf32, #tpu.memory_space<hbm>>
      %dma_start3A_90 = arith.constant 20480 : i32
      %dma_start3A_91 = tpu.memref_slice %arg7[%dma_start3A_90] : memref<81920xf32, #tpu.memory_space<vmem>> -> memref<10240xf32, #tpu.memory_space<vmem>>
      tpu.enqueue_dma source(%dma_start3A_91 : memref<10240xf32, #tpu.memory_space<vmem>>) target(%dma_start3A_89 : memref<10240xf32, #tpu.memory_space<hbm>>) target_semaphore(%run_scoped3A_81 : memref<!tpu.dma_semaphore, #tpu.memory_space<semaphore_mem>>)
      %dma_wait3A = arith.constant 20480 : i32
      %dma_wait3A_92 = tpu.memref_slice %arg7[%dma_wait3A] : memref<81920xf32, #tpu.memory_space<vmem>> -> memref<10240xf32, #tpu.memory_space<vmem>>
      %dma_wait3A_93 = arith.constant 0 : i32
      %dma_wait3A_94 = tpu.memref_slice %arg6[%add3A, %run_scoped3A_75, %dma_wait3A_93] : memref<32x8x10240xf32, #tpu.memory_space<hbm>> -> memref<1x1x10240xf32, #tpu.memory_space<hbm>>
      %dma_wait3A_95 = tpu.memref_squeeze %dma_wait3A_94 : memref<1x1x10240xf32, #tpu.memory_space<hbm>> -> memref<10240xf32, #tpu.memory_space<hbm>>
      %dma_wait3A_96 = arith.constant 0 : i32
      %dma_wait3A_97 = tpu.memref_slice %arg6[%add3A, %run_scoped3A_75, %dma_wait3A_96] : memref<32x8x10240xf32, #tpu.memory_space<hbm>> -> memref<1x1x10240xf32, #tpu.memory_space<hbm>>
      %dma_wait3A_98 = tpu.memref_squeeze %dma_wait3A_97 : memref<1x1x10240xf32, #tpu.memory_space<hbm>> -> memref<10240xf32, #tpu.memory_space<hbm>>
      %dma_wait3A_99 = arith.constant 20480 : i32
      %dma_wait3A_100 = tpu.memref_slice %arg7[%dma_wait3A_99] : memref<81920xf32, #tpu.memory_space<vmem>> -> memref<10240xf32, #tpu.memory_space<vmem>>
      tpu.wait_dma2 semaphore(%run_scoped3A_81 : memref<!tpu.dma_semaphore, #tpu.memory_space<semaphore_mem>>) src(%dma_wait3A_100 : memref<10240xf32, #tpu.memory_space<vmem>>) dst(%dma_wait3A_98 : memref<10240xf32, #tpu.memory_space<hbm>>)
      tpu.yield
    }) : () -> ()
    %run_scoped3A_76 = arith.constant 3 : i32
    "tpu.region"() ({
      %run_scoped3A_81 = tpu.sem_alloc : memref<!tpu.dma_semaphore, #tpu.memory_space<semaphore_mem>>
      %dma_start3A_82 = arith.constant 30720 : i32
      %dma_start3A_83 = tpu.memref_slice %arg7[%dma_start3A_82] : memref<81920xf32, #tpu.memory_space<vmem>> -> memref<10240xf32, #tpu.memory_space<vmem>>
      %dma_start3A_84 = arith.constant 0 : i32
      %dma_start3A_85 = tpu.memref_slice %arg6[%add3A, %run_scoped3A_76, %dma_start3A_84] : memref<32x8x10240xf32, #tpu.memory_space<hbm>> -> memref<1x1x10240xf32, #tpu.memory_space<hbm>>
      %dma_start3A_86 = tpu.memref_squeeze %dma_start3A_85 : memref<1x1x10240xf32, #tpu.memory_space<hbm>> -> memref<10240xf32, #tpu.memory_space<hbm>>
      %dma_start3A_87 = arith.constant 0 : i32
      %dma_start3A_88 = tpu.memref_slice %arg6[%add3A, %run_scoped3A_76, %dma_start3A_87] : memref<32x8x10240xf32, #tpu.memory_space<hbm>> -> memref<1x1x10240xf32, #tpu.memory_space<hbm>>
      %dma_start3A_89 = tpu.memref_squeeze %dma_start3A_88 : memref<1x1x10240xf32, #tpu.memory_space<hbm>> -> memref<10240xf32, #tpu.memory_space<hbm>>
      %dma_start3A_90 = arith.constant 30720 : i32
      %dma_start3A_91 = tpu.memref_slice %arg7[%dma_start3A_90] : memref<81920xf32, #tpu.memory_space<vmem>> -> memref<10240xf32, #tpu.memory_space<vmem>>
      tpu.enqueue_dma source(%dma_start3A_91 : memref<10240xf32, #tpu.memory_space<vmem>>) target(%dma_start3A_89 : memref<10240xf32, #tpu.memory_space<hbm>>) target_semaphore(%run_scoped3A_81 : memref<!tpu.dma_semaphore, #tpu.memory_space<semaphore_mem>>)
      %dma_wait3A = arith.constant 30720 : i32
      %dma_wait3A_92 = tpu.memref_slice %arg7[%dma_wait3A] : memref<81920xf32, #tpu.memory_space<vmem>> -> memref<10240xf32, #tpu.memory_space<vmem>>
      %dma_wait3A_93 = arith.constant 0 : i32
      %dma_wait3A_94 = tpu.memref_slice %arg6[%add3A, %run_scoped3A_76, %dma_wait3A_93] : memref<32x8x10240xf32, #tpu.memory_space<hbm>> -> memref<1x1x10240xf32, #tpu.memory_space<hbm>>
      %dma_wait3A_95 = tpu.memref_squeeze %dma_wait3A_94 : memref<1x1x10240xf32, #tpu.memory_space<hbm>> -> memref<10240xf32, #tpu.memory_space<hbm>>
      %dma_wait3A_96 = arith.constant 0 : i32
      %dma_wait3A_97 = tpu.memref_slice %arg6[%add3A, %run_scoped3A_76, %dma_wait3A_96] : memref<32x8x10240xf32, #tpu.memory_space<hbm>> -> memref<1x1x10240xf32, #tpu.memory_space<hbm>>
      %dma_wait3A_98 = tpu.memref_squeeze %dma_wait3A_97 : memref<1x1x10240xf32, #tpu.memory_space<hbm>> -> memref<10240xf32, #tpu.memory_space<hbm>>
      %dma_wait3A_99 = arith.constant 30720 : i32
      %dma_wait3A_100 = tpu.memref_slice %arg7[%dma_wait3A_99] : memref<81920xf32, #tpu.memory_space<vmem>> -> memref<10240xf32, #tpu.memory_space<vmem>>
      tpu.wait_dma2 semaphore(%run_scoped3A_81 : memref<!tpu.dma_semaphore, #tpu.memory_space<semaphore_mem>>) src(%dma_wait3A_100 : memref<10240xf32, #tpu.memory_space<vmem>>) dst(%dma_wait3A_98 : memref<10240xf32, #tpu.memory_space<hbm>>)
      tpu.yield
    }) : () -> ()
    %run_scoped3A_77 = arith.constant 4 : i32
    "tpu.region"() ({
      %run_scoped3A_81 = tpu.sem_alloc : memref<!tpu.dma_semaphore, #tpu.memory_space<semaphore_mem>>
      %dma_start3A_82 = arith.constant 40960 : i32
      %dma_start3A_83 = tpu.memref_slice %arg7[%dma_start3A_82] : memref<81920xf32, #tpu.memory_space<vmem>> -> memref<10240xf32, #tpu.memory_space<vmem>>
      %dma_start3A_84 = arith.constant 0 : i32
      %dma_start3A_85 = tpu.memref_slice %arg6[%add3A, %run_scoped3A_77, %dma_start3A_84] : memref<32x8x10240xf32, #tpu.memory_space<hbm>> -> memref<1x1x10240xf32, #tpu.memory_space<hbm>>
      %dma_start3A_86 = tpu.memref_squeeze %dma_start3A_85 : memref<1x1x10240xf32, #tpu.memory_space<hbm>> -> memref<10240xf32, #tpu.memory_space<hbm>>
      %dma_start3A_87 = arith.constant 0 : i32
      %dma_start3A_88 = tpu.memref_slice %arg6[%add3A, %run_scoped3A_77, %dma_start3A_87] : memref<32x8x10240xf32, #tpu.memory_space<hbm>> -> memref<1x1x10240xf32, #tpu.memory_space<hbm>>
      %dma_start3A_89 = tpu.memref_squeeze %dma_start3A_88 : memref<1x1x10240xf32, #tpu.memory_space<hbm>> -> memref<10240xf32, #tpu.memory_space<hbm>>
      %dma_start3A_90 = arith.constant 40960 : i32
      %dma_start3A_91 = tpu.memref_slice %arg7[%dma_start3A_90] : memref<81920xf32, #tpu.memory_space<vmem>> -> memref<10240xf32, #tpu.memory_space<vmem>>
      tpu.enqueue_dma source(%dma_start3A_91 : memref<10240xf32, #tpu.memory_space<vmem>>) target(%dma_start3A_89 : memref<10240xf32, #tpu.memory_space<hbm>>) target_semaphore(%run_scoped3A_81 : memref<!tpu.dma_semaphore, #tpu.memory_space<semaphore_mem>>)
      %dma_wait3A = arith.constant 40960 : i32
      %dma_wait3A_92 = tpu.memref_slice %arg7[%dma_wait3A] : memref<81920xf32, #tpu.memory_space<vmem>> -> memref<10240xf32, #tpu.memory_space<vmem>>
      %dma_wait3A_93 = arith.constant 0 : i32
      %dma_wait3A_94 = tpu.memref_slice %arg6[%add3A, %run_scoped3A_77, %dma_wait3A_93] : memref<32x8x10240xf32, #tpu.memory_space<hbm>> -> memref<1x1x10240xf32, #tpu.memory_space<hbm>>
      %dma_wait3A_95 = tpu.memref_squeeze %dma_wait3A_94 : memref<1x1x10240xf32, #tpu.memory_space<hbm>> -> memref<10240xf32, #tpu.memory_space<hbm>>
      %dma_wait3A_96 = arith.constant 0 : i32
      %dma_wait3A_97 = tpu.memref_slice %arg6[%add3A, %run_scoped3A_77, %dma_wait3A_96] : memref<32x8x10240xf32, #tpu.memory_space<hbm>> -> memref<1x1x10240xf32, #tpu.memory_space<hbm>>
      %dma_wait3A_98 = tpu.memref_squeeze %dma_wait3A_97 : memref<1x1x10240xf32, #tpu.memory_space<hbm>> -> memref<10240xf32, #tpu.memory_space<hbm>>
      %dma_wait3A_99 = arith.constant 40960 : i32
      %dma_wait3A_100 = tpu.memref_slice %arg7[%dma_wait3A_99] : memref<81920xf32, #tpu.memory_space<vmem>> -> memref<10240xf32, #tpu.memory_space<vmem>>
      tpu.wait_dma2 semaphore(%run_scoped3A_81 : memref<!tpu.dma_semaphore, #tpu.memory_space<semaphore_mem>>) src(%dma_wait3A_100 : memref<10240xf32, #tpu.memory_space<vmem>>) dst(%dma_wait3A_98 : memref<10240xf32, #tpu.memory_space<hbm>>)
      tpu.yield
    }) : () -> ()
    %run_scoped3A_78 = arith.constant 5 : i32
    "tpu.region"() ({
      %run_scoped3A_81 = tpu.sem_alloc : memref<!tpu.dma_semaphore, #tpu.memory_space<semaphore_mem>>
      %dma_start3A_82 = arith.constant 51200 : i32
      %dma_start3A_83 = tpu.memref_slice %arg7[%dma_start3A_82] : memref<81920xf32, #tpu.memory_space<vmem>> -> memref<10240xf32, #tpu.memory_space<vmem>>
      %dma_start3A_84 = arith.constant 0 : i32
      %dma_start3A_85 = tpu.memref_slice %arg6[%add3A, %run_scoped3A_78, %dma_start3A_84] : memref<32x8x10240xf32, #tpu.memory_space<hbm>> -> memref<1x1x10240xf32, #tpu.memory_space<hbm>>
      %dma_start3A_86 = tpu.memref_squeeze %dma_start3A_85 : memref<1x1x10240xf32, #tpu.memory_space<hbm>> -> memref<10240xf32, #tpu.memory_space<hbm>>
      %dma_start3A_87 = arith.constant 0 : i32
      %dma_start3A_88 = tpu.memref_slice %arg6[%add3A, %run_scoped3A_78, %dma_start3A_87] : memref<32x8x10240xf32, #tpu.memory_space<hbm>> -> memref<1x1x10240xf32, #tpu.memory_space<hbm>>
      %dma_start3A_89 = tpu.memref_squeeze %dma_start3A_88 : memref<1x1x10240xf32, #tpu.memory_space<hbm>> -> memref<10240xf32, #tpu.memory_space<hbm>>
      %dma_start3A_90 = arith.constant 51200 : i32
      %dma_start3A_91 = tpu.memref_slice %arg7[%dma_start3A_90] : memref<81920xf32, #tpu.memory_space<vmem>> -> memref<10240xf32, #tpu.memory_space<vmem>>
      tpu.enqueue_dma source(%dma_start3A_91 : memref<10240xf32, #tpu.memory_space<vmem>>) target(%dma_start3A_89 : memref<10240xf32, #tpu.memory_space<hbm>>) target_semaphore(%run_scoped3A_81 : memref<!tpu.dma_semaphore, #tpu.memory_space<semaphore_mem>>)
      %dma_wait3A = arith.constant 51200 : i32
      %dma_wait3A_92 = tpu.memref_slice %arg7[%dma_wait3A] : memref<81920xf32, #tpu.memory_space<vmem>> -> memref<10240xf32, #tpu.memory_space<vmem>>
      %dma_wait3A_93 = arith.constant 0 : i32
      %dma_wait3A_94 = tpu.memref_slice %arg6[%add3A, %run_scoped3A_78, %dma_wait3A_93] : memref<32x8x10240xf32, #tpu.memory_space<hbm>> -> memref<1x1x10240xf32, #tpu.memory_space<hbm>>
      %dma_wait3A_95 = tpu.memref_squeeze %dma_wait3A_94 : memref<1x1x10240xf32, #tpu.memory_space<hbm>> -> memref<10240xf32, #tpu.memory_space<hbm>>
      %dma_wait3A_96 = arith.constant 0 : i32
      %dma_wait3A_97 = tpu.memref_slice %arg6[%add3A, %run_scoped3A_78, %dma_wait3A_96] : memref<32x8x10240xf32, #tpu.memory_space<hbm>> -> memref<1x1x10240xf32, #tpu.memory_space<hbm>>
      %dma_wait3A_98 = tpu.memref_squeeze %dma_wait3A_97 : memref<1x1x10240xf32, #tpu.memory_space<hbm>> -> memref<10240xf32, #tpu.memory_space<hbm>>
      %dma_wait3A_99 = arith.constant 51200 : i32
      %dma_wait3A_100 = tpu.memref_slice %arg7[%dma_wait3A_99] : memref<81920xf32, #tpu.memory_space<vmem>> -> memref<10240xf32, #tpu.memory_space<vmem>>
      tpu.wait_dma2 semaphore(%run_scoped3A_81 : memref<!tpu.dma_semaphore, #tpu.memory_space<semaphore_mem>>) src(%dma_wait3A_100 : memref<10240xf32, #tpu.memory_space<vmem>>) dst(%dma_wait3A_98 : memref<10240xf32, #tpu.memory_space<hbm>>)
      tpu.yield
    }) : () -> ()
    %run_scoped3A_79 = arith.constant 6 : i32
    "tpu.region"() ({
      %run_scoped3A_81 = tpu.sem_alloc : memref<!tpu.dma_semaphore, #tpu.memory_space<semaphore_mem>>
      %dma_start3A_82 = arith.constant 61440 : i32
      %dma_start3A_83 = tpu.memref_slice %arg7[%dma_start3A_82] : memref<81920xf32, #tpu.memory_space<vmem>> -> memref<10240xf32, #tpu.memory_space<vmem>>
      %dma_start3A_84 = arith.constant 0 : i32
      %dma_start3A_85 = tpu.memref_slice %arg6[%add3A, %run_scoped3A_79, %dma_start3A_84] : memref<32x8x10240xf32, #tpu.memory_space<hbm>> -> memref<1x1x10240xf32, #tpu.memory_space<hbm>>
      %dma_start3A_86 = tpu.memref_squeeze %dma_start3A_85 : memref<1x1x10240xf32, #tpu.memory_space<hbm>> -> memref<10240xf32, #tpu.memory_space<hbm>>
      %dma_start3A_87 = arith.constant 0 : i32
      %dma_start3A_88 = tpu.memref_slice %arg6[%add3A, %run_scoped3A_79, %dma_start3A_87] : memref<32x8x10240xf32, #tpu.memory_space<hbm>> -> memref<1x1x10240xf32, #tpu.memory_space<hbm>>
      %dma_start3A_89 = tpu.memref_squeeze %dma_start3A_88 : memref<1x1x10240xf32, #tpu.memory_space<hbm>> -> memref<10240xf32, #tpu.memory_space<hbm>>
      %dma_start3A_90 = arith.constant 61440 : i32
      %dma_start3A_91 = tpu.memref_slice %arg7[%dma_start3A_90] : memref<81920xf32, #tpu.memory_space<vmem>> -> memref<10240xf32, #tpu.memory_space<vmem>>
      tpu.enqueue_dma source(%dma_start3A_91 : memref<10240xf32, #tpu.memory_space<vmem>>) target(%dma_start3A_89 : memref<10240xf32, #tpu.memory_space<hbm>>) target_semaphore(%run_scoped3A_81 : memref<!tpu.dma_semaphore, #tpu.memory_space<semaphore_mem>>)
      %dma_wait3A = arith.constant 61440 : i32
      %dma_wait3A_92 = tpu.memref_slice %arg7[%dma_wait3A] : memref<81920xf32, #tpu.memory_space<vmem>> -> memref<10240xf32, #tpu.memory_space<vmem>>
      %dma_wait3A_93 = arith.constant 0 : i32
      %dma_wait3A_94 = tpu.memref_slice %arg6[%add3A, %run_scoped3A_79, %dma_wait3A_93] : memref<32x8x10240xf32, #tpu.memory_space<hbm>> -> memref<1x1x10240xf32, #tpu.memory_space<hbm>>
      %dma_wait3A_95 = tpu.memref_squeeze %dma_wait3A_94 : memref<1x1x10240xf32, #tpu.memory_space<hbm>> -> memref<10240xf32, #tpu.memory_space<hbm>>
      %dma_wait3A_96 = arith.constant 0 : i32
      %dma_wait3A_97 = tpu.memref_slice %arg6[%add3A, %run_scoped3A_79, %dma_wait3A_96] : memref<32x8x10240xf32, #tpu.memory_space<hbm>> -> memref<1x1x10240xf32, #tpu.memory_space<hbm>>
      %dma_wait3A_98 = tpu.memref_squeeze %dma_wait3A_97 : memref<1x1x10240xf32, #tpu.memory_space<hbm>> -> memref<10240xf32, #tpu.memory_space<hbm>>
      %dma_wait3A_99 = arith.constant 61440 : i32
      %dma_wait3A_100 = tpu.memref_slice %arg7[%dma_wait3A_99] : memref<81920xf32, #tpu.memory_space<vmem>> -> memref<10240xf32, #tpu.memory_space<vmem>>
      tpu.wait_dma2 semaphore(%run_scoped3A_81 : memref<!tpu.dma_semaphore, #tpu.memory_space<semaphore_mem>>) src(%dma_wait3A_100 : memref<10240xf32, #tpu.memory_space<vmem>>) dst(%dma_wait3A_98 : memref<10240xf32, #tpu.memory_space<hbm>>)
      tpu.yield
    }) : () -> ()
    %run_scoped3A_80 = arith.constant 7 : i32
    "tpu.region"() ({
      %run_scoped3A_81 = tpu.sem_alloc : memref<!tpu.dma_semaphore, #tpu.memory_space<semaphore_mem>>
      %dma_start3A_82 = arith.constant 71680 : i32
      %dma_start3A_83 = tpu.memref_slice %arg7[%dma_start3A_82] : memref<81920xf32, #tpu.memory_space<vmem>> -> memref<10240xf32, #tpu.memory_space<vmem>>
      %dma_start3A_84 = arith.constant 0 : i32
      %dma_start3A_85 = tpu.memref_slice %arg6[%add3A, %run_scoped3A_80, %dma_start3A_84] : memref<32x8x10240xf32, #tpu.memory_space<hbm>> -> memref<1x1x10240xf32, #tpu.memory_space<hbm>>
      %dma_start3A_86 = tpu.memref_squeeze %dma_start3A_85 : memref<1x1x10240xf32, #tpu.memory_space<hbm>> -> memref<10240xf32, #tpu.memory_space<hbm>>
      %dma_start3A_87 = arith.constant 0 : i32
      %dma_start3A_88 = tpu.memref_slice %arg6[%add3A, %run_scoped3A_80, %dma_start3A_87] : memref<32x8x10240xf32, #tpu.memory_space<hbm>> -> memref<1x1x10240xf32, #tpu.memory_space<hbm>>
      %dma_start3A_89 = tpu.memref_squeeze %dma_start3A_88 : memref<1x1x10240xf32, #tpu.memory_space<hbm>> -> memref<10240xf32, #tpu.memory_space<hbm>>
      %dma_start3A_90 = arith.constant 71680 : i32
      %dma_start3A_91 = tpu.memref_slice %arg7[%dma_start3A_90] : memref<81920xf32, #tpu.memory_space<vmem>> -> memref<10240xf32, #tpu.memory_space<vmem>>
      tpu.enqueue_dma source(%dma_start3A_91 : memref<10240xf32, #tpu.memory_space<vmem>>) target(%dma_start3A_89 : memref<10240xf32, #tpu.memory_space<hbm>>) target_semaphore(%run_scoped3A_81 : memref<!tpu.dma_semaphore, #tpu.memory_space<semaphore_mem>>)
      %dma_wait3A = arith.constant 71680 : i32
      %dma_wait3A_92 = tpu.memref_slice %arg7[%dma_wait3A] : memref<81920xf32, #tpu.memory_space<vmem>> -> memref<10240xf32, #tpu.memory_space<vmem>>
      %dma_wait3A_93 = arith.constant 0 : i32
      %dma_wait3A_94 = tpu.memref_slice %arg6[%add3A, %run_scoped3A_80, %dma_wait3A_93] : memref<32x8x10240xf32, #tpu.memory_space<hbm>> -> memref<1x1x10240xf32, #tpu.memory_space<hbm>>
      %dma_wait3A_95 = tpu.memref_squeeze %dma_wait3A_94 : memref<1x1x10240xf32, #tpu.memory_space<hbm>> -> memref<10240xf32, #tpu.memory_space<hbm>>
      %dma_wait3A_96 = arith.constant 0 : i32
      %dma_wait3A_97 = tpu.memref_slice %arg6[%add3A, %run_scoped3A_80, %dma_wait3A_96] : memref<32x8x10240xf32, #tpu.memory_space<hbm>> -> memref<1x1x10240xf32, #tpu.memory_space<hbm>>
      %dma_wait3A_98 = tpu.memref_squeeze %dma_wait3A_97 : memref<1x1x10240xf32, #tpu.memory_space<hbm>> -> memref<10240xf32, #tpu.memory_space<hbm>>
      %dma_wait3A_99 = arith.constant 71680 : i32
      %dma_wait3A_100 = tpu.memref_slice %arg7[%dma_wait3A_99] : memref<81920xf32, #tpu.memory_space<vmem>> -> memref<10240xf32, #tpu.memory_space<vmem>>
      tpu.wait_dma2 semaphore(%run_scoped3A_81 : memref<!tpu.dma_semaphore, #tpu.memory_space<semaphore_mem>>) src(%dma_wait3A_100 : memref<10240xf32, #tpu.memory_space<vmem>>) dst(%dma_wait3A_98 : memref<10240xf32, #tpu.memory_space<hbm>>)
      tpu.yield
    }) : () -> ()
    return
  }
}

module attributes {stable_mosaic.version = 14 : i64} {
  func.func @_mm_body(%arg0: i32, %arg1: memref<2048x128xf32, #tpu.memory_space<vmem>>, %arg2: memref<128x48xf32, #tpu.memory_space<vmem>>, %arg3: memref<2048x48xf32, #tpu.memory_space<vmem>>) attributes {dimension_semantics = [#tpu.dimension_semantics<arbitrary>], iteration_bounds = array<i64: 5>, scalar_prefetch = 0 : i64, scratch_operands = 0 : i64, tpu.core_type = #tpu.core_type<tc>, window_params = [{transform_indices = @transform_0, window_bounds = array<i64: 2048, 128>}, {pipeline_mode = #tpu.pipeline_mode<synchronous>, transform_indices = @transform_1, window_bounds = array<i64: 128, 48>}, {transform_indices = @transform_2, window_bounds = array<i64: 2048, 48>}]} {
    %get3A = arith.constant 0 : index
    %get3A_0 = arith.constant 0 : index
    %get3A_1 = vector.load %arg1[%get3A, %get3A_0] : memref<2048x128xf32, #tpu.memory_space<vmem>>, vector<2048x128xf32>
    %get3A_2 = arith.constant 0 : index
    %get3A_3 = arith.constant 0 : index
    %get3A_4 = vector.load %arg2[%get3A_2, %get3A_3] : memref<128x48xf32, #tpu.memory_space<vmem>>, vector<128x48xf32>
    %dot_general3A = arith.constant dense<0.000000e+00> : vector<2048x48xf32>
    %dot_general3A_5 = tpu.matmul %get3A_1, %get3A_4, %dot_general3A {dimension_numbers = #tpu.dot_dimension_numbers<[1], [0], [0], [1], [0, 0, 1, 1], [], []>, transpose_lhs_hint = false} : vector<2048x128xf32>, vector<128x48xf32>, vector<2048x48xf32> -> vector<2048x48xf32>
    %swap3A = arith.constant 0 : index
    %swap3A_6 = arith.constant 0 : index
    %swap3A_7 = vector.load %arg3[%swap3A, %swap3A_6] : memref<2048x48xf32, #tpu.memory_space<vmem>>, vector<2048x48xf32>
    tpu.vector_store %arg3[%swap3A, %swap3A_6], %dot_general3A_5 {strides = array<i32>} : memref<2048x48xf32, #tpu.memory_space<vmem>>, vector<2048x48xf32>,
    return
  }
  func.func @transform_0(%arg0: i32) -> (i32, i32) {
    %c0_i32 = arith.constant 0 : i32
    %c0_i32_0 = arith.constant 0 : i32
    return %arg0, %c0_i32 : i32, i32
  }
  func.func @transform_1(%arg0: i32) -> (i32, i32) {
    %c0_i32 = arith.constant 0 : i32
    %c0_i32_0 = arith.constant 0 : i32
    %c0_i32_1 = arith.constant 0 : i32
    return %c0_i32, %c0_i32_0 : i32, i32
  }
  func.func @transform_2(%arg0: i32) -> (i32, i32) {
    %c0_i32 = arith.constant 0 : i32
    %c0_i32_0 = arith.constant 0 : i32
    return %arg0, %c0_i32 : i32, i32
  }
}

module attributes {stable_mosaic.version = 14 : i64} {
  func.func @_merge_body(%arg0: i32, %arg1: memref<32x8x2048xf32, #tpu.memory_space<vmem>>, %arg2: memref<2048x48xf32, #tpu.memory_space<vmem>>, %arg3: memref<1x8xf32, #tpu.memory_space<vmem>>, %arg4: memref<8x48xf32, #tpu.memory_space<vmem>>, %arg5: memref<2048x48xf32, #tpu.memory_space<vmem>>) attributes {dimension_semantics = [#tpu.dimension_semantics<arbitrary>], iteration_bounds = array<i64: 5>, scalar_prefetch = 0 : i64, scratch_operands = 0 : i64, tpu.core_type = #tpu.core_type<tc>, window_params = [{transform_indices = @transform_0, window_bounds = array<i64: 32, 8, 2048>}, {transform_indices = @transform_1, window_bounds = array<i64: 2048, 48>}, {pipeline_mode = #tpu.pipeline_mode<synchronous>, transform_indices = @transform_2, window_bounds = array<i64: 1, 8>}, {pipeline_mode = #tpu.pipeline_mode<synchronous>, transform_indices = @transform_3, window_bounds = array<i64: 8, 48>}, {transform_indices = @transform_4, window_bounds = array<i64: 2048, 48>}]} {
    %get3A = arith.constant 0 : index
    %get3A_0 = arith.constant 0 : index
    %get3A_1 = arith.constant 0 : index
    %get3A_2 = vector.load %arg1[%get3A, %get3A_0, %get3A_1] : memref<32x8x2048xf32, #tpu.memory_space<vmem>>, vector<32x8x2048xf32>
    %reduce_sum3A = arith.constant dense<0.000000e+00> : vector<8x2048xf32>
    %reduce_sum3A_3 = vector.multi_reduction <add>, %get3A_2, %reduce_sum3A [0] : vector<32x8x2048xf32> to vector<8x2048xf32>
    %transpose3A = tpu.transpose %reduce_sum3A_3, [1, 0] : vector<8x2048xf32> -> vector<2048x8xf32>
    %get3A_4 = arith.constant 0 : index
    %get3A_5 = arith.constant 40 : index
    %get3A_6 = vector.load %arg2[%get3A_4, %get3A_5] : memref<2048x48xf32, #tpu.memory_space<vmem>>, vector<2048x8xf32>
    %add3A = arith.addf %transpose3A, %get3A_6 : vector<2048x8xf32>
    %get3A_7 = arith.constant 0 : index
    %get3A_8 = arith.constant 0 : index
    %get3A_9 = vector.load %arg3[%get3A_7, %get3A_8] : memref<1x8xf32, #tpu.memory_space<vmem>>, vector<1x8xf32>
    %add3A_10 = vector.broadcast %get3A_9 : vector<1x8xf32> to vector<2048x8xf32>
    %add3A_11 = arith.addf %add3A, %add3A_10 : vector<2048x8xf32>
    %max3A = arith.constant 0.000000e+00 : f32
    %max3A_12 = vector.broadcast %max3A : f32 to vector<2048x8xf32>
    %max3A_13 = arith.maximumf %add3A_11, %max3A_12 : vector<2048x8xf32>
    %get3A_14 = arith.constant 0 : index
    %get3A_15 = arith.constant 0 : index
    %get3A_16 = vector.load %arg4[%get3A_14, %get3A_15] : memref<8x48xf32, #tpu.memory_space<vmem>>, vector<8x48xf32>
    %dot_general3A = arith.constant dense<0.000000e+00> : vector<2048x48xf32>
    %dot_general3A_17 = tpu.matmul %max3A_13, %get3A_16, %dot_general3A {dimension_numbers = #tpu.dot_dimension_numbers<[1], [0], [0], [1], [0, 0, 1, 1], [], []>, transpose_lhs_hint = false} : vector<2048x8xf32>, vector<8x48xf32>, vector<2048x48xf32> -> vector<2048x48xf32>
    %swap3A = arith.constant 0 : index
    %swap3A_18 = arith.constant 0 : index
    %swap3A_19 = vector.load %arg5[%swap3A, %swap3A_18] : memref<2048x48xf32, #tpu.memory_space<vmem>>, vector<2048x48xf32>
    tpu.vector_store %arg5[%swap3A, %swap3A_18], %dot_general3A_17 {strides = array<i32>} : memref<2048x48xf32, #tpu.memory_space<vmem>>, vector<2048x48xf32>,
    return
  }
  func.func @transform_0(%arg0: i32) -> (i32, i32, i32) {
    %c0_i32 = arith.constant 0 : i32
    %c0_i32_0 = arith.constant 0 : i32
    %c0_i32_1 = arith.constant 0 : i32
    return %c0_i32, %c0_i32_0, %arg0 : i32, i32, i32
  }
  func.func @transform_1(%arg0: i32) -> (i32, i32) {
    %c0_i32 = arith.constant 0 : i32
    %c0_i32_0 = arith.constant 0 : i32
    return %arg0, %c0_i32 : i32, i32
  }
  func.func @transform_2(%arg0: i32) -> (i32, i32) {
    %c0_i32 = arith.constant 0 : i32
    %c0_i32_0 = arith.constant 0 : i32
    %c0_i32_1 = arith.constant 0 : i32
    return %c0_i32, %c0_i32_0 : i32, i32
  }
  func.func @transform_3(%arg0: i32) -> (i32, i32) {
    %c0_i32 = arith.constant 0 : i32
    %c0_i32_0 = arith.constant 0 : i32
    %c0_i32_1 = arith.constant 0 : i32
    return %c0_i32, %c0_i32_0 : i32, i32
  }
  func.func @transform_4(%arg0: i32) -> (i32, i32) {
    %c0_i32 = arith.constant 0 : i32
    %c0_i32_0 = arith.constant 0 : i32
    return %arg0, %c0_i32 : i32, i32
  }
}

module attributes {stable_mosaic.version = 14 : i64} {
  func.func @_final_body(%arg0: i32, %arg1: memref<32x8x2048xf32, #tpu.memory_space<vmem>>, %arg2: memref<2048x48xf32, #tpu.memory_space<vmem>>, %arg3: memref<1x8xf32, #tpu.memory_space<vmem>>, %arg4: memref<8x1xf32, #tpu.memory_space<vmem>>, %arg5: memref<1x1xf32, #tpu.memory_space<vmem>>, %arg6: memref<1x1xf32, #tpu.memory_space<vmem>>, %arg7: memref<1x16xf32, #tpu.memory_space<vmem>>, %arg8: memref<1x8xf32, #tpu.memory_space<vmem>>, %arg9: memref<1x8xf32, #tpu.memory_space<vmem>>) attributes {dimension_semantics = [#tpu.dimension_semantics<arbitrary>], iteration_bounds = array<i64: 5>, scalar_prefetch = 0 : i64, scratch_operands = 2 : i64, tpu.core_type = #tpu.core_type<tc>, window_params = [{transform_indices = @transform_0, window_bounds = array<i64: 32, 8, 2048>}, {transform_indices = @transform_1, window_bounds = array<i64: 2048, 48>}, {pipeline_mode = #tpu.pipeline_mode<synchronous>, transform_indices = @transform_2, window_bounds = array<i64: 1, 8>}, {pipeline_mode = #tpu.pipeline_mode<synchronous>, transform_indices = @transform_3, window_bounds = array<i64: 8, 1>}, {pipeline_mode = #tpu.pipeline_mode<synchronous>, transform_indices = @transform_4, window_bounds = array<i64: 1, 1>}, {pipeline_mode = #tpu.pipeline_mode<synchronous>, transform_indices = @transform_5, window_bounds = array<i64: 1, 1>}, {pipeline_mode = #tpu.pipeline_mode<synchronous>, transform_indices = @transform_6, window_bounds = array<i64: 1, 16>}]} {
    %get3A = arith.constant 0 : index
    %get3A_0 = arith.constant 0 : index
    %get3A_1 = arith.constant 0 : index
    %get3A_2 = vector.load %arg1[%get3A, %get3A_0, %get3A_1] : memref<32x8x2048xf32, #tpu.memory_space<vmem>>, vector<32x8x2048xf32>
    %reduce_sum3A = arith.constant dense<0.000000e+00> : vector<8x2048xf32>
    %reduce_sum3A_3 = vector.multi_reduction <add>, %get3A_2, %reduce_sum3A [0] : vector<32x8x2048xf32> to vector<8x2048xf32>
    %transpose3A = tpu.transpose %reduce_sum3A_3, [1, 0] : vector<8x2048xf32> -> vector<2048x8xf32>
    %get3A_4 = arith.constant 0 : index
    %get3A_5 = arith.constant 40 : index
    %get3A_6 = vector.load %arg2[%get3A_4, %get3A_5] : memref<2048x48xf32, #tpu.memory_space<vmem>>, vector<2048x8xf32>
    %add3A = arith.addf %transpose3A, %get3A_6 : vector<2048x8xf32>
    %get3A_7 = arith.constant 0 : index
    %get3A_8 = arith.constant 0 : index
    %get3A_9 = vector.load %arg3[%get3A_7, %get3A_8] : memref<1x8xf32, #tpu.memory_space<vmem>>, vector<1x8xf32>
    %add3A_10 = vector.broadcast %get3A_9 : vector<1x8xf32> to vector<2048x8xf32>
    %add3A_11 = arith.addf %add3A, %add3A_10 : vector<2048x8xf32>
    %max3A = arith.constant 0.000000e+00 : f32
    %max3A_12 = vector.broadcast %max3A : f32 to vector<2048x8xf32>
    %max3A_13 = arith.maximumf %add3A_11, %max3A_12 : vector<2048x8xf32>
    %iota3A = tpu.iota {dimensions = array<i32: 0>} : vector<2048x1xi32>
    %mul3A = arith.constant 2048 : i32
    %mul3A_14 = arith.muli %arg0, %mul3A : i32
    %add3A_15 = vector.broadcast %mul3A_14 : i32 to vector<2048x1xi32>
    %add3A_16 = arith.addi %iota3A, %add3A_15 : vector<2048x1xi32>
    %lt3A = arith.constant 10000 : i32
    %lt3A_17 = vector.broadcast %lt3A : i32 to vector<2048x1xi32>
    %lt3A_18 = arith.cmpi slt, %add3A_16, %lt3A_17 : vector<2048x1xi32>
    %jit3A = arith.constant 0.000000e+00 : f32
    %broadcast_in_dim3A = vector.shape_cast %lt3A_18 : vector<2048x1xi1> to vector<2048x1xi1>
    %broadcast_in_dim3A_19 = vector.broadcast %broadcast_in_dim3A : vector<2048x1xi1> to vector<2048x8xi1>
    %broadcast_in_dim3A_20 = vector.broadcast %jit3A : f32 to vector<2048x8xf32>
    %select_n3A = arith.select %broadcast_in_dim3A_19, %max3A_13, %broadcast_in_dim3A_20 : vector<2048x8xi1>, vector<2048x8xf32>
    %jit3A_21 = arith.constant 0xFF800000 : f32
    %broadcast_in_dim3A_22 = vector.shape_cast %lt3A_18 : vector<2048x1xi1> to vector<2048x1xi1>
    %broadcast_in_dim3A_23 = vector.broadcast %broadcast_in_dim3A_22 : vector<2048x1xi1> to vector<2048x8xi1>
    %broadcast_in_dim3A_24 = vector.broadcast %jit3A_21 : f32 to vector<2048x8xf32>
    %select_n3A_25 = arith.select %broadcast_in_dim3A_23, %max3A_13, %broadcast_in_dim3A_24 : vector<2048x8xi1>, vector<2048x8xf32>
    %get3A_26 = arith.constant 0 : index
    %get3A_27 = arith.constant 0 : index
    %get3A_28 = vector.load %arg4[%get3A_26, %get3A_27] : memref<8x1xf32, #tpu.memory_space<vmem>>, vector<8x1xf32>
    %dot_general3A = arith.constant dense<0.000000e+00> : vector<2048x1xf32>
    %dot_general3A_29 = tpu.matmul %max3A_13, %get3A_28, %dot_general3A {dimension_numbers = #tpu.dot_dimension_numbers<[1], [0], [0], [1], [0, 0, 1, 1], [], []>, transpose_lhs_hint = false} : vector<2048x8xf32>, vector<8x1xf32>, vector<2048x1xf32> -> vector<2048x1xf32>
    %get3A_30 = arith.constant 0 : index
    %get3A_31 = arith.constant 0 : index
    %get3A_32 = vector.load %arg5[%get3A_30, %get3A_31] : memref<1x1xf32, #tpu.memory_space<vmem>>, vector<1x1xf32>
    %add3A_33 = vector.broadcast %get3A_32 : vector<1x1xf32> to vector<2048x1xf32>
    %add3A_34 = arith.addf %dot_general3A_29, %add3A_33 : vector<2048x1xf32>
    %logistic3A = arith.negf %add3A_34 : vector<2048x1xf32>
    %logistic3A_35 = math.exp %logistic3A : vector<2048x1xf32>
    %logistic3A_36 = arith.constant 1.000000e+00 : f32
    %logistic3A_37 = vector.broadcast %logistic3A_36 : f32 to vector<2048x1xf32>
    %logistic3A_38 = arith.addf %logistic3A_37, %logistic3A_35 : vector<2048x1xf32>
    %logistic3A_39 = arith.divf %logistic3A_37, %logistic3A_38 : vector<2048x1xf32>
    %jit3A_40 = arith.constant 0.000000e+00 : f32
    %broadcast_in_dim3A_41 = vector.broadcast %jit3A_40 : f32 to vector<2048x1xf32>
    %select_n3A_42 = arith.select %lt3A_18, %logistic3A_39, %broadcast_in_dim3A_41 : vector<2048x1xi1>, vector<2048x1xf32>
    %mul3A_43 = vector.broadcast %select_n3A_42 : vector<2048x1xf32> to vector<2048x8xf32>
    %mul3A_44 = arith.mulf %mul3A_43, %select_n3A : vector<2048x8xf32>
    %reduce_sum3A_45 = arith.constant dense<0.000000e+00> : vector<8xf32>
    %reduce_sum3A_46 = vector.multi_reduction <add>, %mul3A_44, %reduce_sum3A_45 [0] : vector<2048x8xf32> to vector<8xf32>
    %broadcast_in_dim3A_47 = vector.shape_cast %reduce_sum3A_46 : vector<8xf32> to vector<1x8xf32>
    %reduce_max3A = arith.constant dense<0xFF800000> : vector<8xf32>
    %reduce_max3A_48 = vector.multi_reduction <maximumf>, %select_n3A_25, %reduce_max3A [0] : vector<2048x8xf32> to vector<8xf32>
    %broadcast_in_dim3A_49 = vector.shape_cast %reduce_max3A_48 : vector<8xf32> to vector<1x8xf32>
    %eq3A = arith.constant 0 : i32
    %eq3A_50 = arith.cmpi eq, %arg0, %eq3A : i32
    %convert_element_type3A = arith.extui %eq3A_50 : i1 to i32
    %cond3A = arith.constant 0 : i32
    %cond3A_51 = arith.cmpi ne, %convert_element_type3A, %cond3A : i32
    scf.if %cond3A_51 {
      %broadcast_in_dim3A_70 = arith.constant 0.000000e+00 : f32
      %broadcast_in_dim3A_71 = vector.broadcast %broadcast_in_dim3A_70 : f32 to vector<1x8xf32>
      %swap3A_72 = arith.constant 0 : index
      %swap3A_73 = arith.constant 0 : index
      %swap3A_74 = vector.load %arg8[%swap3A_72, %swap3A_73] : memref<1x8xf32, #tpu.memory_space<vmem>>, vector<1x8xf32>
      tpu.vector_store %arg8[%swap3A_72, %swap3A_73], %broadcast_in_dim3A_71 {strides = array<i32>} : memref<1x8xf32, #tpu.memory_space<vmem>>, vector<1x8xf32>,
      %broadcast_in_dim3A_75 = arith.constant 0xFF800000 : f32
      %broadcast_in_dim3A_76 = vector.broadcast %broadcast_in_dim3A_75 : f32 to vector<1x8xf32>
      %swap3A_77 = arith.constant 0 : index
      %swap3A_78 = arith.constant 0 : index
      %swap3A_79 = vector.load %arg9[%swap3A_77, %swap3A_78] : memref<1x8xf32, #tpu.memory_space<vmem>>, vector<1x8xf32>
      tpu.vector_store %arg9[%swap3A_77, %swap3A_78], %broadcast_in_dim3A_76 {strides = array<i32>} : memref<1x8xf32, #tpu.memory_space<vmem>>, vector<1x8xf32>,
    } else {
    }
    %get3A_52 = arith.constant 0 : index
    %get3A_53 = arith.constant 0 : index
    %get3A_54 = vector.load %arg8[%get3A_52, %get3A_53] : memref<1x8xf32, #tpu.memory_space<vmem>>, vector<1x8xf32>
    %add3A_55 = arith.addf %get3A_54, %broadcast_in_dim3A_47 : vector<1x8xf32>
    %swap3A = arith.constant 0 : index
    %swap3A_56 = arith.constant 0 : index
    %swap3A_57 = vector.load %arg8[%swap3A, %swap3A_56] : memref<1x8xf32, #tpu.memory_space<vmem>>, vector<1x8xf32>
    tpu.vector_store %arg8[%swap3A, %swap3A_56], %add3A_55 {strides = array<i32>} : memref<1x8xf32, #tpu.memory_space<vmem>>, vector<1x8xf32>,
    %get3A_58 = arith.constant 0 : index
    %get3A_59 = arith.constant 0 : index
    %get3A_60 = vector.load %arg9[%get3A_58, %get3A_59] : memref<1x8xf32, #tpu.memory_space<vmem>>, vector<1x8xf32>
    %max3A_61 = arith.maximumf %get3A_60, %broadcast_in_dim3A_49 : vector<1x8xf32>
    %swap3A_62 = arith.constant 0 : index
    %swap3A_63 = arith.constant 0 : index
    %swap3A_64 = vector.load %arg9[%swap3A_62, %swap3A_63] : memref<1x8xf32, #tpu.memory_space<vmem>>, vector<1x8xf32>
    tpu.vector_store %arg9[%swap3A_62, %swap3A_63], %max3A_61 {strides = array<i32>} : memref<1x8xf32, #tpu.memory_space<vmem>>, vector<1x8xf32>,
    %eq3A_65 = arith.constant 4 : i32
    %eq3A_66 = arith.cmpi eq, %arg0, %eq3A_65 : i32
    %convert_element_type3A_67 = arith.extui %eq3A_66 : i1 to i32
    %cond3A_68 = arith.constant 0 : i32
    %cond3A_69 = arith.cmpi ne, %convert_element_type3A_67, %cond3A_68 : i32
    scf.if %cond3A_69 {
      %get3A_70 = arith.constant 0 : index
      %get3A_71 = arith.constant 0 : index
      %get3A_72 = vector.load %arg8[%get3A_70, %get3A_71] : memref<1x8xf32, #tpu.memory_space<vmem>>, vector<1x8xf32>
      %get3A_73 = arith.constant 0 : index
      %get3A_74 = arith.constant 0 : index
      %get3A_75 = vector.load %arg9[%get3A_73, %get3A_74] : memref<1x8xf32, #tpu.memory_space<vmem>>, vector<1x8xf32>
      %concatenate3A = tpu.concatenate %get3A_72, %get3A_75 in 1 : vector<1x8xf32>, vector<1x8xf32> -> vector<1x16xf32>
      %iota3A_76 = tpu.iota {dimensions = array<i32: 1>} : vector<1x8xi32>
      %convert_element_type3A_77 = arith.sitofp %iota3A_76 : vector<1x8xi32> to vector<1x8xf32>
      %mul3A_78 = arith.constant 2.000000e+00 : f32
      %mul3A_79 = vector.broadcast %mul3A_78 : f32 to vector<1x8xf32>
      %mul3A_80 = arith.mulf %convert_element_type3A_77, %mul3A_79 : vector<1x8xf32>
      %div3A = arith.constant 1.600000e+01 : f32
      %div3A_81 = vector.broadcast %div3A : f32 to vector<1x8xf32>
      %div3A_82 = arith.divf %mul3A_80, %div3A_81 : vector<1x8xf32>
      %neg3A = arith.constant 0.000000e+00 : f32
      %neg3A_83 = vector.broadcast %neg3A : f32 to vector<1x8xf32>
      %neg3A_84 = arith.subf %neg3A_83, %div3A_82 : vector<1x8xf32>
      %mul3A_85 = arith.constant 9.21034049 : f32
      %mul3A_86 = vector.broadcast %mul3A_85 : f32 to vector<1x8xf32>
      %mul3A_87 = arith.mulf %neg3A_84, %mul3A_86 : vector<1x8xf32>
      %exp3A = math.exp %mul3A_87 : vector<1x8xf32>
      %get3A_88 = arith.constant 0 : index
      %get3A_89 = arith.constant 0 : index
      %get3A_90 = vector.load %arg6[%get3A_88, %get3A_89] : memref<1x1xf32, #tpu.memory_space<vmem>>, vector<1x1xf32>
      %get3A_91 = vector.extract %get3A_90[0, 0] : f32 from vector<1x1xf32>
      %mul3A_92 = vector.broadcast %get3A_91 : f32 to vector<1x8xf32>
      %mul3A_93 = arith.mulf %mul3A_92, %exp3A : vector<1x8xf32>
      %sin3A = math.sin %mul3A_93 : vector<1x8xf32>
      %cos3A = math.cos %mul3A_93 : vector<1x8xf32>
      %concatenate3A_94 = tpu.concatenate %sin3A, %cos3A in 1 : vector<1x8xf32>, vector<1x8xf32> -> vector<1x16xf32>
      %add3A_95 = arith.addf %concatenate3A, %concatenate3A_94 : vector<1x16xf32>
      %max3A_96 = arith.constant 0.000000e+00 : f32
      %max3A_97 = vector.broadcast %max3A_96 : f32 to vector<1x16xf32>
      %max3A_98 = arith.maximumf %add3A_95, %max3A_97 : vector<1x16xf32>
      %tanh3A = math.tanh %max3A_98 : vector<1x16xf32>
      %swap3A_99 = arith.constant 0 : index
      %swap3A_100 = arith.constant 0 : index
      %swap3A_101 = vector.load %arg7[%swap3A_99, %swap3A_100] : memref<1x16xf32, #tpu.memory_space<vmem>>, vector<1x16xf32>
      tpu.vector_store %arg7[%swap3A_99, %swap3A_100], %tanh3A {strides = array<i32>} : memref<1x16xf32, #tpu.memory_space<vmem>>, vector<1x16xf32>,
    } else {
    }
    return
  }
  func.func @transform_0(%arg0: i32) -> (i32, i32, i32) {
    %c0_i32 = arith.constant 0 : i32
    %c0_i32_0 = arith.constant 0 : i32
    %c0_i32_1 = arith.constant 0 : i32
    return %c0_i32, %c0_i32_0, %arg0 : i32, i32, i32
  }
  func.func @transform_1(%arg0: i32) -> (i32, i32) {
    %c0_i32 = arith.constant 0 : i32
    %c0_i32_0 = arith.constant 0 : i32
    return %arg0, %c0_i32 : i32, i32
  }
  func.func @transform_2(%arg0: i32) -> (i32, i32) {
    %c0_i32 = arith.constant 0 : i32
    %c0_i32_0 = arith.constant 0 : i32
    %c0_i32_1 = arith.constant 0 : i32
    return %c0_i32, %c0_i32_0 : i32, i32
  }
  func.func @transform_3(%arg0: i32) -> (i32, i32) {
    %c0_i32 = arith.constant 0 : i32
    %c0_i32_0 = arith.constant 0 : i32
    %c0_i32_1 = arith.constant 0 : i32
    return %c0_i32, %c0_i32_0 : i32, i32
  }
  func.func @transform_4(%arg0: i32) -> (i32, i32) {
    %c0_i32 = arith.constant 0 : i32
    %c0_i32_0 = arith.constant 0 : i32
    %c0_i32_1 = arith.constant 0 : i32
    return %c0_i32, %c0_i32_0 : i32, i32
  }
  func.func @transform_5(%arg0: i32) -> (i32, i32) {
    %c0_i32 = arith.constant 0 : i32
    %c0_i32_0 = arith.constant 0 : i32
    %c0_i32_1 = arith.constant 0 : i32
    return %c0_i32, %c0_i32_0 : i32, i32
  }
  func.func @transform_6(%arg0: i32) -> (i32, i32) {
    %c0_i32 = arith.constant 0 : i32
    %c0_i32_0 = arith.constant 0 : i32
    %c0_i32_1 = arith.constant 0 : i32
    return %c0_i32, %c0_i32_0 : i32, i32
  }
}

</mosaic_0001>

<sc_bundles>
// kernel: kernel.10.cloned.1.call-start
scs
__scs_entry_jumppad:
0x0: {  	(pc) =	sbr.rel $0x88, $3  }
0x1: {  	(tag) =	ssettag $0x0;
	lr =	simm.s32 $0x1  }
0x2: {  	[smem:$0x3F95] =	sst lr;
	_ =	strace $0xD0000000  }
0x3: {  	_ = 	snop  }
0x4: {  	_ = 	snop  }
0x5: {  	_ = 	snop  }
0x6: {  	_ = 	snop  }
0x7: {  	_ = 	snop  }
__scs_overlays_trampoline_lowered:
0x8: {  	[smem:$0x3FA4] =	sst s0  }
0x9: {  	[smem:$0x3FA5] =	sst s1  }
0xa: {  	[smem:$0x3FA6] =	sst s2  }
0xb: {  	[smem:$0x3FA7] =	sst s3  }
0xc: {  	[smem:$0x3FA8] =	sst s4  }
0xd: {  	[smem:$0x3FA9] =	sst s5  }
0xe: {  	[smem:$0x3FAA] =	sst s6  }
0xf: {  	[smem:$0x3FAB] =	sst s7  }
0x10: {  	[smem:$0x3FAC] =	sst s8  }
0x11: {  	[smem:$0x3FAD] =	sst s9;
	s0 =	simm.s32 @!p0 $0x0  }
0x12: {  	s1 =	sld [smem:$0x3F93];
	s0 =	simm.s32 @p0 $0x1  }
0x13: {  	[smem:$0x3FAE] =	sst s0;
	s0 =	simm.s32 @!p1 $0x0  }
0x14: {  	s2 =	sld [smem:$0x3F92];
	s0 =	simm.s32 @p1 $0x1  }
0x15: {  	[smem:$0x3FAF] =	sst s0;
	s0 =	simm.s32 @!p2 $0x0  }
0x16: {  	s3 =	sld [smem:$0x3FDB];
	s0 =	simm.s32 @p2 $0x1  }
0x17: {  	s4 =	simm.s32 $0x1BF5;
	[smem:$0x3FB1] =	sst s0  }
0x18: {  	s0 =	sld [smem:$0x3F94];
	_ =	swait.ge [sflag:s4], $0x0  }
0x19: {  	s7 =	sld [smem:$0x3F95]  }
0x1a: {  	s8 =	sadd.s32 $0xFFFFE003, lr  }
0x1b: {  	s9 =	sadd.s32 $0xFFFFFEF7, lr;
	s5 =	simm.s32 $0xFFFFFFFF;
	p2 =	slt.u32 s8, $0xFFFFF086  }
0x1c: {  	p1 =	slt.u32 s9, $0xF7A;
	s5 =	simm.s32 @!p2 $0x0  }
0x1d: {  	s5 =	simm.s32 @p1 $0x1;
	p0 =	seq.s32 s7, s2  }
0x1e: {  	s7 =	smul.u32 @!p0 $0xF7A, s2;
	p2 =	seq.s32 @!p0 s5, $0x0  }
0x1f: {  	s9 =	smul.u32 $0xF7A, s1;
	s8 =	simm.s32 @!p0 $0x1BF5;
	p2 =	por !p2, p0  }
0x20: {  	[sflag:s8] =	ssyncset.s32 @!p0 $0xFFFFF086;
	s6 =	sadd.s32 @!p0 s3, s7;
	s7 =	simm.s32 @!p0 $0x108  }
0x21: {  	s3 =	sadd.s32 s3, s9;
	s6 =	sadd.s32 @!p0 $0x88, s6;
	s7 =	simm.s32 @p2 $0x1082  }
0x22: {  	[simem:s7], [sflag:s8] =	dma.local @!p0 [hbm:s6], $0xF7A  }
0x23: {  	s9 =	sor.u32 $0xD0000000, s2;
	s6 =	simm.s32 $0x108;
	_ =	swait.ge @!p0 [sflag:s8], $0x0  }
0x24: {  	s3 =	sadd.s32 $0x88, s3;
	s6 =	simm.s32 @!p1 $0x1082;
	[sflag:s4] =	ssyncset.s32 $0xFFFFF086  }
0x25: {  	[simem:s6], [sflag:s4] =	dma.local [hbm:s3], $0xF7A  }
0x26: {  	[smem:$0x3F95] =	sst s1;
	(tag) =	ssettag s2;
	_ =	strace s9  }
0x27: {  	s1 =	sld [smem:$0x3FA5]  }
0x28: {  	s2 =	sld [smem:$0x3FA6]  }
0x29: {  	s4 =	sld [smem:$0x3FA8]  }
0x2a: {  	p0 =	seq.s32 s5, $0x0;
	s5 =	sld [smem:$0x3FA9]  }
0x2b: {  	s6 =	sld [smem:$0x3FAA]  }
0x2c: {  	s7 =	sld [smem:$0x3FAB]  }
0x2d: {  	s3 =	simm.s32 $0x108;
	s8 =	sld [smem:$0x3FAC]  }
0x2e: {  	s3 =	simm.s32 @!p0 $0x1082;
	s9 =	sld [smem:$0x3FAD]  }
0x2f: {  	lr =	sadd.s32 s0, s3;
	s0 =	sld [smem:$0x3FA4]  }
0x30: {  	s3 =	sld [smem:$0x3FA7]  }
0x31: {  	[smem:$0x3FB0] =	sst s10  }
0x32: {  	s10 =	sld [smem:$0x3FAE];
	_ =	sdelay $0x3  }
0x33: {  	p0 =	seq.s32 s10, $0x1;
	s10 =	sld [smem:$0x3FB0];
	_ =	sdelay $0x3  }
0x34: {  	[smem:$0x3FB0] =	sst s10  }
0x35: {  	s10 =	sld [smem:$0x3FAF];
	_ =	sdelay $0x3  }
0x36: {  	p1 =	seq.s32 s10, $0x1;
	s10 =	sld [smem:$0x3FB0];
	_ =	sdelay $0x3  }
0x37: {  	[smem:$0x3FB0] =	sst s10  }
0x38: {  	s10 =	sld [smem:$0x3FB1]  }
0x39: {  	_ = 	snop;
	(pc) =	sbr.ind lr, $3  }
0x3a: {  	_ = 	snop  }
0x3b: {  	_ = 	snop  }
0x3c: {  	p2 =	seq.s32 s10, $0x1;
	s10 =	sld [smem:$0x3FB0]  }
0x3d: {  	_ =	shalt  }
0x3e: {  	_ =	shalt  }
0x3f: {  	_ =	shalt  }
0x40: {  	_ =	shalt  }
0x41: {  	_ =	shalt  }
0x42: {  	_ =	shalt  }
0x43: {  	_ =	shalt  }
0x44: {  	_ =	shalt  }
0x45: {  	_ =	shalt  }
0x46: {  	_ =	shalt  }
0x47: {  	_ =	shalt  }
0x48: {  	_ =	shalt  }
0x49: {  	_ =	shalt  }
0x4a: {  	_ =	shalt  }
0x4b: {  	_ =	shalt  }
0x4c: {  	_ =	shalt  }
0x4d: {  	_ =	shalt  }
0x4e: {  	_ =	shalt  }
0x4f: {  	_ =	shalt  }
0x50: {  	_ =	shalt  }
0x51: {  	_ =	shalt  }
0x52: {  	_ =	shalt  }
0x53: {  	_ =	shalt  }
0x54: {  	_ =	shalt  }
0x55: {  	_ =	shalt  }
0x56: {  	_ =	shalt  }
0x57: {  	_ =	shalt  }
0x58: {  	_ =	shalt  }
0x59: {  	_ =	shalt  }
0x5a: {  	_ =	shalt  }
0x5b: {  	_ =	shalt  }
0x5c: {  	_ =	shalt  }
0x5d: {  	_ =	shalt  }
0x5e: {  	_ =	shalt  }
0x5f: {  	_ =	shalt  }
0x60: {  	_ =	shalt  }
0x61: {  	_ =	shalt  }
0x62: {  	_ =	shalt  }
0x63: {  	_ =	shalt  }
0x64: {  	_ =	shalt  }
0x65: {  	_ =	shalt  }
0x66: {  	_ =	shalt  }
0x67: {  	_ =	shalt  }
0x68: {  	_ =	shalt  }
0x69: {  	_ =	shalt  }
0x6a: {  	_ =	shalt  }
0x6b: {  	_ =	shalt  }
0x6c: {  	_ =	shalt  }
0x6d: {  	_ =	shalt  }
0x6e: {  	_ =	shalt  }
0x6f: {  	_ =	shalt  }
0x70: {  	_ =	shalt  }
0x71: {  	_ =	shalt  }
0x72: {  	_ =	shalt  }
0x73: {  	_ =	shalt  }
0x74: {  	_ =	shalt  }
0x75: {  	_ =	shalt  }
0x76: {  	_ =	shalt  }
0x77: {  	_ =	shalt  }
0x78: {  	_ =	shalt  }
0x79: {  	_ =	shalt  }
0x7a: {  	_ =	shalt  }
0x7b: {  	_ =	shalt  }
0x7c: {  	_ =	shalt  }
0x7d: {  	_ =	shalt  }
0x7e: {  	_ =	shalt  }
0x7f: {  	_ =	shalt  }
0x80: {  	_ =	shalt  }
0x81: {  	_ =	shalt  }
0x82: {  	_ =	shalt  }
0x83: {  	_ =	shalt  }
0x84: {  	_ =	shalt  }
0x85: {  	_ =	shalt  }
0x86: {  	_ =	shalt  }
0x87: {  	_ =	shalt  }
.Lfunc_end0:
.L_simem_size_0:
called_computation.1_lowered:
.L_overlay_start_0:
0x88: {  	s2 =	sld [smem:$0x3FD9]  }
0x89: {  	s3 =	sld [smem:$0x3FFE];
	_ =	sdelay $0x1  }
0x8a: {  	s1 =	srdreg.scid  }
0x8b: {  	s0 =	sand.u32 $0x1, s1  }
0x8c: {  	s16 =	sshll.u32 s0, $0xA;
	s2 =	sadd.s32 s3, s2  }
0x8d: {  	s2 =	sadd.s32 s2, s16  }
0x8e: {  	[smem:$0x3FBC] =	sst s2  }
0x8f: {  	_ = 	snop  }
0x90: {  	(tm) =	ssettm $0x1  }
0x91: {  	s17 =	sld [smem:$0x3FFB];
	_ =	sdelay $0x3  }
0x92: {  	_ =	strace s17  }
0x93: {  	s2 =	sld [smem:$0x3FFC];
	_ =	sdelay $0x3  }
0x94: {  	_ =	strace s2  }
0x95: {  	s2 =	sld [smem:$0x3FFD];
	_ =	sdelay $0x3  }
0x96: {  	_ =	strace s2  }
0x97: {  	_ =	strace $0x8FFFFFFF  }
0x98: {  	s18 =	sld [smem:$0x3FDB];
	_ =	sdelay $0x1  }
0x99: {  	s19 =	simm.s32 $_scs_section_size  }
0x9a: {  	s4 =	simm.s32 $_size__tile_overlayer_lowered;
	s5 =	simm.s32 $_tile_overlayer_lowered  }
0x9b: {  	s22 =	simm.s32 $0x1BFF;
	s21 =	sshll.u32 s5, $0x1;
	s2 =	sadd.s32 s19, s18  }
0x9c: {  	s6 =	simm.s32 $0x0;
	s20 =	sshll.u32 s4, $0x1;
	s4 =	sadd.s32 s21, s2  }
0x9d: {  	[timem:s6], [sflag:s22] =	dma.local [hbm:s4], s20  }
0x9e: {  	_ =	swait.ge [sflag:s22], s20  }
0x9f: {  	s3 =	ssub.s32 $0x0, s20;
	[sflag:s22] =	ssyncset.done $0x0  }
0xa0: {  	[sflag:s22] =	ssyncadd.s32 s3;
	_ =	sdelay $0x1  }
0xa1: {  	s23 =	simm.s32 $0x1B8B  }
0xa2: {  	_ =	swait.ge [sflag:s23], $0x1  }
0xa3: {  	[sflag:s23] =	ssyncset.done $0x0  }
0xa4: {  	s25 =	simm.s32 $0x1B8E;
	s24 =	sld [smem:$0x3FFE];
	[sflag:s23] =	ssyncadd.s32 $0xFFFFFFFF  }
0xa5: {  	s26 =	simm.s32 $execute0_lowered;
	[smem:$0x3FD2] =	sst s25  }
0xa6: {  	s4 =	sshll.u32 s26, $0x1;
	_ =	strace $0x80000049;
	[dreg:$0x1] =	wrdreg $0xFFFFFFFF  }
0xa7: {  	s28 =	simm.s32 $_size_execute0_lowered;
	s2 =	sadd.s32 s2, s4;
	[dreg:$0x0] =	wrdreg $0x0  }
0xa8: {  	s4 =	sshll.u32 s28, $0x1;
	[dreg:$0x2] =	wrdreg s2  }
0xa9: {  	[dreg:$0x3] =	wrdreg s4  }
0xaa: {  	[dreg:$0x4] =	wrdreg $0xC0  }
0xab: {  	_ =	task [dreg:s6], $0x5FFFF  }
0xac: {  	[dreg:$0x1] =	wrdreg $0xFFFFFFFF  }
0xad: {  	[dreg:$0x0] =	wrdreg $0x60  }
0xae: {  	[dreg:$0x2] =	wrdreg s24  }
0xaf: {  	[dreg:$0x3] =	wrdreg $0x9  }
0xb0: {  	_ =	task.clear_ibuf [dreg:s6], $0x4FFFF;
	_ =	strace $0x90000049  }
0xb1: {  	s29 =	simm.s32 $0x9;
	_ =	strace $0x8000004B  }
0xb2: {  	_ =	swait.ge [sflag:s29], $0x1  }
0xb3: {  	[sflag:s29] =	ssyncadd.s32 $0xFFFFFFFF  }
0xb4: {  	_ =	strace $0x9000004B  }
0xb5: {  	_ =	sfence  }
0xb6: {  	s30 =	sld [smem:$0x0];
	_ =	sdelay $0x2  }
0xb7: {  	s31 =	sshll.u32 s1, $0xD;
	s1 =	sshrl.u32 s1, $0x2  }
0xb8: {  	s3 =	sand.u32 $0x4000, s31;
	s1 =	sadd.s32 s1, s30  }
0xb9: {  	s0 =	sor.u32 s3, s0;
	s1 =	sshll.u32 s1, $0x11  }
0xba: {  	s0 =	sor.u32 s1, s0  }
0xbb: {  	s0 =	sadd.s32 $0x8F2B, s0  }
0xbc: {  	[sflag:s0] =	ssyncadd.remote.s32 $0x1  }
0xbd: {  	_ =	sfence.sel $0xFFFF  }
0xbe: {  	[dreg:$0x0] =	wrdreg $0xFFFFFFFF;
	(pc) =	sbr.abs _section_cstart, $3  }
0xbf: {  	[dreg:$0x1] =	wrdreg $0xFFFFFFFF  }
0xc0: {  	_ =	task.clear_ibuf [dreg:s6], $0x2FFFF;
	_ =	strace $0x9FFFFFFF  }
0xc1: {  	(tm) =	ssettm $0x7FFFFFFF  }
tec
execute0_lowered:
.L_overlay_start_1:
0x0: {  	(tag) =	ssettag $0x1  }
0x1: {  	s0 =	srdreg.scid  }
0x2: {  	s2 =	stileid.u32;
	s1 =	rddreg [dreg:$0x0];
	s28 =	simm.s32 $0x15480  }
0x3: {  	s29 =	simm.s32 $0x15800;
	s31 =	simm.s32 $0x17300;
	s30 =	simm.s32 $0x0  }
0x4: {  	s0 =	sand.u32 $0x1, s0;
	s3 =	sshll.u32 s2, $0x1;
	s2 =	simm.s32 $0x0  }
0x5: {  	s4 =	sadd.s32 $0x2E200, s1;
	s6 =	sadd.s32 $0x10200, s1;
	s7 =	sor.u32 s0, s3  }
0x6: {  	[smem:$0x7FF] =	sst s2;
	s3 =	sadd.s32 $0x1200, s1;
	s5 =	smul.u32 $0x14000, s7  }
0x7: {  	s0 =	ssub.s32 $0x2, s0;
	s8 =	smul.u32 $0x280, s7;
	_ =	strace $0x8000004A  }
0x8: {  	s20 =	sshrl.u32 s0, $0x1;
	s10 =	sshrl.u32 s5, $0x3;
	s5 =	smul.u32 $0x28, s7  }
0x9: {  	s0 =	ssub.s32 s0, s20;
	s9 =	sadd.s32 s8, s1;
	s7 =	smul.u32 $0xF00, s7  }
0xa: {  	s8 =	sadd.s32 s4, s8;
	s20 =	smax.u32 s0, $0x1;
	s0 =	simm.s32 $0x1  }
0xb: {  	s1 =	sadd.s32 s10, s1;
	s9 =	sadd.s32 $0x33200, s9;
	[dreg:$0x3] =	wrdreg s8  }
0xc: {  	s21 =	sor.u32 $0x1, s5;
	[dreg:$0x2] =	wrdreg s9;
	s7 =	sadd.s32 s6, s7  }
0xd: {  	s25 =	sadd.s32 $0x38200, s1;
	s26 =	sadd.s32 $0x38700, s1;
	s14 =	sadd.s32 $0x38C00, s1  }
0xe: {  	s15 =	sadd.s32 $0x39100, s1;
	s16 =	sadd.s32 $0x39600, s1;
	s17 =	sadd.s32 $0x39B00, s1  }
0xf: {  	s18 =	sadd.s32 $0x3A000, s1;
	s19 =	sadd.s32 $0x3A500, s1;
	[dreg:$0x4] =	wrdreg s7  }
.Ltmp0:
0x10: {  	s1 =	simm.s32 $0x3;
	[dreg:$0x7] =	wrdreg s25;
	(pc) =	sbr.rel .LBB2_1-.Ltmp0, $4  }
0x11: {  	v3 =	vlaneseq.u32;
	s22 =	sshll.u32 s21, $0x4;
	s10 =	smul.u32 $0x60, s21;
	[dreg:$0x8] =	wrdreg s26  }
0x12: {  	v0 =	vmul.u32 $0x81, v3;
	s25 =	simm.s32 $0x80;
	s26 =	simm.s32 $0x2;
	s23 =	sadd.s32 s4, s22  }
0x13: {  	v1 =	vimm.f32 $0.0e+00;
	s22 =	simm.s32 $0x5;
	[dreg:$0x5] =	wrdreg s23;
	s24 =	sadd.s32 s6, s10  }
0x14: {  	v3 =	vand.u32 $0x7, v3;
	v2 =	vadd.s32 $0x810, v0;
	v4 =	vadd.s32 $0x1020, v0;
	s23 =	simm.s32 $0x18B00;
	[dreg:$0x6] =	wrdreg s24;
	s24 =	simm.s32 $0x4  }
.LBB2_10:
0x15: {  	s7 =	rddreg [dreg:$0x7]  }
0x16: {  	[hbm4b:s7+s2] =	stream.linear.scatter [tilespmem:s2], [sflag:$0x5], $0x2800, $0x38;
	[tilespmem:$0x1A330] =	vst v63  }
0x17: {  	_ =	swait.ge [sflag:s22], $0x2800  }
0x18: {  	[sflag:s22] =	ssyncset.done $0x0  }
0x19: {  	s8 =	simm.s32 $0x2800;
	s21 =	rddreg [dreg:$0x8];
	[sflag:s22] =	ssyncadd.s32 $0xFFFFD800  }
0x1a: {  	[hbm4b:s21+s2] =	stream.linear.scatter [tilespmem:s8], [sflag:$0x5], $0x2800, $0x38;
	[tilespmem:$0x1A330] =	vst v63  }
0x1b: {  	_ =	swait.ge [sflag:s22], $0x2800  }
0x1c: {  	[sflag:s22] =	ssyncset.done $0x0  }
0x1d: {  	s9 =	simm.s32 $0x5000;
	[sflag:s22] =	ssyncadd.s32 $0xFFFFD800  }
0x1e: {  	[hbm4b:s14+s2] =	stream.linear.scatter [tilespmem:s9], [sflag:$0x5], $0x2800, $0x38;
	[tilespmem:$0x1A330] =	vst v63  }
0x1f: {  	_ =	swait.ge [sflag:s22], $0x2800  }
0x20: {  	[sflag:s22] =	ssyncset.done $0x0  }
0x21: {  	s10 =	simm.s32 $0x7800;
	[sflag:s22] =	ssyncadd.s32 $0xFFFFD800  }
0x22: {  	[hbm4b:s15+s2] =	stream.linear.scatter [tilespmem:s10], [sflag:$0x5], $0x2800, $0x38;
	[tilespmem:$0x1A330] =	vst v63  }
0x23: {  	_ =	swait.ge [sflag:s22], $0x2800  }
0x24: {  	[sflag:s22] =	ssyncset.done $0x0  }
0x25: {  	s11 =	simm.s32 $0xA000;
	[sflag:s22] =	ssyncadd.s32 $0xFFFFD800  }
0x26: {  	[hbm4b:s16+s2] =	stream.linear.scatter [tilespmem:s11], [sflag:$0x5], $0x2800, $0x38;
	[tilespmem:$0x1A330] =	vst v63  }
0x27: {  	_ =	swait.ge [sflag:s22], $0x2800  }
0x28: {  	[sflag:s22] =	ssyncset.done $0x0  }
0x29: {  	s12 =	simm.s32 $0xC800;
	[sflag:s22] =	ssyncadd.s32 $0xFFFFD800  }
0x2a: {  	[hbm4b:s17+s2] =	stream.linear.scatter [tilespmem:s12], [sflag:$0x5], $0x2800, $0x38;
	[tilespmem:$0x1A330] =	vst v63  }
0x2b: {  	_ =	swait.ge [sflag:s22], $0x2800  }
0x2c: {  	[sflag:s22] =	ssyncset.done $0x0  }
0x2d: {  	s13 =	simm.s32 $0xF000;
	[sflag:s22] =	ssyncadd.s32 $0xFFFFD800  }
0x2e: {  	[hbm4b:s18+s2] =	stream.linear.scatter [tilespmem:s13], [sflag:$0x5], $0x2800, $0x38;
	[tilespmem:$0x1A330] =	vst v63  }
0x2f: {  	s30 =	sadd.s32 $0x1, s30;
	_ =	swait.ge [sflag:s22], $0x2800  }
0x30: {  	p0 =	sne.s32 s30, s20;
	[sflag:s22] =	ssyncset.done $0x0  }
.Ltmp1:
0x31: {  	s21 =	simm.s32 $0x11800;
	[sflag:s22] =	ssyncadd.s32 $0xFFFFD800;
	(pc) =	sbr.rel @!p0 .LBB2_11-.Ltmp1, $4  }
0x32: {  	[hbm4b:s19+s2] =	stream.linear.scatter [tilespmem:s21], [sflag:$0x5], $0x2800, $0x38;
	[tilespmem:$0x1A330] =	vst v63  }
0x33: {  	_ =	swait.ge [sflag:s22], $0x2800  }
0x34: {  	[sflag:s22] =	ssyncset.done $0x0  }
0x35: {  	[sflag:s22] =	ssyncadd.s32 $0xFFFFD800  }
.LBB2_1:
0x36: {  	s7 =	rddreg [dreg:$0x2];
	s8 =	simm.s32 $0x14000  }
0x37: {  	[tilespmem:s8], [sflag:$0x5] =	stream.linear.gather [hbm4b:s7+s2], $0x1400, $0x38;
	[tilespmem:$0x1A330] =	vst v63  }
0x38: {  	_ =	swait.ge [sflag:s22], $0x1400  }
0x39: {  	[sflag:s22] =	ssyncset.done $0x0  }
0x3a: {  	s9 =	simm.s32 $0x15400;
	s21 =	rddreg [dreg:$0x3];
	[sflag:s22] =	ssyncadd.s32 $0xFFFFEC00  }
0x3b: {  	[tilespmem:s9], [sflag:$0x3] =	stream.linear.gather [hbm4b:s21+s2], $0x80, $0x38;
	[tilespmem:$0x1A330] =	vst v63  }
0x3c: {  	s10 =	simm.s32 $0x15500;
	s9 =	rddreg [dreg:$0x4]  }
0x3d: {  	[tilespmem:s10], [sflag:$0x3] =	stream.linear.gather [hbm4b:s9+s2], $0x300, $0x38;
	[tilespmem:$0x1A330] =	vst v63  }
0x3e: {  	s11 =	simm.s32 $0x15B00  }
0x3f: {  	[tilespmem:s11], [sflag:$0x1] =	stream.indirect.gather [hbm4b:s3+s25], $0x30, s8, s25, $0xb8;
	[tilespmem:$0x1A330] =	vst v63  }
0x40: {  	s12 =	rddreg [dreg:$0x5]  }
0x41: {  	[tilespmem:s28], [sflag:$0x4] =	stream.linear.gather [hbm4b:s12+s2], $0x80, $0x38;
	[tilespmem:$0x1A330] =	vst v63  }
0x42: {  	s13 =	rddreg [dreg:$0x6]  }
0x43: {  	[tilespmem:s29], [sflag:$0x4] =	stream.linear.gather [hbm4b:s13+s2], $0x300, $0x38;
	[tilespmem:$0x1A330] =	vst v63  }
0x44: {  	s7 =	simm.s32 $0x0;
	s21 =	simm.s32 $0x14080;
	s8 =	simm.s32 $0x400  }
0x45: {  	[tilespmem:s31], [sflag:$0x2] =	stream.indirect.gather [hbm4b:s3+s25], $0x30, s21, s25, $0xb8;
	[tilespmem:$0x1A330] =	vst v63  }
.LBB2_2:
0x46: {  	p0 =	sne.s32 s8, $0x4FC00;
	[tilespmem:s7+$0xF0] =	vst v1  }
0x47: {  	[tilespmem:s7+$0x0] =	vst v1  }
0x48: {  	[tilespmem:s7+$0x10] =	vst v1  }
0x49: {  	[tilespmem:s7+$0x20] =	vst v1  }
0x4a: {  	[tilespmem:s7+$0x30] =	vst v1  }
0x4b: {  	[tilespmem:s7+$0x40] =	vst v1  }
0x4c: {  	[tilespmem:s7+$0x50] =	vst v1  }
0x4d: {  	[tilespmem:s7+$0x60] =	vst v1  }
0x4e: {  	[tilespmem:s7+$0x70] =	vst v1  }
0x4f: {  	[tilespmem:s7+$0x80] =	vst v1  }
0x50: {  	[tilespmem:s7+$0x90] =	vst v1  }
.Ltmp2:
0x51: {  	[tilespmem:s7+$0xA0] =	vst v1;
	(pc) =	sbr.rel @p0 .LBB2_2-.Ltmp2, $4  }
0x52: {  	[tilespmem:s7+$0xB0] =	vst v1  }
0x53: {  	[tilespmem:s7+$0xC0] =	vst v1  }
0x54: {  	[tilespmem:s7+$0xD0] =	vst v1  }
0x55: {  	[tilespmem:s7+$0xE0] =	vst v1;
	s7 =	sshra.s32 s8, $0x2;
	s8 =	sadd.s32 $0x400, s8  }
0x56: {  	[tilespmem:s7+$0xF0] =	vst v1  }
0x57: {  	[tilespmem:s7+$0x0] =	vst v1  }
0x58: {  	[tilespmem:s7+$0x10] =	vst v1  }
0x59: {  	[tilespmem:s7+$0x20] =	vst v1  }
0x5a: {  	[tilespmem:s7+$0x30] =	vst v1  }
0x5b: {  	[tilespmem:s7+$0x40] =	vst v1  }
0x5c: {  	[tilespmem:s7+$0x50] =	vst v1  }
0x5d: {  	[tilespmem:s7+$0x60] =	vst v1  }
0x5e: {  	[tilespmem:s7+$0x70] =	vst v1  }
0x5f: {  	[tilespmem:s7+$0x80] =	vst v1  }
0x60: {  	[tilespmem:s7+$0x90] =	vst v1  }
0x61: {  	[tilespmem:s7+$0xA0] =	vst v1  }
0x62: {  	[tilespmem:s7+$0xB0] =	vst v1  }
0x63: {  	[tilespmem:s7+$0xC0] =	vst v1  }
0x64: {  	[tilespmem:s7+$0xD0] =	vst v1  }
0x65: {  	[tilespmem:s7+$0xE0] =	vst v1;
	s7 =	simm.s32 $0x0  }
.LBB2_4:
0x66: {  	_ =	swait.ge [sflag:s1], $0x80  }
0x67: {  	[sflag:s1] =	ssyncset.done $0x0  }
0x68: {  	[sflag:s1] =	ssyncadd.s32 $0xFFFFFF80  }
0x69: {  	_ =	swait.ge [sflag:s1], $0x300  }
0x6a: {  	[sflag:s1] =	ssyncset.done $0x0  }
0x6b: {  	[sflag:s1] =	ssyncadd.s32 $0xFFFFFD00  }
0x6c: {  	s21 =	simm.s32 $0xF;
	_ =	swait.ge [sflag:s0], $0x1800  }
0x6d: {  	s8 =	simm.s32 $0x15400;
	s9 =	simm.s32 $0x15680;
	[sflag:s0] =	ssyncset.done $0x0  }
0x6e: {  	s10 =	simm.s32 $0x15C80;
	s11 =	simm.s32 $0x19718;
	[sflag:s0] =	ssyncadd.s32 $0xFFFFE800  }
.LBB2_5:
0x6f: {  	s12 =	sadd.s32 $0xFFFFFFF1, s21  }
0x70: {  	v5 =	vld [tilespmem:s10+$0xFFFFFE80];
	v6 =	vor.u32 s12, v0;
	_ =	sdelay $0x3  }
0x71: {  	v7 =	vadd.s32 s12, v2  }
0x72: {  	[tilespmem:v6+s23+$0x0] =	vst.idx.msk $0xffff, v5;
	v5 =	vand.u32 $0x1FF8, v7  }
0x73: {  	v6 =	vld [tilespmem:s10+$0xFFFFFE90];
	v5 =	vor.u32 v3, v5;
	_ =	sdelay $0x3  }
0x74: {  	v7 =	vadd.s32 s12, v4  }
0x75: {  	[tilespmem:v5+s23+$0x0] =	vst.idx.msk $0xffff, v6;
	v5 =	vand.u32 $0x1FF8, v7  }
0x76: {  	v6 =	vld [tilespmem:s10+$0xFFFFFEA0];
	v5 =	vor.u32 v3, v5;
	_ =	sdelay $0x4  }
0x77: {  	s13 =	sadd.s32 $0xFFFFFFF2, s21;
	[tilespmem:v5+s23+$0x0] =	vst.idx.msk $0xffff, v6  }
0x78: {  	v5 =	vadd.s32 s13, v0;
	v6 =	vld [tilespmem:s10+$0xFFFFFEB0];
	_ =	sdelay $0x4  }
0x79: {  	[tilespmem:v5+s23+$0x0] =	vst.idx.msk $0xffff, v6  }
0x7a: {  	v5 =	vadd.s32 s13, v2;
	v6 =	vld [tilespmem:s10+$0xFFFFFEC0];
	_ =	sdelay $0x4  }
0x7b: {  	[tilespmem:v5+s23+$0x0] =	vst.idx.msk $0xffff, v6  }
0x7c: {  	v5 =	vadd.s32 s13, v4;
	v6 =	vld [tilespmem:s10+$0xFFFFFED0];
	_ =	sdelay $0x4  }
0x7d: {  	s13 =	sadd.s32 $0xFFFFFFF3, s21;
	[tilespmem:v5+s23+$0x0] =	vst.idx.msk $0xffff, v6  }
0x7e: {  	v5 =	vadd.s32 s13, v0;
	v6 =	vld [tilespmem:s10+$0xFFFFFEE0];
	_ =	sdelay $0x4  }
0x7f: {  	[tilespmem:v5+s23+$0x0] =	vst.idx.msk $0xffff, v6  }
0x80: {  	v5 =	vadd.s32 s13, v2;
	v6 =	vld [tilespmem:s10+$0xFFFFFEF0];
	_ =	sdelay $0x4  }
0x81: {  	[tilespmem:v5+s23+$0x0] =	vst.idx.msk $0xffff, v6  }
0x82: {  	v5 =	vadd.s32 s13, v4;
	v6 =	vld [tilespmem:s10+$0xFFFFFF00];
	_ =	sdelay $0x4  }
0x83: {  	s13 =	sadd.s32 $0xFFFFFFF4, s21;
	[tilespmem:v5+s23+$0x0] =	vst.idx.msk $0xffff, v6  }
0x84: {  	v5 =	vadd.s32 s13, v0;
	v6 =	vld [tilespmem:s10+$0xFFFFFF10];
	_ =	sdelay $0x4  }
0x85: {  	[tilespmem:v5+s23+$0x0] =	vst.idx.msk $0xffff, v6  }
0x86: {  	v5 =	vadd.s32 s13, v2;
	v6 =	vld [tilespmem:s10+$0xFFFFFF20];
	_ =	sdelay $0x4  }
0x87: {  	[tilespmem:v5+s23+$0x0] =	vst.idx.msk $0xffff, v6  }
0x88: {  	v5 =	vadd.s32 s13, v4;
	v6 =	vld [tilespmem:s10+$0xFFFFFF30];
	_ =	sdelay $0x4  }
0x89: {  	s13 =	sadd.s32 $0xFFFFFFF5, s21;
	[tilespmem:v5+s23+$0x0] =	vst.idx.msk $0xffff, v6  }
0x8a: {  	v5 =	vadd.s32 s13, v0;
	v6 =	vld [tilespmem:s10+$0xFFFFFF40];
	_ =	sdelay $0x4  }
0x8b: {  	[tilespmem:v5+s23+$0x0] =	vst.idx.msk $0xffff, v6  }
0x8c: {  	v5 =	vadd.s32 s13, v2;
	v6 =	vld [tilespmem:s10+$0xFFFFFF50];
	_ =	sdelay $0x4  }
0x8d: {  	[tilespmem:v5+s23+$0x0] =	vst.idx.msk $0xffff, v6  }
0x8e: {  	v5 =	vadd.s32 s13, v4;
	v6 =	vld [tilespmem:s10+$0xFFFFFF60];
	_ =	sdelay $0x4  }
0x8f: {  	s13 =	sadd.s32 $0xFFFFFFF6, s21;
	[tilespmem:v5+s23+$0x0] =	vst.idx.msk $0xffff, v6  }
0x90: {  	v5 =	vadd.s32 s13, v0;
	v6 =	vld [tilespmem:s10+$0xFFFFFF70];
	_ =	sdelay $0x4  }
0x91: {  	[tilespmem:v5+s23+$0x0] =	vst.idx.msk $0xffff, v6  }
0x92: {  	v5 =	vadd.s32 s13, v2;
	v6 =	vld [tilespmem:s10+$0xFFFFFF80];
	_ =	sdelay $0x4  }
0x93: {  	[tilespmem:v5+s23+$0x0] =	vst.idx.msk $0xffff, v6  }
0x94: {  	v5 =	vadd.s32 s13, v4;
	v6 =	vld [tilespmem:s10+$0xFFFFFF90];
	_ =	sdelay $0x4  }
0x95: {  	s13 =	sadd.s32 $0xFFFFFFF7, s21;
	[tilespmem:v5+s23+$0x0] =	vst.idx.msk $0xffff, v6  }
0x96: {  	v5 =	vadd.s32 s13, v0;
	v6 =	vld [tilespmem:s10+$0xFFFFFFA0];
	_ =	sdelay $0x4  }
0x97: {  	[tilespmem:v5+s23+$0x0] =	vst.idx.msk $0xffff, v6  }
0x98: {  	v5 =	vadd.s32 s13, v2;
	v6 =	vld [tilespmem:s10+$0xFFFFFFB0];
	_ =	sdelay $0x4  }
0x99: {  	[tilespmem:v5+s23+$0x0] =	vst.idx.msk $0xffff, v6  }
0x9a: {  	v5 =	vadd.s32 s13, v4;
	v6 =	vld [tilespmem:s10+$0xFFFFFFC0];
	_ =	sdelay $0x4  }
0x9b: {  	s13 =	sadd.s32 $0xFFFFFFF8, s21;
	[tilespmem:v5+s23+$0x0] =	vst.idx.msk $0xffff, v6  }
0x9c: {  	v5 =	vadd.s32 s13, v0;
	v6 =	vld [tilespmem:s10+$0xFFFFFFD0];
	_ =	sdelay $0x4  }
0x9d: {  	[tilespmem:v5+s23+$0x0] =	vst.idx.msk $0xffff, v6  }
0x9e: {  	v5 =	vadd.s32 s13, v2;
	v6 =	vld [tilespmem:s10+$0xFFFFFFE0];
	_ =	sdelay $0x4  }
0x9f: {  	[tilespmem:v5+s23+$0x0] =	vst.idx.msk $0xffff, v6  }
0xa0: {  	v5 =	vadd.s32 s13, v4;
	v6 =	vld [tilespmem:s10+$0xFFFFFFF0];
	_ =	sdelay $0x2  }
0xa1: {  	s13 =	sadd.s32 $0xFFFFFFF9, s21  }
0xa2: {  	v7 =	vadd.s32 s13, v0  }
0xa3: {  	[tilespmem:v5+s23+$0x0] =	vst.idx.msk $0xffff, v6;
	v5 =	vand.u32 $0xFF8, v7  }
0xa4: {  	v6 =	vld [tilespmem:s10+$0x0];
	v5 =	vor.u32 v3, v5;
	_ =	sdelay $0x3  }
0xa5: {  	v7 =	vadd.s32 s13, v2  }
0xa6: {  	[tilespmem:v5+s23+$0x0] =	vst.idx.msk $0xffff, v6;
	v5 =	vand.u32 $0x1FF8, v7  }
0xa7: {  	v6 =	vld [tilespmem:s10+$0x10];
	v5 =	vor.u32 v3, v5;
	_ =	sdelay $0x3  }
0xa8: {  	v7 =	vadd.s32 s13, v4  }
0xa9: {  	[tilespmem:v5+s23+$0x0] =	vst.idx.msk $0xffff, v6;
	v5 =	vand.u32 $0x1FF8, v7  }
0xaa: {  	v6 =	vld [tilespmem:s10+$0x20];
	v5 =	vor.u32 v3, v5;
	_ =	sdelay $0x4  }
0xab: {  	s13 =	sadd.s32 $0xFFFFFFFA, s21;
	[tilespmem:v5+s23+$0x0] =	vst.idx.msk $0xffff, v6  }
0xac: {  	v5 =	vadd.s32 s13, v0;
	v6 =	vld [tilespmem:s10+$0x30];
	_ =	sdelay $0x4  }
0xad: {  	[tilespmem:v5+s23+$0x0] =	vst.idx.msk $0xffff, v6  }
0xae: {  	v5 =	vadd.s32 s13, v2;
	v6 =	vld [tilespmem:s10+$0x40];
	_ =	sdelay $0x4  }
0xaf: {  	[tilespmem:v5+s23+$0x0] =	vst.idx.msk $0xffff, v6  }
0xb0: {  	v5 =	vadd.s32 s13, v4;
	v6 =	vld [tilespmem:s10+$0x50];
	_ =	sdelay $0x4  }
0xb1: {  	s13 =	sadd.s32 $0xFFFFFFFB, s21;
	[tilespmem:v5+s23+$0x0] =	vst.idx.msk $0xffff, v6  }
0xb2: {  	v5 =	vadd.s32 s13, v0;
	v6 =	vld [tilespmem:s10+$0x60];
	_ =	sdelay $0x4  }
0xb3: {  	[tilespmem:v5+s23+$0x0] =	vst.idx.msk $0xffff, v6  }
0xb4: {  	v5 =	vadd.s32 s13, v2;
	v6 =	vld [tilespmem:s10+$0x70];
	_ =	sdelay $0x4  }
0xb5: {  	[tilespmem:v5+s23+$0x0] =	vst.idx.msk $0xffff, v6  }
0xb6: {  	v5 =	vadd.s32 s13, v4;
	v6 =	vld [tilespmem:s10+$0x80];
	_ =	sdelay $0x4  }
0xb7: {  	s13 =	sadd.s32 $0xFFFFFFFC, s21;
	[tilespmem:v5+s23+$0x0] =	vst.idx.msk $0xffff, v6  }
0xb8: {  	v5 =	vadd.s32 s13, v0;
	v6 =	vld [tilespmem:s10+$0x90];
	_ =	sdelay $0x4  }
0xb9: {  	[tilespmem:v5+s23+$0x0] =	vst.idx.msk $0xffff, v6  }
0xba: {  	v5 =	vadd.s32 s13, v2;
	v6 =	vld [tilespmem:s10+$0xA0];
	_ =	sdelay $0x4  }
0xbb: {  	[tilespmem:v5+s23+$0x0] =	vst.idx.msk $0xffff, v6  }
0xbc: {  	v5 =	vadd.s32 s13, v4;
	v6 =	vld [tilespmem:s10+$0xB0];
	_ =	sdelay $0x4  }
0xbd: {  	s13 =	sadd.s32 $0xFFFFFFFD, s21;
	[tilespmem:v5+s23+$0x0] =	vst.idx.msk $0xffff, v6  }
0xbe: {  	v5 =	vadd.s32 s13, v0;
	v6 =	vld [tilespmem:s10+$0xC0];
	_ =	sdelay $0x4  }
0xbf: {  	[tilespmem:v5+s23+$0x0] =	vst.idx.msk $0xffff, v6  }
0xc0: {  	v5 =	vadd.s32 s13, v2;
	v6 =	vld [tilespmem:s10+$0xD0];
	_ =	sdelay $0x4  }
0xc1: {  	[tilespmem:v5+s23+$0x0] =	vst.idx.msk $0xffff, v6  }
0xc2: {  	v5 =	vadd.s32 s13, v4;
	v6 =	vld [tilespmem:s10+$0xE0];
	_ =	sdelay $0x4  }
0xc3: {  	s13 =	sadd.s32 $0xFFFFFFFE, s21;
	[tilespmem:v5+s23+$0x0] =	vst.idx.msk $0xffff, v6  }
0xc4: {  	v5 =	vadd.s32 s13, v0;
	v6 =	vld [tilespmem:s10+$0xF0];
	_ =	sdelay $0x4  }
0xc5: {  	[tilespmem:v5+s23+$0x0] =	vst.idx.msk $0xffff, v6  }
0xc6: {  	v5 =	vadd.s32 s13, v2;
	v6 =	vld [tilespmem:s10+$0x100];
	_ =	sdelay $0x4  }
0xc7: {  	[tilespmem:v5+s23+$0x0] =	vst.idx.msk $0xffff, v6  }
0xc8: {  	v5 =	vadd.s32 s13, v4;
	v6 =	vld [tilespmem:s10+$0x110];
	_ =	sdelay $0x4  }
0xc9: {  	s13 =	sadd.s32 $0xFFFFFFFF, s21;
	[tilespmem:v5+s23+$0x0] =	vst.idx.msk $0xffff, v6  }
0xca: {  	v5 =	vadd.s32 s13, v0;
	v6 =	vld [tilespmem:s10+$0x120];
	_ =	sdelay $0x4  }
0xcb: {  	[tilespmem:v5+s23+$0x0] =	vst.idx.msk $0xffff, v6  }
0xcc: {  	v5 =	vadd.s32 s13, v2;
	v6 =	vld [tilespmem:s10+$0x130];
	_ =	sdelay $0x4  }
0xcd: {  	[tilespmem:v5+s23+$0x0] =	vst.idx.msk $0xffff, v6  }
0xce: {  	v5 =	vadd.s32 s13, v4;
	v6 =	vld [tilespmem:s10+$0x140];
	_ =	sdelay $0x4  }
0xcf: {  	[tilespmem:v5+s23+$0x0] =	vst.idx.msk $0xffff, v6  }
0xd0: {  	v5 =	vadd.s32 s21, v0;
	v6 =	vld [tilespmem:s10+$0x150];
	_ =	sdelay $0x4  }
0xd1: {  	[tilespmem:v5+s23+$0x0] =	vst.idx.msk $0xffff, v6  }
0xd2: {  	v5 =	vadd.s32 s21, v2;
	v6 =	vld [tilespmem:s10+$0x160];
	_ =	sdelay $0x4  }
0xd3: {  	[tilespmem:v5+s23+$0x0] =	vst.idx.msk $0xffff, v6  }
0xd4: {  	v5 =	vadd.s32 s21, v4;
	v6 =	vld [tilespmem:s10+$0x170];
	_ =	sdelay $0x4  }
0xd5: {  	[tilespmem:v5+s23+$0x0] =	vst.idx.msk $0xffff, v6  }
0xd6: {  	v7 =	vld [tilespmem:s9+$0xFFFFFE80]  }
0xd7: {  	v8 =	vld [tilespmem:s9+$0xFFFFFF00]  }
0xd8: {  	v10 =	vld [tilespmem:s11+$0xFFFFF3E8]  }
0xd9: {  	v11 =	vld [tilespmem:s11+$0xFFFFF7F0]  }
0xda: {  	v9 =	vld [tilespmem:s9+$0xFFFFFF80]  }
0xdb: {  	v12 =	vld [tilespmem:s11+$0xFFFFFBF8]  }
0xdc: {  	v5 =	vld [tilespmem:s9+$0x0]  }
0xdd: {  	v13 =	vld [tilespmem:s11+$0x0]  }
0xde: {  	v6 =	vld [tilespmem:s9+$0x80];
	v14 =	vmul.f32 v10, v7;
	v11 =	vmul.f32 v11, v8  }
0xdf: {  	v15 =	vld [tilespmem:s11+$0x408]  }
0xe0: {  	v16 =	vld [tilespmem:s11+$0x810];
	v12 =	vmul.f32 v12, v9;
	v14 =	vadd.f32 v11, v14  }
0xe1: {  	v10 =	vld [tilespmem:s9+$0x100]  }
0xe2: {  	v13 =	vmul.f32 v13, v5;
	v11 =	vld [tilespmem:s8+$0x0];
	v12 =	vadd.f32 v12, v14;
	_ =	sdelay $0x1  }
0xe3: {  	v49 =	vmul.f32 v15, v6;
	v12 =	vadd.f32 v13, v12;
	_ =	sdelay $0x1  }
0xe4: {  	v50 =	vmul.f32 v16, v10;
	v12 =	vadd.f32 v49, v12;
	_ =	sdelay $0x1  }
0xe5: {  	v12 =	vadd.f32 v50, v12;
	_ =	sdelay $0x1  }
0xe6: {  	[tilespmem:v11+s2+$0x0] =	vst.idx.add.f32.msk $0xffff, v12  }
0xe7: {  	v12 =	vld [tilespmem:s11+$0xFFFFF469]  }
0xe8: {  	v51 =	vld [tilespmem:s11+$0xFFFFF871];
	_ =	sdelay $0x1  }
0xe9: {  	v52 =	vld [tilespmem:s11+$0xFFFFFC79];
	_ =	sdelay $0x1  }
0xea: {  	v53 =	vld [tilespmem:s11+$0x81]  }
0xeb: {  	v12 =	vmul.f32 v12, v7;
	v13 =	vmul.f32 v51, v8  }
0xec: {  	v54 =	vld [tilespmem:s11+$0x489]  }
0xed: {  	v55 =	vmul.f32 v52, v9;
	v12 =	vadd.f32 v13, v12  }
0xee: {  	v56 =	vld [tilespmem:s11+$0x891]  }
0xef: {  	v57 =	vmul.f32 v53, v5;
	v12 =	vadd.f32 v55, v12;
	_ =	sdelay $0x1  }
0xf0: {  	v58 =	vmul.f32 v54, v6;
	v12 =	vadd.f32 v57, v12  }
0xf1: {  	v59 =	vadd.s32 $0x2800, v11  }
0xf2: {  	v60 =	vmul.f32 v56, v10;
	v12 =	vadd.f32 v58, v12;
	_ =	sdelay $0x1  }
0xf3: {  	v12 =	vadd.f32 v60, v12;
	_ =	sdelay $0x1  }
0xf4: {  	[tilespmem:v59+s2+$0x0] =	vst.idx.add.f32.msk $0xffff, v12  }
0xf5: {  	v12 =	vld [tilespmem:s11+$0xFFFFF4EA]  }
0xf6: {  	v61 =	vld [tilespmem:s11+$0xFFFFF8F2];
	_ =	sdelay $0x1  }
0xf7: {  	v62 =	vld [tilespmem:s11+$0xFFFFFCFA];
	_ =	sdelay $0x1  }
0xf8: {  	v15 =	vld [tilespmem:s11+$0x102]  }
0xf9: {  	v12 =	vmul.f32 v12, v7;
	v13 =	vmul.f32 v61, v8  }
0xfa: {  	v63 =	vld [tilespmem:s11+$0x50A]  }
0xfb: {  	v17 =	vmul.f32 v62, v9;
	v12 =	vadd.f32 v13, v12  }
0xfc: {  	v18 =	vld [tilespmem:s11+$0x912]  }
0xfd: {  	v19 =	vmul.f32 v15, v5;
	v12 =	vadd.f32 v17, v12;
	_ =	sdelay $0x1  }
0xfe: {  	v20 =	vmul.f32 v63, v6;
	v12 =	vadd.f32 v19, v12  }
0xff: {  	v21 =	vadd.s32 $0x5000, v11  }
0x100: {  	v22 =	vmul.f32 v18, v10;
	v12 =	vadd.f32 v20, v12;
	_ =	sdelay $0x1  }
0x101: {  	v12 =	vadd.f32 v22, v12;
	_ =	sdelay $0x1  }
0x102: {  	[tilespmem:v21+s2+$0x0] =	vst.idx.add.f32.msk $0xffff, v12  }
0x103: {  	v12 =	vld [tilespmem:s11+$0xFFFFF56B]  }
0x104: {  	v23 =	vld [tilespmem:s11+$0xFFFFF973];
	_ =	sdelay $0x1  }
0x105: {  	v24 =	vld [tilespmem:s11+$0xFFFFFD7B];
	_ =	sdelay $0x1  }
0x106: {  	v15 =	vld [tilespmem:s11+$0x183]  }
0x107: {  	v12 =	vmul.f32 v12, v7;
	v13 =	vmul.f32 v23, v8  }
0x108: {  	v25 =	vld [tilespmem:s11+$0x58B]  }
0x109: {  	v26 =	vmul.f32 v24, v9;
	v12 =	vadd.f32 v13, v12  }
0x10a: {  	v27 =	vld [tilespmem:s11+$0x993]  }
0x10b: {  	v28 =	vmul.f32 v15, v5;
	v12 =	vadd.f32 v26, v12;
	_ =	sdelay $0x1  }
0x10c: {  	v29 =	vmul.f32 v25, v6;
	v12 =	vadd.f32 v28, v12  }
0x10d: {  	v30 =	vadd.s32 $0x7800, v11  }
0x10e: {  	v31 =	vmul.f32 v27, v10;
	v12 =	vadd.f32 v29, v12;
	_ =	sdelay $0x1  }
0x10f: {  	v12 =	vadd.f32 v31, v12;
	_ =	sdelay $0x1  }
0x110: {  	[tilespmem:v30+s2+$0x0] =	vst.idx.add.f32.msk $0xffff, v12  }
0x111: {  	v12 =	vld [tilespmem:s11+$0xFFFFF5EC]  }
0x112: {  	v32 =	vld [tilespmem:s11+$0xFFFFF9F4];
	_ =	sdelay $0x1  }
0x113: {  	v33 =	vld [tilespmem:s11+$0xFFFFFDFC];
	_ =	sdelay $0x1  }
0x114: {  	v15 =	vld [tilespmem:s11+$0x204]  }
0x115: {  	v12 =	vmul.f32 v12, v7;
	v13 =	vmul.f32 v32, v8  }
0x116: {  	v34 =	vld [tilespmem:s11+$0x60C]  }
0x117: {  	v35 =	vmul.f32 v33, v9;
	v12 =	vadd.f32 v13, v12  }
0x118: {  	v36 =	vld [tilespmem:s11+$0xA14]  }
0x119: {  	v37 =	vmul.f32 v15, v5;
	v12 =	vadd.f32 v35, v12;
	_ =	sdelay $0x1  }
0x11a: {  	v38 =	vmul.f32 v34, v6;
	v12 =	vadd.f32 v37, v12  }
0x11b: {  	v39 =	vadd.s32 $0xA000, v11  }
0x11c: {  	v40 =	vmul.f32 v36, v10;
	v12 =	vadd.f32 v38, v12;
	_ =	sdelay $0x1  }
0x11d: {  	v12 =	vadd.f32 v40, v12;
	_ =	sdelay $0x1  }
0x11e: {  	[tilespmem:v39+s2+$0x0] =	vst.idx.add.f32.msk $0xffff, v12  }
0x11f: {  	v12 =	vld [tilespmem:s11+$0xFFFFF66D]  }
0x120: {  	v41 =	vld [tilespmem:s11+$0xFFFFFA75];
	_ =	sdelay $0x1  }
0x121: {  	v42 =	vld [tilespmem:s11+$0xFFFFFE7D];
	_ =	sdelay $0x1  }
0x122: {  	v15 =	vld [tilespmem:s11+$0x285]  }
0x123: {  	v12 =	vmul.f32 v12, v7;
	v13 =	vmul.f32 v41, v8  }
0x124: {  	v43 =	vld [tilespmem:s11+$0x68D]  }
0x125: {  	v44 =	vmul.f32 v42, v9;
	v12 =	vadd.f32 v13, v12  }
0x126: {  	v45 =	vld [tilespmem:s11+$0xA95]  }
0x127: {  	v46 =	vmul.f32 v15, v5;
	v12 =	vadd.f32 v44, v12;
	_ =	sdelay $0x1  }
0x128: {  	v47 =	vmul.f32 v43, v6;
	v12 =	vadd.f32 v46, v12  }
0x129: {  	v48 =	vadd.s32 $0xC800, v11  }
0x12a: {  	v49 =	vmul.f32 v45, v10;
	v12 =	vadd.f32 v47, v12;
	_ =	sdelay $0x1  }
0x12b: {  	v12 =	vadd.f32 v49, v12;
	_ =	sdelay $0x1  }
0x12c: {  	[tilespmem:v48+s2+$0x0] =	vst.idx.add.f32.msk $0xffff, v12  }
0x12d: {  	v12 =	vld [tilespmem:s11+$0xFFFFF6EE]  }
0x12e: {  	v50 =	vld [tilespmem:s11+$0xFFFFFAF6];
	_ =	sdelay $0x1  }
0x12f: {  	v51 =	vld [tilespmem:s11+$0xFFFFFEFE];
	_ =	sdelay $0x1  }
0x130: {  	v15 =	vld [tilespmem:s11+$0x306]  }
0x131: {  	v12 =	vmul.f32 v12, v7;
	v13 =	vmul.f32 v50, v8  }
0x132: {  	v52 =	vld [tilespmem:s11+$0x70E]  }
0x133: {  	v53 =	vmul.f32 v51, v9;
	v12 =	vadd.f32 v13, v12  }
0x134: {  	v54 =	vld [tilespmem:s11+$0xB16]  }
0x135: {  	v55 =	vmul.f32 v15, v5;
	v12 =	vadd.f32 v53, v12;
	_ =	sdelay $0x1  }
0x136: {  	v56 =	vmul.f32 v52, v6;
	v12 =	vadd.f32 v55, v12  }
0x137: {  	v57 =	vadd.s32 $0xF000, v11  }
0x138: {  	v58 =	vmul.f32 v54, v10;
	v12 =	vadd.f32 v56, v12;
	_ =	sdelay $0x1  }
0x139: {  	v12 =	vadd.f32 v58, v12;
	_ =	sdelay $0x1  }
0x13a: {  	[tilespmem:v57+s2+$0x0] =	vst.idx.add.f32.msk $0xffff, v12  }
0x13b: {  	v12 =	vld [tilespmem:s11+$0xFFFFF76F]  }
0x13c: {  	v59 =	vld [tilespmem:s11+$0xFFFFFB77];
	_ =	sdelay $0x1  }
0x13d: {  	v60 =	vld [tilespmem:s11+$0xFFFFFF7F];
	_ =	sdelay $0x1  }
0x13e: {  	v15 =	vld [tilespmem:s11+$0x387]  }
0x13f: {  	v7 =	vmul.f32 v12, v7;
	v8 =	vmul.f32 v59, v8  }
0x140: {  	v61 =	vld [tilespmem:s11+$0x78F]  }
0x141: {  	v62 =	vmul.f32 v60, v9;
	v7 =	vadd.f32 v8, v7  }
0x142: {  	v63 =	vld [tilespmem:s11+$0xB97]  }
0x143: {  	v5 =	vmul.f32 v15, v5;
	v7 =	vadd.f32 v62, v7;
	_ =	sdelay $0x1  }
0x144: {  	v6 =	vmul.f32 v61, v6;
	v5 =	vadd.f32 v5, v7  }
0x145: {  	p0 =	sne.s32 s21, $0x7F;
	v7 =	vadd.s32 $0x11800, v11  }
.Ltmp3:
0x146: {  	v5 =	vadd.f32 v6, v5;
	v6 =	vmul.f32 v63, v10;
	(pc) =	sbr.rel @p0 .LBB2_5-.Ltmp3, $4  }
0x147: {  	_ = 	snop  }
0x148: {  	v5 =	vadd.f32 v6, v5  }
0x149: {  	s21 =	sadd.s32 $0x10, s21;
	s10 =	sadd.s32 $0x300, s10  }
0x14a: {  	s9 =	sadd.s32 $0x10, s9;
	s8 =	sadd.s32 $0x10, s8;
	s11 =	sadd.s32 $0x10, s11;
	[tilespmem:v7+s2+$0x0] =	vst.idx.add.f32.msk $0xffff, v5  }
0x14b: {  	s21 =	sshll.u32 s7, $0x1;
	p0 =	seq.s32 s7, $0x13  }
0x14c: {  	s8 =	sadd.s32 @!p0 $0x2, s21  }
0x14d: {  	s9 =	sadd.s32 @!p0 s5, s8  }
0x14e: {  	s10 =	sshll.u32 @!p0 s9, $0x4  }
0x14f: {  	s11 =	simm.s32 @!p0 $0x0;
	s12 =	simm.s32 @!p0 $0x15400;
	s10 =	sand.u32 @!p0 $0x1FFFFFE0, s10  }
0x150: {  	s8 =	sshll.u32 @!p0 s8, $0x7;
	s9 =	smul.u32 @!p0 $0x60, s9;
	s10 =	sadd.s32 @!p0 s4, s10  }
0x151: {  	[tilespmem:s12], [sflag:$0x3] =	stream.linear.gather @!p0 [hbm4b:s10+s11], $0x80, $0x38;
	[tilespmem:$0x1A330] =	vst v63  }
0x152: {  	s8 =	sand.u32 @!p0 $0x3FFFFF80, s8;
	s9 =	sadd.s32 @!p0 s6, s9;
	s10 =	simm.s32 @!p0 $0x15500  }
0x153: {  	[tilespmem:s10], [sflag:$0x3] =	stream.linear.gather @!p0 [hbm4b:s9+s11], $0x300, $0x38;
	[tilespmem:$0x1A330] =	vst v63  }
0x154: {  	s8 =	sadd.s32 @!p0 $0x14000, s8;
	s9 =	simm.s32 @!p0 $0x80;
	s10 =	simm.s32 @!p0 $0x15B00  }
0x155: {  	[tilespmem:s10], [sflag:$0x1] =	stream.indirect.gather @!p0 [hbm4b:s3+s9], $0x30, s8, s9, $0xb8;
	[tilespmem:$0x1A330] =	vst v63  }
0x156: {  	_ =	swait.ge [sflag:s24], $0x80  }
0x157: {  	[sflag:s24] =	ssyncset.done $0x0  }
0x158: {  	[sflag:s24] =	ssyncadd.s32 $0xFFFFFF80  }
0x159: {  	_ =	swait.ge [sflag:s24], $0x300  }
0x15a: {  	[sflag:s24] =	ssyncset.done $0x0  }
0x15b: {  	[sflag:s24] =	ssyncadd.s32 $0xFFFFFD00  }
0x15c: {  	s12 =	simm.s32 $0x19718;
	_ =	swait.ge [sflag:s26], $0x1800  }
0x15d: {  	s11 =	simm.s32 $0x17480;
	s8 =	simm.s32 $0xF;
	[sflag:s26] =	ssyncset.done $0x0  }
0x15e: {  	s9 =	simm.s32 $0x15480;
	s10 =	simm.s32 $0x15980;
	[sflag:s26] =	ssyncadd.s32 $0xFFFFE800  }
.LBB2_7:
0x15f: {  	s13 =	sadd.s32 $0xFFFFFFF1, s8  }
0x160: {  	v5 =	vld [tilespmem:s11+$0xFFFFFE80];
	v6 =	vor.u32 s13, v0;
	_ =	sdelay $0x3  }
0x161: {  	v7 =	vadd.s32 s13, v2  }
0x162: {  	[tilespmem:v6+s23+$0x0] =	vst.idx.msk $0xffff, v5;
	v5 =	vand.u32 $0x1FF8, v7  }
0x163: {  	v6 =	vld [tilespmem:s11+$0xFFFFFE90];
	v5 =	vor.u32 v3, v5;
	_ =	sdelay $0x3  }
0x164: {  	v7 =	vadd.s32 s13, v4  }
0x165: {  	[tilespmem:v5+s23+$0x0] =	vst.idx.msk $0xffff, v6;
	v5 =	vand.u32 $0x1FF8, v7  }
0x166: {  	v6 =	vld [tilespmem:s11+$0xFFFFFEA0];
	v5 =	vor.u32 v3, v5;
	_ =	sdelay $0x4  }
0x167: {  	s13 =	sadd.s32 $0xFFFFFFF2, s8;
	[tilespmem:v5+s23+$0x0] =	vst.idx.msk $0xffff, v6  }
0x168: {  	v5 =	vadd.s32 s13, v0;
	v6 =	vld [tilespmem:s11+$0xFFFFFEB0];
	_ =	sdelay $0x4  }
0x169: {  	[tilespmem:v5+s23+$0x0] =	vst.idx.msk $0xffff, v6  }
0x16a: {  	v5 =	vadd.s32 s13, v2;
	v6 =	vld [tilespmem:s11+$0xFFFFFEC0];
	_ =	sdelay $0x4  }
0x16b: {  	[tilespmem:v5+s23+$0x0] =	vst.idx.msk $0xffff, v6  }
0x16c: {  	v5 =	vadd.s32 s13, v4;
	v6 =	vld [tilespmem:s11+$0xFFFFFED0];
	_ =	sdelay $0x4  }
0x16d: {  	s13 =	sadd.s32 $0xFFFFFFF3, s8;
	[tilespmem:v5+s23+$0x0] =	vst.idx.msk $0xffff, v6  }
0x16e: {  	v5 =	vadd.s32 s13, v0;
	v6 =	vld [tilespmem:s11+$0xFFFFFEE0];
	_ =	sdelay $0x4  }
0x16f: {  	[tilespmem:v5+s23+$0x0] =	vst.idx.msk $0xffff, v6  }
0x170: {  	v5 =	vadd.s32 s13, v2;
	v6 =	vld [tilespmem:s11+$0xFFFFFEF0];
	_ =	sdelay $0x4  }
0x171: {  	[tilespmem:v5+s23+$0x0] =	vst.idx.msk $0xffff, v6  }
0x172: {  	v5 =	vadd.s32 s13, v4;
	v6 =	vld [tilespmem:s11+$0xFFFFFF00];
	_ =	sdelay $0x4  }
0x173: {  	s13 =	sadd.s32 $0xFFFFFFF4, s8;
	[tilespmem:v5+s23+$0x0] =	vst.idx.msk $0xffff, v6  }
0x174: {  	v5 =	vadd.s32 s13, v0;
	v6 =	vld [tilespmem:s11+$0xFFFFFF10];
	_ =	sdelay $0x4  }
0x175: {  	[tilespmem:v5+s23+$0x0] =	vst.idx.msk $0xffff, v6  }
0x176: {  	v5 =	vadd.s32 s13, v2;
	v6 =	vld [tilespmem:s11+$0xFFFFFF20];
	_ =	sdelay $0x4  }
0x177: {  	[tilespmem:v5+s23+$0x0] =	vst.idx.msk $0xffff, v6  }
0x178: {  	v5 =	vadd.s32 s13, v4;
	v6 =	vld [tilespmem:s11+$0xFFFFFF30];
	_ =	sdelay $0x4  }
0x179: {  	s13 =	sadd.s32 $0xFFFFFFF5, s8;
	[tilespmem:v5+s23+$0x0] =	vst.idx.msk $0xffff, v6  }
0x17a: {  	v5 =	vadd.s32 s13, v0;
	v6 =	vld [tilespmem:s11+$0xFFFFFF40];
	_ =	sdelay $0x4  }
0x17b: {  	[tilespmem:v5+s23+$0x0] =	vst.idx.msk $0xffff, v6  }
0x17c: {  	v5 =	vadd.s32 s13, v2;
	v6 =	vld [tilespmem:s11+$0xFFFFFF50];
	_ =	sdelay $0x4  }
0x17d: {  	[tilespmem:v5+s23+$0x0] =	vst.idx.msk $0xffff, v6  }
0x17e: {  	v5 =	vadd.s32 s13, v4;
	v6 =	vld [tilespmem:s11+$0xFFFFFF60];
	_ =	sdelay $0x4  }
0x17f: {  	s13 =	sadd.s32 $0xFFFFFFF6, s8;
	[tilespmem:v5+s23+$0x0] =	vst.idx.msk $0xffff, v6  }
0x180: {  	v5 =	vadd.s32 s13, v0;
	v6 =	vld [tilespmem:s11+$0xFFFFFF70];
	_ =	sdelay $0x4  }
0x181: {  	[tilespmem:v5+s23+$0x0] =	vst.idx.msk $0xffff, v6  }
0x182: {  	v5 =	vadd.s32 s13, v2;
	v6 =	vld [tilespmem:s11+$0xFFFFFF80];
	_ =	sdelay $0x4  }
0x183: {  	[tilespmem:v5+s23+$0x0] =	vst.idx.msk $0xffff, v6  }
0x184: {  	v5 =	vadd.s32 s13, v4;
	v6 =	vld [tilespmem:s11+$0xFFFFFF90];
	_ =	sdelay $0x4  }
0x185: {  	s13 =	sadd.s32 $0xFFFFFFF7, s8;
	[tilespmem:v5+s23+$0x0] =	vst.idx.msk $0xffff, v6  }
0x186: {  	v5 =	vadd.s32 s13, v0;
	v6 =	vld [tilespmem:s11+$0xFFFFFFA0];
	_ =	sdelay $0x4  }
0x187: {  	[tilespmem:v5+s23+$0x0] =	vst.idx.msk $0xffff, v6  }
0x188: {  	v5 =	vadd.s32 s13, v2;
	v6 =	vld [tilespmem:s11+$0xFFFFFFB0];
	_ =	sdelay $0x4  }
0x189: {  	[tilespmem:v5+s23+$0x0] =	vst.idx.msk $0xffff, v6  }
0x18a: {  	v5 =	vadd.s32 s13, v4;
	v6 =	vld [tilespmem:s11+$0xFFFFFFC0];
	_ =	sdelay $0x4  }
0x18b: {  	s13 =	sadd.s32 $0xFFFFFFF8, s8;
	[tilespmem:v5+s23+$0x0] =	vst.idx.msk $0xffff, v6  }
0x18c: {  	v5 =	vadd.s32 s13, v0;
	v6 =	vld [tilespmem:s11+$0xFFFFFFD0];
	_ =	sdelay $0x4  }
0x18d: {  	[tilespmem:v5+s23+$0x0] =	vst.idx.msk $0xffff, v6  }
0x18e: {  	v5 =	vadd.s32 s13, v2;
	v6 =	vld [tilespmem:s11+$0xFFFFFFE0];
	_ =	sdelay $0x4  }
0x18f: {  	[tilespmem:v5+s23+$0x0] =	vst.idx.msk $0xffff, v6  }
0x190: {  	v5 =	vadd.s32 s13, v4;
	v6 =	vld [tilespmem:s11+$0xFFFFFFF0];
	_ =	sdelay $0x2  }
0x191: {  	s13 =	sadd.s32 $0xFFFFFFF9, s8  }
0x192: {  	v7 =	vadd.s32 s13, v0  }
0x193: {  	[tilespmem:v5+s23+$0x0] =	vst.idx.msk $0xffff, v6;
	v5 =	vand.u32 $0xFF8, v7  }
0x194: {  	v6 =	vld [tilespmem:s11+$0x0];
	v5 =	vor.u32 v3, v5;
	_ =	sdelay $0x3  }
0x195: {  	v7 =	vadd.s32 s13, v2  }
0x196: {  	[tilespmem:v5+s23+$0x0] =	vst.idx.msk $0xffff, v6;
	v5 =	vand.u32 $0x1FF8, v7  }
0x197: {  	v6 =	vld [tilespmem:s11+$0x10];
	v5 =	vor.u32 v3, v5;
	_ =	sdelay $0x3  }
0x198: {  	v7 =	vadd.s32 s13, v4  }
0x199: {  	[tilespmem:v5+s23+$0x0] =	vst.idx.msk $0xffff, v6;
	v5 =	vand.u32 $0x1FF8, v7  }
0x19a: {  	v6 =	vld [tilespmem:s11+$0x20];
	v5 =	vor.u32 v3, v5;
	_ =	sdelay $0x4  }
0x19b: {  	s13 =	sadd.s32 $0xFFFFFFFA, s8;
	[tilespmem:v5+s23+$0x0] =	vst.idx.msk $0xffff, v6  }
0x19c: {  	v5 =	vadd.s32 s13, v0;
	v6 =	vld [tilespmem:s11+$0x30];
	_ =	sdelay $0x4  }
0x19d: {  	[tilespmem:v5+s23+$0x0] =	vst.idx.msk $0xffff, v6  }
0x19e: {  	v5 =	vadd.s32 s13, v2;
	v6 =	vld [tilespmem:s11+$0x40];
	_ =	sdelay $0x4  }
0x19f: {  	[tilespmem:v5+s23+$0x0] =	vst.idx.msk $0xffff, v6  }
0x1a0: {  	v5 =	vadd.s32 s13, v4;
	v6 =	vld [tilespmem:s11+$0x50];
	_ =	sdelay $0x4  }
0x1a1: {  	s13 =	sadd.s32 $0xFFFFFFFB, s8;
	[tilespmem:v5+s23+$0x0] =	vst.idx.msk $0xffff, v6  }
0x1a2: {  	v5 =	vadd.s32 s13, v0;
	v6 =	vld [tilespmem:s11+$0x60];
	_ =	sdelay $0x4  }
0x1a3: {  	[tilespmem:v5+s23+$0x0] =	vst.idx.msk $0xffff, v6  }
0x1a4: {  	v5 =	vadd.s32 s13, v2;
	v6 =	vld [tilespmem:s11+$0x70];
	_ =	sdelay $0x4  }
0x1a5: {  	[tilespmem:v5+s23+$0x0] =	vst.idx.msk $0xffff, v6  }
0x1a6: {  	v5 =	vadd.s32 s13, v4;
	v6 =	vld [tilespmem:s11+$0x80];
	_ =	sdelay $0x4  }
0x1a7: {  	s13 =	sadd.s32 $0xFFFFFFFC, s8;
	[tilespmem:v5+s23+$0x0] =	vst.idx.msk $0xffff, v6  }
0x1a8: {  	v5 =	vadd.s32 s13, v0;
	v6 =	vld [tilespmem:s11+$0x90];
	_ =	sdelay $0x4  }
0x1a9: {  	[tilespmem:v5+s23+$0x0] =	vst.idx.msk $0xffff, v6  }
0x1aa: {  	v5 =	vadd.s32 s13, v2;
	v6 =	vld [tilespmem:s11+$0xA0];
	_ =	sdelay $0x4  }
0x1ab: {  	[tilespmem:v5+s23+$0x0] =	vst.idx.msk $0xffff, v6  }
0x1ac: {  	v5 =	vadd.s32 s13, v4;
	v6 =	vld [tilespmem:s11+$0xB0];
	_ =	sdelay $0x4  }
0x1ad: {  	s13 =	sadd.s32 $0xFFFFFFFD, s8;
	[tilespmem:v5+s23+$0x0] =	vst.idx.msk $0xffff, v6  }
0x1ae: {  	v5 =	vadd.s32 s13, v0;
	v6 =	vld [tilespmem:s11+$0xC0];
	_ =	sdelay $0x4  }
0x1af: {  	[tilespmem:v5+s23+$0x0] =	vst.idx.msk $0xffff, v6  }
0x1b0: {  	v5 =	vadd.s32 s13, v2;
	v6 =	vld [tilespmem:s11+$0xD0];
	_ =	sdelay $0x4  }
0x1b1: {  	[tilespmem:v5+s23+$0x0] =	vst.idx.msk $0xffff, v6  }
0x1b2: {  	v5 =	vadd.s32 s13, v4;
	v6 =	vld [tilespmem:s11+$0xE0];
	_ =	sdelay $0x4  }
0x1b3: {  	s13 =	sadd.s32 $0xFFFFFFFE, s8;
	[tilespmem:v5+s23+$0x0] =	vst.idx.msk $0xffff, v6  }
0x1b4: {  	v5 =	vadd.s32 s13, v0;
	v6 =	vld [tilespmem:s11+$0xF0];
	_ =	sdelay $0x4  }
0x1b5: {  	[tilespmem:v5+s23+$0x0] =	vst.idx.msk $0xffff, v6  }
0x1b6: {  	v5 =	vadd.s32 s13, v2;
	v6 =	vld [tilespmem:s11+$0x100];
	_ =	sdelay $0x4  }
0x1b7: {  	[tilespmem:v5+s23+$0x0] =	vst.idx.msk $0xffff, v6  }
0x1b8: {  	v5 =	vadd.s32 s13, v4;
	v6 =	vld [tilespmem:s11+$0x110];
	_ =	sdelay $0x4  }
0x1b9: {  	s13 =	sadd.s32 $0xFFFFFFFF, s8;
	[tilespmem:v5+s23+$0x0] =	vst.idx.msk $0xffff, v6  }
0x1ba: {  	v5 =	vadd.s32 s13, v0;
	v6 =	vld [tilespmem:s11+$0x120];
	_ =	sdelay $0x4  }
0x1bb: {  	[tilespmem:v5+s23+$0x0] =	vst.idx.msk $0xffff, v6  }
0x1bc: {  	v5 =	vadd.s32 s13, v2;
	v6 =	vld [tilespmem:s11+$0x130];
	_ =	sdelay $0x4  }
0x1bd: {  	[tilespmem:v5+s23+$0x0] =	vst.idx.msk $0xffff, v6  }
0x1be: {  	v5 =	vadd.s32 s13, v4;
	v6 =	vld [tilespmem:s11+$0x140];
	_ =	sdelay $0x4  }
0x1bf: {  	[tilespmem:v5+s23+$0x0] =	vst.idx.msk $0xffff, v6  }
0x1c0: {  	v5 =	vadd.s32 s8, v0;
	v6 =	vld [tilespmem:s11+$0x150];
	_ =	sdelay $0x4  }
0x1c1: {  	[tilespmem:v5+s23+$0x0] =	vst.idx.msk $0xffff, v6  }
0x1c2: {  	v5 =	vadd.s32 s8, v2;
	v6 =	vld [tilespmem:s11+$0x160];
	_ =	sdelay $0x4  }
0x1c3: {  	[tilespmem:v5+s23+$0x0] =	vst.idx.msk $0xffff, v6  }
0x1c4: {  	v5 =	vadd.s32 s8, v4;
	v6 =	vld [tilespmem:s11+$0x170];
	_ =	sdelay $0x4  }
0x1c5: {  	[tilespmem:v5+s23+$0x0] =	vst.idx.msk $0xffff, v6  }
0x1c6: {  	v7 =	vld [tilespmem:s10+$0xFFFFFE80]  }
0x1c7: {  	v8 =	vld [tilespmem:s10+$0xFFFFFF00]  }
0x1c8: {  	v10 =	vld [tilespmem:s12+$0xFFFFF3E8]  }
0x1c9: {  	v11 =	vld [tilespmem:s12+$0xFFFFF7F0]  }
0x1ca: {  	v9 =	vld [tilespmem:s10+$0xFFFFFF80]  }
0x1cb: {  	v12 =	vld [tilespmem:s12+$0xFFFFFBF8]  }
0x1cc: {  	v5 =	vld [tilespmem:s10+$0x0]  }
0x1cd: {  	v13 =	vld [tilespmem:s12+$0x0]  }
0x1ce: {  	v6 =	vld [tilespmem:s10+$0x80];
	v14 =	vmul.f32 v10, v7;
	v11 =	vmul.f32 v11, v8  }
0x1cf: {  	v15 =	vld [tilespmem:s12+$0x408]  }
0x1d0: {  	v16 =	vld [tilespmem:s12+$0x810];
	v12 =	vmul.f32 v12, v9;
	v14 =	vadd.f32 v11, v14  }
0x1d1: {  	v10 =	vld [tilespmem:s10+$0x100]  }
0x1d2: {  	v13 =	vmul.f32 v13, v5;
	v11 =	vld [tilespmem:s9+$0x0];
	v12 =	vadd.f32 v12, v14;
	_ =	sdelay $0x1  }
0x1d3: {  	v49 =	vmul.f32 v15, v6;
	v12 =	vadd.f32 v13, v12;
	_ =	sdelay $0x1  }
0x1d4: {  	v50 =	vmul.f32 v16, v10;
	v12 =	vadd.f32 v49, v12;
	_ =	sdelay $0x1  }
0x1d5: {  	v12 =	vadd.f32 v50, v12;
	_ =	sdelay $0x1  }
0x1d6: {  	[tilespmem:v11+s2+$0x0] =	vst.idx.add.f32.msk $0xffff, v12  }
0x1d7: {  	v12 =	vld [tilespmem:s12+$0xFFFFF469]  }
0x1d8: {  	v51 =	vld [tilespmem:s12+$0xFFFFF871];
	_ =	sdelay $0x1  }
0x1d9: {  	v52 =	vld [tilespmem:s12+$0xFFFFFC79];
	_ =	sdelay $0x1  }
0x1da: {  	v53 =	vld [tilespmem:s12+$0x81]  }
0x1db: {  	v12 =	vmul.f32 v12, v7;
	v13 =	vmul.f32 v51, v8  }
0x1dc: {  	v54 =	vld [tilespmem:s12+$0x489]  }
0x1dd: {  	v55 =	vmul.f32 v52, v9;
	v12 =	vadd.f32 v13, v12  }
0x1de: {  	v56 =	vld [tilespmem:s12+$0x891]  }
0x1df: {  	v57 =	vmul.f32 v53, v5;
	v12 =	vadd.f32 v55, v12;
	_ =	sdelay $0x1  }
0x1e0: {  	v58 =	vmul.f32 v54, v6;
	v12 =	vadd.f32 v57, v12  }
0x1e1: {  	v59 =	vadd.s32 $0x2800, v11  }
0x1e2: {  	v60 =	vmul.f32 v56, v10;
	v12 =	vadd.f32 v58, v12;
	_ =	sdelay $0x1  }
0x1e3: {  	v12 =	vadd.f32 v60, v12;
	_ =	sdelay $0x1  }
0x1e4: {  	[tilespmem:v59+s2+$0x0] =	vst.idx.add.f32.msk $0xffff, v12  }
0x1e5: {  	v12 =	vld [tilespmem:s12+$0xFFFFF4EA]  }
0x1e6: {  	v61 =	vld [tilespmem:s12+$0xFFFFF8F2];
	_ =	sdelay $0x1  }
0x1e7: {  	v62 =	vld [tilespmem:s12+$0xFFFFFCFA];
	_ =	sdelay $0x1  }
0x1e8: {  	v15 =	vld [tilespmem:s12+$0x102]  }
0x1e9: {  	v12 =	vmul.f32 v12, v7;
	v13 =	vmul.f32 v61, v8  }
0x1ea: {  	v63 =	vld [tilespmem:s12+$0x50A]  }
0x1eb: {  	v17 =	vmul.f32 v62, v9;
	v12 =	vadd.f32 v13, v12  }
0x1ec: {  	v18 =	vld [tilespmem:s12+$0x912]  }
0x1ed: {  	v19 =	vmul.f32 v15, v5;
	v12 =	vadd.f32 v17, v12;
	_ =	sdelay $0x1  }
0x1ee: {  	v20 =	vmul.f32 v63, v6;
	v12 =	vadd.f32 v19, v12  }
0x1ef: {  	v21 =	vadd.s32 $0x5000, v11  }
0x1f0: {  	v22 =	vmul.f32 v18, v10;
	v12 =	vadd.f32 v20, v12;
	_ =	sdelay $0x1  }
0x1f1: {  	v12 =	vadd.f32 v22, v12;
	_ =	sdelay $0x1  }
0x1f2: {  	[tilespmem:v21+s2+$0x0] =	vst.idx.add.f32.msk $0xffff, v12  }
0x1f3: {  	v12 =	vld [tilespmem:s12+$0xFFFFF56B]  }
0x1f4: {  	v23 =	vld [tilespmem:s12+$0xFFFFF973];
	_ =	sdelay $0x1  }
0x1f5: {  	v24 =	vld [tilespmem:s12+$0xFFFFFD7B];
	_ =	sdelay $0x1  }
0x1f6: {  	v15 =	vld [tilespmem:s12+$0x183]  }
0x1f7: {  	v12 =	vmul.f32 v12, v7;
	v13 =	vmul.f32 v23, v8  }
0x1f8: {  	v25 =	vld [tilespmem:s12+$0x58B]  }
0x1f9: {  	v26 =	vmul.f32 v24, v9;
	v12 =	vadd.f32 v13, v12  }
0x1fa: {  	v27 =	vld [tilespmem:s12+$0x993]  }
0x1fb: {  	v28 =	vmul.f32 v15, v5;
	v12 =	vadd.f32 v26, v12;
	_ =	sdelay $0x1  }
0x1fc: {  	v29 =	vmul.f32 v25, v6;
	v12 =	vadd.f32 v28, v12  }
0x1fd: {  	v30 =	vadd.s32 $0x7800, v11  }
0x1fe: {  	v31 =	vmul.f32 v27, v10;
	v12 =	vadd.f32 v29, v12;
	_ =	sdelay $0x1  }
0x1ff: {  	v12 =	vadd.f32 v31, v12;
	_ =	sdelay $0x1  }
0x200: {  	[tilespmem:v30+s2+$0x0] =	vst.idx.add.f32.msk $0xffff, v12  }
0x201: {  	v12 =	vld [tilespmem:s12+$0xFFFFF5EC]  }
0x202: {  	v32 =	vld [tilespmem:s12+$0xFFFFF9F4];
	_ =	sdelay $0x1  }
0x203: {  	v33 =	vld [tilespmem:s12+$0xFFFFFDFC];
	_ =	sdelay $0x1  }
0x204: {  	v15 =	vld [tilespmem:s12+$0x204]  }
0x205: {  	v12 =	vmul.f32 v12, v7;
	v13 =	vmul.f32 v32, v8  }
0x206: {  	v34 =	vld [tilespmem:s12+$0x60C]  }
0x207: {  	v35 =	vmul.f32 v33, v9;
	v12 =	vadd.f32 v13, v12  }
0x208: {  	v36 =	vld [tilespmem:s12+$0xA14]  }
0x209: {  	v37 =	vmul.f32 v15, v5;
	v12 =	vadd.f32 v35, v12;
	_ =	sdelay $0x1  }
0x20a: {  	v38 =	vmul.f32 v34, v6;
	v12 =	vadd.f32 v37, v12  }
0x20b: {  	v39 =	vadd.s32 $0xA000, v11  }
0x20c: {  	v40 =	vmul.f32 v36, v10;
	v12 =	vadd.f32 v38, v12;
	_ =	sdelay $0x1  }
0x20d: {  	v12 =	vadd.f32 v40, v12;
	_ =	sdelay $0x1  }
0x20e: {  	[tilespmem:v39+s2+$0x0] =	vst.idx.add.f32.msk $0xffff, v12  }
0x20f: {  	v12 =	vld [tilespmem:s12+$0xFFFFF66D]  }
0x210: {  	v41 =	vld [tilespmem:s12+$0xFFFFFA75];
	_ =	sdelay $0x1  }
0x211: {  	v42 =	vld [tilespmem:s12+$0xFFFFFE7D];
	_ =	sdelay $0x1  }
0x212: {  	v15 =	vld [tilespmem:s12+$0x285]  }
0x213: {  	v12 =	vmul.f32 v12, v7;
	v13 =	vmul.f32 v41, v8  }
0x214: {  	v43 =	vld [tilespmem:s12+$0x68D]  }
0x215: {  	v44 =	vmul.f32 v42, v9;
	v12 =	vadd.f32 v13, v12  }
0x216: {  	v45 =	vld [tilespmem:s12+$0xA95]  }
0x217: {  	v46 =	vmul.f32 v15, v5;
	v12 =	vadd.f32 v44, v12;
	_ =	sdelay $0x1  }
0x218: {  	v47 =	vmul.f32 v43, v6;
	v12 =	vadd.f32 v46, v12  }
0x219: {  	v48 =	vadd.s32 $0xC800, v11  }
0x21a: {  	v49 =	vmul.f32 v45, v10;
	v12 =	vadd.f32 v47, v12;
	_ =	sdelay $0x1  }
0x21b: {  	v12 =	vadd.f32 v49, v12;
	_ =	sdelay $0x1  }
0x21c: {  	[tilespmem:v48+s2+$0x0] =	vst.idx.add.f32.msk $0xffff, v12  }
0x21d: {  	v12 =	vld [tilespmem:s12+$0xFFFFF6EE]  }
0x21e: {  	v50 =	vld [tilespmem:s12+$0xFFFFFAF6];
	_ =	sdelay $0x1  }
0x21f: {  	v51 =	vld [tilespmem:s12+$0xFFFFFEFE];
	_ =	sdelay $0x1  }
0x220: {  	v15 =	vld [tilespmem:s12+$0x306]  }
0x221: {  	v12 =	vmul.f32 v12, v7;
	v13 =	vmul.f32 v50, v8  }
0x222: {  	v52 =	vld [tilespmem:s12+$0x70E]  }
0x223: {  	v53 =	vmul.f32 v51, v9;
	v12 =	vadd.f32 v13, v12  }
0x224: {  	v54 =	vld [tilespmem:s12+$0xB16]  }
0x225: {  	v55 =	vmul.f32 v15, v5;
	v12 =	vadd.f32 v53, v12;
	_ =	sdelay $0x1  }
0x226: {  	v56 =	vmul.f32 v52, v6;
	v12 =	vadd.f32 v55, v12  }
0x227: {  	v57 =	vadd.s32 $0xF000, v11  }
0x228: {  	v58 =	vmul.f32 v54, v10;
	v12 =	vadd.f32 v56, v12;
	_ =	sdelay $0x1  }
0x229: {  	v12 =	vadd.f32 v58, v12;
	_ =	sdelay $0x1  }
0x22a: {  	[tilespmem:v57+s2+$0x0] =	vst.idx.add.f32.msk $0xffff, v12  }
0x22b: {  	v12 =	vld [tilespmem:s12+$0xFFFFF76F]  }
0x22c: {  	v59 =	vld [tilespmem:s12+$0xFFFFFB77];
	_ =	sdelay $0x1  }
0x22d: {  	v60 =	vld [tilespmem:s12+$0xFFFFFF7F];
	_ =	sdelay $0x1  }
0x22e: {  	v15 =	vld [tilespmem:s12+$0x387]  }
0x22f: {  	v7 =	vmul.f32 v12, v7;
	v8 =	vmul.f32 v59, v8  }
0x230: {  	v61 =	vld [tilespmem:s12+$0x78F]  }
0x231: {  	v62 =	vmul.f32 v60, v9;
	v7 =	vadd.f32 v8, v7  }
0x232: {  	v63 =	vld [tilespmem:s12+$0xB97]  }
0x233: {  	v5 =	vmul.f32 v15, v5;
	v7 =	vadd.f32 v62, v7;
	_ =	sdelay $0x1  }
0x234: {  	v6 =	vmul.f32 v61, v6;
	v5 =	vadd.f32 v5, v7  }
0x235: {  	p1 =	sne.s32 s8, $0x7F;
	v7 =	vadd.s32 $0x11800, v11  }
.Ltmp4:
0x236: {  	v5 =	vadd.f32 v6, v5;
	v6 =	vmul.f32 v63, v10;
	(pc) =	sbr.rel @p1 .LBB2_7-.Ltmp4, $4  }
0x237: {  	_ = 	snop  }
0x238: {  	v5 =	vadd.f32 v6, v5  }
0x239: {  	s8 =	sadd.s32 $0x10, s8;
	s11 =	sadd.s32 $0x300, s11  }
0x23a: {  	s10 =	sadd.s32 $0x10, s10;
	s9 =	sadd.s32 $0x10, s9;
	s12 =	sadd.s32 $0x10, s12;
	[tilespmem:v7+s2+$0x0] =	vst.idx.add.f32.msk $0xffff, v5  }
.Ltmp5:
0x23b: {  	(pc) =	sbr.rel @p0 .LBB2_10-.Ltmp5, $1  }
0x23c: {  	_ =	sdelay $0x3  }
0x23d: {  	s8 =	sadd.s32 $0x3, s21  }
0x23e: {  	s9 =	sadd.s32 s5, s8  }
0x23f: {  	s10 =	sshll.u32 s9, $0x4  }
0x240: {  	s10 =	sand.u32 $0x1FFFFFF0, s10  }
0x241: {  	s9 =	smul.u32 $0x60, s9;
	s10 =	sadd.s32 s4, s10  }
0x242: {  	[tilespmem:s28], [sflag:$0x4] =	stream.linear.gather [hbm4b:s10+s2], $0x80, $0x38;
	[tilespmem:$0x1A330] =	vst v63  }
.Ltmp6:
0x243: {  	s8 =	sshll.u32 s8, $0x7;
	(pc) =	sbr.rel .LBB2_4-.Ltmp6, $4  }
0x244: {  	s8 =	sand.u32 $0x3FFFFF80, s8;
	s9 =	sadd.s32 s6, s9  }
0x245: {  	[tilespmem:s29], [sflag:$0x4] =	stream.linear.gather [hbm4b:s9+s2], $0x300, $0x38;
	[tilespmem:$0x1A330] =	vst v63  }
0x246: {  	s7 =	sadd.s32 $0x1, s7;
	s8 =	sadd.s32 $0x14000, s8  }
0x247: {  	[tilespmem:s31], [sflag:$0x2] =	stream.indirect.gather [hbm4b:s3+s25], $0x30, s8, s25, $0xb8;
	[tilespmem:$0x1A330] =	vst v63  }
.LBB2_11:
0x248: {  	_ =	sfence.sel $0x180000  }
0x249: {  	[bflag:$0x0] =	sbarrier.arrive $0xFFFF  }
0x24a: {  	_ =	strace $0x9000004A  }
0x24b: {  	s0 =	stileid.u32;
	[bflag:$0x2] =	sbarrier.arrive $0xFFFF  }
0x24c: {  	p0 =	sne.s32 s0, $0x0;
	s0 =	rddreg [dreg:$0x1]  }
0x24d: {  	s0 =	sadd.s32 @!p0 $0x100000, s0  }
0x24e: {  	[sflag:s0] =	ssyncadd.tile.s32 @!p0 $0x1;
	_ =	shalt  }
.Lfunc_end2:
_tile_overlayer_lowered:
.L_overlay_start_2:
0x24f: {  	(tag) =	ssettag $0x2  }
0x250: {  	s0 =	rddreg [dreg:$0x0];
	s2 =	stileid.u32  }
0x251: {  	s1 =	rddreg [dreg:$0x1];
	p0 =	sne.s32 s2, $0x0  }
0x252: {  	s3 =	rddreg [dreg:$0x2];
	[bflag:$0x3] =	sbarrier.arrive $0xFFFF;
	s2 =	simm.s32 @!p0 $0x1C05  }
0x253: {  	[timem:s3], [sflag:s2] =	dma.local @!p0 [hbm:s0], s1  }
0x254: {  	s0 =	simm.s32 @!p0 $0x5  }
0x255: {  	_ =	swait.ge @!p0 [sflag:s0], s1  }
0x256: {  	s1 =	ssub.s32 @!p0 $0x0, s1;
	[sflag:s0] =	ssyncset.done @!p0 $0x0  }
0x257: {  	[sflag:s0] =	ssyncadd.s32 @!p0 s1  }
0x258: {  	[bflag:$0x3] =	sbarrier.arrive $0xFFFF  }
0x259: {  	_ =	shalt  }

// kernel: kernel.7.cloned.1.call-start
scs
__scs_entry_jumppad:
0x0: {  	(pc) =	sbr.rel $0x88, $3  }
0x1: {  	(tag) =	ssettag $0x0;
	lr =	simm.s32 $0x1  }
0x2: {  	[smem:$0x3F95] =	sst lr;
	_ =	strace $0xD0000000  }
0x3: {  	_ = 	snop  }
0x4: {  	_ = 	snop  }
0x5: {  	_ = 	snop  }
0x6: {  	_ = 	snop  }
0x7: {  	_ = 	snop  }
__scs_overlays_trampoline_lowered:
0x8: {  	[smem:$0x3FA4] =	sst s0  }
0x9: {  	[smem:$0x3FA5] =	sst s1  }
0xa: {  	[smem:$0x3FA6] =	sst s2  }
0xb: {  	[smem:$0x3FA7] =	sst s3  }
0xc: {  	[smem:$0x3FA8] =	sst s4  }
0xd: {  	[smem:$0x3FA9] =	sst s5  }
0xe: {  	[smem:$0x3FAA] =	sst s6  }
0xf: {  	[smem:$0x3FAB] =	sst s7  }
0x10: {  	[smem:$0x3FAC] =	sst s8  }
0x11: {  	[smem:$0x3FAD] =	sst s9;
	s0 =	simm.s32 @!p0 $0x0  }
0x12: {  	s1 =	sld [smem:$0x3F93];
	s0 =	simm.s32 @p0 $0x1  }
0x13: {  	[smem:$0x3FAE] =	sst s0;
	s0 =	simm.s32 @!p1 $0x0  }
0x14: {  	s2 =	sld [smem:$0x3F92];
	s0 =	simm.s32 @p1 $0x1  }
0x15: {  	[smem:$0x3FAF] =	sst s0;
	s0 =	simm.s32 @!p2 $0x0  }
0x16: {  	s3 =	sld [smem:$0x3FDB];
	s0 =	simm.s32 @p2 $0x1  }
0x17: {  	s4 =	simm.s32 $0x1BF5;
	[smem:$0x3FB1] =	sst s0  }
0x18: {  	s0 =	sld [smem:$0x3F94];
	_ =	swait.ge [sflag:s4], $0x0  }
0x19: {  	s7 =	sld [smem:$0x3F95]  }
0x1a: {  	s8 =	sadd.s32 $0xFFFFE003, lr  }
0x1b: {  	s9 =	sadd.s32 $0xFFFFFEF7, lr;
	s5 =	simm.s32 $0xFFFFFFFF;
	p2 =	slt.u32 s8, $0xFFFFF086  }
0x1c: {  	p1 =	slt.u32 s9, $0xF7A;
	s5 =	simm.s32 @!p2 $0x0  }
0x1d: {  	s5 =	simm.s32 @p1 $0x1;
	p0 =	seq.s32 s7, s2  }
0x1e: {  	s7 =	smul.u32 @!p0 $0xF7A, s2;
	p2 =	seq.s32 @!p0 s5, $0x0  }
0x1f: {  	s9 =	smul.u32 $0xF7A, s1;
	s8 =	simm.s32 @!p0 $0x1BF5;
	p2 =	por !p2, p0  }
0x20: {  	[sflag:s8] =	ssyncset.s32 @!p0 $0xFFFFF086;
	s6 =	sadd.s32 @!p0 s3, s7;
	s7 =	simm.s32 @!p0 $0x108  }
0x21: {  	s3 =	sadd.s32 s3, s9;
	s6 =	sadd.s32 @!p0 $0x88, s6;
	s7 =	simm.s32 @p2 $0x1082  }
0x22: {  	[simem:s7], [sflag:s8] =	dma.local @!p0 [hbm:s6], $0xF7A  }
0x23: {  	s9 =	sor.u32 $0xD0000000, s2;
	s6 =	simm.s32 $0x108;
	_ =	swait.ge @!p0 [sflag:s8], $0x0  }
0x24: {  	s3 =	sadd.s32 $0x88, s3;
	s6 =	simm.s32 @!p1 $0x1082;
	[sflag:s4] =	ssyncset.s32 $0xFFFFF086  }
0x25: {  	[simem:s6], [sflag:s4] =	dma.local [hbm:s3], $0xF7A  }
0x26: {  	[smem:$0x3F95] =	sst s1;
	(tag) =	ssettag s2;
	_ =	strace s9  }
0x27: {  	s1 =	sld [smem:$0x3FA5]  }
0x28: {  	s2 =	sld [smem:$0x3FA6]  }
0x29: {  	s4 =	sld [smem:$0x3FA8]  }
0x2a: {  	p0 =	seq.s32 s5, $0x0;
	s5 =	sld [smem:$0x3FA9]  }
0x2b: {  	s6 =	sld [smem:$0x3FAA]  }
0x2c: {  	s7 =	sld [smem:$0x3FAB]  }
0x2d: {  	s3 =	simm.s32 $0x108;
	s8 =	sld [smem:$0x3FAC]  }
0x2e: {  	s3 =	simm.s32 @!p0 $0x1082;
	s9 =	sld [smem:$0x3FAD]  }
0x2f: {  	lr =	sadd.s32 s0, s3;
	s0 =	sld [smem:$0x3FA4]  }
0x30: {  	s3 =	sld [smem:$0x3FA7]  }
0x31: {  	[smem:$0x3FB0] =	sst s10  }
0x32: {  	s10 =	sld [smem:$0x3FAE];
	_ =	sdelay $0x3  }
0x33: {  	p0 =	seq.s32 s10, $0x1;
	s10 =	sld [smem:$0x3FB0];
	_ =	sdelay $0x3  }
0x34: {  	[smem:$0x3FB0] =	sst s10  }
0x35: {  	s10 =	sld [smem:$0x3FAF];
	_ =	sdelay $0x3  }
0x36: {  	p1 =	seq.s32 s10, $0x1;
	s10 =	sld [smem:$0x3FB0];
	_ =	sdelay $0x3  }
0x37: {  	[smem:$0x3FB0] =	sst s10  }
0x38: {  	s10 =	sld [smem:$0x3FB1]  }
0x39: {  	_ = 	snop;
	(pc) =	sbr.ind lr, $3  }
0x3a: {  	_ = 	snop  }
0x3b: {  	_ = 	snop  }
0x3c: {  	p2 =	seq.s32 s10, $0x1;
	s10 =	sld [smem:$0x3FB0]  }
0x3d: {  	_ =	shalt  }
0x3e: {  	_ =	shalt  }
0x3f: {  	_ =	shalt  }
0x40: {  	_ =	shalt  }
0x41: {  	_ =	shalt  }
0x42: {  	_ =	shalt  }
0x43: {  	_ =	shalt  }
0x44: {  	_ =	shalt  }
0x45: {  	_ =	shalt  }
0x46: {  	_ =	shalt  }
0x47: {  	_ =	shalt  }
0x48: {  	_ =	shalt  }
0x49: {  	_ =	shalt  }
0x4a: {  	_ =	shalt  }
0x4b: {  	_ =	shalt  }
0x4c: {  	_ =	shalt  }
0x4d: {  	_ =	shalt  }
0x4e: {  	_ =	shalt  }
0x4f: {  	_ =	shalt  }
0x50: {  	_ =	shalt  }
0x51: {  	_ =	shalt  }
0x52: {  	_ =	shalt  }
0x53: {  	_ =	shalt  }
0x54: {  	_ =	shalt  }
0x55: {  	_ =	shalt  }
0x56: {  	_ =	shalt  }
0x57: {  	_ =	shalt  }
0x58: {  	_ =	shalt  }
0x59: {  	_ =	shalt  }
0x5a: {  	_ =	shalt  }
0x5b: {  	_ =	shalt  }
0x5c: {  	_ =	shalt  }
0x5d: {  	_ =	shalt  }
0x5e: {  	_ =	shalt  }
0x5f: {  	_ =	shalt  }
0x60: {  	_ =	shalt  }
0x61: {  	_ =	shalt  }
0x62: {  	_ =	shalt  }
0x63: {  	_ =	shalt  }
0x64: {  	_ =	shalt  }
0x65: {  	_ =	shalt  }
0x66: {  	_ =	shalt  }
0x67: {  	_ =	shalt  }
0x68: {  	_ =	shalt  }
0x69: {  	_ =	shalt  }
0x6a: {  	_ =	shalt  }
0x6b: {  	_ =	shalt  }
0x6c: {  	_ =	shalt  }
0x6d: {  	_ =	shalt  }
0x6e: {  	_ =	shalt  }
0x6f: {  	_ =	shalt  }
0x70: {  	_ =	shalt  }
0x71: {  	_ =	shalt  }
0x72: {  	_ =	shalt  }
0x73: {  	_ =	shalt  }
0x74: {  	_ =	shalt  }
0x75: {  	_ =	shalt  }
0x76: {  	_ =	shalt  }
0x77: {  	_ =	shalt  }
0x78: {  	_ =	shalt  }
0x79: {  	_ =	shalt  }
0x7a: {  	_ =	shalt  }
0x7b: {  	_ =	shalt  }
0x7c: {  	_ =	shalt  }
0x7d: {  	_ =	shalt  }
0x7e: {  	_ =	shalt  }
0x7f: {  	_ =	shalt  }
0x80: {  	_ =	shalt  }
0x81: {  	_ =	shalt  }
0x82: {  	_ =	shalt  }
0x83: {  	_ =	shalt  }
0x84: {  	_ =	shalt  }
0x85: {  	_ =	shalt  }
0x86: {  	_ =	shalt  }
0x87: {  	_ =	shalt  }
.Lfunc_end0:
.L_simem_size_0:
called_computation_lowered:
.L_overlay_start_0:
0x88: {  	s2 =	sld [smem:$0x3FD9]  }
0x89: {  	s3 =	sld [smem:$0x3FFE];
	_ =	sdelay $0x1  }
0x8a: {  	s1 =	srdreg.scid  }
0x8b: {  	s0 =	sand.u32 $0x1, s1  }
0x8c: {  	s16 =	sshll.u32 s0, $0xA;
	s2 =	sadd.s32 s3, s2  }
0x8d: {  	s2 =	sadd.s32 s2, s16  }
0x8e: {  	[smem:$0x3FBC] =	sst s2  }
0x8f: {  	_ = 	snop  }
0x90: {  	(tm) =	ssettm $0x1  }
0x91: {  	s17 =	sld [smem:$0x3FFB];
	_ =	sdelay $0x3  }
0x92: {  	_ =	strace s17  }
0x93: {  	s2 =	sld [smem:$0x3FFC];
	_ =	sdelay $0x3  }
0x94: {  	_ =	strace s2  }
0x95: {  	s2 =	sld [smem:$0x3FFD];
	_ =	sdelay $0x3  }
0x96: {  	_ =	strace s2  }
0x97: {  	_ =	strace $0x8FFFFFFF  }
0x98: {  	s18 =	sld [smem:$0x3FDB];
	_ =	sdelay $0x1  }
0x99: {  	s19 =	simm.s32 $_scs_section_size  }
0x9a: {  	s4 =	simm.s32 $_size__tile_overlayer_lowered;
	s5 =	simm.s32 $_tile_overlayer_lowered  }
0x9b: {  	s22 =	simm.s32 $0x1BFF;
	s21 =	sshll.u32 s5, $0x1;
	s2 =	sadd.s32 s19, s18  }
0x9c: {  	s6 =	simm.s32 $0x0;
	s20 =	sshll.u32 s4, $0x1;
	s4 =	sadd.s32 s21, s2  }
0x9d: {  	[timem:s6], [sflag:s22] =	dma.local [hbm:s4], s20  }
0x9e: {  	_ =	swait.ge [sflag:s22], s20  }
0x9f: {  	s3 =	ssub.s32 $0x0, s20;
	[sflag:s22] =	ssyncset.done $0x0  }
0xa0: {  	[sflag:s22] =	ssyncadd.s32 s3;
	_ =	sdelay $0x1  }
0xa1: {  	s23 =	simm.s32 $0x1B8B  }
0xa2: {  	_ =	swait.ge [sflag:s23], $0x1  }
0xa3: {  	[sflag:s23] =	ssyncset.done $0x0  }
0xa4: {  	s25 =	simm.s32 $0x1B8E;
	s24 =	sld [smem:$0x3FFE];
	[sflag:s23] =	ssyncadd.s32 $0xFFFFFFFF  }
0xa5: {  	s26 =	simm.s32 $execute0_lowered;
	[smem:$0x3FD2] =	sst s25  }
0xa6: {  	s4 =	sshll.u32 s26, $0x1;
	_ =	strace $0x80000046;
	[dreg:$0x1] =	wrdreg $0xFFFFFFFF  }
0xa7: {  	s28 =	simm.s32 $_size_execute0_lowered;
	s2 =	sadd.s32 s2, s4;
	[dreg:$0x0] =	wrdreg $0x0  }
0xa8: {  	s4 =	sshll.u32 s28, $0x1;
	[dreg:$0x2] =	wrdreg s2  }
0xa9: {  	[dreg:$0x3] =	wrdreg s4  }
0xaa: {  	[dreg:$0x4] =	wrdreg $0xC0  }
0xab: {  	_ =	task [dreg:s6], $0x5FFFF  }
0xac: {  	[dreg:$0x1] =	wrdreg $0xFFFFFFFF  }
0xad: {  	[dreg:$0x0] =	wrdreg $0x60  }
0xae: {  	[dreg:$0x2] =	wrdreg s24  }
0xaf: {  	[dreg:$0x3] =	wrdreg $0x9  }
0xb0: {  	_ =	task.clear_ibuf [dreg:s6], $0x4FFFF;
	_ =	strace $0x90000046  }
0xb1: {  	s29 =	simm.s32 $0x9;
	_ =	strace $0x80000048  }
0xb2: {  	_ =	swait.ge [sflag:s29], $0x1  }
0xb3: {  	[sflag:s29] =	ssyncadd.s32 $0xFFFFFFFF  }
0xb4: {  	_ =	strace $0x90000048  }
0xb5: {  	_ =	sfence  }
0xb6: {  	s30 =	sld [smem:$0x0];
	_ =	sdelay $0x2  }
0xb7: {  	s31 =	sshll.u32 s1, $0xD;
	s1 =	sshrl.u32 s1, $0x2  }
0xb8: {  	s3 =	sand.u32 $0x4000, s31;
	s1 =	sadd.s32 s1, s30  }
0xb9: {  	s0 =	sor.u32 s3, s0;
	s1 =	sshll.u32 s1, $0x11  }
0xba: {  	s0 =	sor.u32 s1, s0  }
0xbb: {  	s0 =	sadd.s32 $0x8F2B, s0  }
0xbc: {  	[sflag:s0] =	ssyncadd.remote.s32 $0x1  }
0xbd: {  	_ =	sfence.sel $0xFFFF  }
0xbe: {  	[dreg:$0x0] =	wrdreg $0xFFFFFFFF;
	(pc) =	sbr.abs _section_cstart, $3  }
0xbf: {  	[dreg:$0x1] =	wrdreg $0xFFFFFFFF  }
0xc0: {  	_ =	task.clear_ibuf [dreg:s6], $0x2FFFF;
	_ =	strace $0x9FFFFFFF  }
0xc1: {  	(tm) =	ssettm $0x7FFFFFFF  }
tec
execute0_lowered:
.L_overlay_start_1:
0x0: {  	(tag) =	ssettag $0x1  }
0x1: {  	s0 =	srdreg.scid  }
0x2: {  	s2 =	stileid.u32;
	s1 =	rddreg [dreg:$0x0];
	s28 =	simm.s32 $0x15480  }
0x3: {  	s29 =	simm.s32 $0x15800;
	s31 =	simm.s32 $0x17300;
	s30 =	simm.s32 $0x0  }
0x4: {  	s0 =	sand.u32 $0x1, s0;
	s3 =	sshll.u32 s2, $0x1;
	s2 =	simm.s32 $0x0  }
0x5: {  	s4 =	sadd.s32 $0x2E200, s1;
	s6 =	sadd.s32 $0x10200, s1;
	s7 =	sor.u32 s0, s3  }
0x6: {  	[smem:$0x7FF] =	sst s2;
	s3 =	sadd.s32 $0x1200, s1;
	s5 =	smul.u32 $0x14000, s7  }
0x7: {  	s0 =	ssub.s32 $0x2, s0;
	s8 =	smul.u32 $0x280, s7;
	_ =	strace $0x80000047  }
0x8: {  	s20 =	sshrl.u32 s0, $0x1;
	s10 =	sshrl.u32 s5, $0x3;
	s5 =	smul.u32 $0x28, s7  }
0x9: {  	s0 =	ssub.s32 s0, s20;
	s9 =	sadd.s32 s8, s1;
	s7 =	smul.u32 $0xF00, s7  }
0xa: {  	s8 =	sadd.s32 s4, s8;
	s20 =	smax.u32 s0, $0x1;
	s0 =	simm.s32 $0x1  }
0xb: {  	s1 =	sadd.s32 s10, s1;
	s9 =	sadd.s32 $0x33200, s9;
	[dreg:$0x3] =	wrdreg s8  }
0xc: {  	s21 =	sor.u32 $0x1, s5;
	[dreg:$0x2] =	wrdreg s9;
	s7 =	sadd.s32 s6, s7  }
0xd: {  	s25 =	sadd.s32 $0x38200, s1;
	s26 =	sadd.s32 $0x38700, s1;
	s14 =	sadd.s32 $0x38C00, s1  }
0xe: {  	s15 =	sadd.s32 $0x39100, s1;
	s16 =	sadd.s32 $0x39600, s1;
	s17 =	sadd.s32 $0x39B00, s1  }
0xf: {  	s18 =	sadd.s32 $0x3A000, s1;
	s19 =	sadd.s32 $0x3A500, s1;
	[dreg:$0x4] =	wrdreg s7  }
.Ltmp0:
0x10: {  	s1 =	simm.s32 $0x3;
	[dreg:$0x7] =	wrdreg s25;
	(pc) =	sbr.rel .LBB2_1-.Ltmp0, $4  }
0x11: {  	v3 =	vlaneseq.u32;
	s22 =	sshll.u32 s21, $0x4;
	s10 =	smul.u32 $0x60, s21;
	[dreg:$0x8] =	wrdreg s26  }
0x12: {  	v0 =	vmul.u32 $0x81, v3;
	s25 =	simm.s32 $0x80;
	s26 =	simm.s32 $0x2;
	s23 =	sadd.s32 s4, s22  }
0x13: {  	v1 =	vimm.f32 $0.0e+00;
	s22 =	simm.s32 $0x5;
	[dreg:$0x5] =	wrdreg s23;
	s24 =	sadd.s32 s6, s10  }
0x14: {  	v3 =	vand.u32 $0x7, v3;
	v2 =	vadd.s32 $0x810, v0;
	v4 =	vadd.s32 $0x1020, v0;
	s23 =	simm.s32 $0x18B00;
	[dreg:$0x6] =	wrdreg s24;
	s24 =	simm.s32 $0x4  }
.LBB2_10:
0x15: {  	s7 =	rddreg [dreg:$0x7]  }
0x16: {  	[hbm4b:s7+s2] =	stream.linear.scatter [tilespmem:s2], [sflag:$0x5], $0x2800, $0x38;
	[tilespmem:$0x1A330] =	vst v63  }
0x17: {  	_ =	swait.ge [sflag:s22], $0x2800  }
0x18: {  	[sflag:s22] =	ssyncset.done $0x0  }
0x19: {  	s8 =	simm.s32 $0x2800;
	s21 =	rddreg [dreg:$0x8];
	[sflag:s22] =	ssyncadd.s32 $0xFFFFD800  }
0x1a: {  	[hbm4b:s21+s2] =	stream.linear.scatter [tilespmem:s8], [sflag:$0x5], $0x2800, $0x38;
	[tilespmem:$0x1A330] =	vst v63  }
0x1b: {  	_ =	swait.ge [sflag:s22], $0x2800  }
0x1c: {  	[sflag:s22] =	ssyncset.done $0x0  }
0x1d: {  	s9 =	simm.s32 $0x5000;
	[sflag:s22] =	ssyncadd.s32 $0xFFFFD800  }
0x1e: {  	[hbm4b:s14+s2] =	stream.linear.scatter [tilespmem:s9], [sflag:$0x5], $0x2800, $0x38;
	[tilespmem:$0x1A330] =	vst v63  }
0x1f: {  	_ =	swait.ge [sflag:s22], $0x2800  }
0x20: {  	[sflag:s22] =	ssyncset.done $0x0  }
0x21: {  	s10 =	simm.s32 $0x7800;
	[sflag:s22] =	ssyncadd.s32 $0xFFFFD800  }
0x22: {  	[hbm4b:s15+s2] =	stream.linear.scatter [tilespmem:s10], [sflag:$0x5], $0x2800, $0x38;
	[tilespmem:$0x1A330] =	vst v63  }
0x23: {  	_ =	swait.ge [sflag:s22], $0x2800  }
0x24: {  	[sflag:s22] =	ssyncset.done $0x0  }
0x25: {  	s11 =	simm.s32 $0xA000;
	[sflag:s22] =	ssyncadd.s32 $0xFFFFD800  }
0x26: {  	[hbm4b:s16+s2] =	stream.linear.scatter [tilespmem:s11], [sflag:$0x5], $0x2800, $0x38;
	[tilespmem:$0x1A330] =	vst v63  }
0x27: {  	_ =	swait.ge [sflag:s22], $0x2800  }
0x28: {  	[sflag:s22] =	ssyncset.done $0x0  }
0x29: {  	s12 =	simm.s32 $0xC800;
	[sflag:s22] =	ssyncadd.s32 $0xFFFFD800  }
0x2a: {  	[hbm4b:s17+s2] =	stream.linear.scatter [tilespmem:s12], [sflag:$0x5], $0x2800, $0x38;
	[tilespmem:$0x1A330] =	vst v63  }
0x2b: {  	_ =	swait.ge [sflag:s22], $0x2800  }
0x2c: {  	[sflag:s22] =	ssyncset.done $0x0  }
0x2d: {  	s13 =	simm.s32 $0xF000;
	[sflag:s22] =	ssyncadd.s32 $0xFFFFD800  }
0x2e: {  	[hbm4b:s18+s2] =	stream.linear.scatter [tilespmem:s13], [sflag:$0x5], $0x2800, $0x38;
	[tilespmem:$0x1A330] =	vst v63  }
0x2f: {  	s30 =	sadd.s32 $0x1, s30;
	_ =	swait.ge [sflag:s22], $0x2800  }
0x30: {  	p0 =	sne.s32 s30, s20;
	[sflag:s22] =	ssyncset.done $0x0  }
.Ltmp1:
0x31: {  	s21 =	simm.s32 $0x11800;
	[sflag:s22] =	ssyncadd.s32 $0xFFFFD800;
	(pc) =	sbr.rel @!p0 .LBB2_11-.Ltmp1, $4  }
0x32: {  	[hbm4b:s19+s2] =	stream.linear.scatter [tilespmem:s21], [sflag:$0x5], $0x2800, $0x38;
	[tilespmem:$0x1A330] =	vst v63  }
0x33: {  	_ =	swait.ge [sflag:s22], $0x2800  }
0x34: {  	[sflag:s22] =	ssyncset.done $0x0  }
0x35: {  	[sflag:s22] =	ssyncadd.s32 $0xFFFFD800  }
.LBB2_1:
0x36: {  	s7 =	rddreg [dreg:$0x2];
	s8 =	simm.s32 $0x14000  }
0x37: {  	[tilespmem:s8], [sflag:$0x5] =	stream.linear.gather [hbm4b:s7+s2], $0x1400, $0x38;
	[tilespmem:$0x1A330] =	vst v63  }
0x38: {  	_ =	swait.ge [sflag:s22], $0x1400  }
0x39: {  	[sflag:s22] =	ssyncset.done $0x0  }
0x3a: {  	s9 =	simm.s32 $0x15400;
	s21 =	rddreg [dreg:$0x3];
	[sflag:s22] =	ssyncadd.s32 $0xFFFFEC00  }
0x3b: {  	[tilespmem:s9], [sflag:$0x3] =	stream.linear.gather [hbm4b:s21+s2], $0x80, $0x38;
	[tilespmem:$0x1A330] =	vst v63  }
0x3c: {  	s10 =	simm.s32 $0x15500;
	s9 =	rddreg [dreg:$0x4]  }
0x3d: {  	[tilespmem:s10], [sflag:$0x3] =	stream.linear.gather [hbm4b:s9+s2], $0x300, $0x38;
	[tilespmem:$0x1A330] =	vst v63  }
0x3e: {  	s11 =	simm.s32 $0x15B00  }
0x3f: {  	[tilespmem:s11], [sflag:$0x1] =	stream.indirect.gather [hbm4b:s3+s25], $0x30, s8, s25, $0xb8;
	[tilespmem:$0x1A330] =	vst v63  }
0x40: {  	s12 =	rddreg [dreg:$0x5]  }
0x41: {  	[tilespmem:s28], [sflag:$0x4] =	stream.linear.gather [hbm4b:s12+s2], $0x80, $0x38;
	[tilespmem:$0x1A330] =	vst v63  }
0x42: {  	s13 =	rddreg [dreg:$0x6]  }
0x43: {  	[tilespmem:s29], [sflag:$0x4] =	stream.linear.gather [hbm4b:s13+s2], $0x300, $0x38;
	[tilespmem:$0x1A330] =	vst v63  }
0x44: {  	s7 =	simm.s32 $0x0;
	s21 =	simm.s32 $0x14080;
	s8 =	simm.s32 $0x400  }
0x45: {  	[tilespmem:s31], [sflag:$0x2] =	stream.indirect.gather [hbm4b:s3+s25], $0x30, s21, s25, $0xb8;
	[tilespmem:$0x1A330] =	vst v63  }
.LBB2_2:
0x46: {  	p0 =	sne.s32 s8, $0x4FC00;
	[tilespmem:s7+$0xF0] =	vst v1  }
0x47: {  	[tilespmem:s7+$0x0] =	vst v1  }
0x48: {  	[tilespmem:s7+$0x10] =	vst v1  }
0x49: {  	[tilespmem:s7+$0x20] =	vst v1  }
0x4a: {  	[tilespmem:s7+$0x30] =	vst v1  }
0x4b: {  	[tilespmem:s7+$0x40] =	vst v1  }
0x4c: {  	[tilespmem:s7+$0x50] =	vst v1  }
0x4d: {  	[tilespmem:s7+$0x60] =	vst v1  }
0x4e: {  	[tilespmem:s7+$0x70] =	vst v1  }
0x4f: {  	[tilespmem:s7+$0x80] =	vst v1  }
0x50: {  	[tilespmem:s7+$0x90] =	vst v1  }
.Ltmp2:
0x51: {  	[tilespmem:s7+$0xA0] =	vst v1;
	(pc) =	sbr.rel @p0 .LBB2_2-.Ltmp2, $4  }
0x52: {  	[tilespmem:s7+$0xB0] =	vst v1  }
0x53: {  	[tilespmem:s7+$0xC0] =	vst v1  }
0x54: {  	[tilespmem:s7+$0xD0] =	vst v1  }
0x55: {  	[tilespmem:s7+$0xE0] =	vst v1;
	s7 =	sshra.s32 s8, $0x2;
	s8 =	sadd.s32 $0x400, s8  }
0x56: {  	[tilespmem:s7+$0xF0] =	vst v1  }
0x57: {  	[tilespmem:s7+$0x0] =	vst v1  }
0x58: {  	[tilespmem:s7+$0x10] =	vst v1  }
0x59: {  	[tilespmem:s7+$0x20] =	vst v1  }
0x5a: {  	[tilespmem:s7+$0x30] =	vst v1  }
0x5b: {  	[tilespmem:s7+$0x40] =	vst v1  }
0x5c: {  	[tilespmem:s7+$0x50] =	vst v1  }
0x5d: {  	[tilespmem:s7+$0x60] =	vst v1  }
0x5e: {  	[tilespmem:s7+$0x70] =	vst v1  }
0x5f: {  	[tilespmem:s7+$0x80] =	vst v1  }
0x60: {  	[tilespmem:s7+$0x90] =	vst v1  }
0x61: {  	[tilespmem:s7+$0xA0] =	vst v1  }
0x62: {  	[tilespmem:s7+$0xB0] =	vst v1  }
0x63: {  	[tilespmem:s7+$0xC0] =	vst v1  }
0x64: {  	[tilespmem:s7+$0xD0] =	vst v1  }
0x65: {  	[tilespmem:s7+$0xE0] =	vst v1;
	s7 =	simm.s32 $0x0  }
.LBB2_4:
0x66: {  	_ =	swait.ge [sflag:s1], $0x80  }
0x67: {  	[sflag:s1] =	ssyncset.done $0x0  }
0x68: {  	[sflag:s1] =	ssyncadd.s32 $0xFFFFFF80  }
0x69: {  	_ =	swait.ge [sflag:s1], $0x300  }
0x6a: {  	[sflag:s1] =	ssyncset.done $0x0  }
0x6b: {  	[sflag:s1] =	ssyncadd.s32 $0xFFFFFD00  }
0x6c: {  	s21 =	simm.s32 $0xF;
	_ =	swait.ge [sflag:s0], $0x1800  }
0x6d: {  	s8 =	simm.s32 $0x15400;
	s9 =	simm.s32 $0x15680;
	[sflag:s0] =	ssyncset.done $0x0  }
0x6e: {  	s10 =	simm.s32 $0x15C80;
	s11 =	simm.s32 $0x19718;
	[sflag:s0] =	ssyncadd.s32 $0xFFFFE800  }
.LBB2_5:
0x6f: {  	s12 =	sadd.s32 $0xFFFFFFF1, s21  }
0x70: {  	v5 =	vld [tilespmem:s10+$0xFFFFFE80];
	v6 =	vor.u32 s12, v0;
	_ =	sdelay $0x3  }
0x71: {  	v7 =	vadd.s32 s12, v2  }
0x72: {  	[tilespmem:v6+s23+$0x0] =	vst.idx.msk $0xffff, v5;
	v5 =	vand.u32 $0x1FF8, v7  }
0x73: {  	v6 =	vld [tilespmem:s10+$0xFFFFFE90];
	v5 =	vor.u32 v3, v5;
	_ =	sdelay $0x3  }
0x74: {  	v7 =	vadd.s32 s12, v4  }
0x75: {  	[tilespmem:v5+s23+$0x0] =	vst.idx.msk $0xffff, v6;
	v5 =	vand.u32 $0x1FF8, v7  }
0x76: {  	v6 =	vld [tilespmem:s10+$0xFFFFFEA0];
	v5 =	vor.u32 v3, v5;
	_ =	sdelay $0x4  }
0x77: {  	s13 =	sadd.s32 $0xFFFFFFF2, s21;
	[tilespmem:v5+s23+$0x0] =	vst.idx.msk $0xffff, v6  }
0x78: {  	v5 =	vadd.s32 s13, v0;
	v6 =	vld [tilespmem:s10+$0xFFFFFEB0];
	_ =	sdelay $0x4  }
0x79: {  	[tilespmem:v5+s23+$0x0] =	vst.idx.msk $0xffff, v6  }
0x7a: {  	v5 =	vadd.s32 s13, v2;
	v6 =	vld [tilespmem:s10+$0xFFFFFEC0];
	_ =	sdelay $0x4  }
0x7b: {  	[tilespmem:v5+s23+$0x0] =	vst.idx.msk $0xffff, v6  }
0x7c: {  	v5 =	vadd.s32 s13, v4;
	v6 =	vld [tilespmem:s10+$0xFFFFFED0];
	_ =	sdelay $0x4  }
0x7d: {  	s13 =	sadd.s32 $0xFFFFFFF3, s21;
	[tilespmem:v5+s23+$0x0] =	vst.idx.msk $0xffff, v6  }
0x7e: {  	v5 =	vadd.s32 s13, v0;
	v6 =	vld [tilespmem:s10+$0xFFFFFEE0];
	_ =	sdelay $0x4  }
0x7f: {  	[tilespmem:v5+s23+$0x0] =	vst.idx.msk $0xffff, v6  }
0x80: {  	v5 =	vadd.s32 s13, v2;
	v6 =	vld [tilespmem:s10+$0xFFFFFEF0];
	_ =	sdelay $0x4  }
0x81: {  	[tilespmem:v5+s23+$0x0] =	vst.idx.msk $0xffff, v6  }
0x82: {  	v5 =	vadd.s32 s13, v4;
	v6 =	vld [tilespmem:s10+$0xFFFFFF00];
	_ =	sdelay $0x4  }
0x83: {  	s13 =	sadd.s32 $0xFFFFFFF4, s21;
	[tilespmem:v5+s23+$0x0] =	vst.idx.msk $0xffff, v6  }
0x84: {  	v5 =	vadd.s32 s13, v0;
	v6 =	vld [tilespmem:s10+$0xFFFFFF10];
	_ =	sdelay $0x4  }
0x85: {  	[tilespmem:v5+s23+$0x0] =	vst.idx.msk $0xffff, v6  }
0x86: {  	v5 =	vadd.s32 s13, v2;
	v6 =	vld [tilespmem:s10+$0xFFFFFF20];
	_ =	sdelay $0x4  }
0x87: {  	[tilespmem:v5+s23+$0x0] =	vst.idx.msk $0xffff, v6  }
0x88: {  	v5 =	vadd.s32 s13, v4;
	v6 =	vld [tilespmem:s10+$0xFFFFFF30];
	_ =	sdelay $0x4  }
0x89: {  	s13 =	sadd.s32 $0xFFFFFFF5, s21;
	[tilespmem:v5+s23+$0x0] =	vst.idx.msk $0xffff, v6  }
0x8a: {  	v5 =	vadd.s32 s13, v0;
	v6 =	vld [tilespmem:s10+$0xFFFFFF40];
	_ =	sdelay $0x4  }
0x8b: {  	[tilespmem:v5+s23+$0x0] =	vst.idx.msk $0xffff, v6  }
0x8c: {  	v5 =	vadd.s32 s13, v2;
	v6 =	vld [tilespmem:s10+$0xFFFFFF50];
	_ =	sdelay $0x4  }
0x8d: {  	[tilespmem:v5+s23+$0x0] =	vst.idx.msk $0xffff, v6  }
0x8e: {  	v5 =	vadd.s32 s13, v4;
	v6 =	vld [tilespmem:s10+$0xFFFFFF60];
	_ =	sdelay $0x4  }
0x8f: {  	s13 =	sadd.s32 $0xFFFFFFF6, s21;
	[tilespmem:v5+s23+$0x0] =	vst.idx.msk $0xffff, v6  }
0x90: {  	v5 =	vadd.s32 s13, v0;
	v6 =	vld [tilespmem:s10+$0xFFFFFF70];
	_ =	sdelay $0x4  }
0x91: {  	[tilespmem:v5+s23+$0x0] =	vst.idx.msk $0xffff, v6  }
0x92: {  	v5 =	vadd.s32 s13, v2;
	v6 =	vld [tilespmem:s10+$0xFFFFFF80];
	_ =	sdelay $0x4  }
0x93: {  	[tilespmem:v5+s23+$0x0] =	vst.idx.msk $0xffff, v6  }
0x94: {  	v5 =	vadd.s32 s13, v4;
	v6 =	vld [tilespmem:s10+$0xFFFFFF90];
	_ =	sdelay $0x4  }
0x95: {  	s13 =	sadd.s32 $0xFFFFFFF7, s21;
	[tilespmem:v5+s23+$0x0] =	vst.idx.msk $0xffff, v6  }
0x96: {  	v5 =	vadd.s32 s13, v0;
	v6 =	vld [tilespmem:s10+$0xFFFFFFA0];
	_ =	sdelay $0x4  }
0x97: {  	[tilespmem:v5+s23+$0x0] =	vst.idx.msk $0xffff, v6  }
0x98: {  	v5 =	vadd.s32 s13, v2;
	v6 =	vld [tilespmem:s10+$0xFFFFFFB0];
	_ =	sdelay $0x4  }
0x99: {  	[tilespmem:v5+s23+$0x0] =	vst.idx.msk $0xffff, v6  }
0x9a: {  	v5 =	vadd.s32 s13, v4;
	v6 =	vld [tilespmem:s10+$0xFFFFFFC0];
	_ =	sdelay $0x4  }
0x9b: {  	s13 =	sadd.s32 $0xFFFFFFF8, s21;
	[tilespmem:v5+s23+$0x0] =	vst.idx.msk $0xffff, v6  }
0x9c: {  	v5 =	vadd.s32 s13, v0;
	v6 =	vld [tilespmem:s10+$0xFFFFFFD0];
	_ =	sdelay $0x4  }
0x9d: {  	[tilespmem:v5+s23+$0x0] =	vst.idx.msk $0xffff, v6  }
0x9e: {  	v5 =	vadd.s32 s13, v2;
	v6 =	vld [tilespmem:s10+$0xFFFFFFE0];
	_ =	sdelay $0x4  }
0x9f: {  	[tilespmem:v5+s23+$0x0] =	vst.idx.msk $0xffff, v6  }
0xa0: {  	v5 =	vadd.s32 s13, v4;
	v6 =	vld [tilespmem:s10+$0xFFFFFFF0];
	_ =	sdelay $0x2  }
0xa1: {  	s13 =	sadd.s32 $0xFFFFFFF9, s21  }
0xa2: {  	v7 =	vadd.s32 s13, v0  }
0xa3: {  	[tilespmem:v5+s23+$0x0] =	vst.idx.msk $0xffff, v6;
	v5 =	vand.u32 $0xFF8, v7  }
0xa4: {  	v6 =	vld [tilespmem:s10+$0x0];
	v5 =	vor.u32 v3, v5;
	_ =	sdelay $0x3  }
0xa5: {  	v7 =	vadd.s32 s13, v2  }
0xa6: {  	[tilespmem:v5+s23+$0x0] =	vst.idx.msk $0xffff, v6;
	v5 =	vand.u32 $0x1FF8, v7  }
0xa7: {  	v6 =	vld [tilespmem:s10+$0x10];
	v5 =	vor.u32 v3, v5;
	_ =	sdelay $0x3  }
0xa8: {  	v7 =	vadd.s32 s13, v4  }
0xa9: {  	[tilespmem:v5+s23+$0x0] =	vst.idx.msk $0xffff, v6;
	v5 =	vand.u32 $0x1FF8, v7  }
0xaa: {  	v6 =	vld [tilespmem:s10+$0x20];
	v5 =	vor.u32 v3, v5;
	_ =	sdelay $0x4  }
0xab: {  	s13 =	sadd.s32 $0xFFFFFFFA, s21;
	[tilespmem:v5+s23+$0x0] =	vst.idx.msk $0xffff, v6  }
0xac: {  	v5 =	vadd.s32 s13, v0;
	v6 =	vld [tilespmem:s10+$0x30];
	_ =	sdelay $0x4  }
0xad: {  	[tilespmem:v5+s23+$0x0] =	vst.idx.msk $0xffff, v6  }
0xae: {  	v5 =	vadd.s32 s13, v2;
	v6 =	vld [tilespmem:s10+$0x40];
	_ =	sdelay $0x4  }
0xaf: {  	[tilespmem:v5+s23+$0x0] =	vst.idx.msk $0xffff, v6  }
0xb0: {  	v5 =	vadd.s32 s13, v4;
	v6 =	vld [tilespmem:s10+$0x50];
	_ =	sdelay $0x4  }
0xb1: {  	s13 =	sadd.s32 $0xFFFFFFFB, s21;
	[tilespmem:v5+s23+$0x0] =	vst.idx.msk $0xffff, v6  }
0xb2: {  	v5 =	vadd.s32 s13, v0;
	v6 =	vld [tilespmem:s10+$0x60];
	_ =	sdelay $0x4  }
0xb3: {  	[tilespmem:v5+s23+$0x0] =	vst.idx.msk $0xffff, v6  }
0xb4: {  	v5 =	vadd.s32 s13, v2;
	v6 =	vld [tilespmem:s10+$0x70];
	_ =	sdelay $0x4  }
0xb5: {  	[tilespmem:v5+s23+$0x0] =	vst.idx.msk $0xffff, v6  }
0xb6: {  	v5 =	vadd.s32 s13, v4;
	v6 =	vld [tilespmem:s10+$0x80];
	_ =	sdelay $0x4  }
0xb7: {  	s13 =	sadd.s32 $0xFFFFFFFC, s21;
	[tilespmem:v5+s23+$0x0] =	vst.idx.msk $0xffff, v6  }
0xb8: {  	v5 =	vadd.s32 s13, v0;
	v6 =	vld [tilespmem:s10+$0x90];
	_ =	sdelay $0x4  }
0xb9: {  	[tilespmem:v5+s23+$0x0] =	vst.idx.msk $0xffff, v6  }
0xba: {  	v5 =	vadd.s32 s13, v2;
	v6 =	vld [tilespmem:s10+$0xA0];
	_ =	sdelay $0x4  }
0xbb: {  	[tilespmem:v5+s23+$0x0] =	vst.idx.msk $0xffff, v6  }
0xbc: {  	v5 =	vadd.s32 s13, v4;
	v6 =	vld [tilespmem:s10+$0xB0];
	_ =	sdelay $0x4  }
0xbd: {  	s13 =	sadd.s32 $0xFFFFFFFD, s21;
	[tilespmem:v5+s23+$0x0] =	vst.idx.msk $0xffff, v6  }
0xbe: {  	v5 =	vadd.s32 s13, v0;
	v6 =	vld [tilespmem:s10+$0xC0];
	_ =	sdelay $0x4  }
0xbf: {  	[tilespmem:v5+s23+$0x0] =	vst.idx.msk $0xffff, v6  }
0xc0: {  	v5 =	vadd.s32 s13, v2;
	v6 =	vld [tilespmem:s10+$0xD0];
	_ =	sdelay $0x4  }
0xc1: {  	[tilespmem:v5+s23+$0x0] =	vst.idx.msk $0xffff, v6  }
0xc2: {  	v5 =	vadd.s32 s13, v4;
	v6 =	vld [tilespmem:s10+$0xE0];
	_ =	sdelay $0x4  }
0xc3: {  	s13 =	sadd.s32 $0xFFFFFFFE, s21;
	[tilespmem:v5+s23+$0x0] =	vst.idx.msk $0xffff, v6  }
0xc4: {  	v5 =	vadd.s32 s13, v0;
	v6 =	vld [tilespmem:s10+$0xF0];
	_ =	sdelay $0x4  }
0xc5: {  	[tilespmem:v5+s23+$0x0] =	vst.idx.msk $0xffff, v6  }
0xc6: {  	v5 =	vadd.s32 s13, v2;
	v6 =	vld [tilespmem:s10+$0x100];
	_ =	sdelay $0x4  }
0xc7: {  	[tilespmem:v5+s23+$0x0] =	vst.idx.msk $0xffff, v6  }
0xc8: {  	v5 =	vadd.s32 s13, v4;
	v6 =	vld [tilespmem:s10+$0x110];
	_ =	sdelay $0x4  }
0xc9: {  	s13 =	sadd.s32 $0xFFFFFFFF, s21;
	[tilespmem:v5+s23+$0x0] =	vst.idx.msk $0xffff, v6  }
0xca: {  	v5 =	vadd.s32 s13, v0;
	v6 =	vld [tilespmem:s10+$0x120];
	_ =	sdelay $0x4  }
0xcb: {  	[tilespmem:v5+s23+$0x0] =	vst.idx.msk $0xffff, v6  }
0xcc: {  	v5 =	vadd.s32 s13, v2;
	v6 =	vld [tilespmem:s10+$0x130];
	_ =	sdelay $0x4  }
0xcd: {  	[tilespmem:v5+s23+$0x0] =	vst.idx.msk $0xffff, v6  }
0xce: {  	v5 =	vadd.s32 s13, v4;
	v6 =	vld [tilespmem:s10+$0x140];
	_ =	sdelay $0x4  }
0xcf: {  	[tilespmem:v5+s23+$0x0] =	vst.idx.msk $0xffff, v6  }
0xd0: {  	v5 =	vadd.s32 s21, v0;
	v6 =	vld [tilespmem:s10+$0x150];
	_ =	sdelay $0x4  }
0xd1: {  	[tilespmem:v5+s23+$0x0] =	vst.idx.msk $0xffff, v6  }
0xd2: {  	v5 =	vadd.s32 s21, v2;
	v6 =	vld [tilespmem:s10+$0x160];
	_ =	sdelay $0x4  }
0xd3: {  	[tilespmem:v5+s23+$0x0] =	vst.idx.msk $0xffff, v6  }
0xd4: {  	v5 =	vadd.s32 s21, v4;
	v6 =	vld [tilespmem:s10+$0x170];
	_ =	sdelay $0x4  }
0xd5: {  	[tilespmem:v5+s23+$0x0] =	vst.idx.msk $0xffff, v6  }
0xd6: {  	v7 =	vld [tilespmem:s9+$0xFFFFFE80]  }
0xd7: {  	v8 =	vld [tilespmem:s9+$0xFFFFFF00]  }
0xd8: {  	v10 =	vld [tilespmem:s11+$0xFFFFF3E8]  }
0xd9: {  	v11 =	vld [tilespmem:s11+$0xFFFFF7F0]  }
0xda: {  	v9 =	vld [tilespmem:s9+$0xFFFFFF80]  }
0xdb: {  	v12 =	vld [tilespmem:s11+$0xFFFFFBF8]  }
0xdc: {  	v5 =	vld [tilespmem:s9+$0x0]  }
0xdd: {  	v13 =	vld [tilespmem:s11+$0x0]  }
0xde: {  	v6 =	vld [tilespmem:s9+$0x80];
	v14 =	vmul.f32 v10, v7;
	v11 =	vmul.f32 v11, v8  }
0xdf: {  	v15 =	vld [tilespmem:s11+$0x408]  }
0xe0: {  	v16 =	vld [tilespmem:s11+$0x810];
	v12 =	vmul.f32 v12, v9;
	v14 =	vadd.f32 v11, v14  }
0xe1: {  	v10 =	vld [tilespmem:s9+$0x100]  }
0xe2: {  	v13 =	vmul.f32 v13, v5;
	v11 =	vld [tilespmem:s8+$0x0];
	v12 =	vadd.f32 v12, v14;
	_ =	sdelay $0x1  }
0xe3: {  	v49 =	vmul.f32 v15, v6;
	v12 =	vadd.f32 v13, v12;
	_ =	sdelay $0x1  }
0xe4: {  	v50 =	vmul.f32 v16, v10;
	v12 =	vadd.f32 v49, v12;
	_ =	sdelay $0x1  }
0xe5: {  	v12 =	vadd.f32 v50, v12;
	_ =	sdelay $0x1  }
0xe6: {  	[tilespmem:v11+s2+$0x0] =	vst.idx.add.f32.msk $0xffff, v12  }
0xe7: {  	v12 =	vld [tilespmem:s11+$0xFFFFF469]  }
0xe8: {  	v51 =	vld [tilespmem:s11+$0xFFFFF871];
	_ =	sdelay $0x1  }
0xe9: {  	v52 =	vld [tilespmem:s11+$0xFFFFFC79];
	_ =	sdelay $0x1  }
0xea: {  	v53 =	vld [tilespmem:s11+$0x81]  }
0xeb: {  	v12 =	vmul.f32 v12, v7;
	v13 =	vmul.f32 v51, v8  }
0xec: {  	v54 =	vld [tilespmem:s11+$0x489]  }
0xed: {  	v55 =	vmul.f32 v52, v9;
	v12 =	vadd.f32 v13, v12  }
0xee: {  	v56 =	vld [tilespmem:s11+$0x891]  }
0xef: {  	v57 =	vmul.f32 v53, v5;
	v12 =	vadd.f32 v55, v12;
	_ =	sdelay $0x1  }
0xf0: {  	v58 =	vmul.f32 v54, v6;
	v12 =	vadd.f32 v57, v12  }
0xf1: {  	v59 =	vadd.s32 $0x2800, v11  }
0xf2: {  	v60 =	vmul.f32 v56, v10;
	v12 =	vadd.f32 v58, v12;
	_ =	sdelay $0x1  }
0xf3: {  	v12 =	vadd.f32 v60, v12;
	_ =	sdelay $0x1  }
0xf4: {  	[tilespmem:v59+s2+$0x0] =	vst.idx.add.f32.msk $0xffff, v12  }
0xf5: {  	v12 =	vld [tilespmem:s11+$0xFFFFF4EA]  }
0xf6: {  	v61 =	vld [tilespmem:s11+$0xFFFFF8F2];
	_ =	sdelay $0x1  }
0xf7: {  	v62 =	vld [tilespmem:s11+$0xFFFFFCFA];
	_ =	sdelay $0x1  }
0xf8: {  	v15 =	vld [tilespmem:s11+$0x102]  }
0xf9: {  	v12 =	vmul.f32 v12, v7;
	v13 =	vmul.f32 v61, v8  }
0xfa: {  	v63 =	vld [tilespmem:s11+$0x50A]  }
0xfb: {  	v17 =	vmul.f32 v62, v9;
	v12 =	vadd.f32 v13, v12  }
0xfc: {  	v18 =	vld [tilespmem:s11+$0x912]  }
0xfd: {  	v19 =	vmul.f32 v15, v5;
	v12 =	vadd.f32 v17, v12;
	_ =	sdelay $0x1  }
0xfe: {  	v20 =	vmul.f32 v63, v6;
	v12 =	vadd.f32 v19, v12  }
0xff: {  	v21 =	vadd.s32 $0x5000, v11  }
0x100: {  	v22 =	vmul.f32 v18, v10;
	v12 =	vadd.f32 v20, v12;
	_ =	sdelay $0x1  }
0x101: {  	v12 =	vadd.f32 v22, v12;
	_ =	sdelay $0x1  }
0x102: {  	[tilespmem:v21+s2+$0x0] =	vst.idx.add.f32.msk $0xffff, v12  }
0x103: {  	v12 =	vld [tilespmem:s11+$0xFFFFF56B]  }
0x104: {  	v23 =	vld [tilespmem:s11+$0xFFFFF973];
	_ =	sdelay $0x1  }
0x105: {  	v24 =	vld [tilespmem:s11+$0xFFFFFD7B];
	_ =	sdelay $0x1  }
0x106: {  	v15 =	vld [tilespmem:s11+$0x183]  }
0x107: {  	v12 =	vmul.f32 v12, v7;
	v13 =	vmul.f32 v23, v8  }
0x108: {  	v25 =	vld [tilespmem:s11+$0x58B]  }
0x109: {  	v26 =	vmul.f32 v24, v9;
	v12 =	vadd.f32 v13, v12  }
0x10a: {  	v27 =	vld [tilespmem:s11+$0x993]  }
0x10b: {  	v28 =	vmul.f32 v15, v5;
	v12 =	vadd.f32 v26, v12;
	_ =	sdelay $0x1  }
0x10c: {  	v29 =	vmul.f32 v25, v6;
	v12 =	vadd.f32 v28, v12  }
0x10d: {  	v30 =	vadd.s32 $0x7800, v11  }
0x10e: {  	v31 =	vmul.f32 v27, v10;
	v12 =	vadd.f32 v29, v12;
	_ =	sdelay $0x1  }
0x10f: {  	v12 =	vadd.f32 v31, v12;
	_ =	sdelay $0x1  }
0x110: {  	[tilespmem:v30+s2+$0x0] =	vst.idx.add.f32.msk $0xffff, v12  }
0x111: {  	v12 =	vld [tilespmem:s11+$0xFFFFF5EC]  }
0x112: {  	v32 =	vld [tilespmem:s11+$0xFFFFF9F4];
	_ =	sdelay $0x1  }
0x113: {  	v33 =	vld [tilespmem:s11+$0xFFFFFDFC];
	_ =	sdelay $0x1  }
0x114: {  	v15 =	vld [tilespmem:s11+$0x204]  }
0x115: {  	v12 =	vmul.f32 v12, v7;
	v13 =	vmul.f32 v32, v8  }
0x116: {  	v34 =	vld [tilespmem:s11+$0x60C]  }
0x117: {  	v35 =	vmul.f32 v33, v9;
	v12 =	vadd.f32 v13, v12  }
0x118: {  	v36 =	vld [tilespmem:s11+$0xA14]  }
0x119: {  	v37 =	vmul.f32 v15, v5;
	v12 =	vadd.f32 v35, v12;
	_ =	sdelay $0x1  }
0x11a: {  	v38 =	vmul.f32 v34, v6;
	v12 =	vadd.f32 v37, v12  }
0x11b: {  	v39 =	vadd.s32 $0xA000, v11  }
0x11c: {  	v40 =	vmul.f32 v36, v10;
	v12 =	vadd.f32 v38, v12;
	_ =	sdelay $0x1  }
0x11d: {  	v12 =	vadd.f32 v40, v12;
	_ =	sdelay $0x1  }
0x11e: {  	[tilespmem:v39+s2+$0x0] =	vst.idx.add.f32.msk $0xffff, v12  }
0x11f: {  	v12 =	vld [tilespmem:s11+$0xFFFFF66D]  }
0x120: {  	v41 =	vld [tilespmem:s11+$0xFFFFFA75];
	_ =	sdelay $0x1  }
0x121: {  	v42 =	vld [tilespmem:s11+$0xFFFFFE7D];
	_ =	sdelay $0x1  }
0x122: {  	v15 =	vld [tilespmem:s11+$0x285]  }
0x123: {  	v12 =	vmul.f32 v12, v7;
	v13 =	vmul.f32 v41, v8  }
0x124: {  	v43 =	vld [tilespmem:s11+$0x68D]  }
0x125: {  	v44 =	vmul.f32 v42, v9;
	v12 =	vadd.f32 v13, v12  }
0x126: {  	v45 =	vld [tilespmem:s11+$0xA95]  }
0x127: {  	v46 =	vmul.f32 v15, v5;
	v12 =	vadd.f32 v44, v12;
	_ =	sdelay $0x1  }
0x128: {  	v47 =	vmul.f32 v43, v6;
	v12 =	vadd.f32 v46, v12  }
0x129: {  	v48 =	vadd.s32 $0xC800, v11  }
0x12a: {  	v49 =	vmul.f32 v45, v10;
	v12 =	vadd.f32 v47, v12;
	_ =	sdelay $0x1  }
0x12b: {  	v12 =	vadd.f32 v49, v12;
	_ =	sdelay $0x1  }
0x12c: {  	[tilespmem:v48+s2+$0x0] =	vst.idx.add.f32.msk $0xffff, v12  }
0x12d: {  	v12 =	vld [tilespmem:s11+$0xFFFFF6EE]  }
0x12e: {  	v50 =	vld [tilespmem:s11+$0xFFFFFAF6];
	_ =	sdelay $0x1  }
0x12f: {  	v51 =	vld [tilespmem:s11+$0xFFFFFEFE];
	_ =	sdelay $0x1  }
0x130: {  	v15 =	vld [tilespmem:s11+$0x306]  }
0x131: {  	v12 =	vmul.f32 v12, v7;
	v13 =	vmul.f32 v50, v8  }
0x132: {  	v52 =	vld [tilespmem:s11+$0x70E]  }
0x133: {  	v53 =	vmul.f32 v51, v9;
	v12 =	vadd.f32 v13, v12  }
0x134: {  	v54 =	vld [tilespmem:s11+$0xB16]  }
0x135: {  	v55 =	vmul.f32 v15, v5;
	v12 =	vadd.f32 v53, v12;
	_ =	sdelay $0x1  }
0x136: {  	v56 =	vmul.f32 v52, v6;
	v12 =	vadd.f32 v55, v12  }
0x137: {  	v57 =	vadd.s32 $0xF000, v11  }
0x138: {  	v58 =	vmul.f32 v54, v10;
	v12 =	vadd.f32 v56, v12;
	_ =	sdelay $0x1  }
0x139: {  	v12 =	vadd.f32 v58, v12;
	_ =	sdelay $0x1  }
0x13a: {  	[tilespmem:v57+s2+$0x0] =	vst.idx.add.f32.msk $0xffff, v12  }
0x13b: {  	v12 =	vld [tilespmem:s11+$0xFFFFF76F]  }
0x13c: {  	v59 =	vld [tilespmem:s11+$0xFFFFFB77];
	_ =	sdelay $0x1  }
0x13d: {  	v60 =	vld [tilespmem:s11+$0xFFFFFF7F];
	_ =	sdelay $0x1  }
0x13e: {  	v15 =	vld [tilespmem:s11+$0x387]  }
0x13f: {  	v7 =	vmul.f32 v12, v7;
	v8 =	vmul.f32 v59, v8  }
0x140: {  	v61 =	vld [tilespmem:s11+$0x78F]  }
0x141: {  	v62 =	vmul.f32 v60, v9;
	v7 =	vadd.f32 v8, v7  }
0x142: {  	v63 =	vld [tilespmem:s11+$0xB97]  }
0x143: {  	v5 =	vmul.f32 v15, v5;
	v7 =	vadd.f32 v62, v7;
	_ =	sdelay $0x1  }
0x144: {  	v6 =	vmul.f32 v61, v6;
	v5 =	vadd.f32 v5, v7  }
0x145: {  	p0 =	sne.s32 s21, $0x7F;
	v7 =	vadd.s32 $0x11800, v11  }
.Ltmp3:
0x146: {  	v5 =	vadd.f32 v6, v5;
	v6 =	vmul.f32 v63, v10;
	(pc) =	sbr.rel @p0 .LBB2_5-.Ltmp3, $4  }
0x147: {  	_ = 	snop  }
0x148: {  	v5 =	vadd.f32 v6, v5  }
0x149: {  	s21 =	sadd.s32 $0x10, s21;
	s10 =	sadd.s32 $0x300, s10  }
0x14a: {  	s9 =	sadd.s32 $0x10, s9;
	s8 =	sadd.s32 $0x10, s8;
	s11 =	sadd.s32 $0x10, s11;
	[tilespmem:v7+s2+$0x0] =	vst.idx.add.f32.msk $0xffff, v5  }
0x14b: {  	s21 =	sshll.u32 s7, $0x1;
	p0 =	seq.s32 s7, $0x13  }
0x14c: {  	s8 =	sadd.s32 @!p0 $0x2, s21  }
0x14d: {  	s9 =	sadd.s32 @!p0 s5, s8  }
0x14e: {  	s10 =	sshll.u32 @!p0 s9, $0x4  }
0x14f: {  	s11 =	simm.s32 @!p0 $0x0;
	s12 =	simm.s32 @!p0 $0x15400;
	s10 =	sand.u32 @!p0 $0x1FFFFFE0, s10  }
0x150: {  	s8 =	sshll.u32 @!p0 s8, $0x7;
	s9 =	smul.u32 @!p0 $0x60, s9;
	s10 =	sadd.s32 @!p0 s4, s10  }
0x151: {  	[tilespmem:s12], [sflag:$0x3] =	stream.linear.gather @!p0 [hbm4b:s10+s11], $0x80, $0x38;
	[tilespmem:$0x1A330] =	vst v63  }
0x152: {  	s8 =	sand.u32 @!p0 $0x3FFFFF80, s8;
	s9 =	sadd.s32 @!p0 s6, s9;
	s10 =	simm.s32 @!p0 $0x15500  }
0x153: {  	[tilespmem:s10], [sflag:$0x3] =	stream.linear.gather @!p0 [hbm4b:s9+s11], $0x300, $0x38;
	[tilespmem:$0x1A330] =	vst v63  }
0x154: {  	s8 =	sadd.s32 @!p0 $0x14000, s8;
	s9 =	simm.s32 @!p0 $0x80;
	s10 =	simm.s32 @!p0 $0x15B00  }
0x155: {  	[tilespmem:s10], [sflag:$0x1] =	stream.indirect.gather @!p0 [hbm4b:s3+s9], $0x30, s8, s9, $0xb8;
	[tilespmem:$0x1A330] =	vst v63  }
0x156: {  	_ =	swait.ge [sflag:s24], $0x80  }
0x157: {  	[sflag:s24] =	ssyncset.done $0x0  }
0x158: {  	[sflag:s24] =	ssyncadd.s32 $0xFFFFFF80  }
0x159: {  	_ =	swait.ge [sflag:s24], $0x300  }
0x15a: {  	[sflag:s24] =	ssyncset.done $0x0  }
0x15b: {  	[sflag:s24] =	ssyncadd.s32 $0xFFFFFD00  }
0x15c: {  	s12 =	simm.s32 $0x19718;
	_ =	swait.ge [sflag:s26], $0x1800  }
0x15d: {  	s11 =	simm.s32 $0x17480;
	s8 =	simm.s32 $0xF;
	[sflag:s26] =	ssyncset.done $0x0  }
0x15e: {  	s9 =	simm.s32 $0x15480;
	s10 =	simm.s32 $0x15980;
	[sflag:s26] =	ssyncadd.s32 $0xFFFFE800  }
.LBB2_7:
0x15f: {  	s13 =	sadd.s32 $0xFFFFFFF1, s8  }
0x160: {  	v5 =	vld [tilespmem:s11+$0xFFFFFE80];
	v6 =	vor.u32 s13, v0;
	_ =	sdelay $0x3  }
0x161: {  	v7 =	vadd.s32 s13, v2  }
0x162: {  	[tilespmem:v6+s23+$0x0] =	vst.idx.msk $0xffff, v5;
	v5 =	vand.u32 $0x1FF8, v7  }
0x163: {  	v6 =	vld [tilespmem:s11+$0xFFFFFE90];
	v5 =	vor.u32 v3, v5;
	_ =	sdelay $0x3  }
0x164: {  	v7 =	vadd.s32 s13, v4  }
0x165: {  	[tilespmem:v5+s23+$0x0] =	vst.idx.msk $0xffff, v6;
	v5 =	vand.u32 $0x1FF8, v7  }
0x166: {  	v6 =	vld [tilespmem:s11+$0xFFFFFEA0];
	v5 =	vor.u32 v3, v5;
	_ =	sdelay $0x4  }
0x167: {  	s13 =	sadd.s32 $0xFFFFFFF2, s8;
	[tilespmem:v5+s23+$0x0] =	vst.idx.msk $0xffff, v6  }
0x168: {  	v5 =	vadd.s32 s13, v0;
	v6 =	vld [tilespmem:s11+$0xFFFFFEB0];
	_ =	sdelay $0x4  }
0x169: {  	[tilespmem:v5+s23+$0x0] =	vst.idx.msk $0xffff, v6  }
0x16a: {  	v5 =	vadd.s32 s13, v2;
	v6 =	vld [tilespmem:s11+$0xFFFFFEC0];
	_ =	sdelay $0x4  }
0x16b: {  	[tilespmem:v5+s23+$0x0] =	vst.idx.msk $0xffff, v6  }
0x16c: {  	v5 =	vadd.s32 s13, v4;
	v6 =	vld [tilespmem:s11+$0xFFFFFED0];
	_ =	sdelay $0x4  }
0x16d: {  	s13 =	sadd.s32 $0xFFFFFFF3, s8;
	[tilespmem:v5+s23+$0x0] =	vst.idx.msk $0xffff, v6  }
0x16e: {  	v5 =	vadd.s32 s13, v0;
	v6 =	vld [tilespmem:s11+$0xFFFFFEE0];
	_ =	sdelay $0x4  }
0x16f: {  	[tilespmem:v5+s23+$0x0] =	vst.idx.msk $0xffff, v6  }
0x170: {  	v5 =	vadd.s32 s13, v2;
	v6 =	vld [tilespmem:s11+$0xFFFFFEF0];
	_ =	sdelay $0x4  }
0x171: {  	[tilespmem:v5+s23+$0x0] =	vst.idx.msk $0xffff, v6  }
0x172: {  	v5 =	vadd.s32 s13, v4;
	v6 =	vld [tilespmem:s11+$0xFFFFFF00];
	_ =	sdelay $0x4  }
0x173: {  	s13 =	sadd.s32 $0xFFFFFFF4, s8;
	[tilespmem:v5+s23+$0x0] =	vst.idx.msk $0xffff, v6  }
0x174: {  	v5 =	vadd.s32 s13, v0;
	v6 =	vld [tilespmem:s11+$0xFFFFFF10];
	_ =	sdelay $0x4  }
0x175: {  	[tilespmem:v5+s23+$0x0] =	vst.idx.msk $0xffff, v6  }
0x176: {  	v5 =	vadd.s32 s13, v2;
	v6 =	vld [tilespmem:s11+$0xFFFFFF20];
	_ =	sdelay $0x4  }
0x177: {  	[tilespmem:v5+s23+$0x0] =	vst.idx.msk $0xffff, v6  }
0x178: {  	v5 =	vadd.s32 s13, v4;
	v6 =	vld [tilespmem:s11+$0xFFFFFF30];
	_ =	sdelay $0x4  }
0x179: {  	s13 =	sadd.s32 $0xFFFFFFF5, s8;
	[tilespmem:v5+s23+$0x0] =	vst.idx.msk $0xffff, v6  }
0x17a: {  	v5 =	vadd.s32 s13, v0;
	v6 =	vld [tilespmem:s11+$0xFFFFFF40];
	_ =	sdelay $0x4  }
0x17b: {  	[tilespmem:v5+s23+$0x0] =	vst.idx.msk $0xffff, v6  }
0x17c: {  	v5 =	vadd.s32 s13, v2;
	v6 =	vld [tilespmem:s11+$0xFFFFFF50];
	_ =	sdelay $0x4  }
0x17d: {  	[tilespmem:v5+s23+$0x0] =	vst.idx.msk $0xffff, v6  }
0x17e: {  	v5 =	vadd.s32 s13, v4;
	v6 =	vld [tilespmem:s11+$0xFFFFFF60];
	_ =	sdelay $0x4  }
0x17f: {  	s13 =	sadd.s32 $0xFFFFFFF6, s8;
	[tilespmem:v5+s23+$0x0] =	vst.idx.msk $0xffff, v6  }
0x180: {  	v5 =	vadd.s32 s13, v0;
	v6 =	vld [tilespmem:s11+$0xFFFFFF70];
	_ =	sdelay $0x4  }
0x181: {  	[tilespmem:v5+s23+$0x0] =	vst.idx.msk $0xffff, v6  }
0x182: {  	v5 =	vadd.s32 s13, v2;
	v6 =	vld [tilespmem:s11+$0xFFFFFF80];
	_ =	sdelay $0x4  }
0x183: {  	[tilespmem:v5+s23+$0x0] =	vst.idx.msk $0xffff, v6  }
0x184: {  	v5 =	vadd.s32 s13, v4;
	v6 =	vld [tilespmem:s11+$0xFFFFFF90];
	_ =	sdelay $0x4  }
0x185: {  	s13 =	sadd.s32 $0xFFFFFFF7, s8;
	[tilespmem:v5+s23+$0x0] =	vst.idx.msk $0xffff, v6  }
0x186: {  	v5 =	vadd.s32 s13, v0;
	v6 =	vld [tilespmem:s11+$0xFFFFFFA0];
	_ =	sdelay $0x4  }
0x187: {  	[tilespmem:v5+s23+$0x0] =	vst.idx.msk $0xffff, v6  }
0x188: {  	v5 =	vadd.s32 s13, v2;
	v6 =	vld [tilespmem:s11+$0xFFFFFFB0];
	_ =	sdelay $0x4  }
0x189: {  	[tilespmem:v5+s23+$0x0] =	vst.idx.msk $0xffff, v6  }
0x18a: {  	v5 =	vadd.s32 s13, v4;
	v6 =	vld [tilespmem:s11+$0xFFFFFFC0];
	_ =	sdelay $0x4  }
0x18b: {  	s13 =	sadd.s32 $0xFFFFFFF8, s8;
	[tilespmem:v5+s23+$0x0] =	vst.idx.msk $0xffff, v6  }
0x18c: {  	v5 =	vadd.s32 s13, v0;
	v6 =	vld [tilespmem:s11+$0xFFFFFFD0];
	_ =	sdelay $0x4  }
0x18d: {  	[tilespmem:v5+s23+$0x0] =	vst.idx.msk $0xffff, v6  }
0x18e: {  	v5 =	vadd.s32 s13, v2;
	v6 =	vld [tilespmem:s11+$0xFFFFFFE0];
	_ =	sdelay $0x4  }
0x18f: {  	[tilespmem:v5+s23+$0x0] =	vst.idx.msk $0xffff, v6  }
0x190: {  	v5 =	vadd.s32 s13, v4;
	v6 =	vld [tilespmem:s11+$0xFFFFFFF0];
	_ =	sdelay $0x2  }
0x191: {  	s13 =	sadd.s32 $0xFFFFFFF9, s8  }
0x192: {  	v7 =	vadd.s32 s13, v0  }
0x193: {  	[tilespmem:v5+s23+$0x0] =	vst.idx.msk $0xffff, v6;
	v5 =	vand.u32 $0xFF8, v7  }
0x194: {  	v6 =	vld [tilespmem:s11+$0x0];
	v5 =	vor.u32 v3, v5;
	_ =	sdelay $0x3  }
0x195: {  	v7 =	vadd.s32 s13, v2  }
0x196: {  	[tilespmem:v5+s23+$0x0] =	vst.idx.msk $0xffff, v6;
	v5 =	vand.u32 $0x1FF8, v7  }
0x197: {  	v6 =	vld [tilespmem:s11+$0x10];
	v5 =	vor.u32 v3, v5;
	_ =	sdelay $0x3  }
0x198: {  	v7 =	vadd.s32 s13, v4  }
0x199: {  	[tilespmem:v5+s23+$0x0] =	vst.idx.msk $0xffff, v6;
	v5 =	vand.u32 $0x1FF8, v7  }
0x19a: {  	v6 =	vld [tilespmem:s11+$0x20];
	v5 =	vor.u32 v3, v5;
	_ =	sdelay $0x4  }
0x19b: {  	s13 =	sadd.s32 $0xFFFFFFFA, s8;
	[tilespmem:v5+s23+$0x0] =	vst.idx.msk $0xffff, v6  }
0x19c: {  	v5 =	vadd.s32 s13, v0;
	v6 =	vld [tilespmem:s11+$0x30];
	_ =	sdelay $0x4  }
0x19d: {  	[tilespmem:v5+s23+$0x0] =	vst.idx.msk $0xffff, v6  }
0x19e: {  	v5 =	vadd.s32 s13, v2;
	v6 =	vld [tilespmem:s11+$0x40];
	_ =	sdelay $0x4  }
0x19f: {  	[tilespmem:v5+s23+$0x0] =	vst.idx.msk $0xffff, v6  }
0x1a0: {  	v5 =	vadd.s32 s13, v4;
	v6 =	vld [tilespmem:s11+$0x50];
	_ =	sdelay $0x4  }
0x1a1: {  	s13 =	sadd.s32 $0xFFFFFFFB, s8;
	[tilespmem:v5+s23+$0x0] =	vst.idx.msk $0xffff, v6  }
0x1a2: {  	v5 =	vadd.s32 s13, v0;
	v6 =	vld [tilespmem:s11+$0x60];
	_ =	sdelay $0x4  }
0x1a3: {  	[tilespmem:v5+s23+$0x0] =	vst.idx.msk $0xffff, v6  }
0x1a4: {  	v5 =	vadd.s32 s13, v2;
	v6 =	vld [tilespmem:s11+$0x70];
	_ =	sdelay $0x4  }
0x1a5: {  	[tilespmem:v5+s23+$0x0] =	vst.idx.msk $0xffff, v6  }
0x1a6: {  	v5 =	vadd.s32 s13, v4;
	v6 =	vld [tilespmem:s11+$0x80];
	_ =	sdelay $0x4  }
0x1a7: {  	s13 =	sadd.s32 $0xFFFFFFFC, s8;
	[tilespmem:v5+s23+$0x0] =	vst.idx.msk $0xffff, v6  }
0x1a8: {  	v5 =	vadd.s32 s13, v0;
	v6 =	vld [tilespmem:s11+$0x90];
	_ =	sdelay $0x4  }
0x1a9: {  	[tilespmem:v5+s23+$0x0] =	vst.idx.msk $0xffff, v6  }
0x1aa: {  	v5 =	vadd.s32 s13, v2;
	v6 =	vld [tilespmem:s11+$0xA0];
	_ =	sdelay $0x4  }
0x1ab: {  	[tilespmem:v5+s23+$0x0] =	vst.idx.msk $0xffff, v6  }
0x1ac: {  	v5 =	vadd.s32 s13, v4;
	v6 =	vld [tilespmem:s11+$0xB0];
	_ =	sdelay $0x4  }
0x1ad: {  	s13 =	sadd.s32 $0xFFFFFFFD, s8;
	[tilespmem:v5+s23+$0x0] =	vst.idx.msk $0xffff, v6  }
0x1ae: {  	v5 =	vadd.s32 s13, v0;
	v6 =	vld [tilespmem:s11+$0xC0];
	_ =	sdelay $0x4  }
0x1af: {  	[tilespmem:v5+s23+$0x0] =	vst.idx.msk $0xffff, v6  }
0x1b0: {  	v5 =	vadd.s32 s13, v2;
	v6 =	vld [tilespmem:s11+$0xD0];
	_ =	sdelay $0x4  }
0x1b1: {  	[tilespmem:v5+s23+$0x0] =	vst.idx.msk $0xffff, v6  }
0x1b2: {  	v5 =	vadd.s32 s13, v4;
	v6 =	vld [tilespmem:s11+$0xE0];
	_ =	sdelay $0x4  }
0x1b3: {  	s13 =	sadd.s32 $0xFFFFFFFE, s8;
	[tilespmem:v5+s23+$0x0] =	vst.idx.msk $0xffff, v6  }
0x1b4: {  	v5 =	vadd.s32 s13, v0;
	v6 =	vld [tilespmem:s11+$0xF0];
	_ =	sdelay $0x4  }
0x1b5: {  	[tilespmem:v5+s23+$0x0] =	vst.idx.msk $0xffff, v6  }
0x1b6: {  	v5 =	vadd.s32 s13, v2;
	v6 =	vld [tilespmem:s11+$0x100];
	_ =	sdelay $0x4  }
0x1b7: {  	[tilespmem:v5+s23+$0x0] =	vst.idx.msk $0xffff, v6  }
0x1b8: {  	v5 =	vadd.s32 s13, v4;
	v6 =	vld [tilespmem:s11+$0x110];
	_ =	sdelay $0x4  }
0x1b9: {  	s13 =	sadd.s32 $0xFFFFFFFF, s8;
	[tilespmem:v5+s23+$0x0] =	vst.idx.msk $0xffff, v6  }
0x1ba: {  	v5 =	vadd.s32 s13, v0;
	v6 =	vld [tilespmem:s11+$0x120];
	_ =	sdelay $0x4  }
0x1bb: {  	[tilespmem:v5+s23+$0x0] =	vst.idx.msk $0xffff, v6  }
0x1bc: {  	v5 =	vadd.s32 s13, v2;
	v6 =	vld [tilespmem:s11+$0x130];
	_ =	sdelay $0x4  }
0x1bd: {  	[tilespmem:v5+s23+$0x0] =	vst.idx.msk $0xffff, v6  }
0x1be: {  	v5 =	vadd.s32 s13, v4;
	v6 =	vld [tilespmem:s11+$0x140];
	_ =	sdelay $0x4  }
0x1bf: {  	[tilespmem:v5+s23+$0x0] =	vst.idx.msk $0xffff, v6  }
0x1c0: {  	v5 =	vadd.s32 s8, v0;
	v6 =	vld [tilespmem:s11+$0x150];
	_ =	sdelay $0x4  }
0x1c1: {  	[tilespmem:v5+s23+$0x0] =	vst.idx.msk $0xffff, v6  }
0x1c2: {  	v5 =	vadd.s32 s8, v2;
	v6 =	vld [tilespmem:s11+$0x160];
	_ =	sdelay $0x4  }
0x1c3: {  	[tilespmem:v5+s23+$0x0] =	vst.idx.msk $0xffff, v6  }
0x1c4: {  	v5 =	vadd.s32 s8, v4;
	v6 =	vld [tilespmem:s11+$0x170];
	_ =	sdelay $0x4  }
0x1c5: {  	[tilespmem:v5+s23+$0x0] =	vst.idx.msk $0xffff, v6  }
0x1c6: {  	v7 =	vld [tilespmem:s10+$0xFFFFFE80]  }
0x1c7: {  	v8 =	vld [tilespmem:s10+$0xFFFFFF00]  }
0x1c8: {  	v10 =	vld [tilespmem:s12+$0xFFFFF3E8]  }
0x1c9: {  	v11 =	vld [tilespmem:s12+$0xFFFFF7F0]  }
0x1ca: {  	v9 =	vld [tilespmem:s10+$0xFFFFFF80]  }
0x1cb: {  	v12 =	vld [tilespmem:s12+$0xFFFFFBF8]  }
0x1cc: {  	v5 =	vld [tilespmem:s10+$0x0]  }
0x1cd: {  	v13 =	vld [tilespmem:s12+$0x0]  }
0x1ce: {  	v6 =	vld [tilespmem:s10+$0x80];
	v14 =	vmul.f32 v10, v7;
	v11 =	vmul.f32 v11, v8  }
0x1cf: {  	v15 =	vld [tilespmem:s12+$0x408]  }
0x1d0: {  	v16 =	vld [tilespmem:s12+$0x810];
	v12 =	vmul.f32 v12, v9;
	v14 =	vadd.f32 v11, v14  }
0x1d1: {  	v10 =	vld [tilespmem:s10+$0x100]  }
0x1d2: {  	v13 =	vmul.f32 v13, v5;
	v11 =	vld [tilespmem:s9+$0x0];
	v12 =	vadd.f32 v12, v14;
	_ =	sdelay $0x1  }
0x1d3: {  	v49 =	vmul.f32 v15, v6;
	v12 =	vadd.f32 v13, v12;
	_ =	sdelay $0x1  }
0x1d4: {  	v50 =	vmul.f32 v16, v10;
	v12 =	vadd.f32 v49, v12;
	_ =	sdelay $0x1  }
0x1d5: {  	v12 =	vadd.f32 v50, v12;
	_ =	sdelay $0x1  }
0x1d6: {  	[tilespmem:v11+s2+$0x0] =	vst.idx.add.f32.msk $0xffff, v12  }
0x1d7: {  	v12 =	vld [tilespmem:s12+$0xFFFFF469]  }
0x1d8: {  	v51 =	vld [tilespmem:s12+$0xFFFFF871];
	_ =	sdelay $0x1  }
0x1d9: {  	v52 =	vld [tilespmem:s12+$0xFFFFFC79];
	_ =	sdelay $0x1  }
0x1da: {  	v53 =	vld [tilespmem:s12+$0x81]  }
0x1db: {  	v12 =	vmul.f32 v12, v7;
	v13 =	vmul.f32 v51, v8  }
0x1dc: {  	v54 =	vld [tilespmem:s12+$0x489]  }
0x1dd: {  	v55 =	vmul.f32 v52, v9;
	v12 =	vadd.f32 v13, v12  }
0x1de: {  	v56 =	vld [tilespmem:s12+$0x891]  }
0x1df: {  	v57 =	vmul.f32 v53, v5;
	v12 =	vadd.f32 v55, v12;
	_ =	sdelay $0x1  }
0x1e0: {  	v58 =	vmul.f32 v54, v6;
	v12 =	vadd.f32 v57, v12  }
0x1e1: {  	v59 =	vadd.s32 $0x2800, v11  }
0x1e2: {  	v60 =	vmul.f32 v56, v10;
	v12 =	vadd.f32 v58, v12;
	_ =	sdelay $0x1  }
0x1e3: {  	v12 =	vadd.f32 v60, v12;
	_ =	sdelay $0x1  }
0x1e4: {  	[tilespmem:v59+s2+$0x0] =	vst.idx.add.f32.msk $0xffff, v12  }
0x1e5: {  	v12 =	vld [tilespmem:s12+$0xFFFFF4EA]  }
0x1e6: {  	v61 =	vld [tilespmem:s12+$0xFFFFF8F2];
	_ =	sdelay $0x1  }
0x1e7: {  	v62 =	vld [tilespmem:s12+$0xFFFFFCFA];
	_ =	sdelay $0x1  }
0x1e8: {  	v15 =	vld [tilespmem:s12+$0x102]  }
0x1e9: {  	v12 =	vmul.f32 v12, v7;
	v13 =	vmul.f32 v61, v8  }
0x1ea: {  	v63 =	vld [tilespmem:s12+$0x50A]  }
0x1eb: {  	v17 =	vmul.f32 v62, v9;
	v12 =	vadd.f32 v13, v12  }
0x1ec: {  	v18 =	vld [tilespmem:s12+$0x912]  }
0x1ed: {  	v19 =	vmul.f32 v15, v5;
	v12 =	vadd.f32 v17, v12;
	_ =	sdelay $0x1  }
0x1ee: {  	v20 =	vmul.f32 v63, v6;
	v12 =	vadd.f32 v19, v12  }
0x1ef: {  	v21 =	vadd.s32 $0x5000, v11  }
0x1f0: {  	v22 =	vmul.f32 v18, v10;
	v12 =	vadd.f32 v20, v12;
	_ =	sdelay $0x1  }
0x1f1: {  	v12 =	vadd.f32 v22, v12;
	_ =	sdelay $0x1  }
0x1f2: {  	[tilespmem:v21+s2+$0x0] =	vst.idx.add.f32.msk $0xffff, v12  }
0x1f3: {  	v12 =	vld [tilespmem:s12+$0xFFFFF56B]  }
0x1f4: {  	v23 =	vld [tilespmem:s12+$0xFFFFF973];
	_ =	sdelay $0x1  }
0x1f5: {  	v24 =	vld [tilespmem:s12+$0xFFFFFD7B];
	_ =	sdelay $0x1  }
0x1f6: {  	v15 =	vld [tilespmem:s12+$0x183]  }
0x1f7: {  	v12 =	vmul.f32 v12, v7;
	v13 =	vmul.f32 v23, v8  }
0x1f8: {  	v25 =	vld [tilespmem:s12+$0x58B]  }
0x1f9: {  	v26 =	vmul.f32 v24, v9;
	v12 =	vadd.f32 v13, v12  }
0x1fa: {  	v27 =	vld [tilespmem:s12+$0x993]  }
0x1fb: {  	v28 =	vmul.f32 v15, v5;
	v12 =	vadd.f32 v26, v12;
	_ =	sdelay $0x1  }
0x1fc: {  	v29 =	vmul.f32 v25, v6;
	v12 =	vadd.f32 v28, v12  }
0x1fd: {  	v30 =	vadd.s32 $0x7800, v11  }
0x1fe: {  	v31 =	vmul.f32 v27, v10;
	v12 =	vadd.f32 v29, v12;
	_ =	sdelay $0x1  }
0x1ff: {  	v12 =	vadd.f32 v31, v12;
	_ =	sdelay $0x1  }
0x200: {  	[tilespmem:v30+s2+$0x0] =	vst.idx.add.f32.msk $0xffff, v12  }
0x201: {  	v12 =	vld [tilespmem:s12+$0xFFFFF5EC]  }
0x202: {  	v32 =	vld [tilespmem:s12+$0xFFFFF9F4];
	_ =	sdelay $0x1  }
0x203: {  	v33 =	vld [tilespmem:s12+$0xFFFFFDFC];
	_ =	sdelay $0x1  }
0x204: {  	v15 =	vld [tilespmem:s12+$0x204]  }
0x205: {  	v12 =	vmul.f32 v12, v7;
	v13 =	vmul.f32 v32, v8  }
0x206: {  	v34 =	vld [tilespmem:s12+$0x60C]  }
0x207: {  	v35 =	vmul.f32 v33, v9;
	v12 =	vadd.f32 v13, v12  }
0x208: {  	v36 =	vld [tilespmem:s12+$0xA14]  }
0x209: {  	v37 =	vmul.f32 v15, v5;
	v12 =	vadd.f32 v35, v12;
	_ =	sdelay $0x1  }
0x20a: {  	v38 =	vmul.f32 v34, v6;
	v12 =	vadd.f32 v37, v12  }
0x20b: {  	v39 =	vadd.s32 $0xA000, v11  }
0x20c: {  	v40 =	vmul.f32 v36, v10;
	v12 =	vadd.f32 v38, v12;
	_ =	sdelay $0x1  }
0x20d: {  	v12 =	vadd.f32 v40, v12;
	_ =	sdelay $0x1  }
0x20e: {  	[tilespmem:v39+s2+$0x0] =	vst.idx.add.f32.msk $0xffff, v12  }
0x20f: {  	v12 =	vld [tilespmem:s12+$0xFFFFF66D]  }
0x210: {  	v41 =	vld [tilespmem:s12+$0xFFFFFA75];
	_ =	sdelay $0x1  }
0x211: {  	v42 =	vld [tilespmem:s12+$0xFFFFFE7D];
	_ =	sdelay $0x1  }
0x212: {  	v15 =	vld [tilespmem:s12+$0x285]  }
0x213: {  	v12 =	vmul.f32 v12, v7;
	v13 =	vmul.f32 v41, v8  }
0x214: {  	v43 =	vld [tilespmem:s12+$0x68D]  }
0x215: {  	v44 =	vmul.f32 v42, v9;
	v12 =	vadd.f32 v13, v12  }
0x216: {  	v45 =	vld [tilespmem:s12+$0xA95]  }
0x217: {  	v46 =	vmul.f32 v15, v5;
	v12 =	vadd.f32 v44, v12;
	_ =	sdelay $0x1  }
0x218: {  	v47 =	vmul.f32 v43, v6;
	v12 =	vadd.f32 v46, v12  }
0x219: {  	v48 =	vadd.s32 $0xC800, v11  }
0x21a: {  	v49 =	vmul.f32 v45, v10;
	v12 =	vadd.f32 v47, v12;
	_ =	sdelay $0x1  }
0x21b: {  	v12 =	vadd.f32 v49, v12;
	_ =	sdelay $0x1  }
0x21c: {  	[tilespmem:v48+s2+$0x0] =	vst.idx.add.f32.msk $0xffff, v12  }
0x21d: {  	v12 =	vld [tilespmem:s12+$0xFFFFF6EE]  }
0x21e: {  	v50 =	vld [tilespmem:s12+$0xFFFFFAF6];
	_ =	sdelay $0x1  }
0x21f: {  	v51 =	vld [tilespmem:s12+$0xFFFFFEFE];
	_ =	sdelay $0x1  }
0x220: {  	v15 =	vld [tilespmem:s12+$0x306]  }
0x221: {  	v12 =	vmul.f32 v12, v7;
	v13 =	vmul.f32 v50, v8  }
0x222: {  	v52 =	vld [tilespmem:s12+$0x70E]  }
0x223: {  	v53 =	vmul.f32 v51, v9;
	v12 =	vadd.f32 v13, v12  }
0x224: {  	v54 =	vld [tilespmem:s12+$0xB16]  }
0x225: {  	v55 =	vmul.f32 v15, v5;
	v12 =	vadd.f32 v53, v12;
	_ =	sdelay $0x1  }
0x226: {  	v56 =	vmul.f32 v52, v6;
	v12 =	vadd.f32 v55, v12  }
0x227: {  	v57 =	vadd.s32 $0xF000, v11  }
0x228: {  	v58 =	vmul.f32 v54, v10;
	v12 =	vadd.f32 v56, v12;
	_ =	sdelay $0x1  }
0x229: {  	v12 =	vadd.f32 v58, v12;
	_ =	sdelay $0x1  }
0x22a: {  	[tilespmem:v57+s2+$0x0] =	vst.idx.add.f32.msk $0xffff, v12  }
0x22b: {  	v12 =	vld [tilespmem:s12+$0xFFFFF76F]  }
0x22c: {  	v59 =	vld [tilespmem:s12+$0xFFFFFB77];
	_ =	sdelay $0x1  }
0x22d: {  	v60 =	vld [tilespmem:s12+$0xFFFFFF7F];
	_ =	sdelay $0x1  }
0x22e: {  	v15 =	vld [tilespmem:s12+$0x387]  }
0x22f: {  	v7 =	vmul.f32 v12, v7;
	v8 =	vmul.f32 v59, v8  }
0x230: {  	v61 =	vld [tilespmem:s12+$0x78F]  }
0x231: {  	v62 =	vmul.f32 v60, v9;
	v7 =	vadd.f32 v8, v7  }
0x232: {  	v63 =	vld [tilespmem:s12+$0xB97]  }
0x233: {  	v5 =	vmul.f32 v15, v5;
	v7 =	vadd.f32 v62, v7;
	_ =	sdelay $0x1  }
0x234: {  	v6 =	vmul.f32 v61, v6;
	v5 =	vadd.f32 v5, v7  }
0x235: {  	p1 =	sne.s32 s8, $0x7F;
	v7 =	vadd.s32 $0x11800, v11  }
.Ltmp4:
0x236: {  	v5 =	vadd.f32 v6, v5;
	v6 =	vmul.f32 v63, v10;
	(pc) =	sbr.rel @p1 .LBB2_7-.Ltmp4, $4  }
0x237: {  	_ = 	snop  }
0x238: {  	v5 =	vadd.f32 v6, v5  }
0x239: {  	s8 =	sadd.s32 $0x10, s8;
	s11 =	sadd.s32 $0x300, s11  }
0x23a: {  	s10 =	sadd.s32 $0x10, s10;
	s9 =	sadd.s32 $0x10, s9;
	s12 =	sadd.s32 $0x10, s12;
	[tilespmem:v7+s2+$0x0] =	vst.idx.add.f32.msk $0xffff, v5  }
.Ltmp5:
0x23b: {  	(pc) =	sbr.rel @p0 .LBB2_10-.Ltmp5, $1  }
0x23c: {  	_ =	sdelay $0x3  }
0x23d: {  	s8 =	sadd.s32 $0x3, s21  }
0x23e: {  	s9 =	sadd.s32 s5, s8  }
0x23f: {  	s10 =	sshll.u32 s9, $0x4  }
0x240: {  	s10 =	sand.u32 $0x1FFFFFF0, s10  }
0x241: {  	s9 =	smul.u32 $0x60, s9;
	s10 =	sadd.s32 s4, s10  }
0x242: {  	[tilespmem:s28], [sflag:$0x4] =	stream.linear.gather [hbm4b:s10+s2], $0x80, $0x38;
	[tilespmem:$0x1A330] =	vst v63  }
.Ltmp6:
0x243: {  	s8 =	sshll.u32 s8, $0x7;
	(pc) =	sbr.rel .LBB2_4-.Ltmp6, $4  }
0x244: {  	s8 =	sand.u32 $0x3FFFFF80, s8;
	s9 =	sadd.s32 s6, s9  }
0x245: {  	[tilespmem:s29], [sflag:$0x4] =	stream.linear.gather [hbm4b:s9+s2], $0x300, $0x38;
	[tilespmem:$0x1A330] =	vst v63  }
0x246: {  	s7 =	sadd.s32 $0x1, s7;
	s8 =	sadd.s32 $0x14000, s8  }
0x247: {  	[tilespmem:s31], [sflag:$0x2] =	stream.indirect.gather [hbm4b:s3+s25], $0x30, s8, s25, $0xb8;
	[tilespmem:$0x1A330] =	vst v63  }
.LBB2_11:
0x248: {  	_ =	sfence.sel $0x180000  }
0x249: {  	[bflag:$0x0] =	sbarrier.arrive $0xFFFF  }
0x24a: {  	_ =	strace $0x90000047  }
0x24b: {  	s0 =	stileid.u32;
	[bflag:$0x2] =	sbarrier.arrive $0xFFFF  }
0x24c: {  	p0 =	sne.s32 s0, $0x0;
	s0 =	rddreg [dreg:$0x1]  }
0x24d: {  	s0 =	sadd.s32 @!p0 $0x100000, s0  }
0x24e: {  	[sflag:s0] =	ssyncadd.tile.s32 @!p0 $0x1;
	_ =	shalt  }
.Lfunc_end2:
_tile_overlayer_lowered:
.L_overlay_start_2:
0x24f: {  	(tag) =	ssettag $0x2  }
0x250: {  	s0 =	rddreg [dreg:$0x0];
	s2 =	stileid.u32  }
0x251: {  	s1 =	rddreg [dreg:$0x1];
	p0 =	sne.s32 s2, $0x0  }
0x252: {  	s3 =	rddreg [dreg:$0x2];
	[bflag:$0x3] =	sbarrier.arrive $0xFFFF;
	s2 =	simm.s32 @!p0 $0x1C05  }
0x253: {  	[timem:s3], [sflag:s2] =	dma.local @!p0 [hbm:s0], s1  }
0x254: {  	s0 =	simm.s32 @!p0 $0x5  }
0x255: {  	_ =	swait.ge @!p0 [sflag:s0], s1  }
0x256: {  	s1 =	ssub.s32 @!p0 $0x0, s1;
	[sflag:s0] =	ssyncset.done @!p0 $0x0  }
0x257: {  	[sflag:s0] =	ssyncadd.s32 @!p0 s1  }
0x258: {  	[bflag:$0x3] =	sbarrier.arrive $0xFFFF  }
0x259: {  	_ =	shalt  }

</sc_bundles>
